<compile_context>
chip_gen: v7x
topology: tpu7x:2x2x1
jax: 0.10.2.dev20260603
libtpu: 0.0.44.dev20260713+nightly
codegen_flags: <defaults>
</compile_context>

<pallas_src>
import functools

import jax
import jax.numpy as jnp
from jax import lax
from jax.experimental import pallas as pl
from jax.experimental.pallas import tpu as pltpu
from jax.experimental.pallas import tpu_sc as plsc

_NC = 2
_NS = 16
_NW = _NC * _NS
_CH = 64
_VL = 16


def _sc_gather4(uid, iid, ug_t, ig_t, um_t, im_t):
    B = uid.shape[0]
    F = ug_t.shape[1]
    b_per_w = B // _NW
    n_rounds = b_per_w // _CH
    out_t = jax.ShapeDtypeStruct((B, F), jnp.float32)
    row_t = pltpu.VMEM((_CH, F), jnp.float32)
    mesh = plsc.VectorSubcoreMesh(core_axis_name="c", subcore_axis_name="s")

    @functools.partial(
        pl.kernel,
        mesh=mesh,
        out_type=[out_t, out_t, out_t, out_t],
        scratch_types=[
            pltpu.VMEM((b_per_w,), jnp.int32),
            pltpu.VMEM((b_per_w,), jnp.int32),
            row_t, row_t, row_t, row_t,
            pltpu.SemaphoreType.DMA,
        ],
    )
    def gather4(uid_hbm, iid_hbm, ug_hbm, ig_hbm, um_hbm, im_hbm,
                ug_o, ig_o, um_o, im_o,
                uidx, iidx, r0, r1, r2, r3, sem):
        wid = lax.axis_index("s") * _NC + lax.axis_index("c")
        base = wid * b_per_w
        pltpu.sync_copy(uid_hbm.at[pl.ds(base, b_per_w)], uidx)
        pltpu.sync_copy(iid_hbm.at[pl.ds(base, b_per_w)], iidx)

        def round_body(r, carry):
            off = r * _CH
            for c in range(_CH // _VL):
                uv = uidx[pl.ds(off + c * _VL, _VL)]
                iv = iidx[pl.ds(off + c * _VL, _VL)]
                for j in range(_VL):
                    us = uv[j]
                    vs = iv[j]
                    k = c * _VL + j
                    dst = pl.ds(k, 1)
                    pltpu.async_copy(ug_hbm.at[pl.ds(us, 1)], r0.at[dst], sem)
                    pltpu.async_copy(ig_hbm.at[pl.ds(vs, 1)], r1.at[dst], sem)
                    pltpu.async_copy(um_hbm.at[pl.ds(us, 1)], r2.at[dst], sem)
                    pltpu.async_copy(im_hbm.at[pl.ds(vs, 1)], r3.at[dst], sem)
            for buf in (r0, r1, r2, r3):
                pltpu.make_async_copy(ug_hbm.at[pl.ds(0, _CH)], buf, sem).wait()
            out_sl = pl.ds(base + off, _CH)
            pltpu.sync_copy(r0, ug_o.at[out_sl])
            pltpu.sync_copy(r1, ig_o.at[out_sl])
            pltpu.sync_copy(r2, um_o.at[out_sl])
            pltpu.sync_copy(r3, im_o.at[out_sl])
            return carry

        lax.fori_loop(0, n_rounds, round_body, 0)

    return gather4(uid, iid, ug_t, ig_t, um_t, im_t)


def _tc_fused(ug, ig, um, im, W1u, W1i, b1, W2, b2, W3, b3, wo_g, wo_h, bo):
    B, F = ug.shape
    TB = 2048
    grid = (B // TB,)

    def body(ug_ref, ig_ref, um_ref, im_ref,
             w1u_ref, w1i_ref, b1_ref, w2_ref, b2_ref, w3_ref, b3_ref,
             wog_ref, woh_ref, bo_ref, o_ref):
        h = jnp.dot(um_ref[...], w1u_ref[...], preferred_element_type=jnp.float32)
        h += jnp.dot(im_ref[...], w1i_ref[...], preferred_element_type=jnp.float32)
        h = jnp.maximum(h + b1_ref[...], 0.0)
        h = jnp.maximum(
            jnp.dot(h, w2_ref[...], preferred_element_type=jnp.float32) + b2_ref[...], 0.0)
        h = jnp.maximum(
            jnp.dot(h, w3_ref[...], preferred_element_type=jnp.float32) + b3_ref[...], 0.0)
        g = ug_ref[...] * ig_ref[...]
        z = (jnp.sum(g * wog_ref[...], axis=1)
             + jnp.sum(h * woh_ref[...], axis=1) + bo_ref[0, 0])
        o_ref[...] = jax.nn.sigmoid(z)

    row_spec = pl.BlockSpec((TB, F), lambda i: (i, 0))

    def full(a):
        return pl.BlockSpec(a.shape, lambda i: (0,) * a.ndim)

    return pl.pallas_call(
        body,
        grid=grid,
        in_specs=[row_spec, row_spec, row_spec, row_spec,
                  full(W1u), full(W1i), full(b1), full(W2), full(b2),
                  full(W3), full(b3), full(wo_g), full(wo_h), full(bo)],
        out_specs=pl.BlockSpec((TB,), lambda i: (i,)),
        out_shape=jax.ShapeDtypeStruct((B,), jnp.float32),
    )(ug, ig, um, im, W1u, W1i, b1, W2, b2, W3, b3, wo_g, wo_h, bo)


def kernel(user_id, item_id, user_gmf_w, item_gmf_w, user_mlp_w, item_mlp_w,
           W1, b1, W2, b2, W3, b3, Wo, bo):
    F = user_gmf_w.shape[1]
    uid = user_id.astype(jnp.int32)
    iid = item_id.astype(jnp.int32)
    ug, ig, um, im = _sc_gather4(
        uid, iid, user_gmf_w, item_gmf_w, user_mlp_w, item_mlp_w)
    return _tc_fused(ug, ig, um, im,
                     W1[:F], W1[F:], b1.reshape(1, -1),
                     W2, b2.reshape(1, -1), W3, b3.reshape(1, -1),
                     Wo[:F].reshape(1, F), Wo[F:].reshape(1, -1),
                     bo.reshape(1, 1))

# --- scband reference (transcript-rebuilt; emitter-appended) ---
"""Pipeline reference for scband-ncf-23570780521131 (READ-ONLY COPY).

The authoritative reference and input builder live on the scoring server;
editing this copy changes nothing except your own understanding.
"""

import jax, jax.numpy as jnp
import numpy as np

N_USERS = 1000000
N_ITEMS = 1000000
FACTORS = 32
BATCH = 16384
MLP_LAYERS = [64, 32, 16]


def _xavier_uniform(key, fan_in, fan_out):
    limit = float(np.sqrt(6.0 / (fan_in + fan_out)))
    return jax.random.uniform(key, (fan_in, fan_out), minval=-limit, maxval=limit, dtype=jnp.float32)


def setup_inputs(seed: int = 0) -> dict:
    key = jax.random.key(seed)
    ks = jax.random.split(key, 12)
    user_id = jax.random.randint(ks[0], (BATCH,), 0, N_USERS, dtype=jnp.int64 if jax.config.jax_enable_x64 else jnp.int32)
    item_id = jax.random.randint(ks[1], (BATCH,), 0, N_ITEMS, dtype=jnp.int64 if jax.config.jax_enable_x64 else jnp.int32)
    user_gmf_w = jax.random.normal(ks[2], (N_USERS, FACTORS), dtype=jnp.float32) * 0.01
    item_gmf_w = jax.random.normal(ks[3], (N_ITEMS, FACTORS), dtype=jnp.float32) * 0.01
    user_mlp_w = jax.random.normal(ks[4], (N_USERS, FACTORS), dtype=jnp.float32) * 0.01
    item_mlp_w = jax.random.normal(ks[5], (N_ITEMS, FACTORS), dtype=jnp.float32) * 0.01
    W1 = _xavier_uniform(ks[6], 2 * FACTORS, MLP_LAYERS[0])
    b1 = jnp.zeros((MLP_LAYERS[0],), dtype=jnp.float32)
    W2 = _xavier_uniform(ks[7], MLP_LAYERS[0], MLP_LAYERS[1])
    b2 = jnp.zeros((MLP_LAYERS[1],), dtype=jnp.float32)
    W3 = _xavier_uniform(ks[8], MLP_LAYERS[1], MLP_LAYERS[2])
    b3 = jnp.zeros((MLP_LAYERS[2],), dtype=jnp.float32)
    Wo = _xavier_uniform(ks[9], FACTORS + MLP_LAYERS[-1], 1)
    bo = jnp.zeros((1,), dtype=jnp.float32)
    return {
        "user_id": user_id, "item_id": item_id,
        "user_gmf_w": user_gmf_w, "item_gmf_w": item_gmf_w,
        "user_mlp_w": user_mlp_w, "item_mlp_w": item_mlp_w,
        "W1": W1, "b1": b1, "W2": W2, "b2": b2, "W3": W3, "b3": b3,
        "Wo": Wo, "bo": bo,
    }


def reference(user_id, item_id, user_gmf_w, item_gmf_w, user_mlp_w, item_mlp_w,
              W1, b1, W2, b2, W3, b3, Wo, bo):
    # GMF branch: embedding gathers + elementwise product
    user_gmf = jnp.take(user_gmf_w, user_id, axis=0)
    item_gmf = jnp.take(item_gmf_w, item_id, axis=0)
    gmf_vector = user_gmf * item_gmf
    # MLP branch: embedding gathers + concat + MLP (dropout is identity at inference)
    user_mlp = jnp.take(user_mlp_w, user_id, axis=0)
    item_mlp = jnp.take(item_mlp_w, item_id, axis=0)
    h = jnp.concatenate([user_mlp, item_mlp], axis=1)
    h = jax.nn.relu(h @ W1 + b1)
    h = jax.nn.relu(h @ W2 + b2)
    h = jax.nn.relu(h @ W3 + b3)
    concat_vector = jnp.concatenate([gmf_vector, h], axis=1)
    out = jax.nn.sigmoid(concat_vector @ Wo + bo)
    return jnp.squeeze(out, axis=-1)

if __name__ == "__main__":
    import jax
    _d = setup_inputs()
    print(jax.jit(kernel)(*tuple(_d.values())))

</pallas_src>

<mosaic_0001>
#map = affine_map<(d0, d1) -> (0)>
#map1 = affine_map<(d0, d1) -> (0, 0)>
module attributes {stable_mosaic.version = 14 : i64} {
  func.func @gather4(%arg0: i32, %arg1: i32, %arg2: memref<16384xi32, #tpu.memory_space<hbm>>, %arg3: memref<16384xi32, #tpu.memory_space<hbm>>, %arg4: memref<1000000x32xf32, #tpu.memory_space<hbm>>, %arg5: memref<1000000x32xf32, #tpu.memory_space<hbm>>, %arg6: memref<1000000x32xf32, #tpu.memory_space<hbm>>, %arg7: memref<1000000x32xf32, #tpu.memory_space<hbm>>, %arg8: memref<16384x32xf32, #tpu.memory_space<hbm>>, %arg9: memref<16384x32xf32, #tpu.memory_space<hbm>>, %arg10: memref<16384x32xf32, #tpu.memory_space<hbm>>, %arg11: memref<16384x32xf32, #tpu.memory_space<hbm>>, %arg12: memref<512xi32, #tpu.memory_space<vmem>>, %arg13: memref<512xi32, #tpu.memory_space<vmem>>, %arg14: memref<64x32xf32, #tpu.memory_space<vmem>>, %arg15: memref<64x32xf32, #tpu.memory_space<vmem>>, %arg16: memref<64x32xf32, #tpu.memory_space<vmem>>, %arg17: memref<64x32xf32, #tpu.memory_space<vmem>>, %arg18: memref<!tpu.dma_semaphore, #tpu.memory_space<semaphore_mem>>) attributes {dimension_semantics = [#tpu.dimension_semantics<core_parallel>, #tpu.dimension_semantics<subcore_parallel>], iteration_bounds = array<i64: 2, 16>, scalar_prefetch = 0 : i64, scratch_operands = 7 : i64, tpu.core_type = #tpu.core_type<sc_vector_subcore>, window_params = [{transform_indices = #map}, {transform_indices = #map}, {transform_indices = #map1}, {transform_indices = #map1}, {transform_indices = #map1}, {transform_indices = #map1}, {transform_indices = #map1}, {transform_indices = #map1}, {transform_indices = #map1}, {transform_indices = #map1}]} {
    %mul3A = arith.constant 2 : i32
    %mul3A_0 = arith.muli %arg1, %mul3A : i32
    %add3A = arith.addi %mul3A_0, %arg0 : i32
    %mul3A_1 = arith.constant 512 : i32
    %mul3A_2 = arith.muli %add3A, %mul3A_1 : i32
    "tpu.region"() ({
      %run_scoped3A = tpu.sem_alloc : memref<!tpu.dma_semaphore, #tpu.memory_space<semaphore_mem>>
      %dma_start3A = tpu.memref_slice %arg2[%mul3A_2] : memref<16384xi32, #tpu.memory_space<hbm>> -> memref<512xi32, #tpu.memory_space<hbm>>
      %dma_start3A_8 = tpu.memref_slice %arg2[%mul3A_2] : memref<16384xi32, #tpu.memory_space<hbm>> -> memref<512xi32, #tpu.memory_space<hbm>>
      tpu.enqueue_dma source(%dma_start3A_8 : memref<512xi32, #tpu.memory_space<hbm>>) target(%arg12 : memref<512xi32, #tpu.memory_space<vmem>>) target_semaphore(%run_scoped3A : memref<!tpu.dma_semaphore, #tpu.memory_space<semaphore_mem>>)
      %dma_wait3A = tpu.memref_slice %arg2[%mul3A_2] : memref<16384xi32, #tpu.memory_space<hbm>> -> memref<512xi32, #tpu.memory_space<hbm>>
      %dma_wait3A_9 = tpu.memref_slice %arg2[%mul3A_2] : memref<16384xi32, #tpu.memory_space<hbm>> -> memref<512xi32, #tpu.memory_space<hbm>>
      tpu.wait_dma2 semaphore(%run_scoped3A : memref<!tpu.dma_semaphore, #tpu.memory_space<semaphore_mem>>) src(%dma_wait3A_9 : memref<512xi32, #tpu.memory_space<hbm>>) dst(%arg12 : memref<512xi32, #tpu.memory_space<vmem>>)
      tpu.yield
    }) : () -> ()
    "tpu.region"() ({
      %run_scoped3A = tpu.sem_alloc : memref<!tpu.dma_semaphore, #tpu.memory_space<semaphore_mem>>
      %dma_start3A = tpu.memref_slice %arg3[%mul3A_2] : memref<16384xi32, #tpu.memory_space<hbm>> -> memref<512xi32, #tpu.memory_space<hbm>>
      %dma_start3A_8 = tpu.memref_slice %arg3[%mul3A_2] : memref<16384xi32, #tpu.memory_space<hbm>> -> memref<512xi32, #tpu.memory_space<hbm>>
      tpu.enqueue_dma source(%dma_start3A_8 : memref<512xi32, #tpu.memory_space<hbm>>) target(%arg13 : memref<512xi32, #tpu.memory_space<vmem>>) target_semaphore(%run_scoped3A : memref<!tpu.dma_semaphore, #tpu.memory_space<semaphore_mem>>)
      %dma_wait3A = tpu.memref_slice %arg3[%mul3A_2] : memref<16384xi32, #tpu.memory_space<hbm>> -> memref<512xi32, #tpu.memory_space<hbm>>
      %dma_wait3A_9 = tpu.memref_slice %arg3[%mul3A_2] : memref<16384xi32, #tpu.memory_space<hbm>> -> memref<512xi32, #tpu.memory_space<hbm>>
      tpu.wait_dma2 semaphore(%run_scoped3A : memref<!tpu.dma_semaphore, #tpu.memory_space<semaphore_mem>>) src(%dma_wait3A_9 : memref<512xi32, #tpu.memory_space<hbm>>) dst(%arg13 : memref<512xi32, #tpu.memory_space<vmem>>)
      tpu.yield
    }) : () -> ()
    %scan3A = arith.constant 0 : i32
    %scan3A_3 = arith.constant 0 : i32
    %scan3A_4 = arith.constant 8 : i32
    %scan3A_5 = arith.addi %scan3A_3, %scan3A_4 : i32
    %scan3A_6 = arith.constant 1 : i32
    scf.for %scan3A_8 = %scan3A_3 to %scan3A_5 step %scan3A_6  : i32 {
      %mul3A_9 = arith.constant 64 : i32
      %mul3A_10 = arith.muli %scan3A_8, %mul3A_9 : i32
      %add3A_11 = arith.constant 0 : i32
      %add3A_12 = arith.addi %mul3A_10, %add3A_11 : i32
      %get3A = arith.index_cast %add3A_12 : i32 to index
      %get3A_13 = tpu.vector_load %arg12[%get3A] {strides = array<i32>} : memref<512xi32, #tpu.memory_space<vmem>>, vector<16xi32>,
      %get3A_14 = vector.shape_cast %get3A_13 : vector<16xi32> to vector<16xi32>
      %add3A_15 = arith.constant 0 : i32
      %add3A_16 = arith.addi %mul3A_10, %add3A_15 : i32
      %get3A_17 = arith.index_cast %add3A_16 : i32 to index
      %get3A_18 = tpu.vector_load %arg13[%get3A_17] {strides = array<i32>} : memref<512xi32, #tpu.memory_space<vmem>>, vector<16xi32>,
      %get3A_19 = vector.shape_cast %get3A_18 : vector<16xi32> to vector<16xi32>
      %slice3A = vector.extract_strided_slice %get3A_14 {offsets = [0], sizes = [1], strides = [1]} : vector<16xi32> to vector<1xi32>
      %squeeze3A = vector.extract %slice3A[0] : i32 from vector<1xi32>
      %slice3A_20 = vector.extract_strided_slice %get3A_19 {offsets = [0], sizes = [1], strides = [1]} : vector<16xi32> to vector<1xi32>
      %squeeze3A_21 = vector.extract %slice3A_20[0] : i32 from vector<1xi32>
      %dma_start3A = arith.constant 0 : i32
      %dma_start3A_22 = arith.constant 0 : i32
      %dma_start3A_23 = tpu.memref_slice %arg14[%dma_start3A, %dma_start3A_22] : memref<64x32xf32, #tpu.memory_space<vmem>> -> memref<1x32xf32, #tpu.memory_space<vmem>>
      %dma_start3A_24 = arith.constant 0 : i32
      %dma_start3A_25 = tpu.memref_slice %arg4[%squeeze3A, %dma_start3A_24] : memref<1000000x32xf32, #tpu.memory_space<hbm>> -> memref<1x32xf32, #tpu.memory_space<hbm>>
      %dma_start3A_26 = arith.constant 0 : i32
      %dma_start3A_27 = arith.constant 0 : i32
      %dma_start3A_28 = tpu.memref_slice %arg14[%dma_start3A_26, %dma_start3A_27] : memref<64x32xf32, #tpu.memory_space<vmem>> -> memref<1x32xf32, #tpu.memory_space<vmem>>
      %dma_start3A_29 = arith.constant 0 : i32
      %dma_start3A_30 = tpu.memref_slice %arg4[%squeeze3A, %dma_start3A_29] : memref<1000000x32xf32, #tpu.memory_space<hbm>> -> memref<1x32xf32, #tpu.memory_space<hbm>>
      tpu.enqueue_dma source(%dma_start3A_30 : memref<1x32xf32, #tpu.memory_space<hbm>>) target(%dma_start3A_28 : memref<1x32xf32, #tpu.memory_space<vmem>>) target_semaphore(%arg18 : memref<!tpu.dma_semaphore, #tpu.memory_space<semaphore_mem>>)
      %dma_start3A_31 = arith.constant 0 : i32
      %dma_start3A_32 = arith.constant 0 : i32
      %dma_start3A_33 = tpu.memref_slice %arg15[%dma_start3A_31, %dma_start3A_32] : memref<64x32xf32, #tpu.memory_space<vmem>> -> memref<1x32xf32, #tpu.memory_space<vmem>>
      %dma_start3A_34 = arith.constant 0 : i32
      %dma_start3A_35 = tpu.memref_slice %arg5[%squeeze3A_21, %dma_start3A_34] : memref<1000000x32xf32, #tpu.memory_space<hbm>> -> memref<1x32xf32, #tpu.memory_space<hbm>>
      %dma_start3A_36 = arith.constant 0 : i32
      %dma_start3A_37 = arith.constant 0 : i32
      %dma_start3A_38 = tpu.memref_slice %arg15[%dma_start3A_36, %dma_start3A_37] : memref<64x32xf32, #tpu.memory_space<vmem>> -> memref<1x32xf32, #tpu.memory_space<vmem>>
      %dma_start3A_39 = arith.constant 0 : i32
      %dma_start3A_40 = tpu.memref_slice %arg5[%squeeze3A_21, %dma_start3A_39] : memref<1000000x32xf32, #tpu.memory_space<hbm>> -> memref<1x32xf32, #tpu.memory_space<hbm>>
      tpu.enqueue_dma source(%dma_start3A_40 : memref<1x32xf32, #tpu.memory_space<hbm>>) target(%dma_start3A_38 : memref<1x32xf32, #tpu.memory_space<vmem>>) target_semaphore(%arg18 : memref<!tpu.dma_semaphore, #tpu.memory_space<semaphore_mem>>)
      %dma_start3A_41 = arith.constant 0 : i32
      %dma_start3A_42 = arith.constant 0 : i32
      %dma_start3A_43 = tpu.memref_slice %arg16[%dma_start3A_41, %dma_start3A_42] : memref<64x32xf32, #tpu.memory_space<vmem>> -> memref<1x32xf32, #tpu.memory_space<vmem>>
      %dma_start3A_44 = arith.constant 0 : i32
      %dma_start3A_45 = tpu.memref_slice %arg6[%squeeze3A, %dma_start3A_44] : memref<1000000x32xf32, #tpu.memory_space<hbm>> -> memref<1x32xf32, #tpu.memory_space<hbm>>
      %dma_start3A_46 = arith.constant 0 : i32
      %dma_start3A_47 = arith.constant 0 : i32
      %dma_start3A_48 = tpu.memref_slice %arg16[%dma_start3A_46, %dma_start3A_47] : memref<64x32xf32, #tpu.memory_space<vmem>> -> memref<1x32xf32, #tpu.memory_space<vmem>>
      %dma_start3A_49 = arith.constant 0 : i32
      %dma_start3A_50 = tpu.memref_slice %arg6[%squeeze3A, %dma_start3A_49] : memref<1000000x32xf32, #tpu.memory_space<hbm>> -> memref<1x32xf32, #tpu.memory_space<hbm>>
      tpu.enqueue_dma source(%dma_start3A_50 : memref<1x32xf32, #tpu.memory_space<hbm>>) target(%dma_start3A_48 : memref<1x32xf32, #tpu.memory_space<vmem>>) target_semaphore(%arg18 : memref<!tpu.dma_semaphore, #tpu.memory_space<semaphore_mem>>)
      %dma_start3A_51 = arith.constant 0 : i32
      %dma_start3A_52 = arith.constant 0 : i32
      %dma_start3A_53 = tpu.memref_slice %arg17[%dma_start3A_51, %dma_start3A_52] : memref<64x32xf32, #tpu.memory_space<vmem>> -> memref<1x32xf32, #tpu.memory_space<vmem>>
      %dma_start3A_54 = arith.constant 0 : i32
      %dma_start3A_55 = tpu.memref_slice %arg7[%squeeze3A_21, %dma_start3A_54] : memref<1000000x32xf32, #tpu.memory_space<hbm>> -> memref<1x32xf32, #tpu.memory_space<hbm>>
      %dma_start3A_56 = arith.constant 0 : i32
      %dma_start3A_57 = arith.constant 0 : i32
      %dma_start3A_58 = tpu.memref_slice %arg17[%dma_start3A_56, %dma_start3A_57] : memref<64x32xf32, #tpu.memory_space<vmem>> -> memref<1x32xf32, #tpu.memory_space<vmem>>
      %dma_start3A_59 = arith.constant 0 : i32
      %dma_start3A_60 = tpu.memref_slice %arg7[%squeeze3A_21, %dma_start3A_59] : memref<1000000x32xf32, #tpu.memory_space<hbm>> -> memref<1x32xf32, #tpu.memory_space<hbm>>
      tpu.enqueue_dma source(%dma_start3A_60 : memref<1x32xf32, #tpu.memory_space<hbm>>) target(%dma_start3A_58 : memref<1x32xf32, #tpu.memory_space<vmem>>) target_semaphore(%arg18 : memref<!tpu.dma_semaphore, #tpu.memory_space<semaphore_mem>>)
      %slice3A_61 = vector.extract_strided_slice %get3A_14 {offsets = [1], sizes = [1], strides = [1]} : vector<16xi32> to vector<1xi32>
      %squeeze3A_62 = vector.extract %slice3A_61[0] : i32 from vector<1xi32>
      %slice3A_63 = vector.extract_strided_slice %get3A_19 {offsets = [1], sizes = [1], strides = [1]} : vector<16xi32> to vector<1xi32>
      %squeeze3A_64 = vector.extract %slice3A_63[0] : i32 from vector<1xi32>
      %dma_start3A_65 = arith.constant 1 : i32
      %dma_start3A_66 = arith.constant 0 : i32
      %dma_start3A_67 = tpu.memref_slice %arg14[%dma_start3A_65, %dma_start3A_66] : memref<64x32xf32, #tpu.memory_space<vmem>> -> memref<1x32xf32, #tpu.memory_space<vmem>>
      %dma_start3A_68 = arith.constant 0 : i32
      %dma_start3A_69 = tpu.memref_slice %arg4[%squeeze3A_62, %dma_start3A_68] : memref<1000000x32xf32, #tpu.memory_space<hbm>> -> memref<1x32xf32, #tpu.memory_space<hbm>>
      %dma_start3A_70 = arith.constant 1 : i32
      %dma_start3A_71 = arith.constant 0 : i32
      %dma_start3A_72 = tpu.memref_slice %arg14[%dma_start3A_70, %dma_start3A_71] : memref<64x32xf32, #tpu.memory_space<vmem>> -> memref<1x32xf32, #tpu.memory_space<vmem>>
      %dma_start3A_73 = arith.constant 0 : i32
      %dma_start3A_74 = tpu.memref_slice %arg4[%squeeze3A_62, %dma_start3A_73] : memref<1000000x32xf32, #tpu.memory_space<hbm>> -> memref<1x32xf32, #tpu.memory_space<hbm>>
      tpu.enqueue_dma source(%dma_start3A_74 : memref<1x32xf32, #tpu.memory_space<hbm>>) target(%dma_start3A_72 : memref<1x32xf32, #tpu.memory_space<vmem>>) target_semaphore(%arg18 : memref<!tpu.dma_semaphore, #tpu.memory_space<semaphore_mem>>)
      %dma_start3A_75 = arith.constant 1 : i32
      %dma_start3A_76 = arith.constant 0 : i32
      %dma_start3A_77 = tpu.memref_slice %arg15[%dma_start3A_75, %dma_start3A_76] : memref<64x32xf32, #tpu.memory_space<vmem>> -> memref<1x32xf32, #tpu.memory_space<vmem>>
      %dma_start3A_78 = arith.constant 0 : i32
      %dma_start3A_79 = tpu.memref_slice %arg5[%squeeze3A_64, %dma_start3A_78] : memref<1000000x32xf32, #tpu.memory_space<hbm>> -> memref<1x32xf32, #tpu.memory_space<hbm>>
      %dma_start3A_80 = arith.constant 1 : i32
      %dma_start3A_81 = arith.constant 0 : i32
      %dma_start3A_82 = tpu.memref_slice %arg15[%dma_start3A_80, %dma_start3A_81] : memref<64x32xf32, #tpu.memory_space<vmem>> -> memref<1x32xf32, #tpu.memory_space<vmem>>
      %dma_start3A_83 = arith.constant 0 : i32
      %dma_start3A_84 = tpu.memref_slice %arg5[%squeeze3A_64, %dma_start3A_83] : memref<1000000x32xf32, #tpu.memory_space<hbm>> -> memref<1x32xf32, #tpu.memory_space<hbm>>
      tpu.enqueue_dma source(%dma_start3A_84 : memref<1x32xf32, #tpu.memory_space<hbm>>) target(%dma_start3A_82 : memref<1x32xf32, #tpu.memory_space<vmem>>) target_semaphore(%arg18 : memref<!tpu.dma_semaphore, #tpu.memory_space<semaphore_mem>>)
      %dma_start3A_85 = arith.constant 1 : i32
      %dma_start3A_86 = arith.constant 0 : i32
      %dma_start3A_87 = tpu.memref_slice %arg16[%dma_start3A_85, %dma_start3A_86] : memref<64x32xf32, #tpu.memory_space<vmem>> -> memref<1x32xf32, #tpu.memory_space<vmem>>
      %dma_start3A_88 = arith.constant 0 : i32
      %dma_start3A_89 = tpu.memref_slice %arg6[%squeeze3A_62, %dma_start3A_88] : memref<1000000x32xf32, #tpu.memory_space<hbm>> -> memref<1x32xf32, #tpu.memory_space<hbm>>
      %dma_start3A_90 = arith.constant 1 : i32
      %dma_start3A_91 = arith.constant 0 : i32
      %dma_start3A_92 = tpu.memref_slice %arg16[%dma_start3A_90, %dma_start3A_91] : memref<64x32xf32, #tpu.memory_space<vmem>> -> memref<1x32xf32, #tpu.memory_space<vmem>>
      %dma_start3A_93 = arith.constant 0 : i32
      %dma_start3A_94 = tpu.memref_slice %arg6[%squeeze3A_62, %dma_start3A_93] : memref<1000000x32xf32, #tpu.memory_space<hbm>> -> memref<1x32xf32, #tpu.memory_space<hbm>>
      tpu.enqueue_dma source(%dma_start3A_94 : memref<1x32xf32, #tpu.memory_space<hbm>>) target(%dma_start3A_92 : memref<1x32xf32, #tpu.memory_space<vmem>>) target_semaphore(%arg18 : memref<!tpu.dma_semaphore, #tpu.memory_space<semaphore_mem>>)
      %dma_start3A_95 = arith.constant 1 : i32
      %dma_start3A_96 = arith.constant 0 : i32
      %dma_start3A_97 = tpu.memref_slice %arg17[%dma_start3A_95, %dma_start3A_96] : memref<64x32xf32, #tpu.memory_space<vmem>> -> memref<1x32xf32, #tpu.memory_space<vmem>>
      %dma_start3A_98 = arith.constant 0 : i32
      %dma_start3A_99 = tpu.memref_slice %arg7[%squeeze3A_64, %dma_start3A_98] : memref<1000000x32xf32, #tpu.memory_space<hbm>> -> memref<1x32xf32, #tpu.memory_space<hbm>>
      %dma_start3A_100 = arith.constant 1 : i32
      %dma_start3A_101 = arith.constant 0 : i32
      %dma_start3A_102 = tpu.memref_slice %arg17[%dma_start3A_100, %dma_start3A_101] : memref<64x32xf32, #tpu.memory_space<vmem>> -> memref<1x32xf32, #tpu.memory_space<vmem>>
      %dma_start3A_103 = arith.constant 0 : i32
      %dma_start3A_104 = tpu.memref_slice %arg7[%squeeze3A_64, %dma_start3A_103] : memref<1000000x32xf32, #tpu.memory_space<hbm>> -> memref<1x32xf32, #tpu.memory_space<hbm>>
      tpu.enqueue_dma source(%dma_start3A_104 : memref<1x32xf32, #tpu.memory_space<hbm>>) target(%dma_start3A_102 : memref<1x32xf32, #tpu.memory_space<vmem>>) target_semaphore(%arg18 : memref<!tpu.dma_semaphore, #tpu.memory_space<semaphore_mem>>)
      %slice3A_105 = vector.extract_strided_slice %get3A_14 {offsets = [2], sizes = [1], strides = [1]} : vector<16xi32> to vector<1xi32>
      %squeeze3A_106 = vector.extract %slice3A_105[0] : i32 from vector<1xi32>
      %slice3A_107 = vector.extract_strided_slice %get3A_19 {offsets = [2], sizes = [1], strides = [1]} : vector<16xi32> to vector<1xi32>
      %squeeze3A_108 = vector.extract %slice3A_107[0] : i32 from vector<1xi32>
      %dma_start3A_109 = arith.constant 2 : i32
      %dma_start3A_110 = arith.constant 0 : i32
      %dma_start3A_111 = tpu.memref_slice %arg14[%dma_start3A_109, %dma_start3A_110] : memref<64x32xf32, #tpu.memory_space<vmem>> -> memref<1x32xf32, #tpu.memory_space<vmem>>
      %dma_start3A_112 = arith.constant 0 : i32
      %dma_start3A_113 = tpu.memref_slice %arg4[%squeeze3A_106, %dma_start3A_112] : memref<1000000x32xf32, #tpu.memory_space<hbm>> -> memref<1x32xf32, #tpu.memory_space<hbm>>
      %dma_start3A_114 = arith.constant 2 : i32
      %dma_start3A_115 = arith.constant 0 : i32
      %dma_start3A_116 = tpu.memref_slice %arg14[%dma_start3A_114, %dma_start3A_115] : memref<64x32xf32, #tpu.memory_space<vmem>> -> memref<1x32xf32, #tpu.memory_space<vmem>>
      %dma_start3A_117 = arith.constant 0 : i32
      %dma_start3A_118 = tpu.memref_slice %arg4[%squeeze3A_106, %dma_start3A_117] : memref<1000000x32xf32, #tpu.memory_space<hbm>> -> memref<1x32xf32, #tpu.memory_space<hbm>>
      tpu.enqueue_dma source(%dma_start3A_118 : memref<1x32xf32, #tpu.memory_space<hbm>>) target(%dma_start3A_116 : memref<1x32xf32, #tpu.memory_space<vmem>>) target_semaphore(%arg18 : memref<!tpu.dma_semaphore, #tpu.memory_space<semaphore_mem>>)
      %dma_start3A_119 = arith.constant 2 : i32
      %dma_start3A_120 = arith.constant 0 : i32
      %dma_start3A_121 = tpu.memref_slice %arg15[%dma_start3A_119, %dma_start3A_120] : memref<64x32xf32, #tpu.memory_space<vmem>> -> memref<1x32xf32, #tpu.memory_space<vmem>>
      %dma_start3A_122 = arith.constant 0 : i32
      %dma_start3A_123 = tpu.memref_slice %arg5[%squeeze3A_108, %dma_start3A_122] : memref<1000000x32xf32, #tpu.memory_space<hbm>> -> memref<1x32xf32, #tpu.memory_space<hbm>>
      %dma_start3A_124 = arith.constant 2 : i32
      %dma_start3A_125 = arith.constant 0 : i32
      %dma_start3A_126 = tpu.memref_slice %arg15[%dma_start3A_124, %dma_start3A_125] : memref<64x32xf32, #tpu.memory_space<vmem>> -> memref<1x32xf32, #tpu.memory_space<vmem>>
      %dma_start3A_127 = arith.constant 0 : i32
      %dma_start3A_128 = tpu.memref_slice %arg5[%squeeze3A_108, %dma_start3A_127] : memref<1000000x32xf32, #tpu.memory_space<hbm>> -> memref<1x32xf32, #tpu.memory_space<hbm>>
      tpu.enqueue_dma source(%dma_start3A_128 : memref<1x32xf32, #tpu.memory_space<hbm>>) target(%dma_start3A_126 : memref<1x32xf32, #tpu.memory_space<vmem>>) target_semaphore(%arg18 : memref<!tpu.dma_semaphore, #tpu.memory_space<semaphore_mem>>)
      %dma_start3A_129 = arith.constant 2 : i32
      %dma_start3A_130 = arith.constant 0 : i32
      %dma_start3A_131 = tpu.memref_slice %arg16[%dma_start3A_129, %dma_start3A_130] : memref<64x32xf32, #tpu.memory_space<vmem>> -> memref<1x32xf32, #tpu.memory_space<vmem>>
      %dma_start3A_132 = arith.constant 0 : i32
      %dma_start3A_133 = tpu.memref_slice %arg6[%squeeze3A_106, %dma_start3A_132] : memref<1000000x32xf32, #tpu.memory_space<hbm>> -> memref<1x32xf32, #tpu.memory_space<hbm>>
      %dma_start3A_134 = arith.constant 2 : i32
      %dma_start3A_135 = arith.constant 0 : i32
      %dma_start3A_136 = tpu.memref_slice %arg16[%dma_start3A_134, %dma_start3A_135] : memref<64x32xf32, #tpu.memory_space<vmem>> -> memref<1x32xf32, #tpu.memory_space<vmem>>
      %dma_start3A_137 = arith.constant 0 : i32
      %dma_start3A_138 = tpu.memref_slice %arg6[%squeeze3A_106, %dma_start3A_137] : memref<1000000x32xf32, #tpu.memory_space<hbm>> -> memref<1x32xf32, #tpu.memory_space<hbm>>
      tpu.enqueue_dma source(%dma_start3A_138 : memref<1x32xf32, #tpu.memory_space<hbm>>) target(%dma_start3A_136 : memref<1x32xf32, #tpu.memory_space<vmem>>) target_semaphore(%arg18 : memref<!tpu.dma_semaphore, #tpu.memory_space<semaphore_mem>>)
      %dma_start3A_139 = arith.constant 2 : i32
      %dma_start3A_140 = arith.constant 0 : i32
      %dma_start3A_141 = tpu.memref_slice %arg17[%dma_start3A_139, %dma_start3A_140] : memref<64x32xf32, #tpu.memory_space<vmem>> -> memref<1x32xf32, #tpu.memory_space<vmem>>
      %dma_start3A_142 = arith.constant 0 : i32
      %dma_start3A_143 = tpu.memref_slice %arg7[%squeeze3A_108, %dma_start3A_142] : memref<1000000x32xf32, #tpu.memory_space<hbm>> -> memref<1x32xf32, #tpu.memory_space<hbm>>
      %dma_start3A_144 = arith.constant 2 : i32
      %dma_start3A_145 = arith.constant 0 : i32
      %dma_start3A_146 = tpu.memref_slice %arg17[%dma_start3A_144, %dma_start3A_145] : memref<64x32xf32, #tpu.memory_space<vmem>> -> memref<1x32xf32, #tpu.memory_space<vmem>>
      %dma_start3A_147 = arith.constant 0 : i32
      %dma_start3A_148 = tpu.memref_slice %arg7[%squeeze3A_108, %dma_start3A_147] : memref<1000000x32xf32, #tpu.memory_space<hbm>> -> memref<1x32xf32, #tpu.memory_space<hbm>>
      tpu.enqueue_dma source(%dma_start3A_148 : memref<1x32xf32, #tpu.memory_space<hbm>>) target(%dma_start3A_146 : memref<1x32xf32, #tpu.memory_space<vmem>>) target_semaphore(%arg18 : memref<!tpu.dma_semaphore, #tpu.memory_space<semaphore_mem>>)
      %slice3A_149 = vector.extract_strided_slice %get3A_14 {offsets = [3], sizes = [1], strides = [1]} : vector<16xi32> to vector<1xi32>
      %squeeze3A_150 = vector.extract %slice3A_149[0] : i32 from vector<1xi32>
      %slice3A_151 = vector.extract_strided_slice %get3A_19 {offsets = [3], sizes = [1], strides = [1]} : vector<16xi32> to vector<1xi32>
      %squeeze3A_152 = vector.extract %slice3A_151[0] : i32 from vector<1xi32>
      %dma_start3A_153 = arith.constant 3 : i32
      %dma_start3A_154 = arith.constant 0 : i32
      %dma_start3A_155 = tpu.memref_slice %arg14[%dma_start3A_153, %dma_start3A_154] : memref<64x32xf32, #tpu.memory_space<vmem>> -> memref<1x32xf32, #tpu.memory_space<vmem>>
      %dma_start3A_156 = arith.constant 0 : i32
      %dma_start3A_157 = tpu.memref_slice %arg4[%squeeze3A_150, %dma_start3A_156] : memref<1000000x32xf32, #tpu.memory_space<hbm>> -> memref<1x32xf32, #tpu.memory_space<hbm>>
      %dma_start3A_158 = arith.constant 3 : i32
      %dma_start3A_159 = arith.constant 0 : i32
      %dma_start3A_160 = tpu.memref_slice %arg14[%dma_start3A_158, %dma_start3A_159] : memref<64x32xf32, #tpu.memory_space<vmem>> -> memref<1x32xf32, #tpu.memory_space<vmem>>
      %dma_start3A_161 = arith.constant 0 : i32
      %dma_start3A_162 = tpu.memref_slice %arg4[%squeeze3A_150, %dma_start3A_161] : memref<1000000x32xf32, #tpu.memory_space<hbm>> -> memref<1x32xf32, #tpu.memory_space<hbm>>
      tpu.enqueue_dma source(%dma_start3A_162 : memref<1x32xf32, #tpu.memory_space<hbm>>) target(%dma_start3A_160 : memref<1x32xf32, #tpu.memory_space<vmem>>) target_semaphore(%arg18 : memref<!tpu.dma_semaphore, #tpu.memory_space<semaphore_mem>>)
      %dma_start3A_163 = arith.constant 3 : i32
      %dma_start3A_164 = arith.constant 0 : i32
      %dma_start3A_165 = tpu.memref_slice %arg15[%dma_start3A_163, %dma_start3A_164] : memref<64x32xf32, #tpu.memory_space<vmem>> -> memref<1x32xf32, #tpu.memory_space<vmem>>
      %dma_start3A_166 = arith.constant 0 : i32
      %dma_start3A_167 = tpu.memref_slice %arg5[%squeeze3A_152, %dma_start3A_166] : memref<1000000x32xf32, #tpu.memory_space<hbm>> -> memref<1x32xf32, #tpu.memory_space<hbm>>
      %dma_start3A_168 = arith.constant 3 : i32
      %dma_start3A_169 = arith.constant 0 : i32
      %dma_start3A_170 = tpu.memref_slice %arg15[%dma_start3A_168, %dma_start3A_169] : memref<64x32xf32, #tpu.memory_space<vmem>> -> memref<1x32xf32, #tpu.memory_space<vmem>>
      %dma_start3A_171 = arith.constant 0 : i32
      %dma_start3A_172 = tpu.memref_slice %arg5[%squeeze3A_152, %dma_start3A_171] : memref<1000000x32xf32, #tpu.memory_space<hbm>> -> memref<1x32xf32, #tpu.memory_space<hbm>>
      tpu.enqueue_dma source(%dma_start3A_172 : memref<1x32xf32, #tpu.memory_space<hbm>>) target(%dma_start3A_170 : memref<1x32xf32, #tpu.memory_space<vmem>>) target_semaphore(%arg18 : memref<!tpu.dma_semaphore, #tpu.memory_space<semaphore_mem>>)
      %dma_start3A_173 = arith.constant 3 : i32
      %dma_start3A_174 = arith.constant 0 : i32
      %dma_start3A_175 = tpu.memref_slice %arg16[%dma_start3A_173, %dma_start3A_174] : memref<64x32xf32, #tpu.memory_space<vmem>> -> memref<1x32xf32, #tpu.memory_space<vmem>>
      %dma_start3A_176 = arith.constant 0 : i32
      %dma_start3A_177 = tpu.memref_slice %arg6[%squeeze3A_150, %dma_start3A_176] : memref<1000000x32xf32, #tpu.memory_space<hbm>> -> memref<1x32xf32, #tpu.memory_space<hbm>>
      %dma_start3A_178 = arith.constant 3 : i32
      %dma_start3A_179 = arith.constant 0 : i32
      %dma_start3A_180 = tpu.memref_slice %arg16[%dma_start3A_178, %dma_start3A_179] : memref<64x32xf32, #tpu.memory_space<vmem>> -> memref<1x32xf32, #tpu.memory_space<vmem>>
      %dma_start3A_181 = arith.constant 0 : i32
      %dma_start3A_182 = tpu.memref_slice %arg6[%squeeze3A_150, %dma_start3A_181] : memref<1000000x32xf32, #tpu.memory_space<hbm>> -> memref<1x32xf32, #tpu.memory_space<hbm>>
      tpu.enqueue_dma source(%dma_start3A_182 : memref<1x32xf32, #tpu.memory_space<hbm>>) target(%dma_start3A_180 : memref<1x32xf32, #tpu.memory_space<vmem>>) target_semaphore(%arg18 : memref<!tpu.dma_semaphore, #tpu.memory_space<semaphore_mem>>)
      %dma_start3A_183 = arith.constant 3 : i32
      %dma_start3A_184 = arith.constant 0 : i32
      %dma_start3A_185 = tpu.memref_slice %arg17[%dma_start3A_183, %dma_start3A_184] : memref<64x32xf32, #tpu.memory_space<vmem>> -> memref<1x32xf32, #tpu.memory_space<vmem>>
      %dma_start3A_186 = arith.constant 0 : i32
      %dma_start3A_187 = tpu.memref_slice %arg7[%squeeze3A_152, %dma_start3A_186] : memref<1000000x32xf32, #tpu.memory_space<hbm>> -> memref<1x32xf32, #tpu.memory_space<hbm>>
      %dma_start3A_188 = arith.constant 3 : i32
      %dma_start3A_189 = arith.constant 0 : i32
      %dma_start3A_190 = tpu.memref_slice %arg17[%dma_start3A_188, %dma_start3A_189] : memref<64x32xf32, #tpu.memory_space<vmem>> -> memref<1x32xf32, #tpu.memory_space<vmem>>
      %dma_start3A_191 = arith.constant 0 : i32
      %dma_start3A_192 = tpu.memref_slice %arg7[%squeeze3A_152, %dma_start3A_191] : memref<1000000x32xf32, #tpu.memory_space<hbm>> -> memref<1x32xf32, #tpu.memory_space<hbm>>
      tpu.enqueue_dma source(%dma_start3A_192 : memref<1x32xf32, #tpu.memory_space<hbm>>) target(%dma_start3A_190 : memref<1x32xf32, #tpu.memory_space<vmem>>) target_semaphore(%arg18 : memref<!tpu.dma_semaphore, #tpu.memory_space<semaphore_mem>>)
      %slice3A_193 = vector.extract_strided_slice %get3A_14 {offsets = [4], sizes = [1], strides = [1]} : vector<16xi32> to vector<1xi32>
      %squeeze3A_194 = vector.extract %slice3A_193[0] : i32 from vector<1xi32>
      %slice3A_195 = vector.extract_strided_slice %get3A_19 {offsets = [4], sizes = [1], strides = [1]} : vector<16xi32> to vector<1xi32>
      %squeeze3A_196 = vector.extract %slice3A_195[0] : i32 from vector<1xi32>
      %dma_start3A_197 = arith.constant 4 : i32
      %dma_start3A_198 = arith.constant 0 : i32
      %dma_start3A_199 = tpu.memref_slice %arg14[%dma_start3A_197, %dma_start3A_198] : memref<64x32xf32, #tpu.memory_space<vmem>> -> memref<1x32xf32, #tpu.memory_space<vmem>>
      %dma_start3A_200 = arith.constant 0 : i32
      %dma_start3A_201 = tpu.memref_slice %arg4[%squeeze3A_194, %dma_start3A_200] : memref<1000000x32xf32, #tpu.memory_space<hbm>> -> memref<1x32xf32, #tpu.memory_space<hbm>>
      %dma_start3A_202 = arith.constant 4 : i32
      %dma_start3A_203 = arith.constant 0 : i32
      %dma_start3A_204 = tpu.memref_slice %arg14[%dma_start3A_202, %dma_start3A_203] : memref<64x32xf32, #tpu.memory_space<vmem>> -> memref<1x32xf32, #tpu.memory_space<vmem>>
      %dma_start3A_205 = arith.constant 0 : i32
      %dma_start3A_206 = tpu.memref_slice %arg4[%squeeze3A_194, %dma_start3A_205] : memref<1000000x32xf32, #tpu.memory_space<hbm>> -> memref<1x32xf32, #tpu.memory_space<hbm>>
      tpu.enqueue_dma source(%dma_start3A_206 : memref<1x32xf32, #tpu.memory_space<hbm>>) target(%dma_start3A_204 : memref<1x32xf32, #tpu.memory_space<vmem>>) target_semaphore(%arg18 : memref<!tpu.dma_semaphore, #tpu.memory_space<semaphore_mem>>)
      %dma_start3A_207 = arith.constant 4 : i32
      %dma_start3A_208 = arith.constant 0 : i32
      %dma_start3A_209 = tpu.memref_slice %arg15[%dma_start3A_207, %dma_start3A_208] : memref<64x32xf32, #tpu.memory_space<vmem>> -> memref<1x32xf32, #tpu.memory_space<vmem>>
      %dma_start3A_210 = arith.constant 0 : i32
      %dma_start3A_211 = tpu.memref_slice %arg5[%squeeze3A_196, %dma_start3A_210] : memref<1000000x32xf32, #tpu.memory_space<hbm>> -> memref<1x32xf32, #tpu.memory_space<hbm>>
      %dma_start3A_212 = arith.constant 4 : i32
      %dma_start3A_213 = arith.constant 0 : i32
      %dma_start3A_214 = tpu.memref_slice %arg15[%dma_start3A_212, %dma_start3A_213] : memref<64x32xf32, #tpu.memory_space<vmem>> -> memref<1x32xf32, #tpu.memory_space<vmem>>
      %dma_start3A_215 = arith.constant 0 : i32
      %dma_start3A_216 = tpu.memref_slice %arg5[%squeeze3A_196, %dma_start3A_215] : memref<1000000x32xf32, #tpu.memory_space<hbm>> -> memref<1x32xf32, #tpu.memory_space<hbm>>
      tpu.enqueue_dma source(%dma_start3A_216 : memref<1x32xf32, #tpu.memory_space<hbm>>) target(%dma_start3A_214 : memref<1x32xf32, #tpu.memory_space<vmem>>) target_semaphore(%arg18 : memref<!tpu.dma_semaphore, #tpu.memory_space<semaphore_mem>>)
      %dma_start3A_217 = arith.constant 4 : i32
      %dma_start3A_218 = arith.constant 0 : i32
      %dma_start3A_219 = tpu.memref_slice %arg16[%dma_start3A_217, %dma_start3A_218] : memref<64x32xf32, #tpu.memory_space<vmem>> -> memref<1x32xf32, #tpu.memory_space<vmem>>
      %dma_start3A_220 = arith.constant 0 : i32
      %dma_start3A_221 = tpu.memref_slice %arg6[%squeeze3A_194, %dma_start3A_220] : memref<1000000x32xf32, #tpu.memory_space<hbm>> -> memref<1x32xf32, #tpu.memory_space<hbm>>
      %dma_start3A_222 = arith.constant 4 : i32
      %dma_start3A_223 = arith.constant 0 : i32
      %dma_start3A_224 = tpu.memref_slice %arg16[%dma_start3A_222, %dma_start3A_223] : memref<64x32xf32, #tpu.memory_space<vmem>> -> memref<1x32xf32, #tpu.memory_space<vmem>>
      %dma_start3A_225 = arith.constant 0 : i32
      %dma_start3A_226 = tpu.memref_slice %arg6[%squeeze3A_194, %dma_start3A_225] : memref<1000000x32xf32, #tpu.memory_space<hbm>> -> memref<1x32xf32, #tpu.memory_space<hbm>>
      tpu.enqueue_dma source(%dma_start3A_226 : memref<1x32xf32, #tpu.memory_space<hbm>>) target(%dma_start3A_224 : memref<1x32xf32, #tpu.memory_space<vmem>>) target_semaphore(%arg18 : memref<!tpu.dma_semaphore, #tpu.memory_space<semaphore_mem>>)
      %dma_start3A_227 = arith.constant 4 : i32
      %dma_start3A_228 = arith.constant 0 : i32
      %dma_start3A_229 = tpu.memref_slice %arg17[%dma_start3A_227, %dma_start3A_228] : memref<64x32xf32, #tpu.memory_space<vmem>> -> memref<1x32xf32, #tpu.memory_space<vmem>>
      %dma_start3A_230 = arith.constant 0 : i32
      %dma_start3A_231 = tpu.memref_slice %arg7[%squeeze3A_196, %dma_start3A_230] : memref<1000000x32xf32, #tpu.memory_space<hbm>> -> memref<1x32xf32, #tpu.memory_space<hbm>>
      %dma_start3A_232 = arith.constant 4 : i32
      %dma_start3A_233 = arith.constant 0 : i32
      %dma_start3A_234 = tpu.memref_slice %arg17[%dma_start3A_232, %dma_start3A_233] : memref<64x32xf32, #tpu.memory_space<vmem>> -> memref<1x32xf32, #tpu.memory_space<vmem>>
      %dma_start3A_235 = arith.constant 0 : i32
      %dma_start3A_236 = tpu.memref_slice %arg7[%squeeze3A_196, %dma_start3A_235] : memref<1000000x32xf32, #tpu.memory_space<hbm>> -> memref<1x32xf32, #tpu.memory_space<hbm>>
      tpu.enqueue_dma source(%dma_start3A_236 : memref<1x32xf32, #tpu.memory_space<hbm>>) target(%dma_start3A_234 : memref<1x32xf32, #tpu.memory_space<vmem>>) target_semaphore(%arg18 : memref<!tpu.dma_semaphore, #tpu.memory_space<semaphore_mem>>)
      %slice3A_237 = vector.extract_strided_slice %get3A_14 {offsets = [5], sizes = [1], strides = [1]} : vector<16xi32> to vector<1xi32>
      %squeeze3A_238 = vector.extract %slice3A_237[0] : i32 from vector<1xi32>
      %slice3A_239 = vector.extract_strided_slice %get3A_19 {offsets = [5], sizes = [1], strides = [1]} : vector<16xi32> to vector<1xi32>
      %squeeze3A_240 = vector.extract %slice3A_239[0] : i32 from vector<1xi32>
      %dma_start3A_241 = arith.constant 5 : i32
      %dma_start3A_242 = arith.constant 0 : i32
      %dma_start3A_243 = tpu.memref_slice %arg14[%dma_start3A_241, %dma_start3A_242] : memref<64x32xf32, #tpu.memory_space<vmem>> -> memref<1x32xf32, #tpu.memory_space<vmem>>
      %dma_start3A_244 = arith.constant 0 : i32
      %dma_start3A_245 = tpu.memref_slice %arg4[%squeeze3A_238, %dma_start3A_244] : memref<1000000x32xf32, #tpu.memory_space<hbm>> -> memref<1x32xf32, #tpu.memory_space<hbm>>
      %dma_start3A_246 = arith.constant 5 : i32
      %dma_start3A_247 = arith.constant 0 : i32
      %dma_start3A_248 = tpu.memref_slice %arg14[%dma_start3A_246, %dma_start3A_247] : memref<64x32xf32, #tpu.memory_space<vmem>> -> memref<1x32xf32, #tpu.memory_space<vmem>>
      %dma_start3A_249 = arith.constant 0 : i32
      %dma_start3A_250 = tpu.memref_slice %arg4[%squeeze3A_238, %dma_start3A_249] : memref<1000000x32xf32, #tpu.memory_space<hbm>> -> memref<1x32xf32, #tpu.memory_space<hbm>>
      tpu.enqueue_dma source(%dma_start3A_250 : memref<1x32xf32, #tpu.memory_space<hbm>>) target(%dma_start3A_248 : memref<1x32xf32, #tpu.memory_space<vmem>>) target_semaphore(%arg18 : memref<!tpu.dma_semaphore, #tpu.memory_space<semaphore_mem>>)
      %dma_start3A_251 = arith.constant 5 : i32
      %dma_start3A_252 = arith.constant 0 : i32
      %dma_start3A_253 = tpu.memref_slice %arg15[%dma_start3A_251, %dma_start3A_252] : memref<64x32xf32, #tpu.memory_space<vmem>> -> memref<1x32xf32, #tpu.memory_space<vmem>>
      %dma_start3A_254 = arith.constant 0 : i32
      %dma_start3A_255 = tpu.memref_slice %arg5[%squeeze3A_240, %dma_start3A_254] : memref<1000000x32xf32, #tpu.memory_space<hbm>> -> memref<1x32xf32, #tpu.memory_space<hbm>>
      %dma_start3A_256 = arith.constant 5 : i32
      %dma_start3A_257 = arith.constant 0 : i32
      %dma_start3A_258 = tpu.memref_slice %arg15[%dma_start3A_256, %dma_start3A_257] : memref<64x32xf32, #tpu.memory_space<vmem>> -> memref<1x32xf32, #tpu.memory_space<vmem>>
      %dma_start3A_259 = arith.constant 0 : i32
      %dma_start3A_260 = tpu.memref_slice %arg5[%squeeze3A_240, %dma_start3A_259] : memref<1000000x32xf32, #tpu.memory_space<hbm>> -> memref<1x32xf32, #tpu.memory_space<hbm>>
      tpu.enqueue_dma source(%dma_start3A_260 : memref<1x32xf32, #tpu.memory_space<hbm>>) target(%dma_start3A_258 : memref<1x32xf32, #tpu.memory_space<vmem>>) target_semaphore(%arg18 : memref<!tpu.dma_semaphore, #tpu.memory_space<semaphore_mem>>)
      %dma_start3A_261 = arith.constant 5 : i32
      %dma_start3A_262 = arith.constant 0 : i32
      %dma_start3A_263 = tpu.memref_slice %arg16[%dma_start3A_261, %dma_start3A_262] : memref<64x32xf32, #tpu.memory_space<vmem>> -> memref<1x32xf32, #tpu.memory_space<vmem>>
      %dma_start3A_264 = arith.constant 0 : i32
      %dma_start3A_265 = tpu.memref_slice %arg6[%squeeze3A_238, %dma_start3A_264] : memref<1000000x32xf32, #tpu.memory_space<hbm>> -> memref<1x32xf32, #tpu.memory_space<hbm>>
      %dma_start3A_266 = arith.constant 5 : i32
      %dma_start3A_267 = arith.constant 0 : i32
      %dma_start3A_268 = tpu.memref_slice %arg16[%dma_start3A_266, %dma_start3A_267] : memref<64x32xf32, #tpu.memory_space<vmem>> -> memref<1x32xf32, #tpu.memory_space<vmem>>
      %dma_start3A_269 = arith.constant 0 : i32
      %dma_start3A_270 = tpu.memref_slice %arg6[%squeeze3A_238, %dma_start3A_269] : memref<1000000x32xf32, #tpu.memory_space<hbm>> -> memref<1x32xf32, #tpu.memory_space<hbm>>
      tpu.enqueue_dma source(%dma_start3A_270 : memref<1x32xf32, #tpu.memory_space<hbm>>) target(%dma_start3A_268 : memref<1x32xf32, #tpu.memory_space<vmem>>) target_semaphore(%arg18 : memref<!tpu.dma_semaphore, #tpu.memory_space<semaphore_mem>>)
      %dma_start3A_271 = arith.constant 5 : i32
      %dma_start3A_272 = arith.constant 0 : i32
      %dma_start3A_273 = tpu.memref_slice %arg17[%dma_start3A_271, %dma_start3A_272] : memref<64x32xf32, #tpu.memory_space<vmem>> -> memref<1x32xf32, #tpu.memory_space<vmem>>
      %dma_start3A_274 = arith.constant 0 : i32
      %dma_start3A_275 = tpu.memref_slice %arg7[%squeeze3A_240, %dma_start3A_274] : memref<1000000x32xf32, #tpu.memory_space<hbm>> -> memref<1x32xf32, #tpu.memory_space<hbm>>
      %dma_start3A_276 = arith.constant 5 : i32
      %dma_start3A_277 = arith.constant 0 : i32
      %dma_start3A_278 = tpu.memref_slice %arg17[%dma_start3A_276, %dma_start3A_277] : memref<64x32xf32, #tpu.memory_space<vmem>> -> memref<1x32xf32, #tpu.memory_space<vmem>>
      %dma_start3A_279 = arith.constant 0 : i32
      %dma_start3A_280 = tpu.memref_slice %arg7[%squeeze3A_240, %dma_start3A_279] : memref<1000000x32xf32, #tpu.memory_space<hbm>> -> memref<1x32xf32, #tpu.memory_space<hbm>>
      tpu.enqueue_dma source(%dma_start3A_280 : memref<1x32xf32, #tpu.memory_space<hbm>>) target(%dma_start3A_278 : memref<1x32xf32, #tpu.memory_space<vmem>>) target_semaphore(%arg18 : memref<!tpu.dma_semaphore, #tpu.memory_space<semaphore_mem>>)
      %slice3A_281 = vector.extract_strided_slice %get3A_14 {offsets = [6], sizes = [1], strides = [1]} : vector<16xi32> to vector<1xi32>
      %squeeze3A_282 = vector.extract %slice3A_281[0] : i32 from vector<1xi32>
      %slice3A_283 = vector.extract_strided_slice %get3A_19 {offsets = [6], sizes = [1], strides = [1]} : vector<16xi32> to vector<1xi32>
      %squeeze3A_284 = vector.extract %slice3A_283[0] : i32 from vector<1xi32>
      %dma_start3A_285 = arith.constant 6 : i32
      %dma_start3A_286 = arith.constant 0 : i32
      %dma_start3A_287 = tpu.memref_slice %arg14[%dma_start3A_285, %dma_start3A_286] : memref<64x32xf32, #tpu.memory_space<vmem>> -> memref<1x32xf32, #tpu.memory_space<vmem>>
      %dma_start3A_288 = arith.constant 0 : i32
      %dma_start3A_289 = tpu.memref_slice %arg4[%squeeze3A_282, %dma_start3A_288] : memref<1000000x32xf32, #tpu.memory_space<hbm>> -> memref<1x32xf32, #tpu.memory_space<hbm>>
      %dma_start3A_290 = arith.constant 6 : i32
      %dma_start3A_291 = arith.constant 0 : i32
      %dma_start3A_292 = tpu.memref_slice %arg14[%dma_start3A_290, %dma_start3A_291] : memref<64x32xf32, #tpu.memory_space<vmem>> -> memref<1x32xf32, #tpu.memory_space<vmem>>
      %dma_start3A_293 = arith.constant 0 : i32
      %dma_start3A_294 = tpu.memref_slice %arg4[%squeeze3A_282, %dma_start3A_293] : memref<1000000x32xf32, #tpu.memory_space<hbm>> -> memref<1x32xf32, #tpu.memory_space<hbm>>
      tpu.enqueue_dma source(%dma_start3A_294 : memref<1x32xf32, #tpu.memory_space<hbm>>) target(%dma_start3A_292 : memref<1x32xf32, #tpu.memory_space<vmem>>) target_semaphore(%arg18 : memref<!tpu.dma_semaphore, #tpu.memory_space<semaphore_mem>>)
      %dma_start3A_295 = arith.constant 6 : i32
      %dma_start3A_296 = arith.constant 0 : i32
      %dma_start3A_297 = tpu.memref_slice %arg15[%dma_start3A_295, %dma_start3A_296] : memref<64x32xf32, #tpu.memory_space<vmem>> -> memref<1x32xf32, #tpu.memory_space<vmem>>
      %dma_start3A_298 = arith.constant 0 : i32
      %dma_start3A_299 = tpu.memref_slice %arg5[%squeeze3A_284, %dma_start3A_298] : memref<1000000x32xf32, #tpu.memory_space<hbm>> -> memref<1x32xf32, #tpu.memory_space<hbm>>
      %dma_start3A_300 = arith.constant 6 : i32
      %dma_start3A_301 = arith.constant 0 : i32
      %dma_start3A_302 = tpu.memref_slice %arg15[%dma_start3A_300, %dma_start3A_301] : memref<64x32xf32, #tpu.memory_space<vmem>> -> memref<1x32xf32, #tpu.memory_space<vmem>>
      %dma_start3A_303 = arith.constant 0 : i32
      %dma_start3A_304 = tpu.memref_slice %arg5[%squeeze3A_284, %dma_start3A_303] : memref<1000000x32xf32, #tpu.memory_space<hbm>> -> memref<1x32xf32, #tpu.memory_space<hbm>>
      tpu.enqueue_dma source(%dma_start3A_304 : memref<1x32xf32, #tpu.memory_space<hbm>>) target(%dma_start3A_302 : memref<1x32xf32, #tpu.memory_space<vmem>>) target_semaphore(%arg18 : memref<!tpu.dma_semaphore, #tpu.memory_space<semaphore_mem>>)
      %dma_start3A_305 = arith.constant 6 : i32
      %dma_start3A_306 = arith.constant 0 : i32
      %dma_start3A_307 = tpu.memref_slice %arg16[%dma_start3A_305, %dma_start3A_306] : memref<64x32xf32, #tpu.memory_space<vmem>> -> memref<1x32xf32, #tpu.memory_space<vmem>>
      %dma_start3A_308 = arith.constant 0 : i32
      %dma_start3A_309 = tpu.memref_slice %arg6[%squeeze3A_282, %dma_start3A_308] : memref<1000000x32xf32, #tpu.memory_space<hbm>> -> memref<1x32xf32, #tpu.memory_space<hbm>>
      %dma_start3A_310 = arith.constant 6 : i32
      %dma_start3A_311 = arith.constant 0 : i32
      %dma_start3A_312 = tpu.memref_slice %arg16[%dma_start3A_310, %dma_start3A_311] : memref<64x32xf32, #tpu.memory_space<vmem>> -> memref<1x32xf32, #tpu.memory_space<vmem>>
      %dma_start3A_313 = arith.constant 0 : i32
      %dma_start3A_314 = tpu.memref_slice %arg6[%squeeze3A_282, %dma_start3A_313] : memref<1000000x32xf32, #tpu.memory_space<hbm>> -> memref<1x32xf32, #tpu.memory_space<hbm>>
      tpu.enqueue_dma source(%dma_start3A_314 : memref<1x32xf32, #tpu.memory_space<hbm>>) target(%dma_start3A_312 : memref<1x32xf32, #tpu.memory_space<vmem>>) target_semaphore(%arg18 : memref<!tpu.dma_semaphore, #tpu.memory_space<semaphore_mem>>)
      %dma_start3A_315 = arith.constant 6 : i32
      %dma_start3A_316 = arith.constant 0 : i32
      %dma_start3A_317 = tpu.memref_slice %arg17[%dma_start3A_315, %dma_start3A_316] : memref<64x32xf32, #tpu.memory_space<vmem>> -> memref<1x32xf32, #tpu.memory_space<vmem>>
      %dma_start3A_318 = arith.constant 0 : i32
      %dma_start3A_319 = tpu.memref_slice %arg7[%squeeze3A_284, %dma_start3A_318] : memref<1000000x32xf32, #tpu.memory_space<hbm>> -> memref<1x32xf32, #tpu.memory_space<hbm>>
      %dma_start3A_320 = arith.constant 6 : i32
      %dma_start3A_321 = arith.constant 0 : i32
      %dma_start3A_322 = tpu.memref_slice %arg17[%dma_start3A_320, %dma_start3A_321] : memref<64x32xf32, #tpu.memory_space<vmem>> -> memref<1x32xf32, #tpu.memory_space<vmem>>
      %dma_start3A_323 = arith.constant 0 : i32
      %dma_start3A_324 = tpu.memref_slice %arg7[%squeeze3A_284, %dma_start3A_323] : memref<1000000x32xf32, #tpu.memory_space<hbm>> -> memref<1x32xf32, #tpu.memory_space<hbm>>
      tpu.enqueue_dma source(%dma_start3A_324 : memref<1x32xf32, #tpu.memory_space<hbm>>) target(%dma_start3A_322 : memref<1x32xf32, #tpu.memory_space<vmem>>) target_semaphore(%arg18 : memref<!tpu.dma_semaphore, #tpu.memory_space<semaphore_mem>>)
      %slice3A_325 = vector.extract_strided_slice %get3A_14 {offsets = [7], sizes = [1], strides = [1]} : vector<16xi32> to vector<1xi32>
      %squeeze3A_326 = vector.extract %slice3A_325[0] : i32 from vector<1xi32>
      %slice3A_327 = vector.extract_strided_slice %get3A_19 {offsets = [7], sizes = [1], strides = [1]} : vector<16xi32> to vector<1xi32>
      %squeeze3A_328 = vector.extract %slice3A_327[0] : i32 from vector<1xi32>
      %dma_start3A_329 = arith.constant 7 : i32
      %dma_start3A_330 = arith.constant 0 : i32
      %dma_start3A_331 = tpu.memref_slice %arg14[%dma_start3A_329, %dma_start3A_330] : memref<64x32xf32, #tpu.memory_space<vmem>> -> memref<1x32xf32, #tpu.memory_space<vmem>>
      %dma_start3A_332 = arith.constant 0 : i32
      %dma_start3A_333 = tpu.memref_slice %arg4[%squeeze3A_326, %dma_start3A_332] : memref<1000000x32xf32, #tpu.memory_space<hbm>> -> memref<1x32xf32, #tpu.memory_space<hbm>>
      %dma_start3A_334 = arith.constant 7 : i32
      %dma_start3A_335 = arith.constant 0 : i32
      %dma_start3A_336 = tpu.memref_slice %arg14[%dma_start3A_334, %dma_start3A_335] : memref<64x32xf32, #tpu.memory_space<vmem>> -> memref<1x32xf32, #tpu.memory_space<vmem>>
      %dma_start3A_337 = arith.constant 0 : i32
      %dma_start3A_338 = tpu.memref_slice %arg4[%squeeze3A_326, %dma_start3A_337] : memref<1000000x32xf32, #tpu.memory_space<hbm>> -> memref<1x32xf32, #tpu.memory_space<hbm>>
      tpu.enqueue_dma source(%dma_start3A_338 : memref<1x32xf32, #tpu.memory_space<hbm>>) target(%dma_start3A_336 : memref<1x32xf32, #tpu.memory_space<vmem>>) target_semaphore(%arg18 : memref<!tpu.dma_semaphore, #tpu.memory_space<semaphore_mem>>)
      %dma_start3A_339 = arith.constant 7 : i32
      %dma_start3A_340 = arith.constant 0 : i32
      %dma_start3A_341 = tpu.memref_slice %arg15[%dma_start3A_339, %dma_start3A_340] : memref<64x32xf32, #tpu.memory_space<vmem>> -> memref<1x32xf32, #tpu.memory_space<vmem>>
      %dma_start3A_342 = arith.constant 0 : i32
      %dma_start3A_343 = tpu.memref_slice %arg5[%squeeze3A_328, %dma_start3A_342] : memref<1000000x32xf32, #tpu.memory_space<hbm>> -> memref<1x32xf32, #tpu.memory_space<hbm>>
      %dma_start3A_344 = arith.constant 7 : i32
      %dma_start3A_345 = arith.constant 0 : i32
      %dma_start3A_346 = tpu.memref_slice %arg15[%dma_start3A_344, %dma_start3A_345] : memref<64x32xf32, #tpu.memory_space<vmem>> -> memref<1x32xf32, #tpu.memory_space<vmem>>
      %dma_start3A_347 = arith.constant 0 : i32
      %dma_start3A_348 = tpu.memref_slice %arg5[%squeeze3A_328, %dma_start3A_347] : memref<1000000x32xf32, #tpu.memory_space<hbm>> -> memref<1x32xf32, #tpu.memory_space<hbm>>
      tpu.enqueue_dma source(%dma_start3A_348 : memref<1x32xf32, #tpu.memory_space<hbm>>) target(%dma_start3A_346 : memref<1x32xf32, #tpu.memory_space<vmem>>) target_semaphore(%arg18 : memref<!tpu.dma_semaphore, #tpu.memory_space<semaphore_mem>>)
      %dma_start3A_349 = arith.constant 7 : i32
      %dma_start3A_350 = arith.constant 0 : i32
      %dma_start3A_351 = tpu.memref_slice %arg16[%dma_start3A_349, %dma_start3A_350] : memref<64x32xf32, #tpu.memory_space<vmem>> -> memref<1x32xf32, #tpu.memory_space<vmem>>
      %dma_start3A_352 = arith.constant 0 : i32
      %dma_start3A_353 = tpu.memref_slice %arg6[%squeeze3A_326, %dma_start3A_352] : memref<1000000x32xf32, #tpu.memory_space<hbm>> -> memref<1x32xf32, #tpu.memory_space<hbm>>
      %dma_start3A_354 = arith.constant 7 : i32
      %dma_start3A_355 = arith.constant 0 : i32
      %dma_start3A_356 = tpu.memref_slice %arg16[%dma_start3A_354, %dma_start3A_355] : memref<64x32xf32, #tpu.memory_space<vmem>> -> memref<1x32xf32, #tpu.memory_space<vmem>>
      %dma_start3A_357 = arith.constant 0 : i32
      %dma_start3A_358 = tpu.memref_slice %arg6[%squeeze3A_326, %dma_start3A_357] : memref<1000000x32xf32, #tpu.memory_space<hbm>> -> memref<1x32xf32, #tpu.memory_space<hbm>>
      tpu.enqueue_dma source(%dma_start3A_358 : memref<1x32xf32, #tpu.memory_space<hbm>>) target(%dma_start3A_356 : memref<1x32xf32, #tpu.memory_space<vmem>>) target_semaphore(%arg18 : memref<!tpu.dma_semaphore, #tpu.memory_space<semaphore_mem>>)
      %dma_start3A_359 = arith.constant 7 : i32
      %dma_start3A_360 = arith.constant 0 : i32
      %dma_start3A_361 = tpu.memref_slice %arg17[%dma_start3A_359, %dma_start3A_360] : memref<64x32xf32, #tpu.memory_space<vmem>> -> memref<1x32xf32, #tpu.memory_space<vmem>>
      %dma_start3A_362 = arith.constant 0 : i32
      %dma_start3A_363 = tpu.memref_slice %arg7[%squeeze3A_328, %dma_start3A_362] : memref<1000000x32xf32, #tpu.memory_space<hbm>> -> memref<1x32xf32, #tpu.memory_space<hbm>>
      %dma_start3A_364 = arith.constant 7 : i32
      %dma_start3A_365 = arith.constant 0 : i32
      %dma_start3A_366 = tpu.memref_slice %arg17[%dma_start3A_364, %dma_start3A_365] : memref<64x32xf32, #tpu.memory_space<vmem>> -> memref<1x32xf32, #tpu.memory_space<vmem>>
      %dma_start3A_367 = arith.constant 0 : i32
      %dma_start3A_368 = tpu.memref_slice %arg7[%squeeze3A_328, %dma_start3A_367] : memref<1000000x32xf32, #tpu.memory_space<hbm>> -> memref<1x32xf32, #tpu.memory_space<hbm>>
      tpu.enqueue_dma source(%dma_start3A_368 : memref<1x32xf32, #tpu.memory_space<hbm>>) target(%dma_start3A_366 : memref<1x32xf32, #tpu.memory_space<vmem>>) target_semaphore(%arg18 : memref<!tpu.dma_semaphore, #tpu.memory_space<semaphore_mem>>)
      %slice3A_369 = vector.extract_strided_slice %get3A_14 {offsets = [8], sizes = [1], strides = [1]} : vector<16xi32> to vector<1xi32>
      %squeeze3A_370 = vector.extract %slice3A_369[0] : i32 from vector<1xi32>
      %slice3A_371 = vector.extract_strided_slice %get3A_19 {offsets = [8], sizes = [1], strides = [1]} : vector<16xi32> to vector<1xi32>
      %squeeze3A_372 = vector.extract %slice3A_371[0] : i32 from vector<1xi32>
      %dma_start3A_373 = arith.constant 8 : i32
      %dma_start3A_374 = arith.constant 0 : i32
      %dma_start3A_375 = tpu.memref_slice %arg14[%dma_start3A_373, %dma_start3A_374] : memref<64x32xf32, #tpu.memory_space<vmem>> -> memref<1x32xf32, #tpu.memory_space<vmem>>
      %dma_start3A_376 = arith.constant 0 : i32
      %dma_start3A_377 = tpu.memref_slice %arg4[%squeeze3A_370, %dma_start3A_376] : memref<1000000x32xf32, #tpu.memory_space<hbm>> -> memref<1x32xf32, #tpu.memory_space<hbm>>
      %dma_start3A_378 = arith.constant 8 : i32
      %dma_start3A_379 = arith.constant 0 : i32
      %dma_start3A_380 = tpu.memref_slice %arg14[%dma_start3A_378, %dma_start3A_379] : memref<64x32xf32, #tpu.memory_space<vmem>> -> memref<1x32xf32, #tpu.memory_space<vmem>>
      %dma_start3A_381 = arith.constant 0 : i32
      %dma_start3A_382 = tpu.memref_slice %arg4[%squeeze3A_370, %dma_start3A_381] : memref<1000000x32xf32, #tpu.memory_space<hbm>> -> memref<1x32xf32, #tpu.memory_space<hbm>>
      tpu.enqueue_dma source(%dma_start3A_382 : memref<1x32xf32, #tpu.memory_space<hbm>>) target(%dma_start3A_380 : memref<1x32xf32, #tpu.memory_space<vmem>>) target_semaphore(%arg18 : memref<!tpu.dma_semaphore, #tpu.memory_space<semaphore_mem>>)
      %dma_start3A_383 = arith.constant 8 : i32
      %dma_start3A_384 = arith.constant 0 : i32
      %dma_start3A_385 = tpu.memref_slice %arg15[%dma_start3A_383, %dma_start3A_384] : memref<64x32xf32, #tpu.memory_space<vmem>> -> memref<1x32xf32, #tpu.memory_space<vmem>>
      %dma_start3A_386 = arith.constant 0 : i32
      %dma_start3A_387 = tpu.memref_slice %arg5[%squeeze3A_372, %dma_start3A_386] : memref<1000000x32xf32, #tpu.memory_space<hbm>> -> memref<1x32xf32, #tpu.memory_space<hbm>>
      %dma_start3A_388 = arith.constant 8 : i32
      %dma_start3A_389 = arith.constant 0 : i32
      %dma_start3A_390 = tpu.memref_slice %arg15[%dma_start3A_388, %dma_start3A_389] : memref<64x32xf32, #tpu.memory_space<vmem>> -> memref<1x32xf32, #tpu.memory_space<vmem>>
      %dma_start3A_391 = arith.constant 0 : i32
      %dma_start3A_392 = tpu.memref_slice %arg5[%squeeze3A_372, %dma_start3A_391] : memref<1000000x32xf32, #tpu.memory_space<hbm>> -> memref<1x32xf32, #tpu.memory_space<hbm>>
      tpu.enqueue_dma source(%dma_start3A_392 : memref<1x32xf32, #tpu.memory_space<hbm>>) target(%dma_start3A_390 : memref<1x32xf32, #tpu.memory_space<vmem>>) target_semaphore(%arg18 : memref<!tpu.dma_semaphore, #tpu.memory_space<semaphore_mem>>)
      %dma_start3A_393 = arith.constant 8 : i32
      %dma_start3A_394 = arith.constant 0 : i32
      %dma_start3A_395 = tpu.memref_slice %arg16[%dma_start3A_393, %dma_start3A_394] : memref<64x32xf32, #tpu.memory_space<vmem>> -> memref<1x32xf32, #tpu.memory_space<vmem>>
      %dma_start3A_396 = arith.constant 0 : i32
      %dma_start3A_397 = tpu.memref_slice %arg6[%squeeze3A_370, %dma_start3A_396] : memref<1000000x32xf32, #tpu.memory_space<hbm>> -> memref<1x32xf32, #tpu.memory_space<hbm>>
      %dma_start3A_398 = arith.constant 8 : i32
      %dma_start3A_399 = arith.constant 0 : i32
      %dma_start3A_400 = tpu.memref_slice %arg16[%dma_start3A_398, %dma_start3A_399] : memref<64x32xf32, #tpu.memory_space<vmem>> -> memref<1x32xf32, #tpu.memory_space<vmem>>
      %dma_start3A_401 = arith.constant 0 : i32
      %dma_start3A_402 = tpu.memref_slice %arg6[%squeeze3A_370, %dma_start3A_401] : memref<1000000x32xf32, #tpu.memory_space<hbm>> -> memref<1x32xf32, #tpu.memory_space<hbm>>
      tpu.enqueue_dma source(%dma_start3A_402 : memref<1x32xf32, #tpu.memory_space<hbm>>) target(%dma_start3A_400 : memref<1x32xf32, #tpu.memory_space<vmem>>) target_semaphore(%arg18 : memref<!tpu.dma_semaphore, #tpu.memory_space<semaphore_mem>>)
      %dma_start3A_403 = arith.constant 8 : i32
      %dma_start3A_404 = arith.constant 0 : i32
      %dma_start3A_405 = tpu.memref_slice %arg17[%dma_start3A_403, %dma_start3A_404] : memref<64x32xf32, #tpu.memory_space<vmem>> -> memref<1x32xf32, #tpu.memory_space<vmem>>
      %dma_start3A_406 = arith.constant 0 : i32
      %dma_start3A_407 = tpu.memref_slice %arg7[%squeeze3A_372, %dma_start3A_406] : memref<1000000x32xf32, #tpu.memory_space<hbm>> -> memref<1x32xf32, #tpu.memory_space<hbm>>
      %dma_start3A_408 = arith.constant 8 : i32
      %dma_start3A_409 = arith.constant 0 : i32
      %dma_start3A_410 = tpu.memref_slice %arg17[%dma_start3A_408, %dma_start3A_409] : memref<64x32xf32, #tpu.memory_space<vmem>> -> memref<1x32xf32, #tpu.memory_space<vmem>>
      %dma_start3A_411 = arith.constant 0 : i32
      %dma_start3A_412 = tpu.memref_slice %arg7[%squeeze3A_372, %dma_start3A_411] : memref<1000000x32xf32, #tpu.memory_space<hbm>> -> memref<1x32xf32, #tpu.memory_space<hbm>>
      tpu.enqueue_dma source(%dma_start3A_412 : memref<1x32xf32, #tpu.memory_space<hbm>>) target(%dma_start3A_410 : memref<1x32xf32, #tpu.memory_space<vmem>>) target_semaphore(%arg18 : memref<!tpu.dma_semaphore, #tpu.memory_space<semaphore_mem>>)
      %slice3A_413 = vector.extract_strided_slice %get3A_14 {offsets = [9], sizes = [1], strides = [1]} : vector<16xi32> to vector<1xi32>
      %squeeze3A_414 = vector.extract %slice3A_413[0] : i32 from vector<1xi32>
      %slice3A_415 = vector.extract_strided_slice %get3A_19 {offsets = [9], sizes = [1], strides = [1]} : vector<16xi32> to vector<1xi32>
      %squeeze3A_416 = vector.extract %slice3A_415[0] : i32 from vector<1xi32>
      %dma_start3A_417 = arith.constant 9 : i32
      %dma_start3A_418 = arith.constant 0 : i32
      %dma_start3A_419 = tpu.memref_slice %arg14[%dma_start3A_417, %dma_start3A_418] : memref<64x32xf32, #tpu.memory_space<vmem>> -> memref<1x32xf32, #tpu.memory_space<vmem>>
      %dma_start3A_420 = arith.constant 0 : i32
      %dma_start3A_421 = tpu.memref_slice %arg4[%squeeze3A_414, %dma_start3A_420] : memref<1000000x32xf32, #tpu.memory_space<hbm>> -> memref<1x32xf32, #tpu.memory_space<hbm>>
      %dma_start3A_422 = arith.constant 9 : i32
      %dma_start3A_423 = arith.constant 0 : i32
      %dma_start3A_424 = tpu.memref_slice %arg14[%dma_start3A_422, %dma_start3A_423] : memref<64x32xf32, #tpu.memory_space<vmem>> -> memref<1x32xf32, #tpu.memory_space<vmem>>
      %dma_start3A_425 = arith.constant 0 : i32
      %dma_start3A_426 = tpu.memref_slice %arg4[%squeeze3A_414, %dma_start3A_425] : memref<1000000x32xf32, #tpu.memory_space<hbm>> -> memref<1x32xf32, #tpu.memory_space<hbm>>
      tpu.enqueue_dma source(%dma_start3A_426 : memref<1x32xf32, #tpu.memory_space<hbm>>) target(%dma_start3A_424 : memref<1x32xf32, #tpu.memory_space<vmem>>) target_semaphore(%arg18 : memref<!tpu.dma_semaphore, #tpu.memory_space<semaphore_mem>>)
      %dma_start3A_427 = arith.constant 9 : i32
      %dma_start3A_428 = arith.constant 0 : i32
      %dma_start3A_429 = tpu.memref_slice %arg15[%dma_start3A_427, %dma_start3A_428] : memref<64x32xf32, #tpu.memory_space<vmem>> -> memref<1x32xf32, #tpu.memory_space<vmem>>
      %dma_start3A_430 = arith.constant 0 : i32
      %dma_start3A_431 = tpu.memref_slice %arg5[%squeeze3A_416, %dma_start3A_430] : memref<1000000x32xf32, #tpu.memory_space<hbm>> -> memref<1x32xf32, #tpu.memory_space<hbm>>
      %dma_start3A_432 = arith.constant 9 : i32
      %dma_start3A_433 = arith.constant 0 : i32
      %dma_start3A_434 = tpu.memref_slice %arg15[%dma_start3A_432, %dma_start3A_433] : memref<64x32xf32, #tpu.memory_space<vmem>> -> memref<1x32xf32, #tpu.memory_space<vmem>>
      %dma_start3A_435 = arith.constant 0 : i32
      %dma_start3A_436 = tpu.memref_slice %arg5[%squeeze3A_416, %dma_start3A_435] : memref<1000000x32xf32, #tpu.memory_space<hbm>> -> memref<1x32xf32, #tpu.memory_space<hbm>>
      tpu.enqueue_dma source(%dma_start3A_436 : memref<1x32xf32, #tpu.memory_space<hbm>>) target(%dma_start3A_434 : memref<1x32xf32, #tpu.memory_space<vmem>>) target_semaphore(%arg18 : memref<!tpu.dma_semaphore, #tpu.memory_space<semaphore_mem>>)
      %dma_start3A_437 = arith.constant 9 : i32
      %dma_start3A_438 = arith.constant 0 : i32
      %dma_start3A_439 = tpu.memref_slice %arg16[%dma_start3A_437, %dma_start3A_438] : memref<64x32xf32, #tpu.memory_space<vmem>> -> memref<1x32xf32, #tpu.memory_space<vmem>>
      %dma_start3A_440 = arith.constant 0 : i32
      %dma_start3A_441 = tpu.memref_slice %arg6[%squeeze3A_414, %dma_start3A_440] : memref<1000000x32xf32, #tpu.memory_space<hbm>> -> memref<1x32xf32, #tpu.memory_space<hbm>>
      %dma_start3A_442 = arith.constant 9 : i32
      %dma_start3A_443 = arith.constant 0 : i32
      %dma_start3A_444 = tpu.memref_slice %arg16[%dma_start3A_442, %dma_start3A_443] : memref<64x32xf32, #tpu.memory_space<vmem>> -> memref<1x32xf32, #tpu.memory_space<vmem>>
      %dma_start3A_445 = arith.constant 0 : i32
      %dma_start3A_446 = tpu.memref_slice %arg6[%squeeze3A_414, %dma_start3A_445] : memref<1000000x32xf32, #tpu.memory_space<hbm>> -> memref<1x32xf32, #tpu.memory_space<hbm>>
      tpu.enqueue_dma source(%dma_start3A_446 : memref<1x32xf32, #tpu.memory_space<hbm>>) target(%dma_start3A_444 : memref<1x32xf32, #tpu.memory_space<vmem>>) target_semaphore(%arg18 : memref<!tpu.dma_semaphore, #tpu.memory_space<semaphore_mem>>)
      %dma_start3A_447 = arith.constant 9 : i32
      %dma_start3A_448 = arith.constant 0 : i32
      %dma_start3A_449 = tpu.memref_slice %arg17[%dma_start3A_447, %dma_start3A_448] : memref<64x32xf32, #tpu.memory_space<vmem>> -> memref<1x32xf32, #tpu.memory_space<vmem>>
      %dma_start3A_450 = arith.constant 0 : i32
      %dma_start3A_451 = tpu.memref_slice %arg7[%squeeze3A_416, %dma_start3A_450] : memref<1000000x32xf32, #tpu.memory_space<hbm>> -> memref<1x32xf32, #tpu.memory_space<hbm>>
      %dma_start3A_452 = arith.constant 9 : i32
      %dma_start3A_453 = arith.constant 0 : i32
      %dma_start3A_454 = tpu.memref_slice %arg17[%dma_start3A_452, %dma_start3A_453] : memref<64x32xf32, #tpu.memory_space<vmem>> -> memref<1x32xf32, #tpu.memory_space<vmem>>
      %dma_start3A_455 = arith.constant 0 : i32
      %dma_start3A_456 = tpu.memref_slice %arg7[%squeeze3A_416, %dma_start3A_455] : memref<1000000x32xf32, #tpu.memory_space<hbm>> -> memref<1x32xf32, #tpu.memory_space<hbm>>
      tpu.enqueue_dma source(%dma_start3A_456 : memref<1x32xf32, #tpu.memory_space<hbm>>) target(%dma_start3A_454 : memref<1x32xf32, #tpu.memory_space<vmem>>) target_semaphore(%arg18 : memref<!tpu.dma_semaphore, #tpu.memory_space<semaphore_mem>>)
      %slice3A_457 = vector.extract_strided_slice %get3A_14 {offsets = [10], sizes = [1], strides = [1]} : vector<16xi32> to vector<1xi32>
      %squeeze3A_458 = vector.extract %slice3A_457[0] : i32 from vector<1xi32>
      %slice3A_459 = vector.extract_strided_slice %get3A_19 {offsets = [10], sizes = [1], strides = [1]} : vector<16xi32> to vector<1xi32>
      %squeeze3A_460 = vector.extract %slice3A_459[0] : i32 from vector<1xi32>
      %dma_start3A_461 = arith.constant 10 : i32
      %dma_start3A_462 = arith.constant 0 : i32
      %dma_start3A_463 = tpu.memref_slice %arg14[%dma_start3A_461, %dma_start3A_462] : memref<64x32xf32, #tpu.memory_space<vmem>> -> memref<1x32xf32, #tpu.memory_space<vmem>>
      %dma_start3A_464 = arith.constant 0 : i32
      %dma_start3A_465 = tpu.memref_slice %arg4[%squeeze3A_458, %dma_start3A_464] : memref<1000000x32xf32, #tpu.memory_space<hbm>> -> memref<1x32xf32, #tpu.memory_space<hbm>>
      %dma_start3A_466 = arith.constant 10 : i32
      %dma_start3A_467 = arith.constant 0 : i32
      %dma_start3A_468 = tpu.memref_slice %arg14[%dma_start3A_466, %dma_start3A_467] : memref<64x32xf32, #tpu.memory_space<vmem>> -> memref<1x32xf32, #tpu.memory_space<vmem>>
      %dma_start3A_469 = arith.constant 0 : i32
      %dma_start3A_470 = tpu.memref_slice %arg4[%squeeze3A_458, %dma_start3A_469] : memref<1000000x32xf32, #tpu.memory_space<hbm>> -> memref<1x32xf32, #tpu.memory_space<hbm>>
      tpu.enqueue_dma source(%dma_start3A_470 : memref<1x32xf32, #tpu.memory_space<hbm>>) target(%dma_start3A_468 : memref<1x32xf32, #tpu.memory_space<vmem>>) target_semaphore(%arg18 : memref<!tpu.dma_semaphore, #tpu.memory_space<semaphore_mem>>)
      %dma_start3A_471 = arith.constant 10 : i32
      %dma_start3A_472 = arith.constant 0 : i32
      %dma_start3A_473 = tpu.memref_slice %arg15[%dma_start3A_471, %dma_start3A_472] : memref<64x32xf32, #tpu.memory_space<vmem>> -> memref<1x32xf32, #tpu.memory_space<vmem>>
      %dma_start3A_474 = arith.constant 0 : i32
      %dma_start3A_475 = tpu.memref_slice %arg5[%squeeze3A_460, %dma_start3A_474] : memref<1000000x32xf32, #tpu.memory_space<hbm>> -> memref<1x32xf32, #tpu.memory_space<hbm>>
      %dma_start3A_476 = arith.constant 10 : i32
      %dma_start3A_477 = arith.constant 0 : i32
      %dma_start3A_478 = tpu.memref_slice %arg15[%dma_start3A_476, %dma_start3A_477] : memref<64x32xf32, #tpu.memory_space<vmem>> -> memref<1x32xf32, #tpu.memory_space<vmem>>
      %dma_start3A_479 = arith.constant 0 : i32
      %dma_start3A_480 = tpu.memref_slice %arg5[%squeeze3A_460, %dma_start3A_479] : memref<1000000x32xf32, #tpu.memory_space<hbm>> -> memref<1x32xf32, #tpu.memory_space<hbm>>
      tpu.enqueue_dma source(%dma_start3A_480 : memref<1x32xf32, #tpu.memory_space<hbm>>) target(%dma_start3A_478 : memref<1x32xf32, #tpu.memory_space<vmem>>) target_semaphore(%arg18 : memref<!tpu.dma_semaphore, #tpu.memory_space<semaphore_mem>>)
      %dma_start3A_481 = arith.constant 10 : i32
      %dma_start3A_482 = arith.constant 0 : i32
      %dma_start3A_483 = tpu.memref_slice %arg16[%dma_start3A_481, %dma_start3A_482] : memref<64x32xf32, #tpu.memory_space<vmem>> -> memref<1x32xf32, #tpu.memory_space<vmem>>
      %dma_start3A_484 = arith.constant 0 : i32
      %dma_start3A_485 = tpu.memref_slice %arg6[%squeeze3A_458, %dma_start3A_484] : memref<1000000x32xf32, #tpu.memory_space<hbm>> -> memref<1x32xf32, #tpu.memory_space<hbm>>
      %dma_start3A_486 = arith.constant 10 : i32
      %dma_start3A_487 = arith.constant 0 : i32
      %dma_start3A_488 = tpu.memref_slice %arg16[%dma_start3A_486, %dma_start3A_487] : memref<64x32xf32, #tpu.memory_space<vmem>> -> memref<1x32xf32, #tpu.memory_space<vmem>>
      %dma_start3A_489 = arith.constant 0 : i32
      %dma_start3A_490 = tpu.memref_slice %arg6[%squeeze3A_458, %dma_start3A_489] : memref<1000000x32xf32, #tpu.memory_space<hbm>> -> memref<1x32xf32, #tpu.memory_space<hbm>>
      tpu.enqueue_dma source(%dma_start3A_490 : memref<1x32xf32, #tpu.memory_space<hbm>>) target(%dma_start3A_488 : memref<1x32xf32, #tpu.memory_space<vmem>>) target_semaphore(%arg18 : memref<!tpu.dma_semaphore, #tpu.memory_space<semaphore_mem>>)
      %dma_start3A_491 = arith.constant 10 : i32
      %dma_start3A_492 = arith.constant 0 : i32
      %dma_start3A_493 = tpu.memref_slice %arg17[%dma_start3A_491, %dma_start3A_492] : memref<64x32xf32, #tpu.memory_space<vmem>> -> memref<1x32xf32, #tpu.memory_space<vmem>>
      %dma_start3A_494 = arith.constant 0 : i32
      %dma_start3A_495 = tpu.memref_slice %arg7[%squeeze3A_460, %dma_start3A_494] : memref<1000000x32xf32, #tpu.memory_space<hbm>> -> memref<1x32xf32, #tpu.memory_space<hbm>>
      %dma_start3A_496 = arith.constant 10 : i32
      %dma_start3A_497 = arith.constant 0 : i32
      %dma_start3A_498 = tpu.memref_slice %arg17[%dma_start3A_496, %dma_start3A_497] : memref<64x32xf32, #tpu.memory_space<vmem>> -> memref<1x32xf32, #tpu.memory_space<vmem>>
      %dma_start3A_499 = arith.constant 0 : i32
      %dma_start3A_500 = tpu.memref_slice %arg7[%squeeze3A_460, %dma_start3A_499] : memref<1000000x32xf32, #tpu.memory_space<hbm>> -> memref<1x32xf32, #tpu.memory_space<hbm>>
      tpu.enqueue_dma source(%dma_start3A_500 : memref<1x32xf32, #tpu.memory_space<hbm>>) target(%dma_start3A_498 : memref<1x32xf32, #tpu.memory_space<vmem>>) target_semaphore(%arg18 : memref<!tpu.dma_semaphore, #tpu.memory_space<semaphore_mem>>)
      %slice3A_501 = vector.extract_strided_slice %get3A_14 {offsets = [11], sizes = [1], strides = [1]} : vector<16xi32> to vector<1xi32>
      %squeeze3A_502 = vector.extract %slice3A_501[0] : i32 from vector<1xi32>
      %slice3A_503 = vector.extract_strided_slice %get3A_19 {offsets = [11], sizes = [1], strides = [1]} : vector<16xi32> to vector<1xi32>
      %squeeze3A_504 = vector.extract %slice3A_503[0] : i32 from vector<1xi32>
      %dma_start3A_505 = arith.constant 11 : i32
      %dma_start3A_506 = arith.constant 0 : i32
      %dma_start3A_507 = tpu.memref_slice %arg14[%dma_start3A_505, %dma_start3A_506] : memref<64x32xf32, #tpu.memory_space<vmem>> -> memref<1x32xf32, #tpu.memory_space<vmem>>
      %dma_start3A_508 = arith.constant 0 : i32
      %dma_start3A_509 = tpu.memref_slice %arg4[%squeeze3A_502, %dma_start3A_508] : memref<1000000x32xf32, #tpu.memory_space<hbm>> -> memref<1x32xf32, #tpu.memory_space<hbm>>
      %dma_start3A_510 = arith.constant 11 : i32
      %dma_start3A_511 = arith.constant 0 : i32
      %dma_start3A_512 = tpu.memref_slice %arg14[%dma_start3A_510, %dma_start3A_511] : memref<64x32xf32, #tpu.memory_space<vmem>> -> memref<1x32xf32, #tpu.memory_space<vmem>>
      %dma_start3A_513 = arith.constant 0 : i32
      %dma_start3A_514 = tpu.memref_slice %arg4[%squeeze3A_502, %dma_start3A_513] : memref<1000000x32xf32, #tpu.memory_space<hbm>> -> memref<1x32xf32, #tpu.memory_space<hbm>>
      tpu.enqueue_dma source(%dma_start3A_514 : memref<1x32xf32, #tpu.memory_space<hbm>>) target(%dma_start3A_512 : memref<1x32xf32, #tpu.memory_space<vmem>>) target_semaphore(%arg18 : memref<!tpu.dma_semaphore, #tpu.memory_space<semaphore_mem>>)
      %dma_start3A_515 = arith.constant 11 : i32
      %dma_start3A_516 = arith.constant 0 : i32
      %dma_start3A_517 = tpu.memref_slice %arg15[%dma_start3A_515, %dma_start3A_516] : memref<64x32xf32, #tpu.memory_space<vmem>> -> memref<1x32xf32, #tpu.memory_space<vmem>>
      %dma_start3A_518 = arith.constant 0 : i32
      %dma_start3A_519 = tpu.memref_slice %arg5[%squeeze3A_504, %dma_start3A_518] : memref<1000000x32xf32, #tpu.memory_space<hbm>> -> memref<1x32xf32, #tpu.memory_space<hbm>>
      %dma_start3A_520 = arith.constant 11 : i32
      %dma_start3A_521 = arith.constant 0 : i32
      %dma_start3A_522 = tpu.memref_slice %arg15[%dma_start3A_520, %dma_start3A_521] : memref<64x32xf32, #tpu.memory_space<vmem>> -> memref<1x32xf32, #tpu.memory_space<vmem>>
      %dma_start3A_523 = arith.constant 0 : i32
      %dma_start3A_524 = tpu.memref_slice %arg5[%squeeze3A_504, %dma_start3A_523] : memref<1000000x32xf32, #tpu.memory_space<hbm>> -> memref<1x32xf32, #tpu.memory_space<hbm>>
      tpu.enqueue_dma source(%dma_start3A_524 : memref<1x32xf32, #tpu.memory_space<hbm>>) target(%dma_start3A_522 : memref<1x32xf32, #tpu.memory_space<vmem>>) target_semaphore(%arg18 : memref<!tpu.dma_semaphore, #tpu.memory_space<semaphore_mem>>)
      %dma_start3A_525 = arith.constant 11 : i32
      %dma_start3A_526 = arith.constant 0 : i32
      %dma_start3A_527 = tpu.memref_slice %arg16[%dma_start3A_525, %dma_start3A_526] : memref<64x32xf32, #tpu.memory_space<vmem>> -> memref<1x32xf32, #tpu.memory_space<vmem>>
      %dma_start3A_528 = arith.constant 0 : i32
      %dma_start3A_529 = tpu.memref_slice %arg6[%squeeze3A_502, %dma_start3A_528] : memref<1000000x32xf32, #tpu.memory_space<hbm>> -> memref<1x32xf32, #tpu.memory_space<hbm>>
      %dma_start3A_530 = arith.constant 11 : i32
      %dma_start3A_531 = arith.constant 0 : i32
      %dma_start3A_532 = tpu.memref_slice %arg16[%dma_start3A_530, %dma_start3A_531] : memref<64x32xf32, #tpu.memory_space<vmem>> -> memref<1x32xf32, #tpu.memory_space<vmem>>
      %dma_start3A_533 = arith.constant 0 : i32
      %dma_start3A_534 = tpu.memref_slice %arg6[%squeeze3A_502, %dma_start3A_533] : memref<1000000x32xf32, #tpu.memory_space<hbm>> -> memref<1x32xf32, #tpu.memory_space<hbm>>
      tpu.enqueue_dma source(%dma_start3A_534 : memref<1x32xf32, #tpu.memory_space<hbm>>) target(%dma_start3A_532 : memref<1x32xf32, #tpu.memory_space<vmem>>) target_semaphore(%arg18 : memref<!tpu.dma_semaphore, #tpu.memory_space<semaphore_mem>>)
      %dma_start3A_535 = arith.constant 11 : i32
      %dma_start3A_536 = arith.constant 0 : i32
      %dma_start3A_537 = tpu.memref_slice %arg17[%dma_start3A_535, %dma_start3A_536] : memref<64x32xf32, #tpu.memory_space<vmem>> -> memref<1x32xf32, #tpu.memory_space<vmem>>
      %dma_start3A_538 = arith.constant 0 : i32
      %dma_start3A_539 = tpu.memref_slice %arg7[%squeeze3A_504, %dma_start3A_538] : memref<1000000x32xf32, #tpu.memory_space<hbm>> -> memref<1x32xf32, #tpu.memory_space<hbm>>
      %dma_start3A_540 = arith.constant 11 : i32
      %dma_start3A_541 = arith.constant 0 : i32
      %dma_start3A_542 = tpu.memref_slice %arg17[%dma_start3A_540, %dma_start3A_541] : memref<64x32xf32, #tpu.memory_space<vmem>> -> memref<1x32xf32, #tpu.memory_space<vmem>>
      %dma_start3A_543 = arith.constant 0 : i32
      %dma_start3A_544 = tpu.memref_slice %arg7[%squeeze3A_504, %dma_start3A_543] : memref<1000000x32xf32, #tpu.memory_space<hbm>> -> memref<1x32xf32, #tpu.memory_space<hbm>>
      tpu.enqueue_dma source(%dma_start3A_544 : memref<1x32xf32, #tpu.memory_space<hbm>>) target(%dma_start3A_542 : memref<1x32xf32, #tpu.memory_space<vmem>>) target_semaphore(%arg18 : memref<!tpu.dma_semaphore, #tpu.memory_space<semaphore_mem>>)
      %slice3A_545 = vector.extract_strided_slice %get3A_14 {offsets = [12], sizes = [1], strides = [1]} : vector<16xi32> to vector<1xi32>
      %squeeze3A_546 = vector.extract %slice3A_545[0] : i32 from vector<1xi32>
      %slice3A_547 = vector.extract_strided_slice %get3A_19 {offsets = [12], sizes = [1], strides = [1]} : vector<16xi32> to vector<1xi32>
      %squeeze3A_548 = vector.extract %slice3A_547[0] : i32 from vector<1xi32>
      %dma_start3A_549 = arith.constant 12 : i32
      %dma_start3A_550 = arith.constant 0 : i32
      %dma_start3A_551 = tpu.memref_slice %arg14[%dma_start3A_549, %dma_start3A_550] : memref<64x32xf32, #tpu.memory_space<vmem>> -> memref<1x32xf32, #tpu.memory_space<vmem>>
      %dma_start3A_552 = arith.constant 0 : i32
      %dma_start3A_553 = tpu.memref_slice %arg4[%squeeze3A_546, %dma_start3A_552] : memref<1000000x32xf32, #tpu.memory_space<hbm>> -> memref<1x32xf32, #tpu.memory_space<hbm>>
      %dma_start3A_554 = arith.constant 12 : i32
      %dma_start3A_555 = arith.constant 0 : i32
      %dma_start3A_556 = tpu.memref_slice %arg14[%dma_start3A_554, %dma_start3A_555] : memref<64x32xf32, #tpu.memory_space<vmem>> -> memref<1x32xf32, #tpu.memory_space<vmem>>
      %dma_start3A_557 = arith.constant 0 : i32
      %dma_start3A_558 = tpu.memref_slice %arg4[%squeeze3A_546, %dma_start3A_557] : memref<1000000x32xf32, #tpu.memory_space<hbm>> -> memref<1x32xf32, #tpu.memory_space<hbm>>
      tpu.enqueue_dma source(%dma_start3A_558 : memref<1x32xf32, #tpu.memory_space<hbm>>) target(%dma_start3A_556 : memref<1x32xf32, #tpu.memory_space<vmem>>) target_semaphore(%arg18 : memref<!tpu.dma_semaphore, #tpu.memory_space<semaphore_mem>>)
      %dma_start3A_559 = arith.constant 12 : i32
      %dma_start3A_560 = arith.constant 0 : i32
      %dma_start3A_561 = tpu.memref_slice %arg15[%dma_start3A_559, %dma_start3A_560] : memref<64x32xf32, #tpu.memory_space<vmem>> -> memref<1x32xf32, #tpu.memory_space<vmem>>
      %dma_start3A_562 = arith.constant 0 : i32
      %dma_start3A_563 = tpu.memref_slice %arg5[%squeeze3A_548, %dma_start3A_562] : memref<1000000x32xf32, #tpu.memory_space<hbm>> -> memref<1x32xf32, #tpu.memory_space<hbm>>
      %dma_start3A_564 = arith.constant 12 : i32
      %dma_start3A_565 = arith.constant 0 : i32
      %dma_start3A_566 = tpu.memref_slice %arg15[%dma_start3A_564, %dma_start3A_565] : memref<64x32xf32, #tpu.memory_space<vmem>> -> memref<1x32xf32, #tpu.memory_space<vmem>>
      %dma_start3A_567 = arith.constant 0 : i32
      %dma_start3A_568 = tpu.memref_slice %arg5[%squeeze3A_548, %dma_start3A_567] : memref<1000000x32xf32, #tpu.memory_space<hbm>> -> memref<1x32xf32, #tpu.memory_space<hbm>>
      tpu.enqueue_dma source(%dma_start3A_568 : memref<1x32xf32, #tpu.memory_space<hbm>>) target(%dma_start3A_566 : memref<1x32xf32, #tpu.memory_space<vmem>>) target_semaphore(%arg18 : memref<!tpu.dma_semaphore, #tpu.memory_space<semaphore_mem>>)
      %dma_start3A_569 = arith.constant 12 : i32
      %dma_start3A_570 = arith.constant 0 : i32
      %dma_start3A_571 = tpu.memref_slice %arg16[%dma_start3A_569, %dma_start3A_570] : memref<64x32xf32, #tpu.memory_space<vmem>> -> memref<1x32xf32, #tpu.memory_space<vmem>>
      %dma_start3A_572 = arith.constant 0 : i32
      %dma_start3A_573 = tpu.memref_slice %arg6[%squeeze3A_546, %dma_start3A_572] : memref<1000000x32xf32, #tpu.memory_space<hbm>> -> memref<1x32xf32, #tpu.memory_space<hbm>>
      %dma_start3A_574 = arith.constant 12 : i32
      %dma_start3A_575 = arith.constant 0 : i32
      %dma_start3A_576 = tpu.memref_slice %arg16[%dma_start3A_574, %dma_start3A_575] : memref<64x32xf32, #tpu.memory_space<vmem>> -> memref<1x32xf32, #tpu.memory_space<vmem>>
      %dma_start3A_577 = arith.constant 0 : i32
      %dma_start3A_578 = tpu.memref_slice %arg6[%squeeze3A_546, %dma_start3A_577] : memref<1000000x32xf32, #tpu.memory_space<hbm>> -> memref<1x32xf32, #tpu.memory_space<hbm>>
      tpu.enqueue_dma source(%dma_start3A_578 : memref<1x32xf32, #tpu.memory_space<hbm>>) target(%dma_start3A_576 : memref<1x32xf32, #tpu.memory_space<vmem>>) target_semaphore(%arg18 : memref<!tpu.dma_semaphore, #tpu.memory_space<semaphore_mem>>)
      %dma_start3A_579 = arith.constant 12 : i32
      %dma_start3A_580 = arith.constant 0 : i32
      %dma_start3A_581 = tpu.memref_slice %arg17[%dma_start3A_579, %dma_start3A_580] : memref<64x32xf32, #tpu.memory_space<vmem>> -> memref<1x32xf32, #tpu.memory_space<vmem>>
      %dma_start3A_582 = arith.constant 0 : i32
      %dma_start3A_583 = tpu.memref_slice %arg7[%squeeze3A_548, %dma_start3A_582] : memref<1000000x32xf32, #tpu.memory_space<hbm>> -> memref<1x32xf32, #tpu.memory_space<hbm>>
      %dma_start3A_584 = arith.constant 12 : i32
      %dma_start3A_585 = arith.constant 0 : i32
      %dma_start3A_586 = tpu.memref_slice %arg17[%dma_start3A_584, %dma_start3A_585] : memref<64x32xf32, #tpu.memory_space<vmem>> -> memref<1x32xf32, #tpu.memory_space<vmem>>
      %dma_start3A_587 = arith.constant 0 : i32
      %dma_start3A_588 = tpu.memref_slice %arg7[%squeeze3A_548, %dma_start3A_587] : memref<1000000x32xf32, #tpu.memory_space<hbm>> -> memref<1x32xf32, #tpu.memory_space<hbm>>
      tpu.enqueue_dma source(%dma_start3A_588 : memref<1x32xf32, #tpu.memory_space<hbm>>) target(%dma_start3A_586 : memref<1x32xf32, #tpu.memory_space<vmem>>) target_semaphore(%arg18 : memref<!tpu.dma_semaphore, #tpu.memory_space<semaphore_mem>>)
      %slice3A_589 = vector.extract_strided_slice %get3A_14 {offsets = [13], sizes = [1], strides = [1]} : vector<16xi32> to vector<1xi32>
      %squeeze3A_590 = vector.extract %slice3A_589[0] : i32 from vector<1xi32>
      %slice3A_591 = vector.extract_strided_slice %get3A_19 {offsets = [13], sizes = [1], strides = [1]} : vector<16xi32> to vector<1xi32>
      %squeeze3A_592 = vector.extract %slice3A_591[0] : i32 from vector<1xi32>
      %dma_start3A_593 = arith.constant 13 : i32
      %dma_start3A_594 = arith.constant 0 : i32
      %dma_start3A_595 = tpu.memref_slice %arg14[%dma_start3A_593, %dma_start3A_594] : memref<64x32xf32, #tpu.memory_space<vmem>> -> memref<1x32xf32, #tpu.memory_space<vmem>>
      %dma_start3A_596 = arith.constant 0 : i32
      %dma_start3A_597 = tpu.memref_slice %arg4[%squeeze3A_590, %dma_start3A_596] : memref<1000000x32xf32, #tpu.memory_space<hbm>> -> memref<1x32xf32, #tpu.memory_space<hbm>>
      %dma_start3A_598 = arith.constant 13 : i32
      %dma_start3A_599 = arith.constant 0 : i32
      %dma_start3A_600 = tpu.memref_slice %arg14[%dma_start3A_598, %dma_start3A_599] : memref<64x32xf32, #tpu.memory_space<vmem>> -> memref<1x32xf32, #tpu.memory_space<vmem>>
      %dma_start3A_601 = arith.constant 0 : i32
      %dma_start3A_602 = tpu.memref_slice %arg4[%squeeze3A_590, %dma_start3A_601] : memref<1000000x32xf32, #tpu.memory_space<hbm>> -> memref<1x32xf32, #tpu.memory_space<hbm>>
      tpu.enqueue_dma source(%dma_start3A_602 : memref<1x32xf32, #tpu.memory_space<hbm>>) target(%dma_start3A_600 : memref<1x32xf32, #tpu.memory_space<vmem>>) target_semaphore(%arg18 : memref<!tpu.dma_semaphore, #tpu.memory_space<semaphore_mem>>)
      %dma_start3A_603 = arith.constant 13 : i32
      %dma_start3A_604 = arith.constant 0 : i32
      %dma_start3A_605 = tpu.memref_slice %arg15[%dma_start3A_603, %dma_start3A_604] : memref<64x32xf32, #tpu.memory_space<vmem>> -> memref<1x32xf32, #tpu.memory_space<vmem>>
      %dma_start3A_606 = arith.constant 0 : i32
      %dma_start3A_607 = tpu.memref_slice %arg5[%squeeze3A_592, %dma_start3A_606] : memref<1000000x32xf32, #tpu.memory_space<hbm>> -> memref<1x32xf32, #tpu.memory_space<hbm>>
      %dma_start3A_608 = arith.constant 13 : i32
      %dma_start3A_609 = arith.constant 0 : i32
      %dma_start3A_610 = tpu.memref_slice %arg15[%dma_start3A_608, %dma_start3A_609] : memref<64x32xf32, #tpu.memory_space<vmem>> -> memref<1x32xf32, #tpu.memory_space<vmem>>
      %dma_start3A_611 = arith.constant 0 : i32
      %dma_start3A_612 = tpu.memref_slice %arg5[%squeeze3A_592, %dma_start3A_611] : memref<1000000x32xf32, #tpu.memory_space<hbm>> -> memref<1x32xf32, #tpu.memory_space<hbm>>
      tpu.enqueue_dma source(%dma_start3A_612 : memref<1x32xf32, #tpu.memory_space<hbm>>) target(%dma_start3A_610 : memref<1x32xf32, #tpu.memory_space<vmem>>) target_semaphore(%arg18 : memref<!tpu.dma_semaphore, #tpu.memory_space<semaphore_mem>>)
      %dma_start3A_613 = arith.constant 13 : i32
      %dma_start3A_614 = arith.constant 0 : i32
      %dma_start3A_615 = tpu.memref_slice %arg16[%dma_start3A_613, %dma_start3A_614] : memref<64x32xf32, #tpu.memory_space<vmem>> -> memref<1x32xf32, #tpu.memory_space<vmem>>
      %dma_start3A_616 = arith.constant 0 : i32
      %dma_start3A_617 = tpu.memref_slice %arg6[%squeeze3A_590, %dma_start3A_616] : memref<1000000x32xf32, #tpu.memory_space<hbm>> -> memref<1x32xf32, #tpu.memory_space<hbm>>
      %dma_start3A_618 = arith.constant 13 : i32
      %dma_start3A_619 = arith.constant 0 : i32
      %dma_start3A_620 = tpu.memref_slice %arg16[%dma_start3A_618, %dma_start3A_619] : memref<64x32xf32, #tpu.memory_space<vmem>> -> memref<1x32xf32, #tpu.memory_space<vmem>>
      %dma_start3A_621 = arith.constant 0 : i32
      %dma_start3A_622 = tpu.memref_slice %arg6[%squeeze3A_590, %dma_start3A_621] : memref<1000000x32xf32, #tpu.memory_space<hbm>> -> memref<1x32xf32, #tpu.memory_space<hbm>>
      tpu.enqueue_dma source(%dma_start3A_622 : memref<1x32xf32, #tpu.memory_space<hbm>>) target(%dma_start3A_620 : memref<1x32xf32, #tpu.memory_space<vmem>>) target_semaphore(%arg18 : memref<!tpu.dma_semaphore, #tpu.memory_space<semaphore_mem>>)
      %dma_start3A_623 = arith.constant 13 : i32
      %dma_start3A_624 = arith.constant 0 : i32
      %dma_start3A_625 = tpu.memref_slice %arg17[%dma_start3A_623, %dma_start3A_624] : memref<64x32xf32, #tpu.memory_space<vmem>> -> memref<1x32xf32, #tpu.memory_space<vmem>>
      %dma_start3A_626 = arith.constant 0 : i32
      %dma_start3A_627 = tpu.memref_slice %arg7[%squeeze3A_592, %dma_start3A_626] : memref<1000000x32xf32, #tpu.memory_space<hbm>> -> memref<1x32xf32, #tpu.memory_space<hbm>>
      %dma_start3A_628 = arith.constant 13 : i32
      %dma_start3A_629 = arith.constant 0 : i32
      %dma_start3A_630 = tpu.memref_slice %arg17[%dma_start3A_628, %dma_start3A_629] : memref<64x32xf32, #tpu.memory_space<vmem>> -> memref<1x32xf32, #tpu.memory_space<vmem>>
      %dma_start3A_631 = arith.constant 0 : i32
      %dma_start3A_632 = tpu.memref_slice %arg7[%squeeze3A_592, %dma_start3A_631] : memref<1000000x32xf32, #tpu.memory_space<hbm>> -> memref<1x32xf32, #tpu.memory_space<hbm>>
      tpu.enqueue_dma source(%dma_start3A_632 : memref<1x32xf32, #tpu.memory_space<hbm>>) target(%dma_start3A_630 : memref<1x32xf32, #tpu.memory_space<vmem>>) target_semaphore(%arg18 : memref<!tpu.dma_semaphore, #tpu.memory_space<semaphore_mem>>)
      %slice3A_633 = vector.extract_strided_slice %get3A_14 {offsets = [14], sizes = [1], strides = [1]} : vector<16xi32> to vector<1xi32>
      %squeeze3A_634 = vector.extract %slice3A_633[0] : i32 from vector<1xi32>
      %slice3A_635 = vector.extract_strided_slice %get3A_19 {offsets = [14], sizes = [1], strides = [1]} : vector<16xi32> to vector<1xi32>
      %squeeze3A_636 = vector.extract %slice3A_635[0] : i32 from vector<1xi32>
      %dma_start3A_637 = arith.constant 14 : i32
      %dma_start3A_638 = arith.constant 0 : i32
      %dma_start3A_639 = tpu.memref_slice %arg14[%dma_start3A_637, %dma_start3A_638] : memref<64x32xf32, #tpu.memory_space<vmem>> -> memref<1x32xf32, #tpu.memory_space<vmem>>
      %dma_start3A_640 = arith.constant 0 : i32
      %dma_start3A_641 = tpu.memref_slice %arg4[%squeeze3A_634, %dma_start3A_640] : memref<1000000x32xf32, #tpu.memory_space<hbm>> -> memref<1x32xf32, #tpu.memory_space<hbm>>
      %dma_start3A_642 = arith.constant 14 : i32
      %dma_start3A_643 = arith.constant 0 : i32
      %dma_start3A_644 = tpu.memref_slice %arg14[%dma_start3A_642, %dma_start3A_643] : memref<64x32xf32, #tpu.memory_space<vmem>> -> memref<1x32xf32, #tpu.memory_space<vmem>>
      %dma_start3A_645 = arith.constant 0 : i32
      %dma_start3A_646 = tpu.memref_slice %arg4[%squeeze3A_634, %dma_start3A_645] : memref<1000000x32xf32, #tpu.memory_space<hbm>> -> memref<1x32xf32, #tpu.memory_space<hbm>>
      tpu.enqueue_dma source(%dma_start3A_646 : memref<1x32xf32, #tpu.memory_space<hbm>>) target(%dma_start3A_644 : memref<1x32xf32, #tpu.memory_space<vmem>>) target_semaphore(%arg18 : memref<!tpu.dma_semaphore, #tpu.memory_space<semaphore_mem>>)
      %dma_start3A_647 = arith.constant 14 : i32
      %dma_start3A_648 = arith.constant 0 : i32
      %dma_start3A_649 = tpu.memref_slice %arg15[%dma_start3A_647, %dma_start3A_648] : memref<64x32xf32, #tpu.memory_space<vmem>> -> memref<1x32xf32, #tpu.memory_space<vmem>>
      %dma_start3A_650 = arith.constant 0 : i32
      %dma_start3A_651 = tpu.memref_slice %arg5[%squeeze3A_636, %dma_start3A_650] : memref<1000000x32xf32, #tpu.memory_space<hbm>> -> memref<1x32xf32, #tpu.memory_space<hbm>>
      %dma_start3A_652 = arith.constant 14 : i32
      %dma_start3A_653 = arith.constant 0 : i32
      %dma_start3A_654 = tpu.memref_slice %arg15[%dma_start3A_652, %dma_start3A_653] : memref<64x32xf32, #tpu.memory_space<vmem>> -> memref<1x32xf32, #tpu.memory_space<vmem>>
      %dma_start3A_655 = arith.constant 0 : i32
      %dma_start3A_656 = tpu.memref_slice %arg5[%squeeze3A_636, %dma_start3A_655] : memref<1000000x32xf32, #tpu.memory_space<hbm>> -> memref<1x32xf32, #tpu.memory_space<hbm>>
      tpu.enqueue_dma source(%dma_start3A_656 : memref<1x32xf32, #tpu.memory_space<hbm>>) target(%dma_start3A_654 : memref<1x32xf32, #tpu.memory_space<vmem>>) target_semaphore(%arg18 : memref<!tpu.dma_semaphore, #tpu.memory_space<semaphore_mem>>)
      %dma_start3A_657 = arith.constant 14 : i32
      %dma_start3A_658 = arith.constant 0 : i32
      %dma_start3A_659 = tpu.memref_slice %arg16[%dma_start3A_657, %dma_start3A_658] : memref<64x32xf32, #tpu.memory_space<vmem>> -> memref<1x32xf32, #tpu.memory_space<vmem>>
      %dma_start3A_660 = arith.constant 0 : i32
      %dma_start3A_661 = tpu.memref_slice %arg6[%squeeze3A_634, %dma_start3A_660] : memref<1000000x32xf32, #tpu.memory_space<hbm>> -> memref<1x32xf32, #tpu.memory_space<hbm>>
      %dma_start3A_662 = arith.constant 14 : i32
      %dma_start3A_663 = arith.constant 0 : i32
      %dma_start3A_664 = tpu.memref_slice %arg16[%dma_start3A_662, %dma_start3A_663] : memref<64x32xf32, #tpu.memory_space<vmem>> -> memref<1x32xf32, #tpu.memory_space<vmem>>
      %dma_start3A_665 = arith.constant 0 : i32
      %dma_start3A_666 = tpu.memref_slice %arg6[%squeeze3A_634, %dma_start3A_665] : memref<1000000x32xf32, #tpu.memory_space<hbm>> -> memref<1x32xf32, #tpu.memory_space<hbm>>
      tpu.enqueue_dma source(%dma_start3A_666 : memref<1x32xf32, #tpu.memory_space<hbm>>) target(%dma_start3A_664 : memref<1x32xf32, #tpu.memory_space<vmem>>) target_semaphore(%arg18 : memref<!tpu.dma_semaphore, #tpu.memory_space<semaphore_mem>>)
      %dma_start3A_667 = arith.constant 14 : i32
      %dma_start3A_668 = arith.constant 0 : i32
      %dma_start3A_669 = tpu.memref_slice %arg17[%dma_start3A_667, %dma_start3A_668] : memref<64x32xf32, #tpu.memory_space<vmem>> -> memref<1x32xf32, #tpu.memory_space<vmem>>
      %dma_start3A_670 = arith.constant 0 : i32
      %dma_start3A_671 = tpu.memref_slice %arg7[%squeeze3A_636, %dma_start3A_670] : memref<1000000x32xf32, #tpu.memory_space<hbm>> -> memref<1x32xf32, #tpu.memory_space<hbm>>
      %dma_start3A_672 = arith.constant 14 : i32
      %dma_start3A_673 = arith.constant 0 : i32
      %dma_start3A_674 = tpu.memref_slice %arg17[%dma_start3A_672, %dma_start3A_673] : memref<64x32xf32, #tpu.memory_space<vmem>> -> memref<1x32xf32, #tpu.memory_space<vmem>>
      %dma_start3A_675 = arith.constant 0 : i32
      %dma_start3A_676 = tpu.memref_slice %arg7[%squeeze3A_636, %dma_start3A_675] : memref<1000000x32xf32, #tpu.memory_space<hbm>> -> memref<1x32xf32, #tpu.memory_space<hbm>>
      tpu.enqueue_dma source(%dma_start3A_676 : memref<1x32xf32, #tpu.memory_space<hbm>>) target(%dma_start3A_674 : memref<1x32xf32, #tpu.memory_space<vmem>>) target_semaphore(%arg18 : memref<!tpu.dma_semaphore, #tpu.memory_space<semaphore_mem>>)
      %slice3A_677 = vector.extract_strided_slice %get3A_14 {offsets = [15], sizes = [1], strides = [1]} : vector<16xi32> to vector<1xi32>
      %squeeze3A_678 = vector.extract %slice3A_677[0] : i32 from vector<1xi32>
      %slice3A_679 = vector.extract_strided_slice %get3A_19 {offsets = [15], sizes = [1], strides = [1]} : vector<16xi32> to vector<1xi32>
      %squeeze3A_680 = vector.extract %slice3A_679[0] : i32 from vector<1xi32>
      %dma_start3A_681 = arith.constant 15 : i32
      %dma_start3A_682 = arith.constant 0 : i32
      %dma_start3A_683 = tpu.memref_slice %arg14[%dma_start3A_681, %dma_start3A_682] : memref<64x32xf32, #tpu.memory_space<vmem>> -> memref<1x32xf32, #tpu.memory_space<vmem>>
      %dma_start3A_684 = arith.constant 0 : i32
      %dma_start3A_685 = tpu.memref_slice %arg4[%squeeze3A_678, %dma_start3A_684] : memref<1000000x32xf32, #tpu.memory_space<hbm>> -> memref<1x32xf32, #tpu.memory_space<hbm>>
      %dma_start3A_686 = arith.constant 15 : i32
      %dma_start3A_687 = arith.constant 0 : i32
      %dma_start3A_688 = tpu.memref_slice %arg14[%dma_start3A_686, %dma_start3A_687] : memref<64x32xf32, #tpu.memory_space<vmem>> -> memref<1x32xf32, #tpu.memory_space<vmem>>
      %dma_start3A_689 = arith.constant 0 : i32
      %dma_start3A_690 = tpu.memref_slice %arg4[%squeeze3A_678, %dma_start3A_689] : memref<1000000x32xf32, #tpu.memory_space<hbm>> -> memref<1x32xf32, #tpu.memory_space<hbm>>
      tpu.enqueue_dma source(%dma_start3A_690 : memref<1x32xf32, #tpu.memory_space<hbm>>) target(%dma_start3A_688 : memref<1x32xf32, #tpu.memory_space<vmem>>) target_semaphore(%arg18 : memref<!tpu.dma_semaphore, #tpu.memory_space<semaphore_mem>>)
      %dma_start3A_691 = arith.constant 15 : i32
      %dma_start3A_692 = arith.constant 0 : i32
      %dma_start3A_693 = tpu.memref_slice %arg15[%dma_start3A_691, %dma_start3A_692] : memref<64x32xf32, #tpu.memory_space<vmem>> -> memref<1x32xf32, #tpu.memory_space<vmem>>
      %dma_start3A_694 = arith.constant 0 : i32
      %dma_start3A_695 = tpu.memref_slice %arg5[%squeeze3A_680, %dma_start3A_694] : memref<1000000x32xf32, #tpu.memory_space<hbm>> -> memref<1x32xf32, #tpu.memory_space<hbm>>
      %dma_start3A_696 = arith.constant 15 : i32
      %dma_start3A_697 = arith.constant 0 : i32
      %dma_start3A_698 = tpu.memref_slice %arg15[%dma_start3A_696, %dma_start3A_697] : memref<64x32xf32, #tpu.memory_space<vmem>> -> memref<1x32xf32, #tpu.memory_space<vmem>>
      %dma_start3A_699 = arith.constant 0 : i32
      %dma_start3A_700 = tpu.memref_slice %arg5[%squeeze3A_680, %dma_start3A_699] : memref<1000000x32xf32, #tpu.memory_space<hbm>> -> memref<1x32xf32, #tpu.memory_space<hbm>>
      tpu.enqueue_dma source(%dma_start3A_700 : memref<1x32xf32, #tpu.memory_space<hbm>>) target(%dma_start3A_698 : memref<1x32xf32, #tpu.memory_space<vmem>>) target_semaphore(%arg18 : memref<!tpu.dma_semaphore, #tpu.memory_space<semaphore_mem>>)
      %dma_start3A_701 = arith.constant 15 : i32
      %dma_start3A_702 = arith.constant 0 : i32
      %dma_start3A_703 = tpu.memref_slice %arg16[%dma_start3A_701, %dma_start3A_702] : memref<64x32xf32, #tpu.memory_space<vmem>> -> memref<1x32xf32, #tpu.memory_space<vmem>>
      %dma_start3A_704 = arith.constant 0 : i32
      %dma_start3A_705 = tpu.memref_slice %arg6[%squeeze3A_678, %dma_start3A_704] : memref<1000000x32xf32, #tpu.memory_space<hbm>> -> memref<1x32xf32, #tpu.memory_space<hbm>>
      %dma_start3A_706 = arith.constant 15 : i32
      %dma_start3A_707 = arith.constant 0 : i32
      %dma_start3A_708 = tpu.memref_slice %arg16[%dma_start3A_706, %dma_start3A_707] : memref<64x32xf32, #tpu.memory_space<vmem>> -> memref<1x32xf32, #tpu.memory_space<vmem>>
      %dma_start3A_709 = arith.constant 0 : i32
      %dma_start3A_710 = tpu.memref_slice %arg6[%squeeze3A_678, %dma_start3A_709] : memref<1000000x32xf32, #tpu.memory_space<hbm>> -> memref<1x32xf32, #tpu.memory_space<hbm>>
      tpu.enqueue_dma source(%dma_start3A_710 : memref<1x32xf32, #tpu.memory_space<hbm>>) target(%dma_start3A_708 : memref<1x32xf32, #tpu.memory_space<vmem>>) target_semaphore(%arg18 : memref<!tpu.dma_semaphore, #tpu.memory_space<semaphore_mem>>)
      %dma_start3A_711 = arith.constant 15 : i32
      %dma_start3A_712 = arith.constant 0 : i32
      %dma_start3A_713 = tpu.memref_slice %arg17[%dma_start3A_711, %dma_start3A_712] : memref<64x32xf32, #tpu.memory_space<vmem>> -> memref<1x32xf32, #tpu.memory_space<vmem>>
      %dma_start3A_714 = arith.constant 0 : i32
      %dma_start3A_715 = tpu.memref_slice %arg7[%squeeze3A_680, %dma_start3A_714] : memref<1000000x32xf32, #tpu.memory_space<hbm>> -> memref<1x32xf32, #tpu.memory_space<hbm>>
      %dma_start3A_716 = arith.constant 15 : i32
      %dma_start3A_717 = arith.constant 0 : i32
      %dma_start3A_718 = tpu.memref_slice %arg17[%dma_start3A_716, %dma_start3A_717] : memref<64x32xf32, #tpu.memory_space<vmem>> -> memref<1x32xf32, #tpu.memory_space<vmem>>
      %dma_start3A_719 = arith.constant 0 : i32
      %dma_start3A_720 = tpu.memref_slice %arg7[%squeeze3A_680, %dma_start3A_719] : memref<1000000x32xf32, #tpu.memory_space<hbm>> -> memref<1x32xf32, #tpu.memory_space<hbm>>
      tpu.enqueue_dma source(%dma_start3A_720 : memref<1x32xf32, #tpu.memory_space<hbm>>) target(%dma_start3A_718 : memref<1x32xf32, #tpu.memory_space<vmem>>) target_semaphore(%arg18 : memref<!tpu.dma_semaphore, #tpu.memory_space<semaphore_mem>>)
      %add3A_721 = arith.constant 16 : i32
      %add3A_722 = arith.addi %mul3A_10, %add3A_721 : i32
      %get3A_723 = arith.index_cast %add3A_722 : i32 to index
      %get3A_724 = tpu.vector_load %arg12[%get3A_723] {strides = array<i32>} : memref<512xi32, #tpu.memory_space<vmem>>, vector<16xi32>,
      %get3A_725 = vector.shape_cast %get3A_724 : vector<16xi32> to vector<16xi32>
      %add3A_726 = arith.constant 16 : i32
      %add3A_727 = arith.addi %mul3A_10, %add3A_726 : i32
      %get3A_728 = arith.index_cast %add3A_727 : i32 to index
      %get3A_729 = tpu.vector_load %arg13[%get3A_728] {strides = array<i32>} : memref<512xi32, #tpu.memory_space<vmem>>, vector<16xi32>,
      %get3A_730 = vector.shape_cast %get3A_729 : vector<16xi32> to vector<16xi32>
      %slice3A_731 = vector.extract_strided_slice %get3A_725 {offsets = [0], sizes = [1], strides = [1]} : vector<16xi32> to vector<1xi32>
      %squeeze3A_732 = vector.extract %slice3A_731[0] : i32 from vector<1xi32>
      %slice3A_733 = vector.extract_strided_slice %get3A_730 {offsets = [0], sizes = [1], strides = [1]} : vector<16xi32> to vector<1xi32>
      %squeeze3A_734 = vector.extract %slice3A_733[0] : i32 from vector<1xi32>
      %dma_start3A_735 = arith.constant 16 : i32
      %dma_start3A_736 = arith.constant 0 : i32
      %dma_start3A_737 = tpu.memref_slice %arg14[%dma_start3A_735, %dma_start3A_736] : memref<64x32xf32, #tpu.memory_space<vmem>> -> memref<1x32xf32, #tpu.memory_space<vmem>>
      %dma_start3A_738 = arith.constant 0 : i32
      %dma_start3A_739 = tpu.memref_slice %arg4[%squeeze3A_732, %dma_start3A_738] : memref<1000000x32xf32, #tpu.memory_space<hbm>> -> memref<1x32xf32, #tpu.memory_space<hbm>>
      %dma_start3A_740 = arith.constant 16 : i32
      %dma_start3A_741 = arith.constant 0 : i32
      %dma_start3A_742 = tpu.memref_slice %arg14[%dma_start3A_740, %dma_start3A_741] : memref<64x32xf32, #tpu.memory_space<vmem>> -> memref<1x32xf32, #tpu.memory_space<vmem>>
      %dma_start3A_743 = arith.constant 0 : i32
      %dma_start3A_744 = tpu.memref_slice %arg4[%squeeze3A_732, %dma_start3A_743] : memref<1000000x32xf32, #tpu.memory_space<hbm>> -> memref<1x32xf32, #tpu.memory_space<hbm>>
      tpu.enqueue_dma source(%dma_start3A_744 : memref<1x32xf32, #tpu.memory_space<hbm>>) target(%dma_start3A_742 : memref<1x32xf32, #tpu.memory_space<vmem>>) target_semaphore(%arg18 : memref<!tpu.dma_semaphore, #tpu.memory_space<semaphore_mem>>)
      %dma_start3A_745 = arith.constant 16 : i32
      %dma_start3A_746 = arith.constant 0 : i32
      %dma_start3A_747 = tpu.memref_slice %arg15[%dma_start3A_745, %dma_start3A_746] : memref<64x32xf32, #tpu.memory_space<vmem>> -> memref<1x32xf32, #tpu.memory_space<vmem>>
      %dma_start3A_748 = arith.constant 0 : i32
      %dma_start3A_749 = tpu.memref_slice %arg5[%squeeze3A_734, %dma_start3A_748] : memref<1000000x32xf32, #tpu.memory_space<hbm>> -> memref<1x32xf32, #tpu.memory_space<hbm>>
      %dma_start3A_750 = arith.constant 16 : i32
      %dma_start3A_751 = arith.constant 0 : i32
      %dma_start3A_752 = tpu.memref_slice %arg15[%dma_start3A_750, %dma_start3A_751] : memref<64x32xf32, #tpu.memory_space<vmem>> -> memref<1x32xf32, #tpu.memory_space<vmem>>
      %dma_start3A_753 = arith.constant 0 : i32
      %dma_start3A_754 = tpu.memref_slice %arg5[%squeeze3A_734, %dma_start3A_753] : memref<1000000x32xf32, #tpu.memory_space<hbm>> -> memref<1x32xf32, #tpu.memory_space<hbm>>
      tpu.enqueue_dma source(%dma_start3A_754 : memref<1x32xf32, #tpu.memory_space<hbm>>) target(%dma_start3A_752 : memref<1x32xf32, #tpu.memory_space<vmem>>) target_semaphore(%arg18 : memref<!tpu.dma_semaphore, #tpu.memory_space<semaphore_mem>>)
      %dma_start3A_755 = arith.constant 16 : i32
      %dma_start3A_756 = arith.constant 0 : i32
      %dma_start3A_757 = tpu.memref_slice %arg16[%dma_start3A_755, %dma_start3A_756] : memref<64x32xf32, #tpu.memory_space<vmem>> -> memref<1x32xf32, #tpu.memory_space<vmem>>
      %dma_start3A_758 = arith.constant 0 : i32
      %dma_start3A_759 = tpu.memref_slice %arg6[%squeeze3A_732, %dma_start3A_758] : memref<1000000x32xf32, #tpu.memory_space<hbm>> -> memref<1x32xf32, #tpu.memory_space<hbm>>
      %dma_start3A_760 = arith.constant 16 : i32
      %dma_start3A_761 = arith.constant 0 : i32
      %dma_start3A_762 = tpu.memref_slice %arg16[%dma_start3A_760, %dma_start3A_761] : memref<64x32xf32, #tpu.memory_space<vmem>> -> memref<1x32xf32, #tpu.memory_space<vmem>>
      %dma_start3A_763 = arith.constant 0 : i32
      %dma_start3A_764 = tpu.memref_slice %arg6[%squeeze3A_732, %dma_start3A_763] : memref<1000000x32xf32, #tpu.memory_space<hbm>> -> memref<1x32xf32, #tpu.memory_space<hbm>>
      tpu.enqueue_dma source(%dma_start3A_764 : memref<1x32xf32, #tpu.memory_space<hbm>>) target(%dma_start3A_762 : memref<1x32xf32, #tpu.memory_space<vmem>>) target_semaphore(%arg18 : memref<!tpu.dma_semaphore, #tpu.memory_space<semaphore_mem>>)
      %dma_start3A_765 = arith.constant 16 : i32
      %dma_start3A_766 = arith.constant 0 : i32
      %dma_start3A_767 = tpu.memref_slice %arg17[%dma_start3A_765, %dma_start3A_766] : memref<64x32xf32, #tpu.memory_space<vmem>> -> memref<1x32xf32, #tpu.memory_space<vmem>>
      %dma_start3A_768 = arith.constant 0 : i32
      %dma_start3A_769 = tpu.memref_slice %arg7[%squeeze3A_734, %dma_start3A_768] : memref<1000000x32xf32, #tpu.memory_space<hbm>> -> memref<1x32xf32, #tpu.memory_space<hbm>>
      %dma_start3A_770 = arith.constant 16 : i32
      %dma_start3A_771 = arith.constant 0 : i32
      %dma_start3A_772 = tpu.memref_slice %arg17[%dma_start3A_770, %dma_start3A_771] : memref<64x32xf32, #tpu.memory_space<vmem>> -> memref<1x32xf32, #tpu.memory_space<vmem>>
      %dma_start3A_773 = arith.constant 0 : i32
      %dma_start3A_774 = tpu.memref_slice %arg7[%squeeze3A_734, %dma_start3A_773] : memref<1000000x32xf32, #tpu.memory_space<hbm>> -> memref<1x32xf32, #tpu.memory_space<hbm>>
      tpu.enqueue_dma source(%dma_start3A_774 : memref<1x32xf32, #tpu.memory_space<hbm>>) target(%dma_start3A_772 : memref<1x32xf32, #tpu.memory_space<vmem>>) target_semaphore(%arg18 : memref<!tpu.dma_semaphore, #tpu.memory_space<semaphore_mem>>)
      %slice3A_775 = vector.extract_strided_slice %get3A_725 {offsets = [1], sizes = [1], strides = [1]} : vector<16xi32> to vector<1xi32>
      %squeeze3A_776 = vector.extract %slice3A_775[0] : i32 from vector<1xi32>
      %slice3A_777 = vector.extract_strided_slice %get3A_730 {offsets = [1], sizes = [1], strides = [1]} : vector<16xi32> to vector<1xi32>
      %squeeze3A_778 = vector.extract %slice3A_777[0] : i32 from vector<1xi32>
      %dma_start3A_779 = arith.constant 17 : i32
      %dma_start3A_780 = arith.constant 0 : i32
      %dma_start3A_781 = tpu.memref_slice %arg14[%dma_start3A_779, %dma_start3A_780] : memref<64x32xf32, #tpu.memory_space<vmem>> -> memref<1x32xf32, #tpu.memory_space<vmem>>
      %dma_start3A_782 = arith.constant 0 : i32
      %dma_start3A_783 = tpu.memref_slice %arg4[%squeeze3A_776, %dma_start3A_782] : memref<1000000x32xf32, #tpu.memory_space<hbm>> -> memref<1x32xf32, #tpu.memory_space<hbm>>
      %dma_start3A_784 = arith.constant 17 : i32
      %dma_start3A_785 = arith.constant 0 : i32
      %dma_start3A_786 = tpu.memref_slice %arg14[%dma_start3A_784, %dma_start3A_785] : memref<64x32xf32, #tpu.memory_space<vmem>> -> memref<1x32xf32, #tpu.memory_space<vmem>>
      %dma_start3A_787 = arith.constant 0 : i32
      %dma_start3A_788 = tpu.memref_slice %arg4[%squeeze3A_776, %dma_start3A_787] : memref<1000000x32xf32, #tpu.memory_space<hbm>> -> memref<1x32xf32, #tpu.memory_space<hbm>>
      tpu.enqueue_dma source(%dma_start3A_788 : memref<1x32xf32, #tpu.memory_space<hbm>>) target(%dma_start3A_786 : memref<1x32xf32, #tpu.memory_space<vmem>>) target_semaphore(%arg18 : memref<!tpu.dma_semaphore, #tpu.memory_space<semaphore_mem>>)
      %dma_start3A_789 = arith.constant 17 : i32
      %dma_start3A_790 = arith.constant 0 : i32
      %dma_start3A_791 = tpu.memref_slice %arg15[%dma_start3A_789, %dma_start3A_790] : memref<64x32xf32, #tpu.memory_space<vmem>> -> memref<1x32xf32, #tpu.memory_space<vmem>>
      %dma_start3A_792 = arith.constant 0 : i32
      %dma_start3A_793 = tpu.memref_slice %arg5[%squeeze3A_778, %dma_start3A_792] : memref<1000000x32xf32, #tpu.memory_space<hbm>> -> memref<1x32xf32, #tpu.memory_space<hbm>>
      %dma_start3A_794 = arith.constant 17 : i32
      %dma_start3A_795 = arith.constant 0 : i32
      %dma_start3A_796 = tpu.memref_slice %arg15[%dma_start3A_794, %dma_start3A_795] : memref<64x32xf32, #tpu.memory_space<vmem>> -> memref<1x32xf32, #tpu.memory_space<vmem>>
      %dma_start3A_797 = arith.constant 0 : i32
      %dma_start3A_798 = tpu.memref_slice %arg5[%squeeze3A_778, %dma_start3A_797] : memref<1000000x32xf32, #tpu.memory_space<hbm>> -> memref<1x32xf32, #tpu.memory_space<hbm>>
      tpu.enqueue_dma source(%dma_start3A_798 : memref<1x32xf32, #tpu.memory_space<hbm>>) target(%dma_start3A_796 : memref<1x32xf32, #tpu.memory_space<vmem>>) target_semaphore(%arg18 : memref<!tpu.dma_semaphore, #tpu.memory_space<semaphore_mem>>)
      %dma_start3A_799 = arith.constant 17 : i32
      %dma_start3A_800 = arith.constant 0 : i32
      %dma_start3A_801 = tpu.memref_slice %arg16[%dma_start3A_799, %dma_start3A_800] : memref<64x32xf32, #tpu.memory_space<vmem>> -> memref<1x32xf32, #tpu.memory_space<vmem>>
      %dma_start3A_802 = arith.constant 0 : i32
      %dma_start3A_803 = tpu.memref_slice %arg6[%squeeze3A_776, %dma_start3A_802] : memref<1000000x32xf32, #tpu.memory_space<hbm>> -> memref<1x32xf32, #tpu.memory_space<hbm>>
      %dma_start3A_804 = arith.constant 17 : i32
      %dma_start3A_805 = arith.constant 0 : i32
      %dma_start3A_806 = tpu.memref_slice %arg16[%dma_start3A_804, %dma_start3A_805] : memref<64x32xf32, #tpu.memory_space<vmem>> -> memref<1x32xf32, #tpu.memory_space<vmem>>
      %dma_start3A_807 = arith.constant 0 : i32
      %dma_start3A_808 = tpu.memref_slice %arg6[%squeeze3A_776, %dma_start3A_807] : memref<1000000x32xf32, #tpu.memory_space<hbm>> -> memref<1x32xf32, #tpu.memory_space<hbm>>
      tpu.enqueue_dma source(%dma_start3A_808 : memref<1x32xf32, #tpu.memory_space<hbm>>) target(%dma_start3A_806 : memref<1x32xf32, #tpu.memory_space<vmem>>) target_semaphore(%arg18 : memref<!tpu.dma_semaphore, #tpu.memory_space<semaphore_mem>>)
      %dma_start3A_809 = arith.constant 17 : i32
      %dma_start3A_810 = arith.constant 0 : i32
      %dma_start3A_811 = tpu.memref_slice %arg17[%dma_start3A_809, %dma_start3A_810] : memref<64x32xf32, #tpu.memory_space<vmem>> -> memref<1x32xf32, #tpu.memory_space<vmem>>
      %dma_start3A_812 = arith.constant 0 : i32
      %dma_start3A_813 = tpu.memref_slice %arg7[%squeeze3A_778, %dma_start3A_812] : memref<1000000x32xf32, #tpu.memory_space<hbm>> -> memref<1x32xf32, #tpu.memory_space<hbm>>
      %dma_start3A_814 = arith.constant 17 : i32
      %dma_start3A_815 = arith.constant 0 : i32
      %dma_start3A_816 = tpu.memref_slice %arg17[%dma_start3A_814, %dma_start3A_815] : memref<64x32xf32, #tpu.memory_space<vmem>> -> memref<1x32xf32, #tpu.memory_space<vmem>>
      %dma_start3A_817 = arith.constant 0 : i32
      %dma_start3A_818 = tpu.memref_slice %arg7[%squeeze3A_778, %dma_start3A_817] : memref<1000000x32xf32, #tpu.memory_space<hbm>> -> memref<1x32xf32, #tpu.memory_space<hbm>>
      tpu.enqueue_dma source(%dma_start3A_818 : memref<1x32xf32, #tpu.memory_space<hbm>>) target(%dma_start3A_816 : memref<1x32xf32, #tpu.memory_space<vmem>>) target_semaphore(%arg18 : memref<!tpu.dma_semaphore, #tpu.memory_space<semaphore_mem>>)
      %slice3A_819 = vector.extract_strided_slice %get3A_725 {offsets = [2], sizes = [1], strides = [1]} : vector<16xi32> to vector<1xi32>
      %squeeze3A_820 = vector.extract %slice3A_819[0] : i32 from vector<1xi32>
      %slice3A_821 = vector.extract_strided_slice %get3A_730 {offsets = [2], sizes = [1], strides = [1]} : vector<16xi32> to vector<1xi32>
      %squeeze3A_822 = vector.extract %slice3A_821[0] : i32 from vector<1xi32>
      %dma_start3A_823 = arith.constant 18 : i32
      %dma_start3A_824 = arith.constant 0 : i32
      %dma_start3A_825 = tpu.memref_slice %arg14[%dma_start3A_823, %dma_start3A_824] : memref<64x32xf32, #tpu.memory_space<vmem>> -> memref<1x32xf32, #tpu.memory_space<vmem>>
      %dma_start3A_826 = arith.constant 0 : i32
      %dma_start3A_827 = tpu.memref_slice %arg4[%squeeze3A_820, %dma_start3A_826] : memref<1000000x32xf32, #tpu.memory_space<hbm>> -> memref<1x32xf32, #tpu.memory_space<hbm>>
      %dma_start3A_828 = arith.constant 18 : i32
      %dma_start3A_829 = arith.constant 0 : i32
      %dma_start3A_830 = tpu.memref_slice %arg14[%dma_start3A_828, %dma_start3A_829] : memref<64x32xf32, #tpu.memory_space<vmem>> -> memref<1x32xf32, #tpu.memory_space<vmem>>
      %dma_start3A_831 = arith.constant 0 : i32
      %dma_start3A_832 = tpu.memref_slice %arg4[%squeeze3A_820, %dma_start3A_831] : memref<1000000x32xf32, #tpu.memory_space<hbm>> -> memref<1x32xf32, #tpu.memory_space<hbm>>
      tpu.enqueue_dma source(%dma_start3A_832 : memref<1x32xf32, #tpu.memory_space<hbm>>) target(%dma_start3A_830 : memref<1x32xf32, #tpu.memory_space<vmem>>) target_semaphore(%arg18 : memref<!tpu.dma_semaphore, #tpu.memory_space<semaphore_mem>>)
      %dma_start3A_833 = arith.constant 18 : i32
      %dma_start3A_834 = arith.constant 0 : i32
      %dma_start3A_835 = tpu.memref_slice %arg15[%dma_start3A_833, %dma_start3A_834] : memref<64x32xf32, #tpu.memory_space<vmem>> -> memref<1x32xf32, #tpu.memory_space<vmem>>
      %dma_start3A_836 = arith.constant 0 : i32
      %dma_start3A_837 = tpu.memref_slice %arg5[%squeeze3A_822, %dma_start3A_836] : memref<1000000x32xf32, #tpu.memory_space<hbm>> -> memref<1x32xf32, #tpu.memory_space<hbm>>
      %dma_start3A_838 = arith.constant 18 : i32
      %dma_start3A_839 = arith.constant 0 : i32
      %dma_start3A_840 = tpu.memref_slice %arg15[%dma_start3A_838, %dma_start3A_839] : memref<64x32xf32, #tpu.memory_space<vmem>> -> memref<1x32xf32, #tpu.memory_space<vmem>>
      %dma_start3A_841 = arith.constant 0 : i32
      %dma_start3A_842 = tpu.memref_slice %arg5[%squeeze3A_822, %dma_start3A_841] : memref<1000000x32xf32, #tpu.memory_space<hbm>> -> memref<1x32xf32, #tpu.memory_space<hbm>>
      tpu.enqueue_dma source(%dma_start3A_842 : memref<1x32xf32, #tpu.memory_space<hbm>>) target(%dma_start3A_840 : memref<1x32xf32, #tpu.memory_space<vmem>>) target_semaphore(%arg18 : memref<!tpu.dma_semaphore, #tpu.memory_space<semaphore_mem>>)
      %dma_start3A_843 = arith.constant 18 : i32
      %dma_start3A_844 = arith.constant 0 : i32
      %dma_start3A_845 = tpu.memref_slice %arg16[%dma_start3A_843, %dma_start3A_844] : memref<64x32xf32, #tpu.memory_space<vmem>> -> memref<1x32xf32, #tpu.memory_space<vmem>>
      %dma_start3A_846 = arith.constant 0 : i32
      %dma_start3A_847 = tpu.memref_slice %arg6[%squeeze3A_820, %dma_start3A_846] : memref<1000000x32xf32, #tpu.memory_space<hbm>> -> memref<1x32xf32, #tpu.memory_space<hbm>>
      %dma_start3A_848 = arith.constant 18 : i32
      %dma_start3A_849 = arith.constant 0 : i32
      %dma_start3A_850 = tpu.memref_slice %arg16[%dma_start3A_848, %dma_start3A_849] : memref<64x32xf32, #tpu.memory_space<vmem>> -> memref<1x32xf32, #tpu.memory_space<vmem>>
      %dma_start3A_851 = arith.constant 0 : i32
      %dma_start3A_852 = tpu.memref_slice %arg6[%squeeze3A_820, %dma_start3A_851] : memref<1000000x32xf32, #tpu.memory_space<hbm>> -> memref<1x32xf32, #tpu.memory_space<hbm>>
      tpu.enqueue_dma source(%dma_start3A_852 : memref<1x32xf32, #tpu.memory_space<hbm>>) target(%dma_start3A_850 : memref<1x32xf32, #tpu.memory_space<vmem>>) target_semaphore(%arg18 : memref<!tpu.dma_semaphore, #tpu.memory_space<semaphore_mem>>)
      %dma_start3A_853 = arith.constant 18 : i32
      %dma_start3A_854 = arith.constant 0 : i32
      %dma_start3A_855 = tpu.memref_slice %arg17[%dma_start3A_853, %dma_start3A_854] : memref<64x32xf32, #tpu.memory_space<vmem>> -> memref<1x32xf32, #tpu.memory_space<vmem>>
      %dma_start3A_856 = arith.constant 0 : i32
      %dma_start3A_857 = tpu.memref_slice %arg7[%squeeze3A_822, %dma_start3A_856] : memref<1000000x32xf32, #tpu.memory_space<hbm>> -> memref<1x32xf32, #tpu.memory_space<hbm>>
      %dma_start3A_858 = arith.constant 18 : i32
      %dma_start3A_859 = arith.constant 0 : i32
      %dma_start3A_860 = tpu.memref_slice %arg17[%dma_start3A_858, %dma_start3A_859] : memref<64x32xf32, #tpu.memory_space<vmem>> -> memref<1x32xf32, #tpu.memory_space<vmem>>
      %dma_start3A_861 = arith.constant 0 : i32
      %dma_start3A_862 = tpu.memref_slice %arg7[%squeeze3A_822, %dma_start3A_861] : memref<1000000x32xf32, #tpu.memory_space<hbm>> -> memref<1x32xf32, #tpu.memory_space<hbm>>
      tpu.enqueue_dma source(%dma_start3A_862 : memref<1x32xf32, #tpu.memory_space<hbm>>) target(%dma_start3A_860 : memref<1x32xf32, #tpu.memory_space<vmem>>) target_semaphore(%arg18 : memref<!tpu.dma_semaphore, #tpu.memory_space<semaphore_mem>>)
      %slice3A_863 = vector.extract_strided_slice %get3A_725 {offsets = [3], sizes = [1], strides = [1]} : vector<16xi32> to vector<1xi32>
      %squeeze3A_864 = vector.extract %slice3A_863[0] : i32 from vector<1xi32>
      %slice3A_865 = vector.extract_strided_slice %get3A_730 {offsets = [3], sizes = [1], strides = [1]} : vector<16xi32> to vector<1xi32>
      %squeeze3A_866 = vector.extract %slice3A_865[0] : i32 from vector<1xi32>
      %dma_start3A_867 = arith.constant 19 : i32
      %dma_start3A_868 = arith.constant 0 : i32
      %dma_start3A_869 = tpu.memref_slice %arg14[%dma_start3A_867, %dma_start3A_868] : memref<64x32xf32, #tpu.memory_space<vmem>> -> memref<1x32xf32, #tpu.memory_space<vmem>>
      %dma_start3A_870 = arith.constant 0 : i32
      %dma_start3A_871 = tpu.memref_slice %arg4[%squeeze3A_864, %dma_start3A_870] : memref<1000000x32xf32, #tpu.memory_space<hbm>> -> memref<1x32xf32, #tpu.memory_space<hbm>>
      %dma_start3A_872 = arith.constant 19 : i32
      %dma_start3A_873 = arith.constant 0 : i32
      %dma_start3A_874 = tpu.memref_slice %arg14[%dma_start3A_872, %dma_start3A_873] : memref<64x32xf32, #tpu.memory_space<vmem>> -> memref<1x32xf32, #tpu.memory_space<vmem>>
      %dma_start3A_875 = arith.constant 0 : i32
      %dma_start3A_876 = tpu.memref_slice %arg4[%squeeze3A_864, %dma_start3A_875] : memref<1000000x32xf32, #tpu.memory_space<hbm>> -> memref<1x32xf32, #tpu.memory_space<hbm>>
      tpu.enqueue_dma source(%dma_start3A_876 : memref<1x32xf32, #tpu.memory_space<hbm>>) target(%dma_start3A_874 : memref<1x32xf32, #tpu.memory_space<vmem>>) target_semaphore(%arg18 : memref<!tpu.dma_semaphore, #tpu.memory_space<semaphore_mem>>)
      %dma_start3A_877 = arith.constant 19 : i32
      %dma_start3A_878 = arith.constant 0 : i32
      %dma_start3A_879 = tpu.memref_slice %arg15[%dma_start3A_877, %dma_start3A_878] : memref<64x32xf32, #tpu.memory_space<vmem>> -> memref<1x32xf32, #tpu.memory_space<vmem>>
      %dma_start3A_880 = arith.constant 0 : i32
      %dma_start3A_881 = tpu.memref_slice %arg5[%squeeze3A_866, %dma_start3A_880] : memref<1000000x32xf32, #tpu.memory_space<hbm>> -> memref<1x32xf32, #tpu.memory_space<hbm>>
      %dma_start3A_882 = arith.constant 19 : i32
      %dma_start3A_883 = arith.constant 0 : i32
      %dma_start3A_884 = tpu.memref_slice %arg15[%dma_start3A_882, %dma_start3A_883] : memref<64x32xf32, #tpu.memory_space<vmem>> -> memref<1x32xf32, #tpu.memory_space<vmem>>
      %dma_start3A_885 = arith.constant 0 : i32
      %dma_start3A_886 = tpu.memref_slice %arg5[%squeeze3A_866, %dma_start3A_885] : memref<1000000x32xf32, #tpu.memory_space<hbm>> -> memref<1x32xf32, #tpu.memory_space<hbm>>
      tpu.enqueue_dma source(%dma_start3A_886 : memref<1x32xf32, #tpu.memory_space<hbm>>) target(%dma_start3A_884 : memref<1x32xf32, #tpu.memory_space<vmem>>) target_semaphore(%arg18 : memref<!tpu.dma_semaphore, #tpu.memory_space<semaphore_mem>>)
      %dma_start3A_887 = arith.constant 19 : i32
      %dma_start3A_888 = arith.constant 0 : i32
      %dma_start3A_889 = tpu.memref_slice %arg16[%dma_start3A_887, %dma_start3A_888] : memref<64x32xf32, #tpu.memory_space<vmem>> -> memref<1x32xf32, #tpu.memory_space<vmem>>
      %dma_start3A_890 = arith.constant 0 : i32
      %dma_start3A_891 = tpu.memref_slice %arg6[%squeeze3A_864, %dma_start3A_890] : memref<1000000x32xf32, #tpu.memory_space<hbm>> -> memref<1x32xf32, #tpu.memory_space<hbm>>
      %dma_start3A_892 = arith.constant 19 : i32
      %dma_start3A_893 = arith.constant 0 : i32
      %dma_start3A_894 = tpu.memref_slice %arg16[%dma_start3A_892, %dma_start3A_893] : memref<64x32xf32, #tpu.memory_space<vmem>> -> memref<1x32xf32, #tpu.memory_space<vmem>>
      %dma_start3A_895 = arith.constant 0 : i32
      %dma_start3A_896 = tpu.memref_slice %arg6[%squeeze3A_864, %dma_start3A_895] : memref<1000000x32xf32, #tpu.memory_space<hbm>> -> memref<1x32xf32, #tpu.memory_space<hbm>>
      tpu.enqueue_dma source(%dma_start3A_896 : memref<1x32xf32, #tpu.memory_space<hbm>>) target(%dma_start3A_894 : memref<1x32xf32, #tpu.memory_space<vmem>>) target_semaphore(%arg18 : memref<!tpu.dma_semaphore, #tpu.memory_space<semaphore_mem>>)
      %dma_start3A_897 = arith.constant 19 : i32
      %dma_start3A_898 = arith.constant 0 : i32
      %dma_start3A_899 = tpu.memref_slice %arg17[%dma_start3A_897, %dma_start3A_898] : memref<64x32xf32, #tpu.memory_space<vmem>> -> memref<1x32xf32, #tpu.memory_space<vmem>>
      %dma_start3A_900 = arith.constant 0 : i32
      %dma_start3A_901 = tpu.memref_slice %arg7[%squeeze3A_866, %dma_start3A_900] : memref<1000000x32xf32, #tpu.memory_space<hbm>> -> memref<1x32xf32, #tpu.memory_space<hbm>>
      %dma_start3A_902 = arith.constant 19 : i32
      %dma_start3A_903 = arith.constant 0 : i32
      %dma_start3A_904 = tpu.memref_slice %arg17[%dma_start3A_902, %dma_start3A_903] : memref<64x32xf32, #tpu.memory_space<vmem>> -> memref<1x32xf32, #tpu.memory_space<vmem>>
      %dma_start3A_905 = arith.constant 0 : i32
      %dma_start3A_906 = tpu.memref_slice %arg7[%squeeze3A_866, %dma_start3A_905] : memref<1000000x32xf32, #tpu.memory_space<hbm>> -> memref<1x32xf32, #tpu.memory_space<hbm>>
      tpu.enqueue_dma source(%dma_start3A_906 : memref<1x32xf32, #tpu.memory_space<hbm>>) target(%dma_start3A_904 : memref<1x32xf32, #tpu.memory_space<vmem>>) target_semaphore(%arg18 : memref<!tpu.dma_semaphore, #tpu.memory_space<semaphore_mem>>)
      %slice3A_907 = vector.extract_strided_slice %get3A_725 {offsets = [4], sizes = [1], strides = [1]} : vector<16xi32> to vector<1xi32>
      %squeeze3A_908 = vector.extract %slice3A_907[0] : i32 from vector<1xi32>
      %slice3A_909 = vector.extract_strided_slice %get3A_730 {offsets = [4], sizes = [1], strides = [1]} : vector<16xi32> to vector<1xi32>
      %squeeze3A_910 = vector.extract %slice3A_909[0] : i32 from vector<1xi32>
      %dma_start3A_911 = arith.constant 20 : i32
      %dma_start3A_912 = arith.constant 0 : i32
      %dma_start3A_913 = tpu.memref_slice %arg14[%dma_start3A_911, %dma_start3A_912] : memref<64x32xf32, #tpu.memory_space<vmem>> -> memref<1x32xf32, #tpu.memory_space<vmem>>
      %dma_start3A_914 = arith.constant 0 : i32
      %dma_start3A_915 = tpu.memref_slice %arg4[%squeeze3A_908, %dma_start3A_914] : memref<1000000x32xf32, #tpu.memory_space<hbm>> -> memref<1x32xf32, #tpu.memory_space<hbm>>
      %dma_start3A_916 = arith.constant 20 : i32
      %dma_start3A_917 = arith.constant 0 : i32
      %dma_start3A_918 = tpu.memref_slice %arg14[%dma_start3A_916, %dma_start3A_917] : memref<64x32xf32, #tpu.memory_space<vmem>> -> memref<1x32xf32, #tpu.memory_space<vmem>>
      %dma_start3A_919 = arith.constant 0 : i32
      %dma_start3A_920 = tpu.memref_slice %arg4[%squeeze3A_908, %dma_start3A_919] : memref<1000000x32xf32, #tpu.memory_space<hbm>> -> memref<1x32xf32, #tpu.memory_space<hbm>>
      tpu.enqueue_dma source(%dma_start3A_920 : memref<1x32xf32, #tpu.memory_space<hbm>>) target(%dma_start3A_918 : memref<1x32xf32, #tpu.memory_space<vmem>>) target_semaphore(%arg18 : memref<!tpu.dma_semaphore, #tpu.memory_space<semaphore_mem>>)
      %dma_start3A_921 = arith.constant 20 : i32
      %dma_start3A_922 = arith.constant 0 : i32
      %dma_start3A_923 = tpu.memref_slice %arg15[%dma_start3A_921, %dma_start3A_922] : memref<64x32xf32, #tpu.memory_space<vmem>> -> memref<1x32xf32, #tpu.memory_space<vmem>>
      %dma_start3A_924 = arith.constant 0 : i32
      %dma_start3A_925 = tpu.memref_slice %arg5[%squeeze3A_910, %dma_start3A_924] : memref<1000000x32xf32, #tpu.memory_space<hbm>> -> memref<1x32xf32, #tpu.memory_space<hbm>>
      %dma_start3A_926 = arith.constant 20 : i32
      %dma_start3A_927 = arith.constant 0 : i32
      %dma_start3A_928 = tpu.memref_slice %arg15[%dma_start3A_926, %dma_start3A_927] : memref<64x32xf32, #tpu.memory_space<vmem>> -> memref<1x32xf32, #tpu.memory_space<vmem>>
      %dma_start3A_929 = arith.constant 0 : i32
      %dma_start3A_930 = tpu.memref_slice %arg5[%squeeze3A_910, %dma_start3A_929] : memref<1000000x32xf32, #tpu.memory_space<hbm>> -> memref<1x32xf32, #tpu.memory_space<hbm>>
      tpu.enqueue_dma source(%dma_start3A_930 : memref<1x32xf32, #tpu.memory_space<hbm>>) target(%dma_start3A_928 : memref<1x32xf32, #tpu.memory_space<vmem>>) target_semaphore(%arg18 : memref<!tpu.dma_semaphore, #tpu.memory_space<semaphore_mem>>)
      %dma_start3A_931 = arith.constant 20 : i32
      %dma_start3A_932 = arith.constant 0 : i32
      %dma_start3A_933 = tpu.memref_slice %arg16[%dma_start3A_931, %dma_start3A_932] : memref<64x32xf32, #tpu.memory_space<vmem>> -> memref<1x32xf32, #tpu.memory_space<vmem>>
      %dma_start3A_934 = arith.constant 0 : i32
      %dma_start3A_935 = tpu.memref_slice %arg6[%squeeze3A_908, %dma_start3A_934] : memref<1000000x32xf32, #tpu.memory_space<hbm>> -> memref<1x32xf32, #tpu.memory_space<hbm>>
      %dma_start3A_936 = arith.constant 20 : i32
      %dma_start3A_937 = arith.constant 0 : i32
      %dma_start3A_938 = tpu.memref_slice %arg16[%dma_start3A_936, %dma_start3A_937] : memref<64x32xf32, #tpu.memory_space<vmem>> -> memref<1x32xf32, #tpu.memory_space<vmem>>
      %dma_start3A_939 = arith.constant 0 : i32
      %dma_start3A_940 = tpu.memref_slice %arg6[%squeeze3A_908, %dma_start3A_939] : memref<1000000x32xf32, #tpu.memory_space<hbm>> -> memref<1x32xf32, #tpu.memory_space<hbm>>
      tpu.enqueue_dma source(%dma_start3A_940 : memref<1x32xf32, #tpu.memory_space<hbm>>) target(%dma_start3A_938 : memref<1x32xf32, #tpu.memory_space<vmem>>) target_semaphore(%arg18 : memref<!tpu.dma_semaphore, #tpu.memory_space<semaphore_mem>>)
      %dma_start3A_941 = arith.constant 20 : i32
      %dma_start3A_942 = arith.constant 0 : i32
      %dma_start3A_943 = tpu.memref_slice %arg17[%dma_start3A_941, %dma_start3A_942] : memref<64x32xf32, #tpu.memory_space<vmem>> -> memref<1x32xf32, #tpu.memory_space<vmem>>
      %dma_start3A_944 = arith.constant 0 : i32
      %dma_start3A_945 = tpu.memref_slice %arg7[%squeeze3A_910, %dma_start3A_944] : memref<1000000x32xf32, #tpu.memory_space<hbm>> -> memref<1x32xf32, #tpu.memory_space<hbm>>
      %dma_start3A_946 = arith.constant 20 : i32
      %dma_start3A_947 = arith.constant 0 : i32
      %dma_start3A_948 = tpu.memref_slice %arg17[%dma_start3A_946, %dma_start3A_947] : memref<64x32xf32, #tpu.memory_space<vmem>> -> memref<1x32xf32, #tpu.memory_space<vmem>>
      %dma_start3A_949 = arith.constant 0 : i32
      %dma_start3A_950 = tpu.memref_slice %arg7[%squeeze3A_910, %dma_start3A_949] : memref<1000000x32xf32, #tpu.memory_space<hbm>> -> memref<1x32xf32, #tpu.memory_space<hbm>>
      tpu.enqueue_dma source(%dma_start3A_950 : memref<1x32xf32, #tpu.memory_space<hbm>>) target(%dma_start3A_948 : memref<1x32xf32, #tpu.memory_space<vmem>>) target_semaphore(%arg18 : memref<!tpu.dma_semaphore, #tpu.memory_space<semaphore_mem>>)
      %slice3A_951 = vector.extract_strided_slice %get3A_725 {offsets = [5], sizes = [1], strides = [1]} : vector<16xi32> to vector<1xi32>
      %squeeze3A_952 = vector.extract %slice3A_951[0] : i32 from vector<1xi32>
      %slice3A_953 = vector.extract_strided_slice %get3A_730 {offsets = [5], sizes = [1], strides = [1]} : vector<16xi32> to vector<1xi32>
      %squeeze3A_954 = vector.extract %slice3A_953[0] : i32 from vector<1xi32>
      %dma_start3A_955 = arith.constant 21 : i32
      %dma_start3A_956 = arith.constant 0 : i32
      %dma_start3A_957 = tpu.memref_slice %arg14[%dma_start3A_955, %dma_start3A_956] : memref<64x32xf32, #tpu.memory_space<vmem>> -> memref<1x32xf32, #tpu.memory_space<vmem>>
      %dma_start3A_958 = arith.constant 0 : i32
      %dma_start3A_959 = tpu.memref_slice %arg4[%squeeze3A_952, %dma_start3A_958] : memref<1000000x32xf32, #tpu.memory_space<hbm>> -> memref<1x32xf32, #tpu.memory_space<hbm>>
      %dma_start3A_960 = arith.constant 21 : i32
      %dma_start3A_961 = arith.constant 0 : i32
      %dma_start3A_962 = tpu.memref_slice %arg14[%dma_start3A_960, %dma_start3A_961] : memref<64x32xf32, #tpu.memory_space<vmem>> -> memref<1x32xf32, #tpu.memory_space<vmem>>
      %dma_start3A_963 = arith.constant 0 : i32
      %dma_start3A_964 = tpu.memref_slice %arg4[%squeeze3A_952, %dma_start3A_963] : memref<1000000x32xf32, #tpu.memory_space<hbm>> -> memref<1x32xf32, #tpu.memory_space<hbm>>
      tpu.enqueue_dma source(%dma_start3A_964 : memref<1x32xf32, #tpu.memory_space<hbm>>) target(%dma_start3A_962 : memref<1x32xf32, #tpu.memory_space<vmem>>) target_semaphore(%arg18 : memref<!tpu.dma_semaphore, #tpu.memory_space<semaphore_mem>>)
      %dma_start3A_965 = arith.constant 21 : i32
      %dma_start3A_966 = arith.constant 0 : i32
      %dma_start3A_967 = tpu.memref_slice %arg15[%dma_start3A_965, %dma_start3A_966] : memref<64x32xf32, #tpu.memory_space<vmem>> -> memref<1x32xf32, #tpu.memory_space<vmem>>
      %dma_start3A_968 = arith.constant 0 : i32
      %dma_start3A_969 = tpu.memref_slice %arg5[%squeeze3A_954, %dma_start3A_968] : memref<1000000x32xf32, #tpu.memory_space<hbm>> -> memref<1x32xf32, #tpu.memory_space<hbm>>
      %dma_start3A_970 = arith.constant 21 : i32
      %dma_start3A_971 = arith.constant 0 : i32
      %dma_start3A_972 = tpu.memref_slice %arg15[%dma_start3A_970, %dma_start3A_971] : memref<64x32xf32, #tpu.memory_space<vmem>> -> memref<1x32xf32, #tpu.memory_space<vmem>>
      %dma_start3A_973 = arith.constant 0 : i32
      %dma_start3A_974 = tpu.memref_slice %arg5[%squeeze3A_954, %dma_start3A_973] : memref<1000000x32xf32, #tpu.memory_space<hbm>> -> memref<1x32xf32, #tpu.memory_space<hbm>>
      tpu.enqueue_dma source(%dma_start3A_974 : memref<1x32xf32, #tpu.memory_space<hbm>>) target(%dma_start3A_972 : memref<1x32xf32, #tpu.memory_space<vmem>>) target_semaphore(%arg18 : memref<!tpu.dma_semaphore, #tpu.memory_space<semaphore_mem>>)
      %dma_start3A_975 = arith.constant 21 : i32
      %dma_start3A_976 = arith.constant 0 : i32
      %dma_start3A_977 = tpu.memref_slice %arg16[%dma_start3A_975, %dma_start3A_976] : memref<64x32xf32, #tpu.memory_space<vmem>> -> memref<1x32xf32, #tpu.memory_space<vmem>>
      %dma_start3A_978 = arith.constant 0 : i32
      %dma_start3A_979 = tpu.memref_slice %arg6[%squeeze3A_952, %dma_start3A_978] : memref<1000000x32xf32, #tpu.memory_space<hbm>> -> memref<1x32xf32, #tpu.memory_space<hbm>>
      %dma_start3A_980 = arith.constant 21 : i32
      %dma_start3A_981 = arith.constant 0 : i32
      %dma_start3A_982 = tpu.memref_slice %arg16[%dma_start3A_980, %dma_start3A_981] : memref<64x32xf32, #tpu.memory_space<vmem>> -> memref<1x32xf32, #tpu.memory_space<vmem>>
      %dma_start3A_983 = arith.constant 0 : i32
      %dma_start3A_984 = tpu.memref_slice %arg6[%squeeze3A_952, %dma_start3A_983] : memref<1000000x32xf32, #tpu.memory_space<hbm>> -> memref<1x32xf32, #tpu.memory_space<hbm>>
      tpu.enqueue_dma source(%dma_start3A_984 : memref<1x32xf32, #tpu.memory_space<hbm>>) target(%dma_start3A_982 : memref<1x32xf32, #tpu.memory_space<vmem>>) target_semaphore(%arg18 : memref<!tpu.dma_semaphore, #tpu.memory_space<semaphore_mem>>)
      %dma_start3A_985 = arith.constant 21 : i32
      %dma_start3A_986 = arith.constant 0 : i32
      %dma_start3A_987 = tpu.memref_slice %arg17[%dma_start3A_985, %dma_start3A_986] : memref<64x32xf32, #tpu.memory_space<vmem>> -> memref<1x32xf32, #tpu.memory_space<vmem>>
      %dma_start3A_988 = arith.constant 0 : i32
      %dma_start3A_989 = tpu.memref_slice %arg7[%squeeze3A_954, %dma_start3A_988] : memref<1000000x32xf32, #tpu.memory_space<hbm>> -> memref<1x32xf32, #tpu.memory_space<hbm>>
      %dma_start3A_990 = arith.constant 21 : i32
      %dma_start3A_991 = arith.constant 0 : i32
      %dma_start3A_992 = tpu.memref_slice %arg17[%dma_start3A_990, %dma_start3A_991] : memref<64x32xf32, #tpu.memory_space<vmem>> -> memref<1x32xf32, #tpu.memory_space<vmem>>
      %dma_start3A_993 = arith.constant 0 : i32
      %dma_start3A_994 = tpu.memref_slice %arg7[%squeeze3A_954, %dma_start3A_993] : memref<1000000x32xf32, #tpu.memory_space<hbm>> -> memref<1x32xf32, #tpu.memory_space<hbm>>
      tpu.enqueue_dma source(%dma_start3A_994 : memref<1x32xf32, #tpu.memory_space<hbm>>) target(%dma_start3A_992 : memref<1x32xf32, #tpu.memory_space<vmem>>) target_semaphore(%arg18 : memref<!tpu.dma_semaphore, #tpu.memory_space<semaphore_mem>>)
      %slice3A_995 = vector.extract_strided_slice %get3A_725 {offsets = [6], sizes = [1], strides = [1]} : vector<16xi32> to vector<1xi32>
      %squeeze3A_996 = vector.extract %slice3A_995[0] : i32 from vector<1xi32>
      %slice3A_997 = vector.extract_strided_slice %get3A_730 {offsets = [6], sizes = [1], strides = [1]} : vector<16xi32> to vector<1xi32>
      %squeeze3A_998 = vector.extract %slice3A_997[0] : i32 from vector<1xi32>
      %dma_start3A_999 = arith.constant 22 : i32
      %dma_start3A_1000 = arith.constant 0 : i32
      %dma_start3A_1001 = tpu.memref_slice %arg14[%dma_start3A_999, %dma_start3A_1000] : memref<64x32xf32, #tpu.memory_space<vmem>> -> memref<1x32xf32, #tpu.memory_space<vmem>>
      %dma_start3A_1002 = arith.constant 0 : i32
      %dma_start3A_1003 = tpu.memref_slice %arg4[%squeeze3A_996, %dma_start3A_1002] : memref<1000000x32xf32, #tpu.memory_space<hbm>> -> memref<1x32xf32, #tpu.memory_space<hbm>>
      %dma_start3A_1004 = arith.constant 22 : i32
      %dma_start3A_1005 = arith.constant 0 : i32
      %dma_start3A_1006 = tpu.memref_slice %arg14[%dma_start3A_1004, %dma_start3A_1005] : memref<64x32xf32, #tpu.memory_space<vmem>> -> memref<1x32xf32, #tpu.memory_space<vmem>>
      %dma_start3A_1007 = arith.constant 0 : i32
      %dma_start3A_1008 = tpu.memref_slice %arg4[%squeeze3A_996, %dma_start3A_1007] : memref<1000000x32xf32, #tpu.memory_space<hbm>> -> memref<1x32xf32, #tpu.memory_space<hbm>>
      tpu.enqueue_dma source(%dma_start3A_1008 : memref<1x32xf32, #tpu.memory_space<hbm>>) target(%dma_start3A_1006 : memref<1x32xf32, #tpu.memory_space<vmem>>) target_semaphore(%arg18 : memref<!tpu.dma_semaphore, #tpu.memory_space<semaphore_mem>>)
      %dma_start3A_1009 = arith.constant 22 : i32
      %dma_start3A_1010 = arith.constant 0 : i32
      %dma_start3A_1011 = tpu.memref_slice %arg15[%dma_start3A_1009, %dma_start3A_1010] : memref<64x32xf32, #tpu.memory_space<vmem>> -> memref<1x32xf32, #tpu.memory_space<vmem>>
      %dma_start3A_1012 = arith.constant 0 : i32
      %dma_start3A_1013 = tpu.memref_slice %arg5[%squeeze3A_998, %dma_start3A_1012] : memref<1000000x32xf32, #tpu.memory_space<hbm>> -> memref<1x32xf32, #tpu.memory_space<hbm>>
      %dma_start3A_1014 = arith.constant 22 : i32
      %dma_start3A_1015 = arith.constant 0 : i32
      %dma_start3A_1016 = tpu.memref_slice %arg15[%dma_start3A_1014, %dma_start3A_1015] : memref<64x32xf32, #tpu.memory_space<vmem>> -> memref<1x32xf32, #tpu.memory_space<vmem>>
      %dma_start3A_1017 = arith.constant 0 : i32
      %dma_start3A_1018 = tpu.memref_slice %arg5[%squeeze3A_998, %dma_start3A_1017] : memref<1000000x32xf32, #tpu.memory_space<hbm>> -> memref<1x32xf32, #tpu.memory_space<hbm>>
      tpu.enqueue_dma source(%dma_start3A_1018 : memref<1x32xf32, #tpu.memory_space<hbm>>) target(%dma_start3A_1016 : memref<1x32xf32, #tpu.memory_space<vmem>>) target_semaphore(%arg18 : memref<!tpu.dma_semaphore, #tpu.memory_space<semaphore_mem>>)
      %dma_start3A_1019 = arith.constant 22 : i32
      %dma_start3A_1020 = arith.constant 0 : i32
      %dma_start3A_1021 = tpu.memref_slice %arg16[%dma_start3A_1019, %dma_start3A_1020] : memref<64x32xf32, #tpu.memory_space<vmem>> -> memref<1x32xf32, #tpu.memory_space<vmem>>
      %dma_start3A_1022 = arith.constant 0 : i32
      %dma_start3A_1023 = tpu.memref_slice %arg6[%squeeze3A_996, %dma_start3A_1022] : memref<1000000x32xf32, #tpu.memory_space<hbm>> -> memref<1x32xf32, #tpu.memory_space<hbm>>
      %dma_start3A_1024 = arith.constant 22 : i32
      %dma_start3A_1025 = arith.constant 0 : i32
      %dma_start3A_1026 = tpu.memref_slice %arg16[%dma_start3A_1024, %dma_start3A_1025] : memref<64x32xf32, #tpu.memory_space<vmem>> -> memref<1x32xf32, #tpu.memory_space<vmem>>
      %dma_start3A_1027 = arith.constant 0 : i32
      %dma_start3A_1028 = tpu.memref_slice %arg6[%squeeze3A_996, %dma_start3A_1027] : memref<1000000x32xf32, #tpu.memory_space<hbm>> -> memref<1x32xf32, #tpu.memory_space<hbm>>
      tpu.enqueue_dma source(%dma_start3A_1028 : memref<1x32xf32, #tpu.memory_space<hbm>>) target(%dma_start3A_1026 : memref<1x32xf32, #tpu.memory_space<vmem>>) target_semaphore(%arg18 : memref<!tpu.dma_semaphore, #tpu.memory_space<semaphore_mem>>)
      %dma_start3A_1029 = arith.constant 22 : i32
      %dma_start3A_1030 = arith.constant 0 : i32
      %dma_start3A_1031 = tpu.memref_slice %arg17[%dma_start3A_1029, %dma_start3A_1030] : memref<64x32xf32, #tpu.memory_space<vmem>> -> memref<1x32xf32, #tpu.memory_space<vmem>>
      %dma_start3A_1032 = arith.constant 0 : i32
      %dma_start3A_1033 = tpu.memref_slice %arg7[%squeeze3A_998, %dma_start3A_1032] : memref<1000000x32xf32, #tpu.memory_space<hbm>> -> memref<1x32xf32, #tpu.memory_space<hbm>>
      %dma_start3A_1034 = arith.constant 22 : i32
      %dma_start3A_1035 = arith.constant 0 : i32
      %dma_start3A_1036 = tpu.memref_slice %arg17[%dma_start3A_1034, %dma_start3A_1035] : memref<64x32xf32, #tpu.memory_space<vmem>> -> memref<1x32xf32, #tpu.memory_space<vmem>>
      %dma_start3A_1037 = arith.constant 0 : i32
      %dma_start3A_1038 = tpu.memref_slice %arg7[%squeeze3A_998, %dma_start3A_1037] : memref<1000000x32xf32, #tpu.memory_space<hbm>> -> memref<1x32xf32, #tpu.memory_space<hbm>>
      tpu.enqueue_dma source(%dma_start3A_1038 : memref<1x32xf32, #tpu.memory_space<hbm>>) target(%dma_start3A_1036 : memref<1x32xf32, #tpu.memory_space<vmem>>) target_semaphore(%arg18 : memref<!tpu.dma_semaphore, #tpu.memory_space<semaphore_mem>>)
      %slice3A_1039 = vector.extract_strided_slice %get3A_725 {offsets = [7], sizes = [1], strides = [1]} : vector<16xi32> to vector<1xi32>
      %squeeze3A_1040 = vector.extract %slice3A_1039[0] : i32 from vector<1xi32>
      %slice3A_1041 = vector.extract_strided_slice %get3A_730 {offsets = [7], sizes = [1], strides = [1]} : vector<16xi32> to vector<1xi32>
      %squeeze3A_1042 = vector.extract %slice3A_1041[0] : i32 from vector<1xi32>
      %dma_start3A_1043 = arith.constant 23 : i32
      %dma_start3A_1044 = arith.constant 0 : i32
      %dma_start3A_1045 = tpu.memref_slice %arg14[%dma_start3A_1043, %dma_start3A_1044] : memref<64x32xf32, #tpu.memory_space<vmem>> -> memref<1x32xf32, #tpu.memory_space<vmem>>
      %dma_start3A_1046 = arith.constant 0 : i32
      %dma_start3A_1047 = tpu.memref_slice %arg4[%squeeze3A_1040, %dma_start3A_1046] : memref<1000000x32xf32, #tpu.memory_space<hbm>> -> memref<1x32xf32, #tpu.memory_space<hbm>>
      %dma_start3A_1048 = arith.constant 23 : i32
      %dma_start3A_1049 = arith.constant 0 : i32
      %dma_start3A_1050 = tpu.memref_slice %arg14[%dma_start3A_1048, %dma_start3A_1049] : memref<64x32xf32, #tpu.memory_space<vmem>> -> memref<1x32xf32, #tpu.memory_space<vmem>>
      %dma_start3A_1051 = arith.constant 0 : i32
      %dma_start3A_1052 = tpu.memref_slice %arg4[%squeeze3A_1040, %dma_start3A_1051] : memref<1000000x32xf32, #tpu.memory_space<hbm>> -> memref<1x32xf32, #tpu.memory_space<hbm>>
      tpu.enqueue_dma source(%dma_start3A_1052 : memref<1x32xf32, #tpu.memory_space<hbm>>) target(%dma_start3A_1050 : memref<1x32xf32, #tpu.memory_space<vmem>>) target_semaphore(%arg18 : memref<!tpu.dma_semaphore, #tpu.memory_space<semaphore_mem>>)
      %dma_start3A_1053 = arith.constant 23 : i32
      %dma_start3A_1054 = arith.constant 0 : i32
      %dma_start3A_1055 = tpu.memref_slice %arg15[%dma_start3A_1053, %dma_start3A_1054] : memref<64x32xf32, #tpu.memory_space<vmem>> -> memref<1x32xf32, #tpu.memory_space<vmem>>
      %dma_start3A_1056 = arith.constant 0 : i32
      %dma_start3A_1057 = tpu.memref_slice %arg5[%squeeze3A_1042, %dma_start3A_1056] : memref<1000000x32xf32, #tpu.memory_space<hbm>> -> memref<1x32xf32, #tpu.memory_space<hbm>>
      %dma_start3A_1058 = arith.constant 23 : i32
      %dma_start3A_1059 = arith.constant 0 : i32
      %dma_start3A_1060 = tpu.memref_slice %arg15[%dma_start3A_1058, %dma_start3A_1059] : memref<64x32xf32, #tpu.memory_space<vmem>> -> memref<1x32xf32, #tpu.memory_space<vmem>>
      %dma_start3A_1061 = arith.constant 0 : i32
      %dma_start3A_1062 = tpu.memref_slice %arg5[%squeeze3A_1042, %dma_start3A_1061] : memref<1000000x32xf32, #tpu.memory_space<hbm>> -> memref<1x32xf32, #tpu.memory_space<hbm>>
      tpu.enqueue_dma source(%dma_start3A_1062 : memref<1x32xf32, #tpu.memory_space<hbm>>) target(%dma_start3A_1060 : memref<1x32xf32, #tpu.memory_space<vmem>>) target_semaphore(%arg18 : memref<!tpu.dma_semaphore, #tpu.memory_space<semaphore_mem>>)
      %dma_start3A_1063 = arith.constant 23 : i32
      %dma_start3A_1064 = arith.constant 0 : i32
      %dma_start3A_1065 = tpu.memref_slice %arg16[%dma_start3A_1063, %dma_start3A_1064] : memref<64x32xf32, #tpu.memory_space<vmem>> -> memref<1x32xf32, #tpu.memory_space<vmem>>
      %dma_start3A_1066 = arith.constant 0 : i32
      %dma_start3A_1067 = tpu.memref_slice %arg6[%squeeze3A_1040, %dma_start3A_1066] : memref<1000000x32xf32, #tpu.memory_space<hbm>> -> memref<1x32xf32, #tpu.memory_space<hbm>>
      %dma_start3A_1068 = arith.constant 23 : i32
      %dma_start3A_1069 = arith.constant 0 : i32
      %dma_start3A_1070 = tpu.memref_slice %arg16[%dma_start3A_1068, %dma_start3A_1069] : memref<64x32xf32, #tpu.memory_space<vmem>> -> memref<1x32xf32, #tpu.memory_space<vmem>>
      %dma_start3A_1071 = arith.constant 0 : i32
      %dma_start3A_1072 = tpu.memref_slice %arg6[%squeeze3A_1040, %dma_start3A_1071] : memref<1000000x32xf32, #tpu.memory_space<hbm>> -> memref<1x32xf32, #tpu.memory_space<hbm>>
      tpu.enqueue_dma source(%dma_start3A_1072 : memref<1x32xf32, #tpu.memory_space<hbm>>) target(%dma_start3A_1070 : memref<1x32xf32, #tpu.memory_space<vmem>>) target_semaphore(%arg18 : memref<!tpu.dma_semaphore, #tpu.memory_space<semaphore_mem>>)
      %dma_start3A_1073 = arith.constant 23 : i32
      %dma_start3A_1074 = arith.constant 0 : i32
      %dma_start3A_1075 = tpu.memref_slice %arg17[%dma_start3A_1073, %dma_start3A_1074] : memref<64x32xf32, #tpu.memory_space<vmem>> -> memref<1x32xf32, #tpu.memory_space<vmem>>
      %dma_start3A_1076 = arith.constant 0 : i32
      %dma_start3A_1077 = tpu.memref_slice %arg7[%squeeze3A_1042, %dma_start3A_1076] : memref<1000000x32xf32, #tpu.memory_space<hbm>> -> memref<1x32xf32, #tpu.memory_space<hbm>>
      %dma_start3A_1078 = arith.constant 23 : i32
      %dma_start3A_1079 = arith.constant 0 : i32
      %dma_start3A_1080 = tpu.memref_slice %arg17[%dma_start3A_1078, %dma_start3A_1079] : memref<64x32xf32, #tpu.memory_space<vmem>> -> memref<1x32xf32, #tpu.memory_space<vmem>>
      %dma_start3A_1081 = arith.constant 0 : i32
      %dma_start3A_1082 = tpu.memref_slice %arg7[%squeeze3A_1042, %dma_start3A_1081] : memref<1000000x32xf32, #tpu.memory_space<hbm>> -> memref<1x32xf32, #tpu.memory_space<hbm>>
      tpu.enqueue_dma source(%dma_start3A_1082 : memref<1x32xf32, #tpu.memory_space<hbm>>) target(%dma_start3A_1080 : memref<1x32xf32, #tpu.memory_space<vmem>>) target_semaphore(%arg18 : memref<!tpu.dma_semaphore, #tpu.memory_space<semaphore_mem>>)
      %slice3A_1083 = vector.extract_strided_slice %get3A_725 {offsets = [8], sizes = [1], strides = [1]} : vector<16xi32> to vector<1xi32>
      %squeeze3A_1084 = vector.extract %slice3A_1083[0] : i32 from vector<1xi32>
      %slice3A_1085 = vector.extract_strided_slice %get3A_730 {offsets = [8], sizes = [1], strides = [1]} : vector<16xi32> to vector<1xi32>
      %squeeze3A_1086 = vector.extract %slice3A_1085[0] : i32 from vector<1xi32>
      %dma_start3A_1087 = arith.constant 24 : i32
      %dma_start3A_1088 = arith.constant 0 : i32
      %dma_start3A_1089 = tpu.memref_slice %arg14[%dma_start3A_1087, %dma_start3A_1088] : memref<64x32xf32, #tpu.memory_space<vmem>> -> memref<1x32xf32, #tpu.memory_space<vmem>>
      %dma_start3A_1090 = arith.constant 0 : i32
      %dma_start3A_1091 = tpu.memref_slice %arg4[%squeeze3A_1084, %dma_start3A_1090] : memref<1000000x32xf32, #tpu.memory_space<hbm>> -> memref<1x32xf32, #tpu.memory_space<hbm>>
      %dma_start3A_1092 = arith.constant 24 : i32
      %dma_start3A_1093 = arith.constant 0 : i32
      %dma_start3A_1094 = tpu.memref_slice %arg14[%dma_start3A_1092, %dma_start3A_1093] : memref<64x32xf32, #tpu.memory_space<vmem>> -> memref<1x32xf32, #tpu.memory_space<vmem>>
      %dma_start3A_1095 = arith.constant 0 : i32
      %dma_start3A_1096 = tpu.memref_slice %arg4[%squeeze3A_1084, %dma_start3A_1095] : memref<1000000x32xf32, #tpu.memory_space<hbm>> -> memref<1x32xf32, #tpu.memory_space<hbm>>
      tpu.enqueue_dma source(%dma_start3A_1096 : memref<1x32xf32, #tpu.memory_space<hbm>>) target(%dma_start3A_1094 : memref<1x32xf32, #tpu.memory_space<vmem>>) target_semaphore(%arg18 : memref<!tpu.dma_semaphore, #tpu.memory_space<semaphore_mem>>)
      %dma_start3A_1097 = arith.constant 24 : i32
      %dma_start3A_1098 = arith.constant 0 : i32
      %dma_start3A_1099 = tpu.memref_slice %arg15[%dma_start3A_1097, %dma_start3A_1098] : memref<64x32xf32, #tpu.memory_space<vmem>> -> memref<1x32xf32, #tpu.memory_space<vmem>>
      %dma_start3A_1100 = arith.constant 0 : i32
      %dma_start3A_1101 = tpu.memref_slice %arg5[%squeeze3A_1086, %dma_start3A_1100] : memref<1000000x32xf32, #tpu.memory_space<hbm>> -> memref<1x32xf32, #tpu.memory_space<hbm>>
      %dma_start3A_1102 = arith.constant 24 : i32
      %dma_start3A_1103 = arith.constant 0 : i32
      %dma_start3A_1104 = tpu.memref_slice %arg15[%dma_start3A_1102, %dma_start3A_1103] : memref<64x32xf32, #tpu.memory_space<vmem>> -> memref<1x32xf32, #tpu.memory_space<vmem>>
      %dma_start3A_1105 = arith.constant 0 : i32
      %dma_start3A_1106 = tpu.memref_slice %arg5[%squeeze3A_1086, %dma_start3A_1105] : memref<1000000x32xf32, #tpu.memory_space<hbm>> -> memref<1x32xf32, #tpu.memory_space<hbm>>
      tpu.enqueue_dma source(%dma_start3A_1106 : memref<1x32xf32, #tpu.memory_space<hbm>>) target(%dma_start3A_1104 : memref<1x32xf32, #tpu.memory_space<vmem>>) target_semaphore(%arg18 : memref<!tpu.dma_semaphore, #tpu.memory_space<semaphore_mem>>)
      %dma_start3A_1107 = arith.constant 24 : i32
      %dma_start3A_1108 = arith.constant 0 : i32
      %dma_start3A_1109 = tpu.memref_slice %arg16[%dma_start3A_1107, %dma_start3A_1108] : memref<64x32xf32, #tpu.memory_space<vmem>> -> memref<1x32xf32, #tpu.memory_space<vmem>>
      %dma_start3A_1110 = arith.constant 0 : i32
      %dma_start3A_1111 = tpu.memref_slice %arg6[%squeeze3A_1084, %dma_start3A_1110] : memref<1000000x32xf32, #tpu.memory_space<hbm>> -> memref<1x32xf32, #tpu.memory_space<hbm>>
      %dma_start3A_1112 = arith.constant 24 : i32
      %dma_start3A_1113 = arith.constant 0 : i32
      %dma_start3A_1114 = tpu.memref_slice %arg16[%dma_start3A_1112, %dma_start3A_1113] : memref<64x32xf32, #tpu.memory_space<vmem>> -> memref<1x32xf32, #tpu.memory_space<vmem>>
      %dma_start3A_1115 = arith.constant 0 : i32
      %dma_start3A_1116 = tpu.memref_slice %arg6[%squeeze3A_1084, %dma_start3A_1115] : memref<1000000x32xf32, #tpu.memory_space<hbm>> -> memref<1x32xf32, #tpu.memory_space<hbm>>
      tpu.enqueue_dma source(%dma_start3A_1116 : memref<1x32xf32, #tpu.memory_space<hbm>>) target(%dma_start3A_1114 : memref<1x32xf32, #tpu.memory_space<vmem>>) target_semaphore(%arg18 : memref<!tpu.dma_semaphore, #tpu.memory_space<semaphore_mem>>)
      %dma_start3A_1117 = arith.constant 24 : i32
      %dma_start3A_1118 = arith.constant 0 : i32
      %dma_start3A_1119 = tpu.memref_slice %arg17[%dma_start3A_1117, %dma_start3A_1118] : memref<64x32xf32, #tpu.memory_space<vmem>> -> memref<1x32xf32, #tpu.memory_space<vmem>>
      %dma_start3A_1120 = arith.constant 0 : i32
      %dma_start3A_1121 = tpu.memref_slice %arg7[%squeeze3A_1086, %dma_start3A_1120] : memref<1000000x32xf32, #tpu.memory_space<hbm>> -> memref<1x32xf32, #tpu.memory_space<hbm>>
      %dma_start3A_1122 = arith.constant 24 : i32
      %dma_start3A_1123 = arith.constant 0 : i32
      %dma_start3A_1124 = tpu.memref_slice %arg17[%dma_start3A_1122, %dma_start3A_1123] : memref<64x32xf32, #tpu.memory_space<vmem>> -> memref<1x32xf32, #tpu.memory_space<vmem>>
      %dma_start3A_1125 = arith.constant 0 : i32
      %dma_start3A_1126 = tpu.memref_slice %arg7[%squeeze3A_1086, %dma_start3A_1125] : memref<1000000x32xf32, #tpu.memory_space<hbm>> -> memref<1x32xf32, #tpu.memory_space<hbm>>
      tpu.enqueue_dma source(%dma_start3A_1126 : memref<1x32xf32, #tpu.memory_space<hbm>>) target(%dma_start3A_1124 : memref<1x32xf32, #tpu.memory_space<vmem>>) target_semaphore(%arg18 : memref<!tpu.dma_semaphore, #tpu.memory_space<semaphore_mem>>)
      %slice3A_1127 = vector.extract_strided_slice %get3A_725 {offsets = [9], sizes = [1], strides = [1]} : vector<16xi32> to vector<1xi32>
      %squeeze3A_1128 = vector.extract %slice3A_1127[0] : i32 from vector<1xi32>
      %slice3A_1129 = vector.extract_strided_slice %get3A_730 {offsets = [9], sizes = [1], strides = [1]} : vector<16xi32> to vector<1xi32>
      %squeeze3A_1130 = vector.extract %slice3A_1129[0] : i32 from vector<1xi32>
      %dma_start3A_1131 = arith.constant 25 : i32
      %dma_start3A_1132 = arith.constant 0 : i32
      %dma_start3A_1133 = tpu.memref_slice %arg14[%dma_start3A_1131, %dma_start3A_1132] : memref<64x32xf32, #tpu.memory_space<vmem>> -> memref<1x32xf32, #tpu.memory_space<vmem>>
      %dma_start3A_1134 = arith.constant 0 : i32
      %dma_start3A_1135 = tpu.memref_slice %arg4[%squeeze3A_1128, %dma_start3A_1134] : memref<1000000x32xf32, #tpu.memory_space<hbm>> -> memref<1x32xf32, #tpu.memory_space<hbm>>
      %dma_start3A_1136 = arith.constant 25 : i32
      %dma_start3A_1137 = arith.constant 0 : i32
      %dma_start3A_1138 = tpu.memref_slice %arg14[%dma_start3A_1136, %dma_start3A_1137] : memref<64x32xf32, #tpu.memory_space<vmem>> -> memref<1x32xf32, #tpu.memory_space<vmem>>
      %dma_start3A_1139 = arith.constant 0 : i32
      %dma_start3A_1140 = tpu.memref_slice %arg4[%squeeze3A_1128, %dma_start3A_1139] : memref<1000000x32xf32, #tpu.memory_space<hbm>> -> memref<1x32xf32, #tpu.memory_space<hbm>>
      tpu.enqueue_dma source(%dma_start3A_1140 : memref<1x32xf32, #tpu.memory_space<hbm>>) target(%dma_start3A_1138 : memref<1x32xf32, #tpu.memory_space<vmem>>) target_semaphore(%arg18 : memref<!tpu.dma_semaphore, #tpu.memory_space<semaphore_mem>>)
      %dma_start3A_1141 = arith.constant 25 : i32
      %dma_start3A_1142 = arith.constant 0 : i32
      %dma_start3A_1143 = tpu.memref_slice %arg15[%dma_start3A_1141, %dma_start3A_1142] : memref<64x32xf32, #tpu.memory_space<vmem>> -> memref<1x32xf32, #tpu.memory_space<vmem>>
      %dma_start3A_1144 = arith.constant 0 : i32
      %dma_start3A_1145 = tpu.memref_slice %arg5[%squeeze3A_1130, %dma_start3A_1144] : memref<1000000x32xf32, #tpu.memory_space<hbm>> -> memref<1x32xf32, #tpu.memory_space<hbm>>
      %dma_start3A_1146 = arith.constant 25 : i32
      %dma_start3A_1147 = arith.constant 0 : i32
      %dma_start3A_1148 = tpu.memref_slice %arg15[%dma_start3A_1146, %dma_start3A_1147] : memref<64x32xf32, #tpu.memory_space<vmem>> -> memref<1x32xf32, #tpu.memory_space<vmem>>
      %dma_start3A_1149 = arith.constant 0 : i32
      %dma_start3A_1150 = tpu.memref_slice %arg5[%squeeze3A_1130, %dma_start3A_1149] : memref<1000000x32xf32, #tpu.memory_space<hbm>> -> memref<1x32xf32, #tpu.memory_space<hbm>>
      tpu.enqueue_dma source(%dma_start3A_1150 : memref<1x32xf32, #tpu.memory_space<hbm>>) target(%dma_start3A_1148 : memref<1x32xf32, #tpu.memory_space<vmem>>) target_semaphore(%arg18 : memref<!tpu.dma_semaphore, #tpu.memory_space<semaphore_mem>>)
      %dma_start3A_1151 = arith.constant 25 : i32
      %dma_start3A_1152 = arith.constant 0 : i32
      %dma_start3A_1153 = tpu.memref_slice %arg16[%dma_start3A_1151, %dma_start3A_1152] : memref<64x32xf32, #tpu.memory_space<vmem>> -> memref<1x32xf32, #tpu.memory_space<vmem>>
      %dma_start3A_1154 = arith.constant 0 : i32
      %dma_start3A_1155 = tpu.memref_slice %arg6[%squeeze3A_1128, %dma_start3A_1154] : memref<1000000x32xf32, #tpu.memory_space<hbm>> -> memref<1x32xf32, #tpu.memory_space<hbm>>
      %dma_start3A_1156 = arith.constant 25 : i32
      %dma_start3A_1157 = arith.constant 0 : i32
      %dma_start3A_1158 = tpu.memref_slice %arg16[%dma_start3A_1156, %dma_start3A_1157] : memref<64x32xf32, #tpu.memory_space<vmem>> -> memref<1x32xf32, #tpu.memory_space<vmem>>
      %dma_start3A_1159 = arith.constant 0 : i32
      %dma_start3A_1160 = tpu.memref_slice %arg6[%squeeze3A_1128, %dma_start3A_1159] : memref<1000000x32xf32, #tpu.memory_space<hbm>> -> memref<1x32xf32, #tpu.memory_space<hbm>>
      tpu.enqueue_dma source(%dma_start3A_1160 : memref<1x32xf32, #tpu.memory_space<hbm>>) target(%dma_start3A_1158 : memref<1x32xf32, #tpu.memory_space<vmem>>) target_semaphore(%arg18 : memref<!tpu.dma_semaphore, #tpu.memory_space<semaphore_mem>>)
      %dma_start3A_1161 = arith.constant 25 : i32
      %dma_start3A_1162 = arith.constant 0 : i32
      %dma_start3A_1163 = tpu.memref_slice %arg17[%dma_start3A_1161, %dma_start3A_1162] : memref<64x32xf32, #tpu.memory_space<vmem>> -> memref<1x32xf32, #tpu.memory_space<vmem>>
      %dma_start3A_1164 = arith.constant 0 : i32
      %dma_start3A_1165 = tpu.memref_slice %arg7[%squeeze3A_1130, %dma_start3A_1164] : memref<1000000x32xf32, #tpu.memory_space<hbm>> -> memref<1x32xf32, #tpu.memory_space<hbm>>
      %dma_start3A_1166 = arith.constant 25 : i32
      %dma_start3A_1167 = arith.constant 0 : i32
      %dma_start3A_1168 = tpu.memref_slice %arg17[%dma_start3A_1166, %dma_start3A_1167] : memref<64x32xf32, #tpu.memory_space<vmem>> -> memref<1x32xf32, #tpu.memory_space<vmem>>
      %dma_start3A_1169 = arith.constant 0 : i32
      %dma_start3A_1170 = tpu.memref_slice %arg7[%squeeze3A_1130, %dma_start3A_1169] : memref<1000000x32xf32, #tpu.memory_space<hbm>> -> memref<1x32xf32, #tpu.memory_space<hbm>>
      tpu.enqueue_dma source(%dma_start3A_1170 : memref<1x32xf32, #tpu.memory_space<hbm>>) target(%dma_start3A_1168 : memref<1x32xf32, #tpu.memory_space<vmem>>) target_semaphore(%arg18 : memref<!tpu.dma_semaphore, #tpu.memory_space<semaphore_mem>>)
      %slice3A_1171 = vector.extract_strided_slice %get3A_725 {offsets = [10], sizes = [1], strides = [1]} : vector<16xi32> to vector<1xi32>
      %squeeze3A_1172 = vector.extract %slice3A_1171[0] : i32 from vector<1xi32>
      %slice3A_1173 = vector.extract_strided_slice %get3A_730 {offsets = [10], sizes = [1], strides = [1]} : vector<16xi32> to vector<1xi32>
      %squeeze3A_1174 = vector.extract %slice3A_1173[0] : i32 from vector<1xi32>
      %dma_start3A_1175 = arith.constant 26 : i32
      %dma_start3A_1176 = arith.constant 0 : i32
      %dma_start3A_1177 = tpu.memref_slice %arg14[%dma_start3A_1175, %dma_start3A_1176] : memref<64x32xf32, #tpu.memory_space<vmem>> -> memref<1x32xf32, #tpu.memory_space<vmem>>
      %dma_start3A_1178 = arith.constant 0 : i32
      %dma_start3A_1179 = tpu.memref_slice %arg4[%squeeze3A_1172, %dma_start3A_1178] : memref<1000000x32xf32, #tpu.memory_space<hbm>> -> memref<1x32xf32, #tpu.memory_space<hbm>>
      %dma_start3A_1180 = arith.constant 26 : i32
      %dma_start3A_1181 = arith.constant 0 : i32
      %dma_start3A_1182 = tpu.memref_slice %arg14[%dma_start3A_1180, %dma_start3A_1181] : memref<64x32xf32, #tpu.memory_space<vmem>> -> memref<1x32xf32, #tpu.memory_space<vmem>>
      %dma_start3A_1183 = arith.constant 0 : i32
      %dma_start3A_1184 = tpu.memref_slice %arg4[%squeeze3A_1172, %dma_start3A_1183] : memref<1000000x32xf32, #tpu.memory_space<hbm>> -> memref<1x32xf32, #tpu.memory_space<hbm>>
      tpu.enqueue_dma source(%dma_start3A_1184 : memref<1x32xf32, #tpu.memory_space<hbm>>) target(%dma_start3A_1182 : memref<1x32xf32, #tpu.memory_space<vmem>>) target_semaphore(%arg18 : memref<!tpu.dma_semaphore, #tpu.memory_space<semaphore_mem>>)
      %dma_start3A_1185 = arith.constant 26 : i32
      %dma_start3A_1186 = arith.constant 0 : i32
      %dma_start3A_1187 = tpu.memref_slice %arg15[%dma_start3A_1185, %dma_start3A_1186] : memref<64x32xf32, #tpu.memory_space<vmem>> -> memref<1x32xf32, #tpu.memory_space<vmem>>
      %dma_start3A_1188 = arith.constant 0 : i32
      %dma_start3A_1189 = tpu.memref_slice %arg5[%squeeze3A_1174, %dma_start3A_1188] : memref<1000000x32xf32, #tpu.memory_space<hbm>> -> memref<1x32xf32, #tpu.memory_space<hbm>>
      %dma_start3A_1190 = arith.constant 26 : i32
      %dma_start3A_1191 = arith.constant 0 : i32
      %dma_start3A_1192 = tpu.memref_slice %arg15[%dma_start3A_1190, %dma_start3A_1191] : memref<64x32xf32, #tpu.memory_space<vmem>> -> memref<1x32xf32, #tpu.memory_space<vmem>>
      %dma_start3A_1193 = arith.constant 0 : i32
      %dma_start3A_1194 = tpu.memref_slice %arg5[%squeeze3A_1174, %dma_start3A_1193] : memref<1000000x32xf32, #tpu.memory_space<hbm>> -> memref<1x32xf32, #tpu.memory_space<hbm>>
      tpu.enqueue_dma source(%dma_start3A_1194 : memref<1x32xf32, #tpu.memory_space<hbm>>) target(%dma_start3A_1192 : memref<1x32xf32, #tpu.memory_space<vmem>>) target_semaphore(%arg18 : memref<!tpu.dma_semaphore, #tpu.memory_space<semaphore_mem>>)
      %dma_start3A_1195 = arith.constant 26 : i32
      %dma_start3A_1196 = arith.constant 0 : i32
      %dma_start3A_1197 = tpu.memref_slice %arg16[%dma_start3A_1195, %dma_start3A_1196] : memref<64x32xf32, #tpu.memory_space<vmem>> -> memref<1x32xf32, #tpu.memory_space<vmem>>
      %dma_start3A_1198 = arith.constant 0 : i32
      %dma_start3A_1199 = tpu.memref_slice %arg6[%squeeze3A_1172, %dma_start3A_1198] : memref<1000000x32xf32, #tpu.memory_space<hbm>> -> memref<1x32xf32, #tpu.memory_space<hbm>>
      %dma_start3A_1200 = arith.constant 26 : i32
      %dma_start3A_1201 = arith.constant 0 : i32
      %dma_start3A_1202 = tpu.memref_slice %arg16[%dma_start3A_1200, %dma_start3A_1201] : memref<64x32xf32, #tpu.memory_space<vmem>> -> memref<1x32xf32, #tpu.memory_space<vmem>>
      %dma_start3A_1203 = arith.constant 0 : i32
      %dma_start3A_1204 = tpu.memref_slice %arg6[%squeeze3A_1172, %dma_start3A_1203] : memref<1000000x32xf32, #tpu.memory_space<hbm>> -> memref<1x32xf32, #tpu.memory_space<hbm>>
      tpu.enqueue_dma source(%dma_start3A_1204 : memref<1x32xf32, #tpu.memory_space<hbm>>) target(%dma_start3A_1202 : memref<1x32xf32, #tpu.memory_space<vmem>>) target_semaphore(%arg18 : memref<!tpu.dma_semaphore, #tpu.memory_space<semaphore_mem>>)
      %dma_start3A_1205 = arith.constant 26 : i32
      %dma_start3A_1206 = arith.constant 0 : i32
      %dma_start3A_1207 = tpu.memref_slice %arg17[%dma_start3A_1205, %dma_start3A_1206] : memref<64x32xf32, #tpu.memory_space<vmem>> -> memref<1x32xf32, #tpu.memory_space<vmem>>
      %dma_start3A_1208 = arith.constant 0 : i32
      %dma_start3A_1209 = tpu.memref_slice %arg7[%squeeze3A_1174, %dma_start3A_1208] : memref<1000000x32xf32, #tpu.memory_space<hbm>> -> memref<1x32xf32, #tpu.memory_space<hbm>>
      %dma_start3A_1210 = arith.constant 26 : i32
      %dma_start3A_1211 = arith.constant 0 : i32
      %dma_start3A_1212 = tpu.memref_slice %arg17[%dma_start3A_1210, %dma_start3A_1211] : memref<64x32xf32, #tpu.memory_space<vmem>> -> memref<1x32xf32, #tpu.memory_space<vmem>>
      %dma_start3A_1213 = arith.constant 0 : i32
      %dma_start3A_1214 = tpu.memref_slice %arg7[%squeeze3A_1174, %dma_start3A_1213] : memref<1000000x32xf32, #tpu.memory_space<hbm>> -> memref<1x32xf32, #tpu.memory_space<hbm>>
      tpu.enqueue_dma source(%dma_start3A_1214 : memref<1x32xf32, #tpu.memory_space<hbm>>) target(%dma_start3A_1212 : memref<1x32xf32, #tpu.memory_space<vmem>>) target_semaphore(%arg18 : memref<!tpu.dma_semaphore, #tpu.memory_space<semaphore_mem>>)
      %slice3A_1215 = vector.extract_strided_slice %get3A_725 {offsets = [11], sizes = [1], strides = [1]} : vector<16xi32> to vector<1xi32>
      %squeeze3A_1216 = vector.extract %slice3A_1215[0] : i32 from vector<1xi32>
      %slice3A_1217 = vector.extract_strided_slice %get3A_730 {offsets = [11], sizes = [1], strides = [1]} : vector<16xi32> to vector<1xi32>
      %squeeze3A_1218 = vector.extract %slice3A_1217[0] : i32 from vector<1xi32>
      %dma_start3A_1219 = arith.constant 27 : i32
      %dma_start3A_1220 = arith.constant 0 : i32
      %dma_start3A_1221 = tpu.memref_slice %arg14[%dma_start3A_1219, %dma_start3A_1220] : memref<64x32xf32, #tpu.memory_space<vmem>> -> memref<1x32xf32, #tpu.memory_space<vmem>>
      %dma_start3A_1222 = arith.constant 0 : i32
      %dma_start3A_1223 = tpu.memref_slice %arg4[%squeeze3A_1216, %dma_start3A_1222] : memref<1000000x32xf32, #tpu.memory_space<hbm>> -> memref<1x32xf32, #tpu.memory_space<hbm>>
      %dma_start3A_1224 = arith.constant 27 : i32
      %dma_start3A_1225 = arith.constant 0 : i32
      %dma_start3A_1226 = tpu.memref_slice %arg14[%dma_start3A_1224, %dma_start3A_1225] : memref<64x32xf32, #tpu.memory_space<vmem>> -> memref<1x32xf32, #tpu.memory_space<vmem>>
      %dma_start3A_1227 = arith.constant 0 : i32
      %dma_start3A_1228 = tpu.memref_slice %arg4[%squeeze3A_1216, %dma_start3A_1227] : memref<1000000x32xf32, #tpu.memory_space<hbm>> -> memref<1x32xf32, #tpu.memory_space<hbm>>
      tpu.enqueue_dma source(%dma_start3A_1228 : memref<1x32xf32, #tpu.memory_space<hbm>>) target(%dma_start3A_1226 : memref<1x32xf32, #tpu.memory_space<vmem>>) target_semaphore(%arg18 : memref<!tpu.dma_semaphore, #tpu.memory_space<semaphore_mem>>)
      %dma_start3A_1229 = arith.constant 27 : i32
      %dma_start3A_1230 = arith.constant 0 : i32
      %dma_start3A_1231 = tpu.memref_slice %arg15[%dma_start3A_1229, %dma_start3A_1230] : memref<64x32xf32, #tpu.memory_space<vmem>> -> memref<1x32xf32, #tpu.memory_space<vmem>>
      %dma_start3A_1232 = arith.constant 0 : i32
      %dma_start3A_1233 = tpu.memref_slice %arg5[%squeeze3A_1218, %dma_start3A_1232] : memref<1000000x32xf32, #tpu.memory_space<hbm>> -> memref<1x32xf32, #tpu.memory_space<hbm>>
      %dma_start3A_1234 = arith.constant 27 : i32
      %dma_start3A_1235 = arith.constant 0 : i32
      %dma_start3A_1236 = tpu.memref_slice %arg15[%dma_start3A_1234, %dma_start3A_1235] : memref<64x32xf32, #tpu.memory_space<vmem>> -> memref<1x32xf32, #tpu.memory_space<vmem>>
      %dma_start3A_1237 = arith.constant 0 : i32
      %dma_start3A_1238 = tpu.memref_slice %arg5[%squeeze3A_1218, %dma_start3A_1237] : memref<1000000x32xf32, #tpu.memory_space<hbm>> -> memref<1x32xf32, #tpu.memory_space<hbm>>
      tpu.enqueue_dma source(%dma_start3A_1238 : memref<1x32xf32, #tpu.memory_space<hbm>>) target(%dma_start3A_1236 : memref<1x32xf32, #tpu.memory_space<vmem>>) target_semaphore(%arg18 : memref<!tpu.dma_semaphore, #tpu.memory_space<semaphore_mem>>)
      %dma_start3A_1239 = arith.constant 27 : i32
      %dma_start3A_1240 = arith.constant 0 : i32
      %dma_start3A_1241 = tpu.memref_slice %arg16[%dma_start3A_1239, %dma_start3A_1240] : memref<64x32xf32, #tpu.memory_space<vmem>> -> memref<1x32xf32, #tpu.memory_space<vmem>>
      %dma_start3A_1242 = arith.constant 0 : i32
      %dma_start3A_1243 = tpu.memref_slice %arg6[%squeeze3A_1216, %dma_start3A_1242] : memref<1000000x32xf32, #tpu.memory_space<hbm>> -> memref<1x32xf32, #tpu.memory_space<hbm>>
      %dma_start3A_1244 = arith.constant 27 : i32
      %dma_start3A_1245 = arith.constant 0 : i32
      %dma_start3A_1246 = tpu.memref_slice %arg16[%dma_start3A_1244, %dma_start3A_1245] : memref<64x32xf32, #tpu.memory_space<vmem>> -> memref<1x32xf32, #tpu.memory_space<vmem>>
      %dma_start3A_1247 = arith.constant 0 : i32
      %dma_start3A_1248 = tpu.memref_slice %arg6[%squeeze3A_1216, %dma_start3A_1247] : memref<1000000x32xf32, #tpu.memory_space<hbm>> -> memref<1x32xf32, #tpu.memory_space<hbm>>
      tpu.enqueue_dma source(%dma_start3A_1248 : memref<1x32xf32, #tpu.memory_space<hbm>>) target(%dma_start3A_1246 : memref<1x32xf32, #tpu.memory_space<vmem>>) target_semaphore(%arg18 : memref<!tpu.dma_semaphore, #tpu.memory_space<semaphore_mem>>)
      %dma_start3A_1249 = arith.constant 27 : i32
      %dma_start3A_1250 = arith.constant 0 : i32
      %dma_start3A_1251 = tpu.memref_slice %arg17[%dma_start3A_1249, %dma_start3A_1250] : memref<64x32xf32, #tpu.memory_space<vmem>> -> memref<1x32xf32, #tpu.memory_space<vmem>>
      %dma_start3A_1252 = arith.constant 0 : i32
      %dma_start3A_1253 = tpu.memref_slice %arg7[%squeeze3A_1218, %dma_start3A_1252] : memref<1000000x32xf32, #tpu.memory_space<hbm>> -> memref<1x32xf32, #tpu.memory_space<hbm>>
      %dma_start3A_1254 = arith.constant 27 : i32
      %dma_start3A_1255 = arith.constant 0 : i32
      %dma_start3A_1256 = tpu.memref_slice %arg17[%dma_start3A_1254, %dma_start3A_1255] : memref<64x32xf32, #tpu.memory_space<vmem>> -> memref<1x32xf32, #tpu.memory_space<vmem>>
      %dma_start3A_1257 = arith.constant 0 : i32
      %dma_start3A_1258 = tpu.memref_slice %arg7[%squeeze3A_1218, %dma_start3A_1257] : memref<1000000x32xf32, #tpu.memory_space<hbm>> -> memref<1x32xf32, #tpu.memory_space<hbm>>
      tpu.enqueue_dma source(%dma_start3A_1258 : memref<1x32xf32, #tpu.memory_space<hbm>>) target(%dma_start3A_1256 : memref<1x32xf32, #tpu.memory_space<vmem>>) target_semaphore(%arg18 : memref<!tpu.dma_semaphore, #tpu.memory_space<semaphore_mem>>)
      %slice3A_1259 = vector.extract_strided_slice %get3A_725 {offsets = [12], sizes = [1], strides = [1]} : vector<16xi32> to vector<1xi32>
      %squeeze3A_1260 = vector.extract %slice3A_1259[0] : i32 from vector<1xi32>
      %slice3A_1261 = vector.extract_strided_slice %get3A_730 {offsets = [12], sizes = [1], strides = [1]} : vector<16xi32> to vector<1xi32>
      %squeeze3A_1262 = vector.extract %slice3A_1261[0] : i32 from vector<1xi32>
      %dma_start3A_1263 = arith.constant 28 : i32
      %dma_start3A_1264 = arith.constant 0 : i32
      %dma_start3A_1265 = tpu.memref_slice %arg14[%dma_start3A_1263, %dma_start3A_1264] : memref<64x32xf32, #tpu.memory_space<vmem>> -> memref<1x32xf32, #tpu.memory_space<vmem>>
      %dma_start3A_1266 = arith.constant 0 : i32
      %dma_start3A_1267 = tpu.memref_slice %arg4[%squeeze3A_1260, %dma_start3A_1266] : memref<1000000x32xf32, #tpu.memory_space<hbm>> -> memref<1x32xf32, #tpu.memory_space<hbm>>
      %dma_start3A_1268 = arith.constant 28 : i32
      %dma_start3A_1269 = arith.constant 0 : i32
      %dma_start3A_1270 = tpu.memref_slice %arg14[%dma_start3A_1268, %dma_start3A_1269] : memref<64x32xf32, #tpu.memory_space<vmem>> -> memref<1x32xf32, #tpu.memory_space<vmem>>
      %dma_start3A_1271 = arith.constant 0 : i32
      %dma_start3A_1272 = tpu.memref_slice %arg4[%squeeze3A_1260, %dma_start3A_1271] : memref<1000000x32xf32, #tpu.memory_space<hbm>> -> memref<1x32xf32, #tpu.memory_space<hbm>>
      tpu.enqueue_dma source(%dma_start3A_1272 : memref<1x32xf32, #tpu.memory_space<hbm>>) target(%dma_start3A_1270 : memref<1x32xf32, #tpu.memory_space<vmem>>) target_semaphore(%arg18 : memref<!tpu.dma_semaphore, #tpu.memory_space<semaphore_mem>>)
      %dma_start3A_1273 = arith.constant 28 : i32
      %dma_start3A_1274 = arith.constant 0 : i32
      %dma_start3A_1275 = tpu.memref_slice %arg15[%dma_start3A_1273, %dma_start3A_1274] : memref<64x32xf32, #tpu.memory_space<vmem>> -> memref<1x32xf32, #tpu.memory_space<vmem>>
      %dma_start3A_1276 = arith.constant 0 : i32
      %dma_start3A_1277 = tpu.memref_slice %arg5[%squeeze3A_1262, %dma_start3A_1276] : memref<1000000x32xf32, #tpu.memory_space<hbm>> -> memref<1x32xf32, #tpu.memory_space<hbm>>
      %dma_start3A_1278 = arith.constant 28 : i32
      %dma_start3A_1279 = arith.constant 0 : i32
      %dma_start3A_1280 = tpu.memref_slice %arg15[%dma_start3A_1278, %dma_start3A_1279] : memref<64x32xf32, #tpu.memory_space<vmem>> -> memref<1x32xf32, #tpu.memory_space<vmem>>
      %dma_start3A_1281 = arith.constant 0 : i32
      %dma_start3A_1282 = tpu.memref_slice %arg5[%squeeze3A_1262, %dma_start3A_1281] : memref<1000000x32xf32, #tpu.memory_space<hbm>> -> memref<1x32xf32, #tpu.memory_space<hbm>>
      tpu.enqueue_dma source(%dma_start3A_1282 : memref<1x32xf32, #tpu.memory_space<hbm>>) target(%dma_start3A_1280 : memref<1x32xf32, #tpu.memory_space<vmem>>) target_semaphore(%arg18 : memref<!tpu.dma_semaphore, #tpu.memory_space<semaphore_mem>>)
      %dma_start3A_1283 = arith.constant 28 : i32
      %dma_start3A_1284 = arith.constant 0 : i32
      %dma_start3A_1285 = tpu.memref_slice %arg16[%dma_start3A_1283, %dma_start3A_1284] : memref<64x32xf32, #tpu.memory_space<vmem>> -> memref<1x32xf32, #tpu.memory_space<vmem>>
      %dma_start3A_1286 = arith.constant 0 : i32
      %dma_start3A_1287 = tpu.memref_slice %arg6[%squeeze3A_1260, %dma_start3A_1286] : memref<1000000x32xf32, #tpu.memory_space<hbm>> -> memref<1x32xf32, #tpu.memory_space<hbm>>
      %dma_start3A_1288 = arith.constant 28 : i32
      %dma_start3A_1289 = arith.constant 0 : i32
      %dma_start3A_1290 = tpu.memref_slice %arg16[%dma_start3A_1288, %dma_start3A_1289] : memref<64x32xf32, #tpu.memory_space<vmem>> -> memref<1x32xf32, #tpu.memory_space<vmem>>
      %dma_start3A_1291 = arith.constant 0 : i32
      %dma_start3A_1292 = tpu.memref_slice %arg6[%squeeze3A_1260, %dma_start3A_1291] : memref<1000000x32xf32, #tpu.memory_space<hbm>> -> memref<1x32xf32, #tpu.memory_space<hbm>>
      tpu.enqueue_dma source(%dma_start3A_1292 : memref<1x32xf32, #tpu.memory_space<hbm>>) target(%dma_start3A_1290 : memref<1x32xf32, #tpu.memory_space<vmem>>) target_semaphore(%arg18 : memref<!tpu.dma_semaphore, #tpu.memory_space<semaphore_mem>>)
      %dma_start3A_1293 = arith.constant 28 : i32
      %dma_start3A_1294 = arith.constant 0 : i32
      %dma_start3A_1295 = tpu.memref_slice %arg17[%dma_start3A_1293, %dma_start3A_1294] : memref<64x32xf32, #tpu.memory_space<vmem>> -> memref<1x32xf32, #tpu.memory_space<vmem>>
      %dma_start3A_1296 = arith.constant 0 : i32
      %dma_start3A_1297 = tpu.memref_slice %arg7[%squeeze3A_1262, %dma_start3A_1296] : memref<1000000x32xf32, #tpu.memory_space<hbm>> -> memref<1x32xf32, #tpu.memory_space<hbm>>
      %dma_start3A_1298 = arith.constant 28 : i32
      %dma_start3A_1299 = arith.constant 0 : i32
      %dma_start3A_1300 = tpu.memref_slice %arg17[%dma_start3A_1298, %dma_start3A_1299] : memref<64x32xf32, #tpu.memory_space<vmem>> -> memref<1x32xf32, #tpu.memory_space<vmem>>
      %dma_start3A_1301 = arith.constant 0 : i32
      %dma_start3A_1302 = tpu.memref_slice %arg7[%squeeze3A_1262, %dma_start3A_1301] : memref<1000000x32xf32, #tpu.memory_space<hbm>> -> memref<1x32xf32, #tpu.memory_space<hbm>>
      tpu.enqueue_dma source(%dma_start3A_1302 : memref<1x32xf32, #tpu.memory_space<hbm>>) target(%dma_start3A_1300 : memref<1x32xf32, #tpu.memory_space<vmem>>) target_semaphore(%arg18 : memref<!tpu.dma_semaphore, #tpu.memory_space<semaphore_mem>>)
      %slice3A_1303 = vector.extract_strided_slice %get3A_725 {offsets = [13], sizes = [1], strides = [1]} : vector<16xi32> to vector<1xi32>
      %squeeze3A_1304 = vector.extract %slice3A_1303[0] : i32 from vector<1xi32>
      %slice3A_1305 = vector.extract_strided_slice %get3A_730 {offsets = [13], sizes = [1], strides = [1]} : vector<16xi32> to vector<1xi32>
      %squeeze3A_1306 = vector.extract %slice3A_1305[0] : i32 from vector<1xi32>
      %dma_start3A_1307 = arith.constant 29 : i32
      %dma_start3A_1308 = arith.constant 0 : i32
      %dma_start3A_1309 = tpu.memref_slice %arg14[%dma_start3A_1307, %dma_start3A_1308] : memref<64x32xf32, #tpu.memory_space<vmem>> -> memref<1x32xf32, #tpu.memory_space<vmem>>
      %dma_start3A_1310 = arith.constant 0 : i32
      %dma_start3A_1311 = tpu.memref_slice %arg4[%squeeze3A_1304, %dma_start3A_1310] : memref<1000000x32xf32, #tpu.memory_space<hbm>> -> memref<1x32xf32, #tpu.memory_space<hbm>>
      %dma_start3A_1312 = arith.constant 29 : i32
      %dma_start3A_1313 = arith.constant 0 : i32
      %dma_start3A_1314 = tpu.memref_slice %arg14[%dma_start3A_1312, %dma_start3A_1313] : memref<64x32xf32, #tpu.memory_space<vmem>> -> memref<1x32xf32, #tpu.memory_space<vmem>>
      %dma_start3A_1315 = arith.constant 0 : i32
      %dma_start3A_1316 = tpu.memref_slice %arg4[%squeeze3A_1304, %dma_start3A_1315] : memref<1000000x32xf32, #tpu.memory_space<hbm>> -> memref<1x32xf32, #tpu.memory_space<hbm>>
      tpu.enqueue_dma source(%dma_start3A_1316 : memref<1x32xf32, #tpu.memory_space<hbm>>) target(%dma_start3A_1314 : memref<1x32xf32, #tpu.memory_space<vmem>>) target_semaphore(%arg18 : memref<!tpu.dma_semaphore, #tpu.memory_space<semaphore_mem>>)
      %dma_start3A_1317 = arith.constant 29 : i32
      %dma_start3A_1318 = arith.constant 0 : i32
      %dma_start3A_1319 = tpu.memref_slice %arg15[%dma_start3A_1317, %dma_start3A_1318] : memref<64x32xf32, #tpu.memory_space<vmem>> -> memref<1x32xf32, #tpu.memory_space<vmem>>
      %dma_start3A_1320 = arith.constant 0 : i32
      %dma_start3A_1321 = tpu.memref_slice %arg5[%squeeze3A_1306, %dma_start3A_1320] : memref<1000000x32xf32, #tpu.memory_space<hbm>> -> memref<1x32xf32, #tpu.memory_space<hbm>>
      %dma_start3A_1322 = arith.constant 29 : i32
      %dma_start3A_1323 = arith.constant 0 : i32
      %dma_start3A_1324 = tpu.memref_slice %arg15[%dma_start3A_1322, %dma_start3A_1323] : memref<64x32xf32, #tpu.memory_space<vmem>> -> memref<1x32xf32, #tpu.memory_space<vmem>>
      %dma_start3A_1325 = arith.constant 0 : i32
      %dma_start3A_1326 = tpu.memref_slice %arg5[%squeeze3A_1306, %dma_start3A_1325] : memref<1000000x32xf32, #tpu.memory_space<hbm>> -> memref<1x32xf32, #tpu.memory_space<hbm>>
      tpu.enqueue_dma source(%dma_start3A_1326 : memref<1x32xf32, #tpu.memory_space<hbm>>) target(%dma_start3A_1324 : memref<1x32xf32, #tpu.memory_space<vmem>>) target_semaphore(%arg18 : memref<!tpu.dma_semaphore, #tpu.memory_space<semaphore_mem>>)
      %dma_start3A_1327 = arith.constant 29 : i32
      %dma_start3A_1328 = arith.constant 0 : i32
      %dma_start3A_1329 = tpu.memref_slice %arg16[%dma_start3A_1327, %dma_start3A_1328] : memref<64x32xf32, #tpu.memory_space<vmem>> -> memref<1x32xf32, #tpu.memory_space<vmem>>
      %dma_start3A_1330 = arith.constant 0 : i32
      %dma_start3A_1331 = tpu.memref_slice %arg6[%squeeze3A_1304, %dma_start3A_1330] : memref<1000000x32xf32, #tpu.memory_space<hbm>> -> memref<1x32xf32, #tpu.memory_space<hbm>>
      %dma_start3A_1332 = arith.constant 29 : i32
      %dma_start3A_1333 = arith.constant 0 : i32
      %dma_start3A_1334 = tpu.memref_slice %arg16[%dma_start3A_1332, %dma_start3A_1333] : memref<64x32xf32, #tpu.memory_space<vmem>> -> memref<1x32xf32, #tpu.memory_space<vmem>>
      %dma_start3A_1335 = arith.constant 0 : i32
      %dma_start3A_1336 = tpu.memref_slice %arg6[%squeeze3A_1304, %dma_start3A_1335] : memref<1000000x32xf32, #tpu.memory_space<hbm>> -> memref<1x32xf32, #tpu.memory_space<hbm>>
      tpu.enqueue_dma source(%dma_start3A_1336 : memref<1x32xf32, #tpu.memory_space<hbm>>) target(%dma_start3A_1334 : memref<1x32xf32, #tpu.memory_space<vmem>>) target_semaphore(%arg18 : memref<!tpu.dma_semaphore, #tpu.memory_space<semaphore_mem>>)
      %dma_start3A_1337 = arith.constant 29 : i32
      %dma_start3A_1338 = arith.constant 0 : i32
      %dma_start3A_1339 = tpu.memref_slice %arg17[%dma_start3A_1337, %dma_start3A_1338] : memref<64x32xf32, #tpu.memory_space<vmem>> -> memref<1x32xf32, #tpu.memory_space<vmem>>
      %dma_start3A_1340 = arith.constant 0 : i32
      %dma_start3A_1341 = tpu.memref_slice %arg7[%squeeze3A_1306, %dma_start3A_1340] : memref<1000000x32xf32, #tpu.memory_space<hbm>> -> memref<1x32xf32, #tpu.memory_space<hbm>>
      %dma_start3A_1342 = arith.constant 29 : i32
      %dma_start3A_1343 = arith.constant 0 : i32
      %dma_start3A_1344 = tpu.memref_slice %arg17[%dma_start3A_1342, %dma_start3A_1343] : memref<64x32xf32, #tpu.memory_space<vmem>> -> memref<1x32xf32, #tpu.memory_space<vmem>>
      %dma_start3A_1345 = arith.constant 0 : i32
      %dma_start3A_1346 = tpu.memref_slice %arg7[%squeeze3A_1306, %dma_start3A_1345] : memref<1000000x32xf32, #tpu.memory_space<hbm>> -> memref<1x32xf32, #tpu.memory_space<hbm>>
      tpu.enqueue_dma source(%dma_start3A_1346 : memref<1x32xf32, #tpu.memory_space<hbm>>) target(%dma_start3A_1344 : memref<1x32xf32, #tpu.memory_space<vmem>>) target_semaphore(%arg18 : memref<!tpu.dma_semaphore, #tpu.memory_space<semaphore_mem>>)
      %slice3A_1347 = vector.extract_strided_slice %get3A_725 {offsets = [14], sizes = [1], strides = [1]} : vector<16xi32> to vector<1xi32>
      %squeeze3A_1348 = vector.extract %slice3A_1347[0] : i32 from vector<1xi32>
      %slice3A_1349 = vector.extract_strided_slice %get3A_730 {offsets = [14], sizes = [1], strides = [1]} : vector<16xi32> to vector<1xi32>
      %squeeze3A_1350 = vector.extract %slice3A_1349[0] : i32 from vector<1xi32>
      %dma_start3A_1351 = arith.constant 30 : i32
      %dma_start3A_1352 = arith.constant 0 : i32
      %dma_start3A_1353 = tpu.memref_slice %arg14[%dma_start3A_1351, %dma_start3A_1352] : memref<64x32xf32, #tpu.memory_space<vmem>> -> memref<1x32xf32, #tpu.memory_space<vmem>>
      %dma_start3A_1354 = arith.constant 0 : i32
      %dma_start3A_1355 = tpu.memref_slice %arg4[%squeeze3A_1348, %dma_start3A_1354] : memref<1000000x32xf32, #tpu.memory_space<hbm>> -> memref<1x32xf32, #tpu.memory_space<hbm>>
      %dma_start3A_1356 = arith.constant 30 : i32
      %dma_start3A_1357 = arith.constant 0 : i32
      %dma_start3A_1358 = tpu.memref_slice %arg14[%dma_start3A_1356, %dma_start3A_1357] : memref<64x32xf32, #tpu.memory_space<vmem>> -> memref<1x32xf32, #tpu.memory_space<vmem>>
      %dma_start3A_1359 = arith.constant 0 : i32
      %dma_start3A_1360 = tpu.memref_slice %arg4[%squeeze3A_1348, %dma_start3A_1359] : memref<1000000x32xf32, #tpu.memory_space<hbm>> -> memref<1x32xf32, #tpu.memory_space<hbm>>
      tpu.enqueue_dma source(%dma_start3A_1360 : memref<1x32xf32, #tpu.memory_space<hbm>>) target(%dma_start3A_1358 : memref<1x32xf32, #tpu.memory_space<vmem>>) target_semaphore(%arg18 : memref<!tpu.dma_semaphore, #tpu.memory_space<semaphore_mem>>)
      %dma_start3A_1361 = arith.constant 30 : i32
      %dma_start3A_1362 = arith.constant 0 : i32
      %dma_start3A_1363 = tpu.memref_slice %arg15[%dma_start3A_1361, %dma_start3A_1362] : memref<64x32xf32, #tpu.memory_space<vmem>> -> memref<1x32xf32, #tpu.memory_space<vmem>>
      %dma_start3A_1364 = arith.constant 0 : i32
      %dma_start3A_1365 = tpu.memref_slice %arg5[%squeeze3A_1350, %dma_start3A_1364] : memref<1000000x32xf32, #tpu.memory_space<hbm>> -> memref<1x32xf32, #tpu.memory_space<hbm>>
      %dma_start3A_1366 = arith.constant 30 : i32
      %dma_start3A_1367 = arith.constant 0 : i32
      %dma_start3A_1368 = tpu.memref_slice %arg15[%dma_start3A_1366, %dma_start3A_1367] : memref<64x32xf32, #tpu.memory_space<vmem>> -> memref<1x32xf32, #tpu.memory_space<vmem>>
      %dma_start3A_1369 = arith.constant 0 : i32
      %dma_start3A_1370 = tpu.memref_slice %arg5[%squeeze3A_1350, %dma_start3A_1369] : memref<1000000x32xf32, #tpu.memory_space<hbm>> -> memref<1x32xf32, #tpu.memory_space<hbm>>
      tpu.enqueue_dma source(%dma_start3A_1370 : memref<1x32xf32, #tpu.memory_space<hbm>>) target(%dma_start3A_1368 : memref<1x32xf32, #tpu.memory_space<vmem>>) target_semaphore(%arg18 : memref<!tpu.dma_semaphore, #tpu.memory_space<semaphore_mem>>)
      %dma_start3A_1371 = arith.constant 30 : i32
      %dma_start3A_1372 = arith.constant 0 : i32
      %dma_start3A_1373 = tpu.memref_slice %arg16[%dma_start3A_1371, %dma_start3A_1372] : memref<64x32xf32, #tpu.memory_space<vmem>> -> memref<1x32xf32, #tpu.memory_space<vmem>>
      %dma_start3A_1374 = arith.constant 0 : i32
      %dma_start3A_1375 = tpu.memref_slice %arg6[%squeeze3A_1348, %dma_start3A_1374] : memref<1000000x32xf32, #tpu.memory_space<hbm>> -> memref<1x32xf32, #tpu.memory_space<hbm>>
      %dma_start3A_1376 = arith.constant 30 : i32
      %dma_start3A_1377 = arith.constant 0 : i32
      %dma_start3A_1378 = tpu.memref_slice %arg16[%dma_start3A_1376, %dma_start3A_1377] : memref<64x32xf32, #tpu.memory_space<vmem>> -> memref<1x32xf32, #tpu.memory_space<vmem>>
      %dma_start3A_1379 = arith.constant 0 : i32
      %dma_start3A_1380 = tpu.memref_slice %arg6[%squeeze3A_1348, %dma_start3A_1379] : memref<1000000x32xf32, #tpu.memory_space<hbm>> -> memref<1x32xf32, #tpu.memory_space<hbm>>
      tpu.enqueue_dma source(%dma_start3A_1380 : memref<1x32xf32, #tpu.memory_space<hbm>>) target(%dma_start3A_1378 : memref<1x32xf32, #tpu.memory_space<vmem>>) target_semaphore(%arg18 : memref<!tpu.dma_semaphore, #tpu.memory_space<semaphore_mem>>)
      %dma_start3A_1381 = arith.constant 30 : i32
      %dma_start3A_1382 = arith.constant 0 : i32
      %dma_start3A_1383 = tpu.memref_slice %arg17[%dma_start3A_1381, %dma_start3A_1382] : memref<64x32xf32, #tpu.memory_space<vmem>> -> memref<1x32xf32, #tpu.memory_space<vmem>>
      %dma_start3A_1384 = arith.constant 0 : i32
      %dma_start3A_1385 = tpu.memref_slice %arg7[%squeeze3A_1350, %dma_start3A_1384] : memref<1000000x32xf32, #tpu.memory_space<hbm>> -> memref<1x32xf32, #tpu.memory_space<hbm>>
      %dma_start3A_1386 = arith.constant 30 : i32
      %dma_start3A_1387 = arith.constant 0 : i32
      %dma_start3A_1388 = tpu.memref_slice %arg17[%dma_start3A_1386, %dma_start3A_1387] : memref<64x32xf32, #tpu.memory_space<vmem>> -> memref<1x32xf32, #tpu.memory_space<vmem>>
      %dma_start3A_1389 = arith.constant 0 : i32
      %dma_start3A_1390 = tpu.memref_slice %arg7[%squeeze3A_1350, %dma_start3A_1389] : memref<1000000x32xf32, #tpu.memory_space<hbm>> -> memref<1x32xf32, #tpu.memory_space<hbm>>
      tpu.enqueue_dma source(%dma_start3A_1390 : memref<1x32xf32, #tpu.memory_space<hbm>>) target(%dma_start3A_1388 : memref<1x32xf32, #tpu.memory_space<vmem>>) target_semaphore(%arg18 : memref<!tpu.dma_semaphore, #tpu.memory_space<semaphore_mem>>)
      %slice3A_1391 = vector.extract_strided_slice %get3A_725 {offsets = [15], sizes = [1], strides = [1]} : vector<16xi32> to vector<1xi32>
      %squeeze3A_1392 = vector.extract %slice3A_1391[0] : i32 from vector<1xi32>
      %slice3A_1393 = vector.extract_strided_slice %get3A_730 {offsets = [15], sizes = [1], strides = [1]} : vector<16xi32> to vector<1xi32>
      %squeeze3A_1394 = vector.extract %slice3A_1393[0] : i32 from vector<1xi32>
      %dma_start3A_1395 = arith.constant 31 : i32
      %dma_start3A_1396 = arith.constant 0 : i32
      %dma_start3A_1397 = tpu.memref_slice %arg14[%dma_start3A_1395, %dma_start3A_1396] : memref<64x32xf32, #tpu.memory_space<vmem>> -> memref<1x32xf32, #tpu.memory_space<vmem>>
      %dma_start3A_1398 = arith.constant 0 : i32
      %dma_start3A_1399 = tpu.memref_slice %arg4[%squeeze3A_1392, %dma_start3A_1398] : memref<1000000x32xf32, #tpu.memory_space<hbm>> -> memref<1x32xf32, #tpu.memory_space<hbm>>
      %dma_start3A_1400 = arith.constant 31 : i32
      %dma_start3A_1401 = arith.constant 0 : i32
      %dma_start3A_1402 = tpu.memref_slice %arg14[%dma_start3A_1400, %dma_start3A_1401] : memref<64x32xf32, #tpu.memory_space<vmem>> -> memref<1x32xf32, #tpu.memory_space<vmem>>
      %dma_start3A_1403 = arith.constant 0 : i32
      %dma_start3A_1404 = tpu.memref_slice %arg4[%squeeze3A_1392, %dma_start3A_1403] : memref<1000000x32xf32, #tpu.memory_space<hbm>> -> memref<1x32xf32, #tpu.memory_space<hbm>>
      tpu.enqueue_dma source(%dma_start3A_1404 : memref<1x32xf32, #tpu.memory_space<hbm>>) target(%dma_start3A_1402 : memref<1x32xf32, #tpu.memory_space<vmem>>) target_semaphore(%arg18 : memref<!tpu.dma_semaphore, #tpu.memory_space<semaphore_mem>>)
      %dma_start3A_1405 = arith.constant 31 : i32
      %dma_start3A_1406 = arith.constant 0 : i32
      %dma_start3A_1407 = tpu.memref_slice %arg15[%dma_start3A_1405, %dma_start3A_1406] : memref<64x32xf32, #tpu.memory_space<vmem>> -> memref<1x32xf32, #tpu.memory_space<vmem>>
      %dma_start3A_1408 = arith.constant 0 : i32
      %dma_start3A_1409 = tpu.memref_slice %arg5[%squeeze3A_1394, %dma_start3A_1408] : memref<1000000x32xf32, #tpu.memory_space<hbm>> -> memref<1x32xf32, #tpu.memory_space<hbm>>
      %dma_start3A_1410 = arith.constant 31 : i32
      %dma_start3A_1411 = arith.constant 0 : i32
      %dma_start3A_1412 = tpu.memref_slice %arg15[%dma_start3A_1410, %dma_start3A_1411] : memref<64x32xf32, #tpu.memory_space<vmem>> -> memref<1x32xf32, #tpu.memory_space<vmem>>
      %dma_start3A_1413 = arith.constant 0 : i32
      %dma_start3A_1414 = tpu.memref_slice %arg5[%squeeze3A_1394, %dma_start3A_1413] : memref<1000000x32xf32, #tpu.memory_space<hbm>> -> memref<1x32xf32, #tpu.memory_space<hbm>>
      tpu.enqueue_dma source(%dma_start3A_1414 : memref<1x32xf32, #tpu.memory_space<hbm>>) target(%dma_start3A_1412 : memref<1x32xf32, #tpu.memory_space<vmem>>) target_semaphore(%arg18 : memref<!tpu.dma_semaphore, #tpu.memory_space<semaphore_mem>>)
      %dma_start3A_1415 = arith.constant 31 : i32
      %dma_start3A_1416 = arith.constant 0 : i32
      %dma_start3A_1417 = tpu.memref_slice %arg16[%dma_start3A_1415, %dma_start3A_1416] : memref<64x32xf32, #tpu.memory_space<vmem>> -> memref<1x32xf32, #tpu.memory_space<vmem>>
      %dma_start3A_1418 = arith.constant 0 : i32
      %dma_start3A_1419 = tpu.memref_slice %arg6[%squeeze3A_1392, %dma_start3A_1418] : memref<1000000x32xf32, #tpu.memory_space<hbm>> -> memref<1x32xf32, #tpu.memory_space<hbm>>
      %dma_start3A_1420 = arith.constant 31 : i32
      %dma_start3A_1421 = arith.constant 0 : i32
      %dma_start3A_1422 = tpu.memref_slice %arg16[%dma_start3A_1420, %dma_start3A_1421] : memref<64x32xf32, #tpu.memory_space<vmem>> -> memref<1x32xf32, #tpu.memory_space<vmem>>
      %dma_start3A_1423 = arith.constant 0 : i32
      %dma_start3A_1424 = tpu.memref_slice %arg6[%squeeze3A_1392, %dma_start3A_1423] : memref<1000000x32xf32, #tpu.memory_space<hbm>> -> memref<1x32xf32, #tpu.memory_space<hbm>>
      tpu.enqueue_dma source(%dma_start3A_1424 : memref<1x32xf32, #tpu.memory_space<hbm>>) target(%dma_start3A_1422 : memref<1x32xf32, #tpu.memory_space<vmem>>) target_semaphore(%arg18 : memref<!tpu.dma_semaphore, #tpu.memory_space<semaphore_mem>>)
      %dma_start3A_1425 = arith.constant 31 : i32
      %dma_start3A_1426 = arith.constant 0 : i32
      %dma_start3A_1427 = tpu.memref_slice %arg17[%dma_start3A_1425, %dma_start3A_1426] : memref<64x32xf32, #tpu.memory_space<vmem>> -> memref<1x32xf32, #tpu.memory_space<vmem>>
      %dma_start3A_1428 = arith.constant 0 : i32
      %dma_start3A_1429 = tpu.memref_slice %arg7[%squeeze3A_1394, %dma_start3A_1428] : memref<1000000x32xf32, #tpu.memory_space<hbm>> -> memref<1x32xf32, #tpu.memory_space<hbm>>
      %dma_start3A_1430 = arith.constant 31 : i32
      %dma_start3A_1431 = arith.constant 0 : i32
      %dma_start3A_1432 = tpu.memref_slice %arg17[%dma_start3A_1430, %dma_start3A_1431] : memref<64x32xf32, #tpu.memory_space<vmem>> -> memref<1x32xf32, #tpu.memory_space<vmem>>
      %dma_start3A_1433 = arith.constant 0 : i32
      %dma_start3A_1434 = tpu.memref_slice %arg7[%squeeze3A_1394, %dma_start3A_1433] : memref<1000000x32xf32, #tpu.memory_space<hbm>> -> memref<1x32xf32, #tpu.memory_space<hbm>>
      tpu.enqueue_dma source(%dma_start3A_1434 : memref<1x32xf32, #tpu.memory_space<hbm>>) target(%dma_start3A_1432 : memref<1x32xf32, #tpu.memory_space<vmem>>) target_semaphore(%arg18 : memref<!tpu.dma_semaphore, #tpu.memory_space<semaphore_mem>>)
      %add3A_1435 = arith.constant 32 : i32
      %add3A_1436 = arith.addi %mul3A_10, %add3A_1435 : i32
      %get3A_1437 = arith.index_cast %add3A_1436 : i32 to index
      %get3A_1438 = tpu.vector_load %arg12[%get3A_1437] {strides = array<i32>} : memref<512xi32, #tpu.memory_space<vmem>>, vector<16xi32>,
      %get3A_1439 = vector.shape_cast %get3A_1438 : vector<16xi32> to vector<16xi32>
      %add3A_1440 = arith.constant 32 : i32
      %add3A_1441 = arith.addi %mul3A_10, %add3A_1440 : i32
      %get3A_1442 = arith.index_cast %add3A_1441 : i32 to index
      %get3A_1443 = tpu.vector_load %arg13[%get3A_1442] {strides = array<i32>} : memref<512xi32, #tpu.memory_space<vmem>>, vector<16xi32>,
      %get3A_1444 = vector.shape_cast %get3A_1443 : vector<16xi32> to vector<16xi32>
      %slice3A_1445 = vector.extract_strided_slice %get3A_1439 {offsets = [0], sizes = [1], strides = [1]} : vector<16xi32> to vector<1xi32>
      %squeeze3A_1446 = vector.extract %slice3A_1445[0] : i32 from vector<1xi32>
      %slice3A_1447 = vector.extract_strided_slice %get3A_1444 {offsets = [0], sizes = [1], strides = [1]} : vector<16xi32> to vector<1xi32>
      %squeeze3A_1448 = vector.extract %slice3A_1447[0] : i32 from vector<1xi32>
      %dma_start3A_1449 = arith.constant 32 : i32
      %dma_start3A_1450 = arith.constant 0 : i32
      %dma_start3A_1451 = tpu.memref_slice %arg14[%dma_start3A_1449, %dma_start3A_1450] : memref<64x32xf32, #tpu.memory_space<vmem>> -> memref<1x32xf32, #tpu.memory_space<vmem>>
      %dma_start3A_1452 = arith.constant 0 : i32
      %dma_start3A_1453 = tpu.memref_slice %arg4[%squeeze3A_1446, %dma_start3A_1452] : memref<1000000x32xf32, #tpu.memory_space<hbm>> -> memref<1x32xf32, #tpu.memory_space<hbm>>
      %dma_start3A_1454 = arith.constant 32 : i32
      %dma_start3A_1455 = arith.constant 0 : i32
      %dma_start3A_1456 = tpu.memref_slice %arg14[%dma_start3A_1454, %dma_start3A_1455] : memref<64x32xf32, #tpu.memory_space<vmem>> -> memref<1x32xf32, #tpu.memory_space<vmem>>
      %dma_start3A_1457 = arith.constant 0 : i32
      %dma_start3A_1458 = tpu.memref_slice %arg4[%squeeze3A_1446, %dma_start3A_1457] : memref<1000000x32xf32, #tpu.memory_space<hbm>> -> memref<1x32xf32, #tpu.memory_space<hbm>>
      tpu.enqueue_dma source(%dma_start3A_1458 : memref<1x32xf32, #tpu.memory_space<hbm>>) target(%dma_start3A_1456 : memref<1x32xf32, #tpu.memory_space<vmem>>) target_semaphore(%arg18 : memref<!tpu.dma_semaphore, #tpu.memory_space<semaphore_mem>>)
      %dma_start3A_1459 = arith.constant 32 : i32
      %dma_start3A_1460 = arith.constant 0 : i32
      %dma_start3A_1461 = tpu.memref_slice %arg15[%dma_start3A_1459, %dma_start3A_1460] : memref<64x32xf32, #tpu.memory_space<vmem>> -> memref<1x32xf32, #tpu.memory_space<vmem>>
      %dma_start3A_1462 = arith.constant 0 : i32
      %dma_start3A_1463 = tpu.memref_slice %arg5[%squeeze3A_1448, %dma_start3A_1462] : memref<1000000x32xf32, #tpu.memory_space<hbm>> -> memref<1x32xf32, #tpu.memory_space<hbm>>
      %dma_start3A_1464 = arith.constant 32 : i32
      %dma_start3A_1465 = arith.constant 0 : i32
      %dma_start3A_1466 = tpu.memref_slice %arg15[%dma_start3A_1464, %dma_start3A_1465] : memref<64x32xf32, #tpu.memory_space<vmem>> -> memref<1x32xf32, #tpu.memory_space<vmem>>
      %dma_start3A_1467 = arith.constant 0 : i32
      %dma_start3A_1468 = tpu.memref_slice %arg5[%squeeze3A_1448, %dma_start3A_1467] : memref<1000000x32xf32, #tpu.memory_space<hbm>> -> memref<1x32xf32, #tpu.memory_space<hbm>>
      tpu.enqueue_dma source(%dma_start3A_1468 : memref<1x32xf32, #tpu.memory_space<hbm>>) target(%dma_start3A_1466 : memref<1x32xf32, #tpu.memory_space<vmem>>) target_semaphore(%arg18 : memref<!tpu.dma_semaphore, #tpu.memory_space<semaphore_mem>>)
      %dma_start3A_1469 = arith.constant 32 : i32
      %dma_start3A_1470 = arith.constant 0 : i32
      %dma_start3A_1471 = tpu.memref_slice %arg16[%dma_start3A_1469, %dma_start3A_1470] : memref<64x32xf32, #tpu.memory_space<vmem>> -> memref<1x32xf32, #tpu.memory_space<vmem>>
      %dma_start3A_1472 = arith.constant 0 : i32
      %dma_start3A_1473 = tpu.memref_slice %arg6[%squeeze3A_1446, %dma_start3A_1472] : memref<1000000x32xf32, #tpu.memory_space<hbm>> -> memref<1x32xf32, #tpu.memory_space<hbm>>
      %dma_start3A_1474 = arith.constant 32 : i32
      %dma_start3A_1475 = arith.constant 0 : i32
      %dma_start3A_1476 = tpu.memref_slice %arg16[%dma_start3A_1474, %dma_start3A_1475] : memref<64x32xf32, #tpu.memory_space<vmem>> -> memref<1x32xf32, #tpu.memory_space<vmem>>
      %dma_start3A_1477 = arith.constant 0 : i32
      %dma_start3A_1478 = tpu.memref_slice %arg6[%squeeze3A_1446, %dma_start3A_1477] : memref<1000000x32xf32, #tpu.memory_space<hbm>> -> memref<1x32xf32, #tpu.memory_space<hbm>>
      tpu.enqueue_dma source(%dma_start3A_1478 : memref<1x32xf32, #tpu.memory_space<hbm>>) target(%dma_start3A_1476 : memref<1x32xf32, #tpu.memory_space<vmem>>) target_semaphore(%arg18 : memref<!tpu.dma_semaphore, #tpu.memory_space<semaphore_mem>>)
      %dma_start3A_1479 = arith.constant 32 : i32
      %dma_start3A_1480 = arith.constant 0 : i32
      %dma_start3A_1481 = tpu.memref_slice %arg17[%dma_start3A_1479, %dma_start3A_1480] : memref<64x32xf32, #tpu.memory_space<vmem>> -> memref<1x32xf32, #tpu.memory_space<vmem>>
      %dma_start3A_1482 = arith.constant 0 : i32
      %dma_start3A_1483 = tpu.memref_slice %arg7[%squeeze3A_1448, %dma_start3A_1482] : memref<1000000x32xf32, #tpu.memory_space<hbm>> -> memref<1x32xf32, #tpu.memory_space<hbm>>
      %dma_start3A_1484 = arith.constant 32 : i32
      %dma_start3A_1485 = arith.constant 0 : i32
      %dma_start3A_1486 = tpu.memref_slice %arg17[%dma_start3A_1484, %dma_start3A_1485] : memref<64x32xf32, #tpu.memory_space<vmem>> -> memref<1x32xf32, #tpu.memory_space<vmem>>
      %dma_start3A_1487 = arith.constant 0 : i32
      %dma_start3A_1488 = tpu.memref_slice %arg7[%squeeze3A_1448, %dma_start3A_1487] : memref<1000000x32xf32, #tpu.memory_space<hbm>> -> memref<1x32xf32, #tpu.memory_space<hbm>>
      tpu.enqueue_dma source(%dma_start3A_1488 : memref<1x32xf32, #tpu.memory_space<hbm>>) target(%dma_start3A_1486 : memref<1x32xf32, #tpu.memory_space<vmem>>) target_semaphore(%arg18 : memref<!tpu.dma_semaphore, #tpu.memory_space<semaphore_mem>>)
      %slice3A_1489 = vector.extract_strided_slice %get3A_1439 {offsets = [1], sizes = [1], strides = [1]} : vector<16xi32> to vector<1xi32>
      %squeeze3A_1490 = vector.extract %slice3A_1489[0] : i32 from vector<1xi32>
      %slice3A_1491 = vector.extract_strided_slice %get3A_1444 {offsets = [1], sizes = [1], strides = [1]} : vector<16xi32> to vector<1xi32>
      %squeeze3A_1492 = vector.extract %slice3A_1491[0] : i32 from vector<1xi32>
      %dma_start3A_1493 = arith.constant 33 : i32
      %dma_start3A_1494 = arith.constant 0 : i32
      %dma_start3A_1495 = tpu.memref_slice %arg14[%dma_start3A_1493, %dma_start3A_1494] : memref<64x32xf32, #tpu.memory_space<vmem>> -> memref<1x32xf32, #tpu.memory_space<vmem>>
      %dma_start3A_1496 = arith.constant 0 : i32
      %dma_start3A_1497 = tpu.memref_slice %arg4[%squeeze3A_1490, %dma_start3A_1496] : memref<1000000x32xf32, #tpu.memory_space<hbm>> -> memref<1x32xf32, #tpu.memory_space<hbm>>
      %dma_start3A_1498 = arith.constant 33 : i32
      %dma_start3A_1499 = arith.constant 0 : i32
      %dma_start3A_1500 = tpu.memref_slice %arg14[%dma_start3A_1498, %dma_start3A_1499] : memref<64x32xf32, #tpu.memory_space<vmem>> -> memref<1x32xf32, #tpu.memory_space<vmem>>
      %dma_start3A_1501 = arith.constant 0 : i32
      %dma_start3A_1502 = tpu.memref_slice %arg4[%squeeze3A_1490, %dma_start3A_1501] : memref<1000000x32xf32, #tpu.memory_space<hbm>> -> memref<1x32xf32, #tpu.memory_space<hbm>>
      tpu.enqueue_dma source(%dma_start3A_1502 : memref<1x32xf32, #tpu.memory_space<hbm>>) target(%dma_start3A_1500 : memref<1x32xf32, #tpu.memory_space<vmem>>) target_semaphore(%arg18 : memref<!tpu.dma_semaphore, #tpu.memory_space<semaphore_mem>>)
      %dma_start3A_1503 = arith.constant 33 : i32
      %dma_start3A_1504 = arith.constant 0 : i32
      %dma_start3A_1505 = tpu.memref_slice %arg15[%dma_start3A_1503, %dma_start3A_1504] : memref<64x32xf32, #tpu.memory_space<vmem>> -> memref<1x32xf32, #tpu.memory_space<vmem>>
      %dma_start3A_1506 = arith.constant 0 : i32
      %dma_start3A_1507 = tpu.memref_slice %arg5[%squeeze3A_1492, %dma_start3A_1506] : memref<1000000x32xf32, #tpu.memory_space<hbm>> -> memref<1x32xf32, #tpu.memory_space<hbm>>
      %dma_start3A_1508 = arith.constant 33 : i32
      %dma_start3A_1509 = arith.constant 0 : i32
      %dma_start3A_1510 = tpu.memref_slice %arg15[%dma_start3A_1508, %dma_start3A_1509] : memref<64x32xf32, #tpu.memory_space<vmem>> -> memref<1x32xf32, #tpu.memory_space<vmem>>
      %dma_start3A_1511 = arith.constant 0 : i32
      %dma_start3A_1512 = tpu.memref_slice %arg5[%squeeze3A_1492, %dma_start3A_1511] : memref<1000000x32xf32, #tpu.memory_space<hbm>> -> memref<1x32xf32, #tpu.memory_space<hbm>>
      tpu.enqueue_dma source(%dma_start3A_1512 : memref<1x32xf32, #tpu.memory_space<hbm>>) target(%dma_start3A_1510 : memref<1x32xf32, #tpu.memory_space<vmem>>) target_semaphore(%arg18 : memref<!tpu.dma_semaphore, #tpu.memory_space<semaphore_mem>>)
      %dma_start3A_1513 = arith.constant 33 : i32
      %dma_start3A_1514 = arith.constant 0 : i32
      %dma_start3A_1515 = tpu.memref_slice %arg16[%dma_start3A_1513, %dma_start3A_1514] : memref<64x32xf32, #tpu.memory_space<vmem>> -> memref<1x32xf32, #tpu.memory_space<vmem>>
      %dma_start3A_1516 = arith.constant 0 : i32
      %dma_start3A_1517 = tpu.memref_slice %arg6[%squeeze3A_1490, %dma_start3A_1516] : memref<1000000x32xf32, #tpu.memory_space<hbm>> -> memref<1x32xf32, #tpu.memory_space<hbm>>
      %dma_start3A_1518 = arith.constant 33 : i32
      %dma_start3A_1519 = arith.constant 0 : i32
      %dma_start3A_1520 = tpu.memref_slice %arg16[%dma_start3A_1518, %dma_start3A_1519] : memref<64x32xf32, #tpu.memory_space<vmem>> -> memref<1x32xf32, #tpu.memory_space<vmem>>
      %dma_start3A_1521 = arith.constant 0 : i32
      %dma_start3A_1522 = tpu.memref_slice %arg6[%squeeze3A_1490, %dma_start3A_1521] : memref<1000000x32xf32, #tpu.memory_space<hbm>> -> memref<1x32xf32, #tpu.memory_space<hbm>>
      tpu.enqueue_dma source(%dma_start3A_1522 : memref<1x32xf32, #tpu.memory_space<hbm>>) target(%dma_start3A_1520 : memref<1x32xf32, #tpu.memory_space<vmem>>) target_semaphore(%arg18 : memref<!tpu.dma_semaphore, #tpu.memory_space<semaphore_mem>>)
      %dma_start3A_1523 = arith.constant 33 : i32
      %dma_start3A_1524 = arith.constant 0 : i32
      %dma_start3A_1525 = tpu.memref_slice %arg17[%dma_start3A_1523, %dma_start3A_1524] : memref<64x32xf32, #tpu.memory_space<vmem>> -> memref<1x32xf32, #tpu.memory_space<vmem>>
      %dma_start3A_1526 = arith.constant 0 : i32
      %dma_start3A_1527 = tpu.memref_slice %arg7[%squeeze3A_1492, %dma_start3A_1526] : memref<1000000x32xf32, #tpu.memory_space<hbm>> -> memref<1x32xf32, #tpu.memory_space<hbm>>
      %dma_start3A_1528 = arith.constant 33 : i32
      %dma_start3A_1529 = arith.constant 0 : i32
      %dma_start3A_1530 = tpu.memref_slice %arg17[%dma_start3A_1528, %dma_start3A_1529] : memref<64x32xf32, #tpu.memory_space<vmem>> -> memref<1x32xf32, #tpu.memory_space<vmem>>
      %dma_start3A_1531 = arith.constant 0 : i32
      %dma_start3A_1532 = tpu.memref_slice %arg7[%squeeze3A_1492, %dma_start3A_1531] : memref<1000000x32xf32, #tpu.memory_space<hbm>> -> memref<1x32xf32, #tpu.memory_space<hbm>>
      tpu.enqueue_dma source(%dma_start3A_1532 : memref<1x32xf32, #tpu.memory_space<hbm>>) target(%dma_start3A_1530 : memref<1x32xf32, #tpu.memory_space<vmem>>) target_semaphore(%arg18 : memref<!tpu.dma_semaphore, #tpu.memory_space<semaphore_mem>>)
      %slice3A_1533 = vector.extract_strided_slice %get3A_1439 {offsets = [2], sizes = [1], strides = [1]} : vector<16xi32> to vector<1xi32>
      %squeeze3A_1534 = vector.extract %slice3A_1533[0] : i32 from vector<1xi32>
      %slice3A_1535 = vector.extract_strided_slice %get3A_1444 {offsets = [2], sizes = [1], strides = [1]} : vector<16xi32> to vector<1xi32>
      %squeeze3A_1536 = vector.extract %slice3A_1535[0] : i32 from vector<1xi32>
      %dma_start3A_1537 = arith.constant 34 : i32
      %dma_start3A_1538 = arith.constant 0 : i32
      %dma_start3A_1539 = tpu.memref_slice %arg14[%dma_start3A_1537, %dma_start3A_1538] : memref<64x32xf32, #tpu.memory_space<vmem>> -> memref<1x32xf32, #tpu.memory_space<vmem>>
      %dma_start3A_1540 = arith.constant 0 : i32
      %dma_start3A_1541 = tpu.memref_slice %arg4[%squeeze3A_1534, %dma_start3A_1540] : memref<1000000x32xf32, #tpu.memory_space<hbm>> -> memref<1x32xf32, #tpu.memory_space<hbm>>
      %dma_start3A_1542 = arith.constant 34 : i32
      %dma_start3A_1543 = arith.constant 0 : i32
      %dma_start3A_1544 = tpu.memref_slice %arg14[%dma_start3A_1542, %dma_start3A_1543] : memref<64x32xf32, #tpu.memory_space<vmem>> -> memref<1x32xf32, #tpu.memory_space<vmem>>
      %dma_start3A_1545 = arith.constant 0 : i32
      %dma_start3A_1546 = tpu.memref_slice %arg4[%squeeze3A_1534, %dma_start3A_1545] : memref<1000000x32xf32, #tpu.memory_space<hbm>> -> memref<1x32xf32, #tpu.memory_space<hbm>>
      tpu.enqueue_dma source(%dma_start3A_1546 : memref<1x32xf32, #tpu.memory_space<hbm>>) target(%dma_start3A_1544 : memref<1x32xf32, #tpu.memory_space<vmem>>) target_semaphore(%arg18 : memref<!tpu.dma_semaphore, #tpu.memory_space<semaphore_mem>>)
      %dma_start3A_1547 = arith.constant 34 : i32
      %dma_start3A_1548 = arith.constant 0 : i32
      %dma_start3A_1549 = tpu.memref_slice %arg15[%dma_start3A_1547, %dma_start3A_1548] : memref<64x32xf32, #tpu.memory_space<vmem>> -> memref<1x32xf32, #tpu.memory_space<vmem>>
      %dma_start3A_1550 = arith.constant 0 : i32
      %dma_start3A_1551 = tpu.memref_slice %arg5[%squeeze3A_1536, %dma_start3A_1550] : memref<1000000x32xf32, #tpu.memory_space<hbm>> -> memref<1x32xf32, #tpu.memory_space<hbm>>
      %dma_start3A_1552 = arith.constant 34 : i32
      %dma_start3A_1553 = arith.constant 0 : i32
      %dma_start3A_1554 = tpu.memref_slice %arg15[%dma_start3A_1552, %dma_start3A_1553] : memref<64x32xf32, #tpu.memory_space<vmem>> -> memref<1x32xf32, #tpu.memory_space<vmem>>
      %dma_start3A_1555 = arith.constant 0 : i32
      %dma_start3A_1556 = tpu.memref_slice %arg5[%squeeze3A_1536, %dma_start3A_1555] : memref<1000000x32xf32, #tpu.memory_space<hbm>> -> memref<1x32xf32, #tpu.memory_space<hbm>>
      tpu.enqueue_dma source(%dma_start3A_1556 : memref<1x32xf32, #tpu.memory_space<hbm>>) target(%dma_start3A_1554 : memref<1x32xf32, #tpu.memory_space<vmem>>) target_semaphore(%arg18 : memref<!tpu.dma_semaphore, #tpu.memory_space<semaphore_mem>>)
      %dma_start3A_1557 = arith.constant 34 : i32
      %dma_start3A_1558 = arith.constant 0 : i32
      %dma_start3A_1559 = tpu.memref_slice %arg16[%dma_start3A_1557, %dma_start3A_1558] : memref<64x32xf32, #tpu.memory_space<vmem>> -> memref<1x32xf32, #tpu.memory_space<vmem>>
      %dma_start3A_1560 = arith.constant 0 : i32
      %dma_start3A_1561 = tpu.memref_slice %arg6[%squeeze3A_1534, %dma_start3A_1560] : memref<1000000x32xf32, #tpu.memory_space<hbm>> -> memref<1x32xf32, #tpu.memory_space<hbm>>
      %dma_start3A_1562 = arith.constant 34 : i32
      %dma_start3A_1563 = arith.constant 0 : i32
      %dma_start3A_1564 = tpu.memref_slice %arg16[%dma_start3A_1562, %dma_start3A_1563] : memref<64x32xf32, #tpu.memory_space<vmem>> -> memref<1x32xf32, #tpu.memory_space<vmem>>
      %dma_start3A_1565 = arith.constant 0 : i32
      %dma_start3A_1566 = tpu.memref_slice %arg6[%squeeze3A_1534, %dma_start3A_1565] : memref<1000000x32xf32, #tpu.memory_space<hbm>> -> memref<1x32xf32, #tpu.memory_space<hbm>>
      tpu.enqueue_dma source(%dma_start3A_1566 : memref<1x32xf32, #tpu.memory_space<hbm>>) target(%dma_start3A_1564 : memref<1x32xf32, #tpu.memory_space<vmem>>) target_semaphore(%arg18 : memref<!tpu.dma_semaphore, #tpu.memory_space<semaphore_mem>>)
      %dma_start3A_1567 = arith.constant 34 : i32
      %dma_start3A_1568 = arith.constant 0 : i32
      %dma_start3A_1569 = tpu.memref_slice %arg17[%dma_start3A_1567, %dma_start3A_1568] : memref<64x32xf32, #tpu.memory_space<vmem>> -> memref<1x32xf32, #tpu.memory_space<vmem>>
      %dma_start3A_1570 = arith.constant 0 : i32
      %dma_start3A_1571 = tpu.memref_slice %arg7[%squeeze3A_1536, %dma_start3A_1570] : memref<1000000x32xf32, #tpu.memory_space<hbm>> -> memref<1x32xf32, #tpu.memory_space<hbm>>
      %dma_start3A_1572 = arith.constant 34 : i32
      %dma_start3A_1573 = arith.constant 0 : i32
      %dma_start3A_1574 = tpu.memref_slice %arg17[%dma_start3A_1572, %dma_start3A_1573] : memref<64x32xf32, #tpu.memory_space<vmem>> -> memref<1x32xf32, #tpu.memory_space<vmem>>
      %dma_start3A_1575 = arith.constant 0 : i32
      %dma_start3A_1576 = tpu.memref_slice %arg7[%squeeze3A_1536, %dma_start3A_1575] : memref<1000000x32xf32, #tpu.memory_space<hbm>> -> memref<1x32xf32, #tpu.memory_space<hbm>>
      tpu.enqueue_dma source(%dma_start3A_1576 : memref<1x32xf32, #tpu.memory_space<hbm>>) target(%dma_start3A_1574 : memref<1x32xf32, #tpu.memory_space<vmem>>) target_semaphore(%arg18 : memref<!tpu.dma_semaphore, #tpu.memory_space<semaphore_mem>>)
      %slice3A_1577 = vector.extract_strided_slice %get3A_1439 {offsets = [3], sizes = [1], strides = [1]} : vector<16xi32> to vector<1xi32>
      %squeeze3A_1578 = vector.extract %slice3A_1577[0] : i32 from vector<1xi32>
      %slice3A_1579 = vector.extract_strided_slice %get3A_1444 {offsets = [3], sizes = [1], strides = [1]} : vector<16xi32> to vector<1xi32>
      %squeeze3A_1580 = vector.extract %slice3A_1579[0] : i32 from vector<1xi32>
      %dma_start3A_1581 = arith.constant 35 : i32
      %dma_start3A_1582 = arith.constant 0 : i32
      %dma_start3A_1583 = tpu.memref_slice %arg14[%dma_start3A_1581, %dma_start3A_1582] : memref<64x32xf32, #tpu.memory_space<vmem>> -> memref<1x32xf32, #tpu.memory_space<vmem>>
      %dma_start3A_1584 = arith.constant 0 : i32
      %dma_start3A_1585 = tpu.memref_slice %arg4[%squeeze3A_1578, %dma_start3A_1584] : memref<1000000x32xf32, #tpu.memory_space<hbm>> -> memref<1x32xf32, #tpu.memory_space<hbm>>
      %dma_start3A_1586 = arith.constant 35 : i32
      %dma_start3A_1587 = arith.constant 0 : i32
      %dma_start3A_1588 = tpu.memref_slice %arg14[%dma_start3A_1586, %dma_start3A_1587] : memref<64x32xf32, #tpu.memory_space<vmem>> -> memref<1x32xf32, #tpu.memory_space<vmem>>
      %dma_start3A_1589 = arith.constant 0 : i32
      %dma_start3A_1590 = tpu.memref_slice %arg4[%squeeze3A_1578, %dma_start3A_1589] : memref<1000000x32xf32, #tpu.memory_space<hbm>> -> memref<1x32xf32, #tpu.memory_space<hbm>>
      tpu.enqueue_dma source(%dma_start3A_1590 : memref<1x32xf32, #tpu.memory_space<hbm>>) target(%dma_start3A_1588 : memref<1x32xf32, #tpu.memory_space<vmem>>) target_semaphore(%arg18 : memref<!tpu.dma_semaphore, #tpu.memory_space<semaphore_mem>>)
      %dma_start3A_1591 = arith.constant 35 : i32
      %dma_start3A_1592 = arith.constant 0 : i32
      %dma_start3A_1593 = tpu.memref_slice %arg15[%dma_start3A_1591, %dma_start3A_1592] : memref<64x32xf32, #tpu.memory_space<vmem>> -> memref<1x32xf32, #tpu.memory_space<vmem>>
      %dma_start3A_1594 = arith.constant 0 : i32
      %dma_start3A_1595 = tpu.memref_slice %arg5[%squeeze3A_1580, %dma_start3A_1594] : memref<1000000x32xf32, #tpu.memory_space<hbm>> -> memref<1x32xf32, #tpu.memory_space<hbm>>
      %dma_start3A_1596 = arith.constant 35 : i32
      %dma_start3A_1597 = arith.constant 0 : i32
      %dma_start3A_1598 = tpu.memref_slice %arg15[%dma_start3A_1596, %dma_start3A_1597] : memref<64x32xf32, #tpu.memory_space<vmem>> -> memref<1x32xf32, #tpu.memory_space<vmem>>
      %dma_start3A_1599 = arith.constant 0 : i32
      %dma_start3A_1600 = tpu.memref_slice %arg5[%squeeze3A_1580, %dma_start3A_1599] : memref<1000000x32xf32, #tpu.memory_space<hbm>> -> memref<1x32xf32, #tpu.memory_space<hbm>>
      tpu.enqueue_dma source(%dma_start3A_1600 : memref<1x32xf32, #tpu.memory_space<hbm>>) target(%dma_start3A_1598 : memref<1x32xf32, #tpu.memory_space<vmem>>) target_semaphore(%arg18 : memref<!tpu.dma_semaphore, #tpu.memory_space<semaphore_mem>>)
      %dma_start3A_1601 = arith.constant 35 : i32
      %dma_start3A_1602 = arith.constant 0 : i32
      %dma_start3A_1603 = tpu.memref_slice %arg16[%dma_start3A_1601, %dma_start3A_1602] : memref<64x32xf32, #tpu.memory_space<vmem>> -> memref<1x32xf32, #tpu.memory_space<vmem>>
      %dma_start3A_1604 = arith.constant 0 : i32
      %dma_start3A_1605 = tpu.memref_slice %arg6[%squeeze3A_1578, %dma_start3A_1604] : memref<1000000x32xf32, #tpu.memory_space<hbm>> -> memref<1x32xf32, #tpu.memory_space<hbm>>
      %dma_start3A_1606 = arith.constant 35 : i32
      %dma_start3A_1607 = arith.constant 0 : i32
      %dma_start3A_1608 = tpu.memref_slice %arg16[%dma_start3A_1606, %dma_start3A_1607] : memref<64x32xf32, #tpu.memory_space<vmem>> -> memref<1x32xf32, #tpu.memory_space<vmem>>
      %dma_start3A_1609 = arith.constant 0 : i32
      %dma_start3A_1610 = tpu.memref_slice %arg6[%squeeze3A_1578, %dma_start3A_1609] : memref<1000000x32xf32, #tpu.memory_space<hbm>> -> memref<1x32xf32, #tpu.memory_space<hbm>>
      tpu.enqueue_dma source(%dma_start3A_1610 : memref<1x32xf32, #tpu.memory_space<hbm>>) target(%dma_start3A_1608 : memref<1x32xf32, #tpu.memory_space<vmem>>) target_semaphore(%arg18 : memref<!tpu.dma_semaphore, #tpu.memory_space<semaphore_mem>>)
      %dma_start3A_1611 = arith.constant 35 : i32
      %dma_start3A_1612 = arith.constant 0 : i32
      %dma_start3A_1613 = tpu.memref_slice %arg17[%dma_start3A_1611, %dma_start3A_1612] : memref<64x32xf32, #tpu.memory_space<vmem>> -> memref<1x32xf32, #tpu.memory_space<vmem>>
      %dma_start3A_1614 = arith.constant 0 : i32
      %dma_start3A_1615 = tpu.memref_slice %arg7[%squeeze3A_1580, %dma_start3A_1614] : memref<1000000x32xf32, #tpu.memory_space<hbm>> -> memref<1x32xf32, #tpu.memory_space<hbm>>
      %dma_start3A_1616 = arith.constant 35 : i32
      %dma_start3A_1617 = arith.constant 0 : i32
      %dma_start3A_1618 = tpu.memref_slice %arg17[%dma_start3A_1616, %dma_start3A_1617] : memref<64x32xf32, #tpu.memory_space<vmem>> -> memref<1x32xf32, #tpu.memory_space<vmem>>
      %dma_start3A_1619 = arith.constant 0 : i32
      %dma_start3A_1620 = tpu.memref_slice %arg7[%squeeze3A_1580, %dma_start3A_1619] : memref<1000000x32xf32, #tpu.memory_space<hbm>> -> memref<1x32xf32, #tpu.memory_space<hbm>>
      tpu.enqueue_dma source(%dma_start3A_1620 : memref<1x32xf32, #tpu.memory_space<hbm>>) target(%dma_start3A_1618 : memref<1x32xf32, #tpu.memory_space<vmem>>) target_semaphore(%arg18 : memref<!tpu.dma_semaphore, #tpu.memory_space<semaphore_mem>>)
      %slice3A_1621 = vector.extract_strided_slice %get3A_1439 {offsets = [4], sizes = [1], strides = [1]} : vector<16xi32> to vector<1xi32>
      %squeeze3A_1622 = vector.extract %slice3A_1621[0] : i32 from vector<1xi32>
      %slice3A_1623 = vector.extract_strided_slice %get3A_1444 {offsets = [4], sizes = [1], strides = [1]} : vector<16xi32> to vector<1xi32>
      %squeeze3A_1624 = vector.extract %slice3A_1623[0] : i32 from vector<1xi32>
      %dma_start3A_1625 = arith.constant 36 : i32
      %dma_start3A_1626 = arith.constant 0 : i32
      %dma_start3A_1627 = tpu.memref_slice %arg14[%dma_start3A_1625, %dma_start3A_1626] : memref<64x32xf32, #tpu.memory_space<vmem>> -> memref<1x32xf32, #tpu.memory_space<vmem>>
      %dma_start3A_1628 = arith.constant 0 : i32
      %dma_start3A_1629 = tpu.memref_slice %arg4[%squeeze3A_1622, %dma_start3A_1628] : memref<1000000x32xf32, #tpu.memory_space<hbm>> -> memref<1x32xf32, #tpu.memory_space<hbm>>
      %dma_start3A_1630 = arith.constant 36 : i32
      %dma_start3A_1631 = arith.constant 0 : i32
      %dma_start3A_1632 = tpu.memref_slice %arg14[%dma_start3A_1630, %dma_start3A_1631] : memref<64x32xf32, #tpu.memory_space<vmem>> -> memref<1x32xf32, #tpu.memory_space<vmem>>
      %dma_start3A_1633 = arith.constant 0 : i32
      %dma_start3A_1634 = tpu.memref_slice %arg4[%squeeze3A_1622, %dma_start3A_1633] : memref<1000000x32xf32, #tpu.memory_space<hbm>> -> memref<1x32xf32, #tpu.memory_space<hbm>>
      tpu.enqueue_dma source(%dma_start3A_1634 : memref<1x32xf32, #tpu.memory_space<hbm>>) target(%dma_start3A_1632 : memref<1x32xf32, #tpu.memory_space<vmem>>) target_semaphore(%arg18 : memref<!tpu.dma_semaphore, #tpu.memory_space<semaphore_mem>>)
      %dma_start3A_1635 = arith.constant 36 : i32
      %dma_start3A_1636 = arith.constant 0 : i32
      %dma_start3A_1637 = tpu.memref_slice %arg15[%dma_start3A_1635, %dma_start3A_1636] : memref<64x32xf32, #tpu.memory_space<vmem>> -> memref<1x32xf32, #tpu.memory_space<vmem>>
      %dma_start3A_1638 = arith.constant 0 : i32
      %dma_start3A_1639 = tpu.memref_slice %arg5[%squeeze3A_1624, %dma_start3A_1638] : memref<1000000x32xf32, #tpu.memory_space<hbm>> -> memref<1x32xf32, #tpu.memory_space<hbm>>
      %dma_start3A_1640 = arith.constant 36 : i32
      %dma_start3A_1641 = arith.constant 0 : i32
      %dma_start3A_1642 = tpu.memref_slice %arg15[%dma_start3A_1640, %dma_start3A_1641] : memref<64x32xf32, #tpu.memory_space<vmem>> -> memref<1x32xf32, #tpu.memory_space<vmem>>
      %dma_start3A_1643 = arith.constant 0 : i32
      %dma_start3A_1644 = tpu.memref_slice %arg5[%squeeze3A_1624, %dma_start3A_1643] : memref<1000000x32xf32, #tpu.memory_space<hbm>> -> memref<1x32xf32, #tpu.memory_space<hbm>>
      tpu.enqueue_dma source(%dma_start3A_1644 : memref<1x32xf32, #tpu.memory_space<hbm>>) target(%dma_start3A_1642 : memref<1x32xf32, #tpu.memory_space<vmem>>) target_semaphore(%arg18 : memref<!tpu.dma_semaphore, #tpu.memory_space<semaphore_mem>>)
      %dma_start3A_1645 = arith.constant 36 : i32
      %dma_start3A_1646 = arith.constant 0 : i32
      %dma_start3A_1647 = tpu.memref_slice %arg16[%dma_start3A_1645, %dma_start3A_1646] : memref<64x32xf32, #tpu.memory_space<vmem>> -> memref<1x32xf32, #tpu.memory_space<vmem>>
      %dma_start3A_1648 = arith.constant 0 : i32
      %dma_start3A_1649 = tpu.memref_slice %arg6[%squeeze3A_1622, %dma_start3A_1648] : memref<1000000x32xf32, #tpu.memory_space<hbm>> -> memref<1x32xf32, #tpu.memory_space<hbm>>
      %dma_start3A_1650 = arith.constant 36 : i32
      %dma_start3A_1651 = arith.constant 0 : i32
      %dma_start3A_1652 = tpu.memref_slice %arg16[%dma_start3A_1650, %dma_start3A_1651] : memref<64x32xf32, #tpu.memory_space<vmem>> -> memref<1x32xf32, #tpu.memory_space<vmem>>
      %dma_start3A_1653 = arith.constant 0 : i32
      %dma_start3A_1654 = tpu.memref_slice %arg6[%squeeze3A_1622, %dma_start3A_1653] : memref<1000000x32xf32, #tpu.memory_space<hbm>> -> memref<1x32xf32, #tpu.memory_space<hbm>>
      tpu.enqueue_dma source(%dma_start3A_1654 : memref<1x32xf32, #tpu.memory_space<hbm>>) target(%dma_start3A_1652 : memref<1x32xf32, #tpu.memory_space<vmem>>) target_semaphore(%arg18 : memref<!tpu.dma_semaphore, #tpu.memory_space<semaphore_mem>>)
      %dma_start3A_1655 = arith.constant 36 : i32
      %dma_start3A_1656 = arith.constant 0 : i32
      %dma_start3A_1657 = tpu.memref_slice %arg17[%dma_start3A_1655, %dma_start3A_1656] : memref<64x32xf32, #tpu.memory_space<vmem>> -> memref<1x32xf32, #tpu.memory_space<vmem>>
      %dma_start3A_1658 = arith.constant 0 : i32
      %dma_start3A_1659 = tpu.memref_slice %arg7[%squeeze3A_1624, %dma_start3A_1658] : memref<1000000x32xf32, #tpu.memory_space<hbm>> -> memref<1x32xf32, #tpu.memory_space<hbm>>
      %dma_start3A_1660 = arith.constant 36 : i32
      %dma_start3A_1661 = arith.constant 0 : i32
      %dma_start3A_1662 = tpu.memref_slice %arg17[%dma_start3A_1660, %dma_start3A_1661] : memref<64x32xf32, #tpu.memory_space<vmem>> -> memref<1x32xf32, #tpu.memory_space<vmem>>
      %dma_start3A_1663 = arith.constant 0 : i32
      %dma_start3A_1664 = tpu.memref_slice %arg7[%squeeze3A_1624, %dma_start3A_1663] : memref<1000000x32xf32, #tpu.memory_space<hbm>> -> memref<1x32xf32, #tpu.memory_space<hbm>>
      tpu.enqueue_dma source(%dma_start3A_1664 : memref<1x32xf32, #tpu.memory_space<hbm>>) target(%dma_start3A_1662 : memref<1x32xf32, #tpu.memory_space<vmem>>) target_semaphore(%arg18 : memref<!tpu.dma_semaphore, #tpu.memory_space<semaphore_mem>>)
      %slice3A_1665 = vector.extract_strided_slice %get3A_1439 {offsets = [5], sizes = [1], strides = [1]} : vector<16xi32> to vector<1xi32>
      %squeeze3A_1666 = vector.extract %slice3A_1665[0] : i32 from vector<1xi32>
      %slice3A_1667 = vector.extract_strided_slice %get3A_1444 {offsets = [5], sizes = [1], strides = [1]} : vector<16xi32> to vector<1xi32>
      %squeeze3A_1668 = vector.extract %slice3A_1667[0] : i32 from vector<1xi32>
      %dma_start3A_1669 = arith.constant 37 : i32
      %dma_start3A_1670 = arith.constant 0 : i32
      %dma_start3A_1671 = tpu.memref_slice %arg14[%dma_start3A_1669, %dma_start3A_1670] : memref<64x32xf32, #tpu.memory_space<vmem>> -> memref<1x32xf32, #tpu.memory_space<vmem>>
      %dma_start3A_1672 = arith.constant 0 : i32
      %dma_start3A_1673 = tpu.memref_slice %arg4[%squeeze3A_1666, %dma_start3A_1672] : memref<1000000x32xf32, #tpu.memory_space<hbm>> -> memref<1x32xf32, #tpu.memory_space<hbm>>
      %dma_start3A_1674 = arith.constant 37 : i32
      %dma_start3A_1675 = arith.constant 0 : i32
      %dma_start3A_1676 = tpu.memref_slice %arg14[%dma_start3A_1674, %dma_start3A_1675] : memref<64x32xf32, #tpu.memory_space<vmem>> -> memref<1x32xf32, #tpu.memory_space<vmem>>
      %dma_start3A_1677 = arith.constant 0 : i32
      %dma_start3A_1678 = tpu.memref_slice %arg4[%squeeze3A_1666, %dma_start3A_1677] : memref<1000000x32xf32, #tpu.memory_space<hbm>> -> memref<1x32xf32, #tpu.memory_space<hbm>>
      tpu.enqueue_dma source(%dma_start3A_1678 : memref<1x32xf32, #tpu.memory_space<hbm>>) target(%dma_start3A_1676 : memref<1x32xf32, #tpu.memory_space<vmem>>) target_semaphore(%arg18 : memref<!tpu.dma_semaphore, #tpu.memory_space<semaphore_mem>>)
      %dma_start3A_1679 = arith.constant 37 : i32
      %dma_start3A_1680 = arith.constant 0 : i32
      %dma_start3A_1681 = tpu.memref_slice %arg15[%dma_start3A_1679, %dma_start3A_1680] : memref<64x32xf32, #tpu.memory_space<vmem>> -> memref<1x32xf32, #tpu.memory_space<vmem>>
      %dma_start3A_1682 = arith.constant 0 : i32
      %dma_start3A_1683 = tpu.memref_slice %arg5[%squeeze3A_1668, %dma_start3A_1682] : memref<1000000x32xf32, #tpu.memory_space<hbm>> -> memref<1x32xf32, #tpu.memory_space<hbm>>
      %dma_start3A_1684 = arith.constant 37 : i32
      %dma_start3A_1685 = arith.constant 0 : i32
      %dma_start3A_1686 = tpu.memref_slice %arg15[%dma_start3A_1684, %dma_start3A_1685] : memref<64x32xf32, #tpu.memory_space<vmem>> -> memref<1x32xf32, #tpu.memory_space<vmem>>
      %dma_start3A_1687 = arith.constant 0 : i32
      %dma_start3A_1688 = tpu.memref_slice %arg5[%squeeze3A_1668, %dma_start3A_1687] : memref<1000000x32xf32, #tpu.memory_space<hbm>> -> memref<1x32xf32, #tpu.memory_space<hbm>>
      tpu.enqueue_dma source(%dma_start3A_1688 : memref<1x32xf32, #tpu.memory_space<hbm>>) target(%dma_start3A_1686 : memref<1x32xf32, #tpu.memory_space<vmem>>) target_semaphore(%arg18 : memref<!tpu.dma_semaphore, #tpu.memory_space<semaphore_mem>>)
      %dma_start3A_1689 = arith.constant 37 : i32
      %dma_start3A_1690 = arith.constant 0 : i32
      %dma_start3A_1691 = tpu.memref_slice %arg16[%dma_start3A_1689, %dma_start3A_1690] : memref<64x32xf32, #tpu.memory_space<vmem>> -> memref<1x32xf32, #tpu.memory_space<vmem>>
      %dma_start3A_1692 = arith.constant 0 : i32
      %dma_start3A_1693 = tpu.memref_slice %arg6[%squeeze3A_1666, %dma_start3A_1692] : memref<1000000x32xf32, #tpu.memory_space<hbm>> -> memref<1x32xf32, #tpu.memory_space<hbm>>
      %dma_start3A_1694 = arith.constant 37 : i32
      %dma_start3A_1695 = arith.constant 0 : i32
      %dma_start3A_1696 = tpu.memref_slice %arg16[%dma_start3A_1694, %dma_start3A_1695] : memref<64x32xf32, #tpu.memory_space<vmem>> -> memref<1x32xf32, #tpu.memory_space<vmem>>
      %dma_start3A_1697 = arith.constant 0 : i32
      %dma_start3A_1698 = tpu.memref_slice %arg6[%squeeze3A_1666, %dma_start3A_1697] : memref<1000000x32xf32, #tpu.memory_space<hbm>> -> memref<1x32xf32, #tpu.memory_space<hbm>>
      tpu.enqueue_dma source(%dma_start3A_1698 : memref<1x32xf32, #tpu.memory_space<hbm>>) target(%dma_start3A_1696 : memref<1x32xf32, #tpu.memory_space<vmem>>) target_semaphore(%arg18 : memref<!tpu.dma_semaphore, #tpu.memory_space<semaphore_mem>>)
      %dma_start3A_1699 = arith.constant 37 : i32
      %dma_start3A_1700 = arith.constant 0 : i32
      %dma_start3A_1701 = tpu.memref_slice %arg17[%dma_start3A_1699, %dma_start3A_1700] : memref<64x32xf32, #tpu.memory_space<vmem>> -> memref<1x32xf32, #tpu.memory_space<vmem>>
      %dma_start3A_1702 = arith.constant 0 : i32
      %dma_start3A_1703 = tpu.memref_slice %arg7[%squeeze3A_1668, %dma_start3A_1702] : memref<1000000x32xf32, #tpu.memory_space<hbm>> -> memref<1x32xf32, #tpu.memory_space<hbm>>
      %dma_start3A_1704 = arith.constant 37 : i32
      %dma_start3A_1705 = arith.constant 0 : i32
      %dma_start3A_1706 = tpu.memref_slice %arg17[%dma_start3A_1704, %dma_start3A_1705] : memref<64x32xf32, #tpu.memory_space<vmem>> -> memref<1x32xf32, #tpu.memory_space<vmem>>
      %dma_start3A_1707 = arith.constant 0 : i32
      %dma_start3A_1708 = tpu.memref_slice %arg7[%squeeze3A_1668, %dma_start3A_1707] : memref<1000000x32xf32, #tpu.memory_space<hbm>> -> memref<1x32xf32, #tpu.memory_space<hbm>>
      tpu.enqueue_dma source(%dma_start3A_1708 : memref<1x32xf32, #tpu.memory_space<hbm>>) target(%dma_start3A_1706 : memref<1x32xf32, #tpu.memory_space<vmem>>) target_semaphore(%arg18 : memref<!tpu.dma_semaphore, #tpu.memory_space<semaphore_mem>>)
      %slice3A_1709 = vector.extract_strided_slice %get3A_1439 {offsets = [6], sizes = [1], strides = [1]} : vector<16xi32> to vector<1xi32>
      %squeeze3A_1710 = vector.extract %slice3A_1709[0] : i32 from vector<1xi32>
      %slice3A_1711 = vector.extract_strided_slice %get3A_1444 {offsets = [6], sizes = [1], strides = [1]} : vector<16xi32> to vector<1xi32>
      %squeeze3A_1712 = vector.extract %slice3A_1711[0] : i32 from vector<1xi32>
      %dma_start3A_1713 = arith.constant 38 : i32
      %dma_start3A_1714 = arith.constant 0 : i32
      %dma_start3A_1715 = tpu.memref_slice %arg14[%dma_start3A_1713, %dma_start3A_1714] : memref<64x32xf32, #tpu.memory_space<vmem>> -> memref<1x32xf32, #tpu.memory_space<vmem>>
      %dma_start3A_1716 = arith.constant 0 : i32
      %dma_start3A_1717 = tpu.memref_slice %arg4[%squeeze3A_1710, %dma_start3A_1716] : memref<1000000x32xf32, #tpu.memory_space<hbm>> -> memref<1x32xf32, #tpu.memory_space<hbm>>
      %dma_start3A_1718 = arith.constant 38 : i32
      %dma_start3A_1719 = arith.constant 0 : i32
      %dma_start3A_1720 = tpu.memref_slice %arg14[%dma_start3A_1718, %dma_start3A_1719] : memref<64x32xf32, #tpu.memory_space<vmem>> -> memref<1x32xf32, #tpu.memory_space<vmem>>
      %dma_start3A_1721 = arith.constant 0 : i32
      %dma_start3A_1722 = tpu.memref_slice %arg4[%squeeze3A_1710, %dma_start3A_1721] : memref<1000000x32xf32, #tpu.memory_space<hbm>> -> memref<1x32xf32, #tpu.memory_space<hbm>>
      tpu.enqueue_dma source(%dma_start3A_1722 : memref<1x32xf32, #tpu.memory_space<hbm>>) target(%dma_start3A_1720 : memref<1x32xf32, #tpu.memory_space<vmem>>) target_semaphore(%arg18 : memref<!tpu.dma_semaphore, #tpu.memory_space<semaphore_mem>>)
      %dma_start3A_1723 = arith.constant 38 : i32
      %dma_start3A_1724 = arith.constant 0 : i32
      %dma_start3A_1725 = tpu.memref_slice %arg15[%dma_start3A_1723, %dma_start3A_1724] : memref<64x32xf32, #tpu.memory_space<vmem>> -> memref<1x32xf32, #tpu.memory_space<vmem>>
      %dma_start3A_1726 = arith.constant 0 : i32
      %dma_start3A_1727 = tpu.memref_slice %arg5[%squeeze3A_1712, %dma_start3A_1726] : memref<1000000x32xf32, #tpu.memory_space<hbm>> -> memref<1x32xf32, #tpu.memory_space<hbm>>
      %dma_start3A_1728 = arith.constant 38 : i32
      %dma_start3A_1729 = arith.constant 0 : i32
      %dma_start3A_1730 = tpu.memref_slice %arg15[%dma_start3A_1728, %dma_start3A_1729] : memref<64x32xf32, #tpu.memory_space<vmem>> -> memref<1x32xf32, #tpu.memory_space<vmem>>
      %dma_start3A_1731 = arith.constant 0 : i32
      %dma_start3A_1732 = tpu.memref_slice %arg5[%squeeze3A_1712, %dma_start3A_1731] : memref<1000000x32xf32, #tpu.memory_space<hbm>> -> memref<1x32xf32, #tpu.memory_space<hbm>>
      tpu.enqueue_dma source(%dma_start3A_1732 : memref<1x32xf32, #tpu.memory_space<hbm>>) target(%dma_start3A_1730 : memref<1x32xf32, #tpu.memory_space<vmem>>) target_semaphore(%arg18 : memref<!tpu.dma_semaphore, #tpu.memory_space<semaphore_mem>>)
      %dma_start3A_1733 = arith.constant 38 : i32
      %dma_start3A_1734 = arith.constant 0 : i32
      %dma_start3A_1735 = tpu.memref_slice %arg16[%dma_start3A_1733, %dma_start3A_1734] : memref<64x32xf32, #tpu.memory_space<vmem>> -> memref<1x32xf32, #tpu.memory_space<vmem>>
      %dma_start3A_1736 = arith.constant 0 : i32
      %dma_start3A_1737 = tpu.memref_slice %arg6[%squeeze3A_1710, %dma_start3A_1736] : memref<1000000x32xf32, #tpu.memory_space<hbm>> -> memref<1x32xf32, #tpu.memory_space<hbm>>
      %dma_start3A_1738 = arith.constant 38 : i32
      %dma_start3A_1739 = arith.constant 0 : i32
      %dma_start3A_1740 = tpu.memref_slice %arg16[%dma_start3A_1738, %dma_start3A_1739] : memref<64x32xf32, #tpu.memory_space<vmem>> -> memref<1x32xf32, #tpu.memory_space<vmem>>
      %dma_start3A_1741 = arith.constant 0 : i32
      %dma_start3A_1742 = tpu.memref_slice %arg6[%squeeze3A_1710, %dma_start3A_1741] : memref<1000000x32xf32, #tpu.memory_space<hbm>> -> memref<1x32xf32, #tpu.memory_space<hbm>>
      tpu.enqueue_dma source(%dma_start3A_1742 : memref<1x32xf32, #tpu.memory_space<hbm>>) target(%dma_start3A_1740 : memref<1x32xf32, #tpu.memory_space<vmem>>) target_semaphore(%arg18 : memref<!tpu.dma_semaphore, #tpu.memory_space<semaphore_mem>>)
      %dma_start3A_1743 = arith.constant 38 : i32
      %dma_start3A_1744 = arith.constant 0 : i32
      %dma_start3A_1745 = tpu.memref_slice %arg17[%dma_start3A_1743, %dma_start3A_1744] : memref<64x32xf32, #tpu.memory_space<vmem>> -> memref<1x32xf32, #tpu.memory_space<vmem>>
      %dma_start3A_1746 = arith.constant 0 : i32
      %dma_start3A_1747 = tpu.memref_slice %arg7[%squeeze3A_1712, %dma_start3A_1746] : memref<1000000x32xf32, #tpu.memory_space<hbm>> -> memref<1x32xf32, #tpu.memory_space<hbm>>
      %dma_start3A_1748 = arith.constant 38 : i32
      %dma_start3A_1749 = arith.constant 0 : i32
      %dma_start3A_1750 = tpu.memref_slice %arg17[%dma_start3A_1748, %dma_start3A_1749] : memref<64x32xf32, #tpu.memory_space<vmem>> -> memref<1x32xf32, #tpu.memory_space<vmem>>
      %dma_start3A_1751 = arith.constant 0 : i32
      %dma_start3A_1752 = tpu.memref_slice %arg7[%squeeze3A_1712, %dma_start3A_1751] : memref<1000000x32xf32, #tpu.memory_space<hbm>> -> memref<1x32xf32, #tpu.memory_space<hbm>>
      tpu.enqueue_dma source(%dma_start3A_1752 : memref<1x32xf32, #tpu.memory_space<hbm>>) target(%dma_start3A_1750 : memref<1x32xf32, #tpu.memory_space<vmem>>) target_semaphore(%arg18 : memref<!tpu.dma_semaphore, #tpu.memory_space<semaphore_mem>>)
      %slice3A_1753 = vector.extract_strided_slice %get3A_1439 {offsets = [7], sizes = [1], strides = [1]} : vector<16xi32> to vector<1xi32>
      %squeeze3A_1754 = vector.extract %slice3A_1753[0] : i32 from vector<1xi32>
      %slice3A_1755 = vector.extract_strided_slice %get3A_1444 {offsets = [7], sizes = [1], strides = [1]} : vector<16xi32> to vector<1xi32>
      %squeeze3A_1756 = vector.extract %slice3A_1755[0] : i32 from vector<1xi32>
      %dma_start3A_1757 = arith.constant 39 : i32
      %dma_start3A_1758 = arith.constant 0 : i32
      %dma_start3A_1759 = tpu.memref_slice %arg14[%dma_start3A_1757, %dma_start3A_1758] : memref<64x32xf32, #tpu.memory_space<vmem>> -> memref<1x32xf32, #tpu.memory_space<vmem>>
      %dma_start3A_1760 = arith.constant 0 : i32
      %dma_start3A_1761 = tpu.memref_slice %arg4[%squeeze3A_1754, %dma_start3A_1760] : memref<1000000x32xf32, #tpu.memory_space<hbm>> -> memref<1x32xf32, #tpu.memory_space<hbm>>
      %dma_start3A_1762 = arith.constant 39 : i32
      %dma_start3A_1763 = arith.constant 0 : i32
      %dma_start3A_1764 = tpu.memref_slice %arg14[%dma_start3A_1762, %dma_start3A_1763] : memref<64x32xf32, #tpu.memory_space<vmem>> -> memref<1x32xf32, #tpu.memory_space<vmem>>
      %dma_start3A_1765 = arith.constant 0 : i32
      %dma_start3A_1766 = tpu.memref_slice %arg4[%squeeze3A_1754, %dma_start3A_1765] : memref<1000000x32xf32, #tpu.memory_space<hbm>> -> memref<1x32xf32, #tpu.memory_space<hbm>>
      tpu.enqueue_dma source(%dma_start3A_1766 : memref<1x32xf32, #tpu.memory_space<hbm>>) target(%dma_start3A_1764 : memref<1x32xf32, #tpu.memory_space<vmem>>) target_semaphore(%arg18 : memref<!tpu.dma_semaphore, #tpu.memory_space<semaphore_mem>>)
      %dma_start3A_1767 = arith.constant 39 : i32
      %dma_start3A_1768 = arith.constant 0 : i32
      %dma_start3A_1769 = tpu.memref_slice %arg15[%dma_start3A_1767, %dma_start3A_1768] : memref<64x32xf32, #tpu.memory_space<vmem>> -> memref<1x32xf32, #tpu.memory_space<vmem>>
      %dma_start3A_1770 = arith.constant 0 : i32
      %dma_start3A_1771 = tpu.memref_slice %arg5[%squeeze3A_1756, %dma_start3A_1770] : memref<1000000x32xf32, #tpu.memory_space<hbm>> -> memref<1x32xf32, #tpu.memory_space<hbm>>
      %dma_start3A_1772 = arith.constant 39 : i32
      %dma_start3A_1773 = arith.constant 0 : i32
      %dma_start3A_1774 = tpu.memref_slice %arg15[%dma_start3A_1772, %dma_start3A_1773] : memref<64x32xf32, #tpu.memory_space<vmem>> -> memref<1x32xf32, #tpu.memory_space<vmem>>
      %dma_start3A_1775 = arith.constant 0 : i32
      %dma_start3A_1776 = tpu.memref_slice %arg5[%squeeze3A_1756, %dma_start3A_1775] : memref<1000000x32xf32, #tpu.memory_space<hbm>> -> memref<1x32xf32, #tpu.memory_space<hbm>>
      tpu.enqueue_dma source(%dma_start3A_1776 : memref<1x32xf32, #tpu.memory_space<hbm>>) target(%dma_start3A_1774 : memref<1x32xf32, #tpu.memory_space<vmem>>) target_semaphore(%arg18 : memref<!tpu.dma_semaphore, #tpu.memory_space<semaphore_mem>>)
      %dma_start3A_1777 = arith.constant 39 : i32
      %dma_start3A_1778 = arith.constant 0 : i32
      %dma_start3A_1779 = tpu.memref_slice %arg16[%dma_start3A_1777, %dma_start3A_1778] : memref<64x32xf32, #tpu.memory_space<vmem>> -> memref<1x32xf32, #tpu.memory_space<vmem>>
      %dma_start3A_1780 = arith.constant 0 : i32
      %dma_start3A_1781 = tpu.memref_slice %arg6[%squeeze3A_1754, %dma_start3A_1780] : memref<1000000x32xf32, #tpu.memory_space<hbm>> -> memref<1x32xf32, #tpu.memory_space<hbm>>
      %dma_start3A_1782 = arith.constant 39 : i32
      %dma_start3A_1783 = arith.constant 0 : i32
      %dma_start3A_1784 = tpu.memref_slice %arg16[%dma_start3A_1782, %dma_start3A_1783] : memref<64x32xf32, #tpu.memory_space<vmem>> -> memref<1x32xf32, #tpu.memory_space<vmem>>
      %dma_start3A_1785 = arith.constant 0 : i32
      %dma_start3A_1786 = tpu.memref_slice %arg6[%squeeze3A_1754, %dma_start3A_1785] : memref<1000000x32xf32, #tpu.memory_space<hbm>> -> memref<1x32xf32, #tpu.memory_space<hbm>>
      tpu.enqueue_dma source(%dma_start3A_1786 : memref<1x32xf32, #tpu.memory_space<hbm>>) target(%dma_start3A_1784 : memref<1x32xf32, #tpu.memory_space<vmem>>) target_semaphore(%arg18 : memref<!tpu.dma_semaphore, #tpu.memory_space<semaphore_mem>>)
      %dma_start3A_1787 = arith.constant 39 : i32
      %dma_start3A_1788 = arith.constant 0 : i32
      %dma_start3A_1789 = tpu.memref_slice %arg17[%dma_start3A_1787, %dma_start3A_1788] : memref<64x32xf32, #tpu.memory_space<vmem>> -> memref<1x32xf32, #tpu.memory_space<vmem>>
      %dma_start3A_1790 = arith.constant 0 : i32
      %dma_start3A_1791 = tpu.memref_slice %arg7[%squeeze3A_1756, %dma_start3A_1790] : memref<1000000x32xf32, #tpu.memory_space<hbm>> -> memref<1x32xf32, #tpu.memory_space<hbm>>
      %dma_start3A_1792 = arith.constant 39 : i32
      %dma_start3A_1793 = arith.constant 0 : i32
      %dma_start3A_1794 = tpu.memref_slice %arg17[%dma_start3A_1792, %dma_start3A_1793] : memref<64x32xf32, #tpu.memory_space<vmem>> -> memref<1x32xf32, #tpu.memory_space<vmem>>
      %dma_start3A_1795 = arith.constant 0 : i32
      %dma_start3A_1796 = tpu.memref_slice %arg7[%squeeze3A_1756, %dma_start3A_1795] : memref<1000000x32xf32, #tpu.memory_space<hbm>> -> memref<1x32xf32, #tpu.memory_space<hbm>>
      tpu.enqueue_dma source(%dma_start3A_1796 : memref<1x32xf32, #tpu.memory_space<hbm>>) target(%dma_start3A_1794 : memref<1x32xf32, #tpu.memory_space<vmem>>) target_semaphore(%arg18 : memref<!tpu.dma_semaphore, #tpu.memory_space<semaphore_mem>>)
      %slice3A_1797 = vector.extract_strided_slice %get3A_1439 {offsets = [8], sizes = [1], strides = [1]} : vector<16xi32> to vector<1xi32>
      %squeeze3A_1798 = vector.extract %slice3A_1797[0] : i32 from vector<1xi32>
      %slice3A_1799 = vector.extract_strided_slice %get3A_1444 {offsets = [8], sizes = [1], strides = [1]} : vector<16xi32> to vector<1xi32>
      %squeeze3A_1800 = vector.extract %slice3A_1799[0] : i32 from vector<1xi32>
      %dma_start3A_1801 = arith.constant 40 : i32
      %dma_start3A_1802 = arith.constant 0 : i32
      %dma_start3A_1803 = tpu.memref_slice %arg14[%dma_start3A_1801, %dma_start3A_1802] : memref<64x32xf32, #tpu.memory_space<vmem>> -> memref<1x32xf32, #tpu.memory_space<vmem>>
      %dma_start3A_1804 = arith.constant 0 : i32
      %dma_start3A_1805 = tpu.memref_slice %arg4[%squeeze3A_1798, %dma_start3A_1804] : memref<1000000x32xf32, #tpu.memory_space<hbm>> -> memref<1x32xf32, #tpu.memory_space<hbm>>
      %dma_start3A_1806 = arith.constant 40 : i32
      %dma_start3A_1807 = arith.constant 0 : i32
      %dma_start3A_1808 = tpu.memref_slice %arg14[%dma_start3A_1806, %dma_start3A_1807] : memref<64x32xf32, #tpu.memory_space<vmem>> -> memref<1x32xf32, #tpu.memory_space<vmem>>
      %dma_start3A_1809 = arith.constant 0 : i32
      %dma_start3A_1810 = tpu.memref_slice %arg4[%squeeze3A_1798, %dma_start3A_1809] : memref<1000000x32xf32, #tpu.memory_space<hbm>> -> memref<1x32xf32, #tpu.memory_space<hbm>>
      tpu.enqueue_dma source(%dma_start3A_1810 : memref<1x32xf32, #tpu.memory_space<hbm>>) target(%dma_start3A_1808 : memref<1x32xf32, #tpu.memory_space<vmem>>) target_semaphore(%arg18 : memref<!tpu.dma_semaphore, #tpu.memory_space<semaphore_mem>>)
      %dma_start3A_1811 = arith.constant 40 : i32
      %dma_start3A_1812 = arith.constant 0 : i32
      %dma_start3A_1813 = tpu.memref_slice %arg15[%dma_start3A_1811, %dma_start3A_1812] : memref<64x32xf32, #tpu.memory_space<vmem>> -> memref<1x32xf32, #tpu.memory_space<vmem>>
      %dma_start3A_1814 = arith.constant 0 : i32
      %dma_start3A_1815 = tpu.memref_slice %arg5[%squeeze3A_1800, %dma_start3A_1814] : memref<1000000x32xf32, #tpu.memory_space<hbm>> -> memref<1x32xf32, #tpu.memory_space<hbm>>
      %dma_start3A_1816 = arith.constant 40 : i32
      %dma_start3A_1817 = arith.constant 0 : i32
      %dma_start3A_1818 = tpu.memref_slice %arg15[%dma_start3A_1816, %dma_start3A_1817] : memref<64x32xf32, #tpu.memory_space<vmem>> -> memref<1x32xf32, #tpu.memory_space<vmem>>
      %dma_start3A_1819 = arith.constant 0 : i32
      %dma_start3A_1820 = tpu.memref_slice %arg5[%squeeze3A_1800, %dma_start3A_1819] : memref<1000000x32xf32, #tpu.memory_space<hbm>> -> memref<1x32xf32, #tpu.memory_space<hbm>>
      tpu.enqueue_dma source(%dma_start3A_1820 : memref<1x32xf32, #tpu.memory_space<hbm>>) target(%dma_start3A_1818 : memref<1x32xf32, #tpu.memory_space<vmem>>) target_semaphore(%arg18 : memref<!tpu.dma_semaphore, #tpu.memory_space<semaphore_mem>>)
      %dma_start3A_1821 = arith.constant 40 : i32
      %dma_start3A_1822 = arith.constant 0 : i32
      %dma_start3A_1823 = tpu.memref_slice %arg16[%dma_start3A_1821, %dma_start3A_1822] : memref<64x32xf32, #tpu.memory_space<vmem>> -> memref<1x32xf32, #tpu.memory_space<vmem>>
      %dma_start3A_1824 = arith.constant 0 : i32
      %dma_start3A_1825 = tpu.memref_slice %arg6[%squeeze3A_1798, %dma_start3A_1824] : memref<1000000x32xf32, #tpu.memory_space<hbm>> -> memref<1x32xf32, #tpu.memory_space<hbm>>
      %dma_start3A_1826 = arith.constant 40 : i32
      %dma_start3A_1827 = arith.constant 0 : i32
      %dma_start3A_1828 = tpu.memref_slice %arg16[%dma_start3A_1826, %dma_start3A_1827] : memref<64x32xf32, #tpu.memory_space<vmem>> -> memref<1x32xf32, #tpu.memory_space<vmem>>
      %dma_start3A_1829 = arith.constant 0 : i32
      %dma_start3A_1830 = tpu.memref_slice %arg6[%squeeze3A_1798, %dma_start3A_1829] : memref<1000000x32xf32, #tpu.memory_space<hbm>> -> memref<1x32xf32, #tpu.memory_space<hbm>>
      tpu.enqueue_dma source(%dma_start3A_1830 : memref<1x32xf32, #tpu.memory_space<hbm>>) target(%dma_start3A_1828 : memref<1x32xf32, #tpu.memory_space<vmem>>) target_semaphore(%arg18 : memref<!tpu.dma_semaphore, #tpu.memory_space<semaphore_mem>>)
      %dma_start3A_1831 = arith.constant 40 : i32
      %dma_start3A_1832 = arith.constant 0 : i32
      %dma_start3A_1833 = tpu.memref_slice %arg17[%dma_start3A_1831, %dma_start3A_1832] : memref<64x32xf32, #tpu.memory_space<vmem>> -> memref<1x32xf32, #tpu.memory_space<vmem>>
      %dma_start3A_1834 = arith.constant 0 : i32
      %dma_start3A_1835 = tpu.memref_slice %arg7[%squeeze3A_1800, %dma_start3A_1834] : memref<1000000x32xf32, #tpu.memory_space<hbm>> -> memref<1x32xf32, #tpu.memory_space<hbm>>
      %dma_start3A_1836 = arith.constant 40 : i32
      %dma_start3A_1837 = arith.constant 0 : i32
      %dma_start3A_1838 = tpu.memref_slice %arg17[%dma_start3A_1836, %dma_start3A_1837] : memref<64x32xf32, #tpu.memory_space<vmem>> -> memref<1x32xf32, #tpu.memory_space<vmem>>
      %dma_start3A_1839 = arith.constant 0 : i32
      %dma_start3A_1840 = tpu.memref_slice %arg7[%squeeze3A_1800, %dma_start3A_1839] : memref<1000000x32xf32, #tpu.memory_space<hbm>> -> memref<1x32xf32, #tpu.memory_space<hbm>>
      tpu.enqueue_dma source(%dma_start3A_1840 : memref<1x32xf32, #tpu.memory_space<hbm>>) target(%dma_start3A_1838 : memref<1x32xf32, #tpu.memory_space<vmem>>) target_semaphore(%arg18 : memref<!tpu.dma_semaphore, #tpu.memory_space<semaphore_mem>>)
      %slice3A_1841 = vector.extract_strided_slice %get3A_1439 {offsets = [9], sizes = [1], strides = [1]} : vector<16xi32> to vector<1xi32>
      %squeeze3A_1842 = vector.extract %slice3A_1841[0] : i32 from vector<1xi32>
      %slice3A_1843 = vector.extract_strided_slice %get3A_1444 {offsets = [9], sizes = [1], strides = [1]} : vector<16xi32> to vector<1xi32>
      %squeeze3A_1844 = vector.extract %slice3A_1843[0] : i32 from vector<1xi32>
      %dma_start3A_1845 = arith.constant 41 : i32
      %dma_start3A_1846 = arith.constant 0 : i32
      %dma_start3A_1847 = tpu.memref_slice %arg14[%dma_start3A_1845, %dma_start3A_1846] : memref<64x32xf32, #tpu.memory_space<vmem>> -> memref<1x32xf32, #tpu.memory_space<vmem>>
      %dma_start3A_1848 = arith.constant 0 : i32
      %dma_start3A_1849 = tpu.memref_slice %arg4[%squeeze3A_1842, %dma_start3A_1848] : memref<1000000x32xf32, #tpu.memory_space<hbm>> -> memref<1x32xf32, #tpu.memory_space<hbm>>
      %dma_start3A_1850 = arith.constant 41 : i32
      %dma_start3A_1851 = arith.constant 0 : i32
      %dma_start3A_1852 = tpu.memref_slice %arg14[%dma_start3A_1850, %dma_start3A_1851] : memref<64x32xf32, #tpu.memory_space<vmem>> -> memref<1x32xf32, #tpu.memory_space<vmem>>
      %dma_start3A_1853 = arith.constant 0 : i32
      %dma_start3A_1854 = tpu.memref_slice %arg4[%squeeze3A_1842, %dma_start3A_1853] : memref<1000000x32xf32, #tpu.memory_space<hbm>> -> memref<1x32xf32, #tpu.memory_space<hbm>>
      tpu.enqueue_dma source(%dma_start3A_1854 : memref<1x32xf32, #tpu.memory_space<hbm>>) target(%dma_start3A_1852 : memref<1x32xf32, #tpu.memory_space<vmem>>) target_semaphore(%arg18 : memref<!tpu.dma_semaphore, #tpu.memory_space<semaphore_mem>>)
      %dma_start3A_1855 = arith.constant 41 : i32
      %dma_start3A_1856 = arith.constant 0 : i32
      %dma_start3A_1857 = tpu.memref_slice %arg15[%dma_start3A_1855, %dma_start3A_1856] : memref<64x32xf32, #tpu.memory_space<vmem>> -> memref<1x32xf32, #tpu.memory_space<vmem>>
      %dma_start3A_1858 = arith.constant 0 : i32
      %dma_start3A_1859 = tpu.memref_slice %arg5[%squeeze3A_1844, %dma_start3A_1858] : memref<1000000x32xf32, #tpu.memory_space<hbm>> -> memref<1x32xf32, #tpu.memory_space<hbm>>
      %dma_start3A_1860 = arith.constant 41 : i32
      %dma_start3A_1861 = arith.constant 0 : i32
      %dma_start3A_1862 = tpu.memref_slice %arg15[%dma_start3A_1860, %dma_start3A_1861] : memref<64x32xf32, #tpu.memory_space<vmem>> -> memref<1x32xf32, #tpu.memory_space<vmem>>
      %dma_start3A_1863 = arith.constant 0 : i32
      %dma_start3A_1864 = tpu.memref_slice %arg5[%squeeze3A_1844, %dma_start3A_1863] : memref<1000000x32xf32, #tpu.memory_space<hbm>> -> memref<1x32xf32, #tpu.memory_space<hbm>>
      tpu.enqueue_dma source(%dma_start3A_1864 : memref<1x32xf32, #tpu.memory_space<hbm>>) target(%dma_start3A_1862 : memref<1x32xf32, #tpu.memory_space<vmem>>) target_semaphore(%arg18 : memref<!tpu.dma_semaphore, #tpu.memory_space<semaphore_mem>>)
      %dma_start3A_1865 = arith.constant 41 : i32
      %dma_start3A_1866 = arith.constant 0 : i32
      %dma_start3A_1867 = tpu.memref_slice %arg16[%dma_start3A_1865, %dma_start3A_1866] : memref<64x32xf32, #tpu.memory_space<vmem>> -> memref<1x32xf32, #tpu.memory_space<vmem>>
      %dma_start3A_1868 = arith.constant 0 : i32
      %dma_start3A_1869 = tpu.memref_slice %arg6[%squeeze3A_1842, %dma_start3A_1868] : memref<1000000x32xf32, #tpu.memory_space<hbm>> -> memref<1x32xf32, #tpu.memory_space<hbm>>
      %dma_start3A_1870 = arith.constant 41 : i32
      %dma_start3A_1871 = arith.constant 0 : i32
      %dma_start3A_1872 = tpu.memref_slice %arg16[%dma_start3A_1870, %dma_start3A_1871] : memref<64x32xf32, #tpu.memory_space<vmem>> -> memref<1x32xf32, #tpu.memory_space<vmem>>
      %dma_start3A_1873 = arith.constant 0 : i32
      %dma_start3A_1874 = tpu.memref_slice %arg6[%squeeze3A_1842, %dma_start3A_1873] : memref<1000000x32xf32, #tpu.memory_space<hbm>> -> memref<1x32xf32, #tpu.memory_space<hbm>>
      tpu.enqueue_dma source(%dma_start3A_1874 : memref<1x32xf32, #tpu.memory_space<hbm>>) target(%dma_start3A_1872 : memref<1x32xf32, #tpu.memory_space<vmem>>) target_semaphore(%arg18 : memref<!tpu.dma_semaphore, #tpu.memory_space<semaphore_mem>>)
      %dma_start3A_1875 = arith.constant 41 : i32
      %dma_start3A_1876 = arith.constant 0 : i32
      %dma_start3A_1877 = tpu.memref_slice %arg17[%dma_start3A_1875, %dma_start3A_1876] : memref<64x32xf32, #tpu.memory_space<vmem>> -> memref<1x32xf32, #tpu.memory_space<vmem>>
      %dma_start3A_1878 = arith.constant 0 : i32
      %dma_start3A_1879 = tpu.memref_slice %arg7[%squeeze3A_1844, %dma_start3A_1878] : memref<1000000x32xf32, #tpu.memory_space<hbm>> -> memref<1x32xf32, #tpu.memory_space<hbm>>
      %dma_start3A_1880 = arith.constant 41 : i32
      %dma_start3A_1881 = arith.constant 0 : i32
      %dma_start3A_1882 = tpu.memref_slice %arg17[%dma_start3A_1880, %dma_start3A_1881] : memref<64x32xf32, #tpu.memory_space<vmem>> -> memref<1x32xf32, #tpu.memory_space<vmem>>
      %dma_start3A_1883 = arith.constant 0 : i32
      %dma_start3A_1884 = tpu.memref_slice %arg7[%squeeze3A_1844, %dma_start3A_1883] : memref<1000000x32xf32, #tpu.memory_space<hbm>> -> memref<1x32xf32, #tpu.memory_space<hbm>>
      tpu.enqueue_dma source(%dma_start3A_1884 : memref<1x32xf32, #tpu.memory_space<hbm>>) target(%dma_start3A_1882 : memref<1x32xf32, #tpu.memory_space<vmem>>) target_semaphore(%arg18 : memref<!tpu.dma_semaphore, #tpu.memory_space<semaphore_mem>>)
      %slice3A_1885 = vector.extract_strided_slice %get3A_1439 {offsets = [10], sizes = [1], strides = [1]} : vector<16xi32> to vector<1xi32>
      %squeeze3A_1886 = vector.extract %slice3A_1885[0] : i32 from vector<1xi32>
      %slice3A_1887 = vector.extract_strided_slice %get3A_1444 {offsets = [10], sizes = [1], strides = [1]} : vector<16xi32> to vector<1xi32>
      %squeeze3A_1888 = vector.extract %slice3A_1887[0] : i32 from vector<1xi32>
      %dma_start3A_1889 = arith.constant 42 : i32
      %dma_start3A_1890 = arith.constant 0 : i32
      %dma_start3A_1891 = tpu.memref_slice %arg14[%dma_start3A_1889, %dma_start3A_1890] : memref<64x32xf32, #tpu.memory_space<vmem>> -> memref<1x32xf32, #tpu.memory_space<vmem>>
      %dma_start3A_1892 = arith.constant 0 : i32
      %dma_start3A_1893 = tpu.memref_slice %arg4[%squeeze3A_1886, %dma_start3A_1892] : memref<1000000x32xf32, #tpu.memory_space<hbm>> -> memref<1x32xf32, #tpu.memory_space<hbm>>
      %dma_start3A_1894 = arith.constant 42 : i32
      %dma_start3A_1895 = arith.constant 0 : i32
      %dma_start3A_1896 = tpu.memref_slice %arg14[%dma_start3A_1894, %dma_start3A_1895] : memref<64x32xf32, #tpu.memory_space<vmem>> -> memref<1x32xf32, #tpu.memory_space<vmem>>
      %dma_start3A_1897 = arith.constant 0 : i32
      %dma_start3A_1898 = tpu.memref_slice %arg4[%squeeze3A_1886, %dma_start3A_1897] : memref<1000000x32xf32, #tpu.memory_space<hbm>> -> memref<1x32xf32, #tpu.memory_space<hbm>>
      tpu.enqueue_dma source(%dma_start3A_1898 : memref<1x32xf32, #tpu.memory_space<hbm>>) target(%dma_start3A_1896 : memref<1x32xf32, #tpu.memory_space<vmem>>) target_semaphore(%arg18 : memref<!tpu.dma_semaphore, #tpu.memory_space<semaphore_mem>>)
      %dma_start3A_1899 = arith.constant 42 : i32
      %dma_start3A_1900 = arith.constant 0 : i32
      %dma_start3A_1901 = tpu.memref_slice %arg15[%dma_start3A_1899, %dma_start3A_1900] : memref<64x32xf32, #tpu.memory_space<vmem>> -> memref<1x32xf32, #tpu.memory_space<vmem>>
      %dma_start3A_1902 = arith.constant 0 : i32
      %dma_start3A_1903 = tpu.memref_slice %arg5[%squeeze3A_1888, %dma_start3A_1902] : memref<1000000x32xf32, #tpu.memory_space<hbm>> -> memref<1x32xf32, #tpu.memory_space<hbm>>
      %dma_start3A_1904 = arith.constant 42 : i32
      %dma_start3A_1905 = arith.constant 0 : i32
      %dma_start3A_1906 = tpu.memref_slice %arg15[%dma_start3A_1904, %dma_start3A_1905] : memref<64x32xf32, #tpu.memory_space<vmem>> -> memref<1x32xf32, #tpu.memory_space<vmem>>
      %dma_start3A_1907 = arith.constant 0 : i32
      %dma_start3A_1908 = tpu.memref_slice %arg5[%squeeze3A_1888, %dma_start3A_1907] : memref<1000000x32xf32, #tpu.memory_space<hbm>> -> memref<1x32xf32, #tpu.memory_space<hbm>>
      tpu.enqueue_dma source(%dma_start3A_1908 : memref<1x32xf32, #tpu.memory_space<hbm>>) target(%dma_start3A_1906 : memref<1x32xf32, #tpu.memory_space<vmem>>) target_semaphore(%arg18 : memref<!tpu.dma_semaphore, #tpu.memory_space<semaphore_mem>>)
      %dma_start3A_1909 = arith.constant 42 : i32
      %dma_start3A_1910 = arith.constant 0 : i32
      %dma_start3A_1911 = tpu.memref_slice %arg16[%dma_start3A_1909, %dma_start3A_1910] : memref<64x32xf32, #tpu.memory_space<vmem>> -> memref<1x32xf32, #tpu.memory_space<vmem>>
      %dma_start3A_1912 = arith.constant 0 : i32
      %dma_start3A_1913 = tpu.memref_slice %arg6[%squeeze3A_1886, %dma_start3A_1912] : memref<1000000x32xf32, #tpu.memory_space<hbm>> -> memref<1x32xf32, #tpu.memory_space<hbm>>
      %dma_start3A_1914 = arith.constant 42 : i32
      %dma_start3A_1915 = arith.constant 0 : i32
      %dma_start3A_1916 = tpu.memref_slice %arg16[%dma_start3A_1914, %dma_start3A_1915] : memref<64x32xf32, #tpu.memory_space<vmem>> -> memref<1x32xf32, #tpu.memory_space<vmem>>
      %dma_start3A_1917 = arith.constant 0 : i32
      %dma_start3A_1918 = tpu.memref_slice %arg6[%squeeze3A_1886, %dma_start3A_1917] : memref<1000000x32xf32, #tpu.memory_space<hbm>> -> memref<1x32xf32, #tpu.memory_space<hbm>>
      tpu.enqueue_dma source(%dma_start3A_1918 : memref<1x32xf32, #tpu.memory_space<hbm>>) target(%dma_start3A_1916 : memref<1x32xf32, #tpu.memory_space<vmem>>) target_semaphore(%arg18 : memref<!tpu.dma_semaphore, #tpu.memory_space<semaphore_mem>>)
      %dma_start3A_1919 = arith.constant 42 : i32
      %dma_start3A_1920 = arith.constant 0 : i32
      %dma_start3A_1921 = tpu.memref_slice %arg17[%dma_start3A_1919, %dma_start3A_1920] : memref<64x32xf32, #tpu.memory_space<vmem>> -> memref<1x32xf32, #tpu.memory_space<vmem>>
      %dma_start3A_1922 = arith.constant 0 : i32
      %dma_start3A_1923 = tpu.memref_slice %arg7[%squeeze3A_1888, %dma_start3A_1922] : memref<1000000x32xf32, #tpu.memory_space<hbm>> -> memref<1x32xf32, #tpu.memory_space<hbm>>
      %dma_start3A_1924 = arith.constant 42 : i32
      %dma_start3A_1925 = arith.constant 0 : i32
      %dma_start3A_1926 = tpu.memref_slice %arg17[%dma_start3A_1924, %dma_start3A_1925] : memref<64x32xf32, #tpu.memory_space<vmem>> -> memref<1x32xf32, #tpu.memory_space<vmem>>
      %dma_start3A_1927 = arith.constant 0 : i32
      %dma_start3A_1928 = tpu.memref_slice %arg7[%squeeze3A_1888, %dma_start3A_1927] : memref<1000000x32xf32, #tpu.memory_space<hbm>> -> memref<1x32xf32, #tpu.memory_space<hbm>>
      tpu.enqueue_dma source(%dma_start3A_1928 : memref<1x32xf32, #tpu.memory_space<hbm>>) target(%dma_start3A_1926 : memref<1x32xf32, #tpu.memory_space<vmem>>) target_semaphore(%arg18 : memref<!tpu.dma_semaphore, #tpu.memory_space<semaphore_mem>>)
      %slice3A_1929 = vector.extract_strided_slice %get3A_1439 {offsets = [11], sizes = [1], strides = [1]} : vector<16xi32> to vector<1xi32>
      %squeeze3A_1930 = vector.extract %slice3A_1929[0] : i32 from vector<1xi32>
      %slice3A_1931 = vector.extract_strided_slice %get3A_1444 {offsets = [11], sizes = [1], strides = [1]} : vector<16xi32> to vector<1xi32>
      %squeeze3A_1932 = vector.extract %slice3A_1931[0] : i32 from vector<1xi32>
      %dma_start3A_1933 = arith.constant 43 : i32
      %dma_start3A_1934 = arith.constant 0 : i32
      %dma_start3A_1935 = tpu.memref_slice %arg14[%dma_start3A_1933, %dma_start3A_1934] : memref<64x32xf32, #tpu.memory_space<vmem>> -> memref<1x32xf32, #tpu.memory_space<vmem>>
      %dma_start3A_1936 = arith.constant 0 : i32
      %dma_start3A_1937 = tpu.memref_slice %arg4[%squeeze3A_1930, %dma_start3A_1936] : memref<1000000x32xf32, #tpu.memory_space<hbm>> -> memref<1x32xf32, #tpu.memory_space<hbm>>
      %dma_start3A_1938 = arith.constant 43 : i32
      %dma_start3A_1939 = arith.constant 0 : i32
      %dma_start3A_1940 = tpu.memref_slice %arg14[%dma_start3A_1938, %dma_start3A_1939] : memref<64x32xf32, #tpu.memory_space<vmem>> -> memref<1x32xf32, #tpu.memory_space<vmem>>
      %dma_start3A_1941 = arith.constant 0 : i32
      %dma_start3A_1942 = tpu.memref_slice %arg4[%squeeze3A_1930, %dma_start3A_1941] : memref<1000000x32xf32, #tpu.memory_space<hbm>> -> memref<1x32xf32, #tpu.memory_space<hbm>>
      tpu.enqueue_dma source(%dma_start3A_1942 : memref<1x32xf32, #tpu.memory_space<hbm>>) target(%dma_start3A_1940 : memref<1x32xf32, #tpu.memory_space<vmem>>) target_semaphore(%arg18 : memref<!tpu.dma_semaphore, #tpu.memory_space<semaphore_mem>>)
      %dma_start3A_1943 = arith.constant 43 : i32
      %dma_start3A_1944 = arith.constant 0 : i32
      %dma_start3A_1945 = tpu.memref_slice %arg15[%dma_start3A_1943, %dma_start3A_1944] : memref<64x32xf32, #tpu.memory_space<vmem>> -> memref<1x32xf32, #tpu.memory_space<vmem>>
      %dma_start3A_1946 = arith.constant 0 : i32
      %dma_start3A_1947 = tpu.memref_slice %arg5[%squeeze3A_1932, %dma_start3A_1946] : memref<1000000x32xf32, #tpu.memory_space<hbm>> -> memref<1x32xf32, #tpu.memory_space<hbm>>
      %dma_start3A_1948 = arith.constant 43 : i32
      %dma_start3A_1949 = arith.constant 0 : i32
      %dma_start3A_1950 = tpu.memref_slice %arg15[%dma_start3A_1948, %dma_start3A_1949] : memref<64x32xf32, #tpu.memory_space<vmem>> -> memref<1x32xf32, #tpu.memory_space<vmem>>
      %dma_start3A_1951 = arith.constant 0 : i32
      %dma_start3A_1952 = tpu.memref_slice %arg5[%squeeze3A_1932, %dma_start3A_1951] : memref<1000000x32xf32, #tpu.memory_space<hbm>> -> memref<1x32xf32, #tpu.memory_space<hbm>>
      tpu.enqueue_dma source(%dma_start3A_1952 : memref<1x32xf32, #tpu.memory_space<hbm>>) target(%dma_start3A_1950 : memref<1x32xf32, #tpu.memory_space<vmem>>) target_semaphore(%arg18 : memref<!tpu.dma_semaphore, #tpu.memory_space<semaphore_mem>>)
      %dma_start3A_1953 = arith.constant 43 : i32
      %dma_start3A_1954 = arith.constant 0 : i32
      %dma_start3A_1955 = tpu.memref_slice %arg16[%dma_start3A_1953, %dma_start3A_1954] : memref<64x32xf32, #tpu.memory_space<vmem>> -> memref<1x32xf32, #tpu.memory_space<vmem>>
      %dma_start3A_1956 = arith.constant 0 : i32
      %dma_start3A_1957 = tpu.memref_slice %arg6[%squeeze3A_1930, %dma_start3A_1956] : memref<1000000x32xf32, #tpu.memory_space<hbm>> -> memref<1x32xf32, #tpu.memory_space<hbm>>
      %dma_start3A_1958 = arith.constant 43 : i32
      %dma_start3A_1959 = arith.constant 0 : i32
      %dma_start3A_1960 = tpu.memref_slice %arg16[%dma_start3A_1958, %dma_start3A_1959] : memref<64x32xf32, #tpu.memory_space<vmem>> -> memref<1x32xf32, #tpu.memory_space<vmem>>
      %dma_start3A_1961 = arith.constant 0 : i32
      %dma_start3A_1962 = tpu.memref_slice %arg6[%squeeze3A_1930, %dma_start3A_1961] : memref<1000000x32xf32, #tpu.memory_space<hbm>> -> memref<1x32xf32, #tpu.memory_space<hbm>>
      tpu.enqueue_dma source(%dma_start3A_1962 : memref<1x32xf32, #tpu.memory_space<hbm>>) target(%dma_start3A_1960 : memref<1x32xf32, #tpu.memory_space<vmem>>) target_semaphore(%arg18 : memref<!tpu.dma_semaphore, #tpu.memory_space<semaphore_mem>>)
      %dma_start3A_1963 = arith.constant 43 : i32
      %dma_start3A_1964 = arith.constant 0 : i32
      %dma_start3A_1965 = tpu.memref_slice %arg17[%dma_start3A_1963, %dma_start3A_1964] : memref<64x32xf32, #tpu.memory_space<vmem>> -> memref<1x32xf32, #tpu.memory_space<vmem>>
      %dma_start3A_1966 = arith.constant 0 : i32
      %dma_start3A_1967 = tpu.memref_slice %arg7[%squeeze3A_1932, %dma_start3A_1966] : memref<1000000x32xf32, #tpu.memory_space<hbm>> -> memref<1x32xf32, #tpu.memory_space<hbm>>
      %dma_start3A_1968 = arith.constant 43 : i32
      %dma_start3A_1969 = arith.constant 0 : i32
      %dma_start3A_1970 = tpu.memref_slice %arg17[%dma_start3A_1968, %dma_start3A_1969] : memref<64x32xf32, #tpu.memory_space<vmem>> -> memref<1x32xf32, #tpu.memory_space<vmem>>
      %dma_start3A_1971 = arith.constant 0 : i32
      %dma_start3A_1972 = tpu.memref_slice %arg7[%squeeze3A_1932, %dma_start3A_1971] : memref<1000000x32xf32, #tpu.memory_space<hbm>> -> memref<1x32xf32, #tpu.memory_space<hbm>>
      tpu.enqueue_dma source(%dma_start3A_1972 : memref<1x32xf32, #tpu.memory_space<hbm>>) target(%dma_start3A_1970 : memref<1x32xf32, #tpu.memory_space<vmem>>) target_semaphore(%arg18 : memref<!tpu.dma_semaphore, #tpu.memory_space<semaphore_mem>>)
      %slice3A_1973 = vector.extract_strided_slice %get3A_1439 {offsets = [12], sizes = [1], strides = [1]} : vector<16xi32> to vector<1xi32>
      %squeeze3A_1974 = vector.extract %slice3A_1973[0] : i32 from vector<1xi32>
      %slice3A_1975 = vector.extract_strided_slice %get3A_1444 {offsets = [12], sizes = [1], strides = [1]} : vector<16xi32> to vector<1xi32>
      %squeeze3A_1976 = vector.extract %slice3A_1975[0] : i32 from vector<1xi32>
      %dma_start3A_1977 = arith.constant 44 : i32
      %dma_start3A_1978 = arith.constant 0 : i32
      %dma_start3A_1979 = tpu.memref_slice %arg14[%dma_start3A_1977, %dma_start3A_1978] : memref<64x32xf32, #tpu.memory_space<vmem>> -> memref<1x32xf32, #tpu.memory_space<vmem>>
      %dma_start3A_1980 = arith.constant 0 : i32
      %dma_start3A_1981 = tpu.memref_slice %arg4[%squeeze3A_1974, %dma_start3A_1980] : memref<1000000x32xf32, #tpu.memory_space<hbm>> -> memref<1x32xf32, #tpu.memory_space<hbm>>
      %dma_start3A_1982 = arith.constant 44 : i32
      %dma_start3A_1983 = arith.constant 0 : i32
      %dma_start3A_1984 = tpu.memref_slice %arg14[%dma_start3A_1982, %dma_start3A_1983] : memref<64x32xf32, #tpu.memory_space<vmem>> -> memref<1x32xf32, #tpu.memory_space<vmem>>
      %dma_start3A_1985 = arith.constant 0 : i32
      %dma_start3A_1986 = tpu.memref_slice %arg4[%squeeze3A_1974, %dma_start3A_1985] : memref<1000000x32xf32, #tpu.memory_space<hbm>> -> memref<1x32xf32, #tpu.memory_space<hbm>>
      tpu.enqueue_dma source(%dma_start3A_1986 : memref<1x32xf32, #tpu.memory_space<hbm>>) target(%dma_start3A_1984 : memref<1x32xf32, #tpu.memory_space<vmem>>) target_semaphore(%arg18 : memref<!tpu.dma_semaphore, #tpu.memory_space<semaphore_mem>>)
      %dma_start3A_1987 = arith.constant 44 : i32
      %dma_start3A_1988 = arith.constant 0 : i32
      %dma_start3A_1989 = tpu.memref_slice %arg15[%dma_start3A_1987, %dma_start3A_1988] : memref<64x32xf32, #tpu.memory_space<vmem>> -> memref<1x32xf32, #tpu.memory_space<vmem>>
      %dma_start3A_1990 = arith.constant 0 : i32
      %dma_start3A_1991 = tpu.memref_slice %arg5[%squeeze3A_1976, %dma_start3A_1990] : memref<1000000x32xf32, #tpu.memory_space<hbm>> -> memref<1x32xf32, #tpu.memory_space<hbm>>
      %dma_start3A_1992 = arith.constant 44 : i32
      %dma_start3A_1993 = arith.constant 0 : i32
      %dma_start3A_1994 = tpu.memref_slice %arg15[%dma_start3A_1992, %dma_start3A_1993] : memref<64x32xf32, #tpu.memory_space<vmem>> -> memref<1x32xf32, #tpu.memory_space<vmem>>
      %dma_start3A_1995 = arith.constant 0 : i32
      %dma_start3A_1996 = tpu.memref_slice %arg5[%squeeze3A_1976, %dma_start3A_1995] : memref<1000000x32xf32, #tpu.memory_space<hbm>> -> memref<1x32xf32, #tpu.memory_space<hbm>>
      tpu.enqueue_dma source(%dma_start3A_1996 : memref<1x32xf32, #tpu.memory_space<hbm>>) target(%dma_start3A_1994 : memref<1x32xf32, #tpu.memory_space<vmem>>) target_semaphore(%arg18 : memref<!tpu.dma_semaphore, #tpu.memory_space<semaphore_mem>>)
      %dma_start3A_1997 = arith.constant 44 : i32
      %dma_start3A_1998 = arith.constant 0 : i32
      %dma_start3A_1999 = tpu.memref_slice %arg16[%dma_start3A_1997, %dma_start3A_1998] : memref<64x32xf32, #tpu.memory_space<vmem>> -> memref<1x32xf32, #tpu.memory_space<vmem>>
      %dma_start3A_2000 = arith.constant 0 : i32
      %dma_start3A_2001 = tpu.memref_slice %arg6[%squeeze3A_1974, %dma_start3A_2000] : memref<1000000x32xf32, #tpu.memory_space<hbm>> -> memref<1x32xf32, #tpu.memory_space<hbm>>
      %dma_start3A_2002 = arith.constant 44 : i32
      %dma_start3A_2003 = arith.constant 0 : i32
      %dma_start3A_2004 = tpu.memref_slice %arg16[%dma_start3A_2002, %dma_start3A_2003] : memref<64x32xf32, #tpu.memory_space<vmem>> -> memref<1x32xf32, #tpu.memory_space<vmem>>
      %dma_start3A_2005 = arith.constant 0 : i32
      %dma_start3A_2006 = tpu.memref_slice %arg6[%squeeze3A_1974, %dma_start3A_2005] : memref<1000000x32xf32, #tpu.memory_space<hbm>> -> memref<1x32xf32, #tpu.memory_space<hbm>>
      tpu.enqueue_dma source(%dma_start3A_2006 : memref<1x32xf32, #tpu.memory_space<hbm>>) target(%dma_start3A_2004 : memref<1x32xf32, #tpu.memory_space<vmem>>) target_semaphore(%arg18 : memref<!tpu.dma_semaphore, #tpu.memory_space<semaphore_mem>>)
      %dma_start3A_2007 = arith.constant 44 : i32
      %dma_start3A_2008 = arith.constant 0 : i32
      %dma_start3A_2009 = tpu.memref_slice %arg17[%dma_start3A_2007, %dma_start3A_2008] : memref<64x32xf32, #tpu.memory_space<vmem>> -> memref<1x32xf32, #tpu.memory_space<vmem>>
      %dma_start3A_2010 = arith.constant 0 : i32
      %dma_start3A_2011 = tpu.memref_slice %arg7[%squeeze3A_1976, %dma_start3A_2010] : memref<1000000x32xf32, #tpu.memory_space<hbm>> -> memref<1x32xf32, #tpu.memory_space<hbm>>
      %dma_start3A_2012 = arith.constant 44 : i32
      %dma_start3A_2013 = arith.constant 0 : i32
      %dma_start3A_2014 = tpu.memref_slice %arg17[%dma_start3A_2012, %dma_start3A_2013] : memref<64x32xf32, #tpu.memory_space<vmem>> -> memref<1x32xf32, #tpu.memory_space<vmem>>
      %dma_start3A_2015 = arith.constant 0 : i32
      %dma_start3A_2016 = tpu.memref_slice %arg7[%squeeze3A_1976, %dma_start3A_2015] : memref<1000000x32xf32, #tpu.memory_space<hbm>> -> memref<1x32xf32, #tpu.memory_space<hbm>>
      tpu.enqueue_dma source(%dma_start3A_2016 : memref<1x32xf32, #tpu.memory_space<hbm>>) target(%dma_start3A_2014 : memref<1x32xf32, #tpu.memory_space<vmem>>) target_semaphore(%arg18 : memref<!tpu.dma_semaphore, #tpu.memory_space<semaphore_mem>>)
      %slice3A_2017 = vector.extract_strided_slice %get3A_1439 {offsets = [13], sizes = [1], strides = [1]} : vector<16xi32> to vector<1xi32>
      %squeeze3A_2018 = vector.extract %slice3A_2017[0] : i32 from vector<1xi32>
      %slice3A_2019 = vector.extract_strided_slice %get3A_1444 {offsets = [13], sizes = [1], strides = [1]} : vector<16xi32> to vector<1xi32>
      %squeeze3A_2020 = vector.extract %slice3A_2019[0] : i32 from vector<1xi32>
      %dma_start3A_2021 = arith.constant 45 : i32
      %dma_start3A_2022 = arith.constant 0 : i32
      %dma_start3A_2023 = tpu.memref_slice %arg14[%dma_start3A_2021, %dma_start3A_2022] : memref<64x32xf32, #tpu.memory_space<vmem>> -> memref<1x32xf32, #tpu.memory_space<vmem>>
      %dma_start3A_2024 = arith.constant 0 : i32
      %dma_start3A_2025 = tpu.memref_slice %arg4[%squeeze3A_2018, %dma_start3A_2024] : memref<1000000x32xf32, #tpu.memory_space<hbm>> -> memref<1x32xf32, #tpu.memory_space<hbm>>
      %dma_start3A_2026 = arith.constant 45 : i32
      %dma_start3A_2027 = arith.constant 0 : i32
      %dma_start3A_2028 = tpu.memref_slice %arg14[%dma_start3A_2026, %dma_start3A_2027] : memref<64x32xf32, #tpu.memory_space<vmem>> -> memref<1x32xf32, #tpu.memory_space<vmem>>
      %dma_start3A_2029 = arith.constant 0 : i32
      %dma_start3A_2030 = tpu.memref_slice %arg4[%squeeze3A_2018, %dma_start3A_2029] : memref<1000000x32xf32, #tpu.memory_space<hbm>> -> memref<1x32xf32, #tpu.memory_space<hbm>>
      tpu.enqueue_dma source(%dma_start3A_2030 : memref<1x32xf32, #tpu.memory_space<hbm>>) target(%dma_start3A_2028 : memref<1x32xf32, #tpu.memory_space<vmem>>) target_semaphore(%arg18 : memref<!tpu.dma_semaphore, #tpu.memory_space<semaphore_mem>>)
      %dma_start3A_2031 = arith.constant 45 : i32
      %dma_start3A_2032 = arith.constant 0 : i32
      %dma_start3A_2033 = tpu.memref_slice %arg15[%dma_start3A_2031, %dma_start3A_2032] : memref<64x32xf32, #tpu.memory_space<vmem>> -> memref<1x32xf32, #tpu.memory_space<vmem>>
      %dma_start3A_2034 = arith.constant 0 : i32
      %dma_start3A_2035 = tpu.memref_slice %arg5[%squeeze3A_2020, %dma_start3A_2034] : memref<1000000x32xf32, #tpu.memory_space<hbm>> -> memref<1x32xf32, #tpu.memory_space<hbm>>
      %dma_start3A_2036 = arith.constant 45 : i32
      %dma_start3A_2037 = arith.constant 0 : i32
      %dma_start3A_2038 = tpu.memref_slice %arg15[%dma_start3A_2036, %dma_start3A_2037] : memref<64x32xf32, #tpu.memory_space<vmem>> -> memref<1x32xf32, #tpu.memory_space<vmem>>
      %dma_start3A_2039 = arith.constant 0 : i32
      %dma_start3A_2040 = tpu.memref_slice %arg5[%squeeze3A_2020, %dma_start3A_2039] : memref<1000000x32xf32, #tpu.memory_space<hbm>> -> memref<1x32xf32, #tpu.memory_space<hbm>>
      tpu.enqueue_dma source(%dma_start3A_2040 : memref<1x32xf32, #tpu.memory_space<hbm>>) target(%dma_start3A_2038 : memref<1x32xf32, #tpu.memory_space<vmem>>) target_semaphore(%arg18 : memref<!tpu.dma_semaphore, #tpu.memory_space<semaphore_mem>>)
      %dma_start3A_2041 = arith.constant 45 : i32
      %dma_start3A_2042 = arith.constant 0 : i32
      %dma_start3A_2043 = tpu.memref_slice %arg16[%dma_start3A_2041, %dma_start3A_2042] : memref<64x32xf32, #tpu.memory_space<vmem>> -> memref<1x32xf32, #tpu.memory_space<vmem>>
      %dma_start3A_2044 = arith.constant 0 : i32
      %dma_start3A_2045 = tpu.memref_slice %arg6[%squeeze3A_2018, %dma_start3A_2044] : memref<1000000x32xf32, #tpu.memory_space<hbm>> -> memref<1x32xf32, #tpu.memory_space<hbm>>
      %dma_start3A_2046 = arith.constant 45 : i32
      %dma_start3A_2047 = arith.constant 0 : i32
      %dma_start3A_2048 = tpu.memref_slice %arg16[%dma_start3A_2046, %dma_start3A_2047] : memref<64x32xf32, #tpu.memory_space<vmem>> -> memref<1x32xf32, #tpu.memory_space<vmem>>
      %dma_start3A_2049 = arith.constant 0 : i32
      %dma_start3A_2050 = tpu.memref_slice %arg6[%squeeze3A_2018, %dma_start3A_2049] : memref<1000000x32xf32, #tpu.memory_space<hbm>> -> memref<1x32xf32, #tpu.memory_space<hbm>>
      tpu.enqueue_dma source(%dma_start3A_2050 : memref<1x32xf32, #tpu.memory_space<hbm>>) target(%dma_start3A_2048 : memref<1x32xf32, #tpu.memory_space<vmem>>) target_semaphore(%arg18 : memref<!tpu.dma_semaphore, #tpu.memory_space<semaphore_mem>>)
      %dma_start3A_2051 = arith.constant 45 : i32
      %dma_start3A_2052 = arith.constant 0 : i32
      %dma_start3A_2053 = tpu.memref_slice %arg17[%dma_start3A_2051, %dma_start3A_2052] : memref<64x32xf32, #tpu.memory_space<vmem>> -> memref<1x32xf32, #tpu.memory_space<vmem>>
      %dma_start3A_2054 = arith.constant 0 : i32
      %dma_start3A_2055 = tpu.memref_slice %arg7[%squeeze3A_2020, %dma_start3A_2054] : memref<1000000x32xf32, #tpu.memory_space<hbm>> -> memref<1x32xf32, #tpu.memory_space<hbm>>
      %dma_start3A_2056 = arith.constant 45 : i32
      %dma_start3A_2057 = arith.constant 0 : i32
      %dma_start3A_2058 = tpu.memref_slice %arg17[%dma_start3A_2056, %dma_start3A_2057] : memref<64x32xf32, #tpu.memory_space<vmem>> -> memref<1x32xf32, #tpu.memory_space<vmem>>
      %dma_start3A_2059 = arith.constant 0 : i32
      %dma_start3A_2060 = tpu.memref_slice %arg7[%squeeze3A_2020, %dma_start3A_2059] : memref<1000000x32xf32, #tpu.memory_space<hbm>> -> memref<1x32xf32, #tpu.memory_space<hbm>>
      tpu.enqueue_dma source(%dma_start3A_2060 : memref<1x32xf32, #tpu.memory_space<hbm>>) target(%dma_start3A_2058 : memref<1x32xf32, #tpu.memory_space<vmem>>) target_semaphore(%arg18 : memref<!tpu.dma_semaphore, #tpu.memory_space<semaphore_mem>>)
      %slice3A_2061 = vector.extract_strided_slice %get3A_1439 {offsets = [14], sizes = [1], strides = [1]} : vector<16xi32> to vector<1xi32>
      %squeeze3A_2062 = vector.extract %slice3A_2061[0] : i32 from vector<1xi32>
      %slice3A_2063 = vector.extract_strided_slice %get3A_1444 {offsets = [14], sizes = [1], strides = [1]} : vector<16xi32> to vector<1xi32>
      %squeeze3A_2064 = vector.extract %slice3A_2063[0] : i32 from vector<1xi32>
      %dma_start3A_2065 = arith.constant 46 : i32
      %dma_start3A_2066 = arith.constant 0 : i32
      %dma_start3A_2067 = tpu.memref_slice %arg14[%dma_start3A_2065, %dma_start3A_2066] : memref<64x32xf32, #tpu.memory_space<vmem>> -> memref<1x32xf32, #tpu.memory_space<vmem>>
      %dma_start3A_2068 = arith.constant 0 : i32
      %dma_start3A_2069 = tpu.memref_slice %arg4[%squeeze3A_2062, %dma_start3A_2068] : memref<1000000x32xf32, #tpu.memory_space<hbm>> -> memref<1x32xf32, #tpu.memory_space<hbm>>
      %dma_start3A_2070 = arith.constant 46 : i32
      %dma_start3A_2071 = arith.constant 0 : i32
      %dma_start3A_2072 = tpu.memref_slice %arg14[%dma_start3A_2070, %dma_start3A_2071] : memref<64x32xf32, #tpu.memory_space<vmem>> -> memref<1x32xf32, #tpu.memory_space<vmem>>
      %dma_start3A_2073 = arith.constant 0 : i32
      %dma_start3A_2074 = tpu.memref_slice %arg4[%squeeze3A_2062, %dma_start3A_2073] : memref<1000000x32xf32, #tpu.memory_space<hbm>> -> memref<1x32xf32, #tpu.memory_space<hbm>>
      tpu.enqueue_dma source(%dma_start3A_2074 : memref<1x32xf32, #tpu.memory_space<hbm>>) target(%dma_start3A_2072 : memref<1x32xf32, #tpu.memory_space<vmem>>) target_semaphore(%arg18 : memref<!tpu.dma_semaphore, #tpu.memory_space<semaphore_mem>>)
      %dma_start3A_2075 = arith.constant 46 : i32
      %dma_start3A_2076 = arith.constant 0 : i32
      %dma_start3A_2077 = tpu.memref_slice %arg15[%dma_start3A_2075, %dma_start3A_2076] : memref<64x32xf32, #tpu.memory_space<vmem>> -> memref<1x32xf32, #tpu.memory_space<vmem>>
      %dma_start3A_2078 = arith.constant 0 : i32
      %dma_start3A_2079 = tpu.memref_slice %arg5[%squeeze3A_2064, %dma_start3A_2078] : memref<1000000x32xf32, #tpu.memory_space<hbm>> -> memref<1x32xf32, #tpu.memory_space<hbm>>
      %dma_start3A_2080 = arith.constant 46 : i32
      %dma_start3A_2081 = arith.constant 0 : i32
      %dma_start3A_2082 = tpu.memref_slice %arg15[%dma_start3A_2080, %dma_start3A_2081] : memref<64x32xf32, #tpu.memory_space<vmem>> -> memref<1x32xf32, #tpu.memory_space<vmem>>
      %dma_start3A_2083 = arith.constant 0 : i32
      %dma_start3A_2084 = tpu.memref_slice %arg5[%squeeze3A_2064, %dma_start3A_2083] : memref<1000000x32xf32, #tpu.memory_space<hbm>> -> memref<1x32xf32, #tpu.memory_space<hbm>>
      tpu.enqueue_dma source(%dma_start3A_2084 : memref<1x32xf32, #tpu.memory_space<hbm>>) target(%dma_start3A_2082 : memref<1x32xf32, #tpu.memory_space<vmem>>) target_semaphore(%arg18 : memref<!tpu.dma_semaphore, #tpu.memory_space<semaphore_mem>>)
      %dma_start3A_2085 = arith.constant 46 : i32
      %dma_start3A_2086 = arith.constant 0 : i32
      %dma_start3A_2087 = tpu.memref_slice %arg16[%dma_start3A_2085, %dma_start3A_2086] : memref<64x32xf32, #tpu.memory_space<vmem>> -> memref<1x32xf32, #tpu.memory_space<vmem>>
      %dma_start3A_2088 = arith.constant 0 : i32
      %dma_start3A_2089 = tpu.memref_slice %arg6[%squeeze3A_2062, %dma_start3A_2088] : memref<1000000x32xf32, #tpu.memory_space<hbm>> -> memref<1x32xf32, #tpu.memory_space<hbm>>
      %dma_start3A_2090 = arith.constant 46 : i32
      %dma_start3A_2091 = arith.constant 0 : i32
      %dma_start3A_2092 = tpu.memref_slice %arg16[%dma_start3A_2090, %dma_start3A_2091] : memref<64x32xf32, #tpu.memory_space<vmem>> -> memref<1x32xf32, #tpu.memory_space<vmem>>
      %dma_start3A_2093 = arith.constant 0 : i32
      %dma_start3A_2094 = tpu.memref_slice %arg6[%squeeze3A_2062, %dma_start3A_2093] : memref<1000000x32xf32, #tpu.memory_space<hbm>> -> memref<1x32xf32, #tpu.memory_space<hbm>>
      tpu.enqueue_dma source(%dma_start3A_2094 : memref<1x32xf32, #tpu.memory_space<hbm>>) target(%dma_start3A_2092 : memref<1x32xf32, #tpu.memory_space<vmem>>) target_semaphore(%arg18 : memref<!tpu.dma_semaphore, #tpu.memory_space<semaphore_mem>>)
      %dma_start3A_2095 = arith.constant 46 : i32
      %dma_start3A_2096 = arith.constant 0 : i32
      %dma_start3A_2097 = tpu.memref_slice %arg17[%dma_start3A_2095, %dma_start3A_2096] : memref<64x32xf32, #tpu.memory_space<vmem>> -> memref<1x32xf32, #tpu.memory_space<vmem>>
      %dma_start3A_2098 = arith.constant 0 : i32
      %dma_start3A_2099 = tpu.memref_slice %arg7[%squeeze3A_2064, %dma_start3A_2098] : memref<1000000x32xf32, #tpu.memory_space<hbm>> -> memref<1x32xf32, #tpu.memory_space<hbm>>
      %dma_start3A_2100 = arith.constant 46 : i32
      %dma_start3A_2101 = arith.constant 0 : i32
      %dma_start3A_2102 = tpu.memref_slice %arg17[%dma_start3A_2100, %dma_start3A_2101] : memref<64x32xf32, #tpu.memory_space<vmem>> -> memref<1x32xf32, #tpu.memory_space<vmem>>
      %dma_start3A_2103 = arith.constant 0 : i32
      %dma_start3A_2104 = tpu.memref_slice %arg7[%squeeze3A_2064, %dma_start3A_2103] : memref<1000000x32xf32, #tpu.memory_space<hbm>> -> memref<1x32xf32, #tpu.memory_space<hbm>>
      tpu.enqueue_dma source(%dma_start3A_2104 : memref<1x32xf32, #tpu.memory_space<hbm>>) target(%dma_start3A_2102 : memref<1x32xf32, #tpu.memory_space<vmem>>) target_semaphore(%arg18 : memref<!tpu.dma_semaphore, #tpu.memory_space<semaphore_mem>>)
      %slice3A_2105 = vector.extract_strided_slice %get3A_1439 {offsets = [15], sizes = [1], strides = [1]} : vector<16xi32> to vector<1xi32>
      %squeeze3A_2106 = vector.extract %slice3A_2105[0] : i32 from vector<1xi32>
      %slice3A_2107 = vector.extract_strided_slice %get3A_1444 {offsets = [15], sizes = [1], strides = [1]} : vector<16xi32> to vector<1xi32>
      %squeeze3A_2108 = vector.extract %slice3A_2107[0] : i32 from vector<1xi32>
      %dma_start3A_2109 = arith.constant 47 : i32
      %dma_start3A_2110 = arith.constant 0 : i32
      %dma_start3A_2111 = tpu.memref_slice %arg14[%dma_start3A_2109, %dma_start3A_2110] : memref<64x32xf32, #tpu.memory_space<vmem>> -> memref<1x32xf32, #tpu.memory_space<vmem>>
      %dma_start3A_2112 = arith.constant 0 : i32
      %dma_start3A_2113 = tpu.memref_slice %arg4[%squeeze3A_2106, %dma_start3A_2112] : memref<1000000x32xf32, #tpu.memory_space<hbm>> -> memref<1x32xf32, #tpu.memory_space<hbm>>
      %dma_start3A_2114 = arith.constant 47 : i32
      %dma_start3A_2115 = arith.constant 0 : i32
      %dma_start3A_2116 = tpu.memref_slice %arg14[%dma_start3A_2114, %dma_start3A_2115] : memref<64x32xf32, #tpu.memory_space<vmem>> -> memref<1x32xf32, #tpu.memory_space<vmem>>
      %dma_start3A_2117 = arith.constant 0 : i32
      %dma_start3A_2118 = tpu.memref_slice %arg4[%squeeze3A_2106, %dma_start3A_2117] : memref<1000000x32xf32, #tpu.memory_space<hbm>> -> memref<1x32xf32, #tpu.memory_space<hbm>>
      tpu.enqueue_dma source(%dma_start3A_2118 : memref<1x32xf32, #tpu.memory_space<hbm>>) target(%dma_start3A_2116 : memref<1x32xf32, #tpu.memory_space<vmem>>) target_semaphore(%arg18 : memref<!tpu.dma_semaphore, #tpu.memory_space<semaphore_mem>>)
      %dma_start3A_2119 = arith.constant 47 : i32
      %dma_start3A_2120 = arith.constant 0 : i32
      %dma_start3A_2121 = tpu.memref_slice %arg15[%dma_start3A_2119, %dma_start3A_2120] : memref<64x32xf32, #tpu.memory_space<vmem>> -> memref<1x32xf32, #tpu.memory_space<vmem>>
      %dma_start3A_2122 = arith.constant 0 : i32
      %dma_start3A_2123 = tpu.memref_slice %arg5[%squeeze3A_2108, %dma_start3A_2122] : memref<1000000x32xf32, #tpu.memory_space<hbm>> -> memref<1x32xf32, #tpu.memory_space<hbm>>
      %dma_start3A_2124 = arith.constant 47 : i32
      %dma_start3A_2125 = arith.constant 0 : i32
      %dma_start3A_2126 = tpu.memref_slice %arg15[%dma_start3A_2124, %dma_start3A_2125] : memref<64x32xf32, #tpu.memory_space<vmem>> -> memref<1x32xf32, #tpu.memory_space<vmem>>
      %dma_start3A_2127 = arith.constant 0 : i32
      %dma_start3A_2128 = tpu.memref_slice %arg5[%squeeze3A_2108, %dma_start3A_2127] : memref<1000000x32xf32, #tpu.memory_space<hbm>> -> memref<1x32xf32, #tpu.memory_space<hbm>>
      tpu.enqueue_dma source(%dma_start3A_2128 : memref<1x32xf32, #tpu.memory_space<hbm>>) target(%dma_start3A_2126 : memref<1x32xf32, #tpu.memory_space<vmem>>) target_semaphore(%arg18 : memref<!tpu.dma_semaphore, #tpu.memory_space<semaphore_mem>>)
      %dma_start3A_2129 = arith.constant 47 : i32
      %dma_start3A_2130 = arith.constant 0 : i32
      %dma_start3A_2131 = tpu.memref_slice %arg16[%dma_start3A_2129, %dma_start3A_2130] : memref<64x32xf32, #tpu.memory_space<vmem>> -> memref<1x32xf32, #tpu.memory_space<vmem>>
      %dma_start3A_2132 = arith.constant 0 : i32
      %dma_start3A_2133 = tpu.memref_slice %arg6[%squeeze3A_2106, %dma_start3A_2132] : memref<1000000x32xf32, #tpu.memory_space<hbm>> -> memref<1x32xf32, #tpu.memory_space<hbm>>
      %dma_start3A_2134 = arith.constant 47 : i32
      %dma_start3A_2135 = arith.constant 0 : i32
      %dma_start3A_2136 = tpu.memref_slice %arg16[%dma_start3A_2134, %dma_start3A_2135] : memref<64x32xf32, #tpu.memory_space<vmem>> -> memref<1x32xf32, #tpu.memory_space<vmem>>
      %dma_start3A_2137 = arith.constant 0 : i32
      %dma_start3A_2138 = tpu.memref_slice %arg6[%squeeze3A_2106, %dma_start3A_2137] : memref<1000000x32xf32, #tpu.memory_space<hbm>> -> memref<1x32xf32, #tpu.memory_space<hbm>>
      tpu.enqueue_dma source(%dma_start3A_2138 : memref<1x32xf32, #tpu.memory_space<hbm>>) target(%dma_start3A_2136 : memref<1x32xf32, #tpu.memory_space<vmem>>) target_semaphore(%arg18 : memref<!tpu.dma_semaphore, #tpu.memory_space<semaphore_mem>>)
      %dma_start3A_2139 = arith.constant 47 : i32
      %dma_start3A_2140 = arith.constant 0 : i32
      %dma_start3A_2141 = tpu.memref_slice %arg17[%dma_start3A_2139, %dma_start3A_2140] : memref<64x32xf32, #tpu.memory_space<vmem>> -> memref<1x32xf32, #tpu.memory_space<vmem>>
      %dma_start3A_2142 = arith.constant 0 : i32
      %dma_start3A_2143 = tpu.memref_slice %arg7[%squeeze3A_2108, %dma_start3A_2142] : memref<1000000x32xf32, #tpu.memory_space<hbm>> -> memref<1x32xf32, #tpu.memory_space<hbm>>
      %dma_start3A_2144 = arith.constant 47 : i32
      %dma_start3A_2145 = arith.constant 0 : i32
      %dma_start3A_2146 = tpu.memref_slice %arg17[%dma_start3A_2144, %dma_start3A_2145] : memref<64x32xf32, #tpu.memory_space<vmem>> -> memref<1x32xf32, #tpu.memory_space<vmem>>
      %dma_start3A_2147 = arith.constant 0 : i32
      %dma_start3A_2148 = tpu.memref_slice %arg7[%squeeze3A_2108, %dma_start3A_2147] : memref<1000000x32xf32, #tpu.memory_space<hbm>> -> memref<1x32xf32, #tpu.memory_space<hbm>>
      tpu.enqueue_dma source(%dma_start3A_2148 : memref<1x32xf32, #tpu.memory_space<hbm>>) target(%dma_start3A_2146 : memref<1x32xf32, #tpu.memory_space<vmem>>) target_semaphore(%arg18 : memref<!tpu.dma_semaphore, #tpu.memory_space<semaphore_mem>>)
      %add3A_2149 = arith.constant 48 : i32
      %add3A_2150 = arith.addi %mul3A_10, %add3A_2149 : i32
      %get3A_2151 = arith.index_cast %add3A_2150 : i32 to index
      %get3A_2152 = tpu.vector_load %arg12[%get3A_2151] {strides = array<i32>} : memref<512xi32, #tpu.memory_space<vmem>>, vector<16xi32>,
      %get3A_2153 = vector.shape_cast %get3A_2152 : vector<16xi32> to vector<16xi32>
      %add3A_2154 = arith.constant 48 : i32
      %add3A_2155 = arith.addi %mul3A_10, %add3A_2154 : i32
      %get3A_2156 = arith.index_cast %add3A_2155 : i32 to index
      %get3A_2157 = tpu.vector_load %arg13[%get3A_2156] {strides = array<i32>} : memref<512xi32, #tpu.memory_space<vmem>>, vector<16xi32>,
      %get3A_2158 = vector.shape_cast %get3A_2157 : vector<16xi32> to vector<16xi32>
      %slice3A_2159 = vector.extract_strided_slice %get3A_2153 {offsets = [0], sizes = [1], strides = [1]} : vector<16xi32> to vector<1xi32>
      %squeeze3A_2160 = vector.extract %slice3A_2159[0] : i32 from vector<1xi32>
      %slice3A_2161 = vector.extract_strided_slice %get3A_2158 {offsets = [0], sizes = [1], strides = [1]} : vector<16xi32> to vector<1xi32>
      %squeeze3A_2162 = vector.extract %slice3A_2161[0] : i32 from vector<1xi32>
      %dma_start3A_2163 = arith.constant 48 : i32
      %dma_start3A_2164 = arith.constant 0 : i32
      %dma_start3A_2165 = tpu.memref_slice %arg14[%dma_start3A_2163, %dma_start3A_2164] : memref<64x32xf32, #tpu.memory_space<vmem>> -> memref<1x32xf32, #tpu.memory_space<vmem>>
      %dma_start3A_2166 = arith.constant 0 : i32
      %dma_start3A_2167 = tpu.memref_slice %arg4[%squeeze3A_2160, %dma_start3A_2166] : memref<1000000x32xf32, #tpu.memory_space<hbm>> -> memref<1x32xf32, #tpu.memory_space<hbm>>
      %dma_start3A_2168 = arith.constant 48 : i32
      %dma_start3A_2169 = arith.constant 0 : i32
      %dma_start3A_2170 = tpu.memref_slice %arg14[%dma_start3A_2168, %dma_start3A_2169] : memref<64x32xf32, #tpu.memory_space<vmem>> -> memref<1x32xf32, #tpu.memory_space<vmem>>
      %dma_start3A_2171 = arith.constant 0 : i32
      %dma_start3A_2172 = tpu.memref_slice %arg4[%squeeze3A_2160, %dma_start3A_2171] : memref<1000000x32xf32, #tpu.memory_space<hbm>> -> memref<1x32xf32, #tpu.memory_space<hbm>>
      tpu.enqueue_dma source(%dma_start3A_2172 : memref<1x32xf32, #tpu.memory_space<hbm>>) target(%dma_start3A_2170 : memref<1x32xf32, #tpu.memory_space<vmem>>) target_semaphore(%arg18 : memref<!tpu.dma_semaphore, #tpu.memory_space<semaphore_mem>>)
      %dma_start3A_2173 = arith.constant 48 : i32
      %dma_start3A_2174 = arith.constant 0 : i32
      %dma_start3A_2175 = tpu.memref_slice %arg15[%dma_start3A_2173, %dma_start3A_2174] : memref<64x32xf32, #tpu.memory_space<vmem>> -> memref<1x32xf32, #tpu.memory_space<vmem>>
      %dma_start3A_2176 = arith.constant 0 : i32
      %dma_start3A_2177 = tpu.memref_slice %arg5[%squeeze3A_2162, %dma_start3A_2176] : memref<1000000x32xf32, #tpu.memory_space<hbm>> -> memref<1x32xf32, #tpu.memory_space<hbm>>
      %dma_start3A_2178 = arith.constant 48 : i32
      %dma_start3A_2179 = arith.constant 0 : i32
      %dma_start3A_2180 = tpu.memref_slice %arg15[%dma_start3A_2178, %dma_start3A_2179] : memref<64x32xf32, #tpu.memory_space<vmem>> -> memref<1x32xf32, #tpu.memory_space<vmem>>
      %dma_start3A_2181 = arith.constant 0 : i32
      %dma_start3A_2182 = tpu.memref_slice %arg5[%squeeze3A_2162, %dma_start3A_2181] : memref<1000000x32xf32, #tpu.memory_space<hbm>> -> memref<1x32xf32, #tpu.memory_space<hbm>>
      tpu.enqueue_dma source(%dma_start3A_2182 : memref<1x32xf32, #tpu.memory_space<hbm>>) target(%dma_start3A_2180 : memref<1x32xf32, #tpu.memory_space<vmem>>) target_semaphore(%arg18 : memref<!tpu.dma_semaphore, #tpu.memory_space<semaphore_mem>>)
      %dma_start3A_2183 = arith.constant 48 : i32
      %dma_start3A_2184 = arith.constant 0 : i32
      %dma_start3A_2185 = tpu.memref_slice %arg16[%dma_start3A_2183, %dma_start3A_2184] : memref<64x32xf32, #tpu.memory_space<vmem>> -> memref<1x32xf32, #tpu.memory_space<vmem>>
      %dma_start3A_2186 = arith.constant 0 : i32
      %dma_start3A_2187 = tpu.memref_slice %arg6[%squeeze3A_2160, %dma_start3A_2186] : memref<1000000x32xf32, #tpu.memory_space<hbm>> -> memref<1x32xf32, #tpu.memory_space<hbm>>
      %dma_start3A_2188 = arith.constant 48 : i32
      %dma_start3A_2189 = arith.constant 0 : i32
      %dma_start3A_2190 = tpu.memref_slice %arg16[%dma_start3A_2188, %dma_start3A_2189] : memref<64x32xf32, #tpu.memory_space<vmem>> -> memref<1x32xf32, #tpu.memory_space<vmem>>
      %dma_start3A_2191 = arith.constant 0 : i32
      %dma_start3A_2192 = tpu.memref_slice %arg6[%squeeze3A_2160, %dma_start3A_2191] : memref<1000000x32xf32, #tpu.memory_space<hbm>> -> memref<1x32xf32, #tpu.memory_space<hbm>>
      tpu.enqueue_dma source(%dma_start3A_2192 : memref<1x32xf32, #tpu.memory_space<hbm>>) target(%dma_start3A_2190 : memref<1x32xf32, #tpu.memory_space<vmem>>) target_semaphore(%arg18 : memref<!tpu.dma_semaphore, #tpu.memory_space<semaphore_mem>>)
      %dma_start3A_2193 = arith.constant 48 : i32
      %dma_start3A_2194 = arith.constant 0 : i32
      %dma_start3A_2195 = tpu.memref_slice %arg17[%dma_start3A_2193, %dma_start3A_2194] : memref<64x32xf32, #tpu.memory_space<vmem>> -> memref<1x32xf32, #tpu.memory_space<vmem>>
      %dma_start3A_2196 = arith.constant 0 : i32
      %dma_start3A_2197 = tpu.memref_slice %arg7[%squeeze3A_2162, %dma_start3A_2196] : memref<1000000x32xf32, #tpu.memory_space<hbm>> -> memref<1x32xf32, #tpu.memory_space<hbm>>
      %dma_start3A_2198 = arith.constant 48 : i32
      %dma_start3A_2199 = arith.constant 0 : i32
      %dma_start3A_2200 = tpu.memref_slice %arg17[%dma_start3A_2198, %dma_start3A_2199] : memref<64x32xf32, #tpu.memory_space<vmem>> -> memref<1x32xf32, #tpu.memory_space<vmem>>
      %dma_start3A_2201 = arith.constant 0 : i32
      %dma_start3A_2202 = tpu.memref_slice %arg7[%squeeze3A_2162, %dma_start3A_2201] : memref<1000000x32xf32, #tpu.memory_space<hbm>> -> memref<1x32xf32, #tpu.memory_space<hbm>>
      tpu.enqueue_dma source(%dma_start3A_2202 : memref<1x32xf32, #tpu.memory_space<hbm>>) target(%dma_start3A_2200 : memref<1x32xf32, #tpu.memory_space<vmem>>) target_semaphore(%arg18 : memref<!tpu.dma_semaphore, #tpu.memory_space<semaphore_mem>>)
      %slice3A_2203 = vector.extract_strided_slice %get3A_2153 {offsets = [1], sizes = [1], strides = [1]} : vector<16xi32> to vector<1xi32>
      %squeeze3A_2204 = vector.extract %slice3A_2203[0] : i32 from vector<1xi32>
      %slice3A_2205 = vector.extract_strided_slice %get3A_2158 {offsets = [1], sizes = [1], strides = [1]} : vector<16xi32> to vector<1xi32>
      %squeeze3A_2206 = vector.extract %slice3A_2205[0] : i32 from vector<1xi32>
      %dma_start3A_2207 = arith.constant 49 : i32
      %dma_start3A_2208 = arith.constant 0 : i32
      %dma_start3A_2209 = tpu.memref_slice %arg14[%dma_start3A_2207, %dma_start3A_2208] : memref<64x32xf32, #tpu.memory_space<vmem>> -> memref<1x32xf32, #tpu.memory_space<vmem>>
      %dma_start3A_2210 = arith.constant 0 : i32
      %dma_start3A_2211 = tpu.memref_slice %arg4[%squeeze3A_2204, %dma_start3A_2210] : memref<1000000x32xf32, #tpu.memory_space<hbm>> -> memref<1x32xf32, #tpu.memory_space<hbm>>
      %dma_start3A_2212 = arith.constant 49 : i32
      %dma_start3A_2213 = arith.constant 0 : i32
      %dma_start3A_2214 = tpu.memref_slice %arg14[%dma_start3A_2212, %dma_start3A_2213] : memref<64x32xf32, #tpu.memory_space<vmem>> -> memref<1x32xf32, #tpu.memory_space<vmem>>
      %dma_start3A_2215 = arith.constant 0 : i32
      %dma_start3A_2216 = tpu.memref_slice %arg4[%squeeze3A_2204, %dma_start3A_2215] : memref<1000000x32xf32, #tpu.memory_space<hbm>> -> memref<1x32xf32, #tpu.memory_space<hbm>>
      tpu.enqueue_dma source(%dma_start3A_2216 : memref<1x32xf32, #tpu.memory_space<hbm>>) target(%dma_start3A_2214 : memref<1x32xf32, #tpu.memory_space<vmem>>) target_semaphore(%arg18 : memref<!tpu.dma_semaphore, #tpu.memory_space<semaphore_mem>>)
      %dma_start3A_2217 = arith.constant 49 : i32
      %dma_start3A_2218 = arith.constant 0 : i32
      %dma_start3A_2219 = tpu.memref_slice %arg15[%dma_start3A_2217, %dma_start3A_2218] : memref<64x32xf32, #tpu.memory_space<vmem>> -> memref<1x32xf32, #tpu.memory_space<vmem>>
      %dma_start3A_2220 = arith.constant 0 : i32
      %dma_start3A_2221 = tpu.memref_slice %arg5[%squeeze3A_2206, %dma_start3A_2220] : memref<1000000x32xf32, #tpu.memory_space<hbm>> -> memref<1x32xf32, #tpu.memory_space<hbm>>
      %dma_start3A_2222 = arith.constant 49 : i32
      %dma_start3A_2223 = arith.constant 0 : i32
      %dma_start3A_2224 = tpu.memref_slice %arg15[%dma_start3A_2222, %dma_start3A_2223] : memref<64x32xf32, #tpu.memory_space<vmem>> -> memref<1x32xf32, #tpu.memory_space<vmem>>
      %dma_start3A_2225 = arith.constant 0 : i32
      %dma_start3A_2226 = tpu.memref_slice %arg5[%squeeze3A_2206, %dma_start3A_2225] : memref<1000000x32xf32, #tpu.memory_space<hbm>> -> memref<1x32xf32, #tpu.memory_space<hbm>>
      tpu.enqueue_dma source(%dma_start3A_2226 : memref<1x32xf32, #tpu.memory_space<hbm>>) target(%dma_start3A_2224 : memref<1x32xf32, #tpu.memory_space<vmem>>) target_semaphore(%arg18 : memref<!tpu.dma_semaphore, #tpu.memory_space<semaphore_mem>>)
      %dma_start3A_2227 = arith.constant 49 : i32
      %dma_start3A_2228 = arith.constant 0 : i32
      %dma_start3A_2229 = tpu.memref_slice %arg16[%dma_start3A_2227, %dma_start3A_2228] : memref<64x32xf32, #tpu.memory_space<vmem>> -> memref<1x32xf32, #tpu.memory_space<vmem>>
      %dma_start3A_2230 = arith.constant 0 : i32
      %dma_start3A_2231 = tpu.memref_slice %arg6[%squeeze3A_2204, %dma_start3A_2230] : memref<1000000x32xf32, #tpu.memory_space<hbm>> -> memref<1x32xf32, #tpu.memory_space<hbm>>
      %dma_start3A_2232 = arith.constant 49 : i32
      %dma_start3A_2233 = arith.constant 0 : i32
      %dma_start3A_2234 = tpu.memref_slice %arg16[%dma_start3A_2232, %dma_start3A_2233] : memref<64x32xf32, #tpu.memory_space<vmem>> -> memref<1x32xf32, #tpu.memory_space<vmem>>
      %dma_start3A_2235 = arith.constant 0 : i32
      %dma_start3A_2236 = tpu.memref_slice %arg6[%squeeze3A_2204, %dma_start3A_2235] : memref<1000000x32xf32, #tpu.memory_space<hbm>> -> memref<1x32xf32, #tpu.memory_space<hbm>>
      tpu.enqueue_dma source(%dma_start3A_2236 : memref<1x32xf32, #tpu.memory_space<hbm>>) target(%dma_start3A_2234 : memref<1x32xf32, #tpu.memory_space<vmem>>) target_semaphore(%arg18 : memref<!tpu.dma_semaphore, #tpu.memory_space<semaphore_mem>>)
      %dma_start3A_2237 = arith.constant 49 : i32
      %dma_start3A_2238 = arith.constant 0 : i32
      %dma_start3A_2239 = tpu.memref_slice %arg17[%dma_start3A_2237, %dma_start3A_2238] : memref<64x32xf32, #tpu.memory_space<vmem>> -> memref<1x32xf32, #tpu.memory_space<vmem>>
      %dma_start3A_2240 = arith.constant 0 : i32
      %dma_start3A_2241 = tpu.memref_slice %arg7[%squeeze3A_2206, %dma_start3A_2240] : memref<1000000x32xf32, #tpu.memory_space<hbm>> -> memref<1x32xf32, #tpu.memory_space<hbm>>
      %dma_start3A_2242 = arith.constant 49 : i32
      %dma_start3A_2243 = arith.constant 0 : i32
      %dma_start3A_2244 = tpu.memref_slice %arg17[%dma_start3A_2242, %dma_start3A_2243] : memref<64x32xf32, #tpu.memory_space<vmem>> -> memref<1x32xf32, #tpu.memory_space<vmem>>
      %dma_start3A_2245 = arith.constant 0 : i32
      %dma_start3A_2246 = tpu.memref_slice %arg7[%squeeze3A_2206, %dma_start3A_2245] : memref<1000000x32xf32, #tpu.memory_space<hbm>> -> memref<1x32xf32, #tpu.memory_space<hbm>>
      tpu.enqueue_dma source(%dma_start3A_2246 : memref<1x32xf32, #tpu.memory_space<hbm>>) target(%dma_start3A_2244 : memref<1x32xf32, #tpu.memory_space<vmem>>) target_semaphore(%arg18 : memref<!tpu.dma_semaphore, #tpu.memory_space<semaphore_mem>>)
      %slice3A_2247 = vector.extract_strided_slice %get3A_2153 {offsets = [2], sizes = [1], strides = [1]} : vector<16xi32> to vector<1xi32>
      %squeeze3A_2248 = vector.extract %slice3A_2247[0] : i32 from vector<1xi32>
      %slice3A_2249 = vector.extract_strided_slice %get3A_2158 {offsets = [2], sizes = [1], strides = [1]} : vector<16xi32> to vector<1xi32>
      %squeeze3A_2250 = vector.extract %slice3A_2249[0] : i32 from vector<1xi32>
      %dma_start3A_2251 = arith.constant 50 : i32
      %dma_start3A_2252 = arith.constant 0 : i32
      %dma_start3A_2253 = tpu.memref_slice %arg14[%dma_start3A_2251, %dma_start3A_2252] : memref<64x32xf32, #tpu.memory_space<vmem>> -> memref<1x32xf32, #tpu.memory_space<vmem>>
      %dma_start3A_2254 = arith.constant 0 : i32
      %dma_start3A_2255 = tpu.memref_slice %arg4[%squeeze3A_2248, %dma_start3A_2254] : memref<1000000x32xf32, #tpu.memory_space<hbm>> -> memref<1x32xf32, #tpu.memory_space<hbm>>
      %dma_start3A_2256 = arith.constant 50 : i32
      %dma_start3A_2257 = arith.constant 0 : i32
      %dma_start3A_2258 = tpu.memref_slice %arg14[%dma_start3A_2256, %dma_start3A_2257] : memref<64x32xf32, #tpu.memory_space<vmem>> -> memref<1x32xf32, #tpu.memory_space<vmem>>
      %dma_start3A_2259 = arith.constant 0 : i32
      %dma_start3A_2260 = tpu.memref_slice %arg4[%squeeze3A_2248, %dma_start3A_2259] : memref<1000000x32xf32, #tpu.memory_space<hbm>> -> memref<1x32xf32, #tpu.memory_space<hbm>>
      tpu.enqueue_dma source(%dma_start3A_2260 : memref<1x32xf32, #tpu.memory_space<hbm>>) target(%dma_start3A_2258 : memref<1x32xf32, #tpu.memory_space<vmem>>) target_semaphore(%arg18 : memref<!tpu.dma_semaphore, #tpu.memory_space<semaphore_mem>>)
      %dma_start3A_2261 = arith.constant 50 : i32
      %dma_start3A_2262 = arith.constant 0 : i32
      %dma_start3A_2263 = tpu.memref_slice %arg15[%dma_start3A_2261, %dma_start3A_2262] : memref<64x32xf32, #tpu.memory_space<vmem>> -> memref<1x32xf32, #tpu.memory_space<vmem>>
      %dma_start3A_2264 = arith.constant 0 : i32
      %dma_start3A_2265 = tpu.memref_slice %arg5[%squeeze3A_2250, %dma_start3A_2264] : memref<1000000x32xf32, #tpu.memory_space<hbm>> -> memref<1x32xf32, #tpu.memory_space<hbm>>
      %dma_start3A_2266 = arith.constant 50 : i32
      %dma_start3A_2267 = arith.constant 0 : i32
      %dma_start3A_2268 = tpu.memref_slice %arg15[%dma_start3A_2266, %dma_start3A_2267] : memref<64x32xf32, #tpu.memory_space<vmem>> -> memref<1x32xf32, #tpu.memory_space<vmem>>
      %dma_start3A_2269 = arith.constant 0 : i32
      %dma_start3A_2270 = tpu.memref_slice %arg5[%squeeze3A_2250, %dma_start3A_2269] : memref<1000000x32xf32, #tpu.memory_space<hbm>> -> memref<1x32xf32, #tpu.memory_space<hbm>>
      tpu.enqueue_dma source(%dma_start3A_2270 : memref<1x32xf32, #tpu.memory_space<hbm>>) target(%dma_start3A_2268 : memref<1x32xf32, #tpu.memory_space<vmem>>) target_semaphore(%arg18 : memref<!tpu.dma_semaphore, #tpu.memory_space<semaphore_mem>>)
      %dma_start3A_2271 = arith.constant 50 : i32
      %dma_start3A_2272 = arith.constant 0 : i32
      %dma_start3A_2273 = tpu.memref_slice %arg16[%dma_start3A_2271, %dma_start3A_2272] : memref<64x32xf32, #tpu.memory_space<vmem>> -> memref<1x32xf32, #tpu.memory_space<vmem>>
      %dma_start3A_2274 = arith.constant 0 : i32
      %dma_start3A_2275 = tpu.memref_slice %arg6[%squeeze3A_2248, %dma_start3A_2274] : memref<1000000x32xf32, #tpu.memory_space<hbm>> -> memref<1x32xf32, #tpu.memory_space<hbm>>
      %dma_start3A_2276 = arith.constant 50 : i32
      %dma_start3A_2277 = arith.constant 0 : i32
      %dma_start3A_2278 = tpu.memref_slice %arg16[%dma_start3A_2276, %dma_start3A_2277] : memref<64x32xf32, #tpu.memory_space<vmem>> -> memref<1x32xf32, #tpu.memory_space<vmem>>
      %dma_start3A_2279 = arith.constant 0 : i32
      %dma_start3A_2280 = tpu.memref_slice %arg6[%squeeze3A_2248, %dma_start3A_2279] : memref<1000000x32xf32, #tpu.memory_space<hbm>> -> memref<1x32xf32, #tpu.memory_space<hbm>>
      tpu.enqueue_dma source(%dma_start3A_2280 : memref<1x32xf32, #tpu.memory_space<hbm>>) target(%dma_start3A_2278 : memref<1x32xf32, #tpu.memory_space<vmem>>) target_semaphore(%arg18 : memref<!tpu.dma_semaphore, #tpu.memory_space<semaphore_mem>>)
      %dma_start3A_2281 = arith.constant 50 : i32
      %dma_start3A_2282 = arith.constant 0 : i32
      %dma_start3A_2283 = tpu.memref_slice %arg17[%dma_start3A_2281, %dma_start3A_2282] : memref<64x32xf32, #tpu.memory_space<vmem>> -> memref<1x32xf32, #tpu.memory_space<vmem>>
      %dma_start3A_2284 = arith.constant 0 : i32
      %dma_start3A_2285 = tpu.memref_slice %arg7[%squeeze3A_2250, %dma_start3A_2284] : memref<1000000x32xf32, #tpu.memory_space<hbm>> -> memref<1x32xf32, #tpu.memory_space<hbm>>
      %dma_start3A_2286 = arith.constant 50 : i32
      %dma_start3A_2287 = arith.constant 0 : i32
      %dma_start3A_2288 = tpu.memref_slice %arg17[%dma_start3A_2286, %dma_start3A_2287] : memref<64x32xf32, #tpu.memory_space<vmem>> -> memref<1x32xf32, #tpu.memory_space<vmem>>
      %dma_start3A_2289 = arith.constant 0 : i32
      %dma_start3A_2290 = tpu.memref_slice %arg7[%squeeze3A_2250, %dma_start3A_2289] : memref<1000000x32xf32, #tpu.memory_space<hbm>> -> memref<1x32xf32, #tpu.memory_space<hbm>>
      tpu.enqueue_dma source(%dma_start3A_2290 : memref<1x32xf32, #tpu.memory_space<hbm>>) target(%dma_start3A_2288 : memref<1x32xf32, #tpu.memory_space<vmem>>) target_semaphore(%arg18 : memref<!tpu.dma_semaphore, #tpu.memory_space<semaphore_mem>>)
      %slice3A_2291 = vector.extract_strided_slice %get3A_2153 {offsets = [3], sizes = [1], strides = [1]} : vector<16xi32> to vector<1xi32>
      %squeeze3A_2292 = vector.extract %slice3A_2291[0] : i32 from vector<1xi32>
      %slice3A_2293 = vector.extract_strided_slice %get3A_2158 {offsets = [3], sizes = [1], strides = [1]} : vector<16xi32> to vector<1xi32>
      %squeeze3A_2294 = vector.extract %slice3A_2293[0] : i32 from vector<1xi32>
      %dma_start3A_2295 = arith.constant 51 : i32
      %dma_start3A_2296 = arith.constant 0 : i32
      %dma_start3A_2297 = tpu.memref_slice %arg14[%dma_start3A_2295, %dma_start3A_2296] : memref<64x32xf32, #tpu.memory_space<vmem>> -> memref<1x32xf32, #tpu.memory_space<vmem>>
      %dma_start3A_2298 = arith.constant 0 : i32
      %dma_start3A_2299 = tpu.memref_slice %arg4[%squeeze3A_2292, %dma_start3A_2298] : memref<1000000x32xf32, #tpu.memory_space<hbm>> -> memref<1x32xf32, #tpu.memory_space<hbm>>
      %dma_start3A_2300 = arith.constant 51 : i32
      %dma_start3A_2301 = arith.constant 0 : i32
      %dma_start3A_2302 = tpu.memref_slice %arg14[%dma_start3A_2300, %dma_start3A_2301] : memref<64x32xf32, #tpu.memory_space<vmem>> -> memref<1x32xf32, #tpu.memory_space<vmem>>
      %dma_start3A_2303 = arith.constant 0 : i32
      %dma_start3A_2304 = tpu.memref_slice %arg4[%squeeze3A_2292, %dma_start3A_2303] : memref<1000000x32xf32, #tpu.memory_space<hbm>> -> memref<1x32xf32, #tpu.memory_space<hbm>>
      tpu.enqueue_dma source(%dma_start3A_2304 : memref<1x32xf32, #tpu.memory_space<hbm>>) target(%dma_start3A_2302 : memref<1x32xf32, #tpu.memory_space<vmem>>) target_semaphore(%arg18 : memref<!tpu.dma_semaphore, #tpu.memory_space<semaphore_mem>>)
      %dma_start3A_2305 = arith.constant 51 : i32
      %dma_start3A_2306 = arith.constant 0 : i32
      %dma_start3A_2307 = tpu.memref_slice %arg15[%dma_start3A_2305, %dma_start3A_2306] : memref<64x32xf32, #tpu.memory_space<vmem>> -> memref<1x32xf32, #tpu.memory_space<vmem>>
      %dma_start3A_2308 = arith.constant 0 : i32
      %dma_start3A_2309 = tpu.memref_slice %arg5[%squeeze3A_2294, %dma_start3A_2308] : memref<1000000x32xf32, #tpu.memory_space<hbm>> -> memref<1x32xf32, #tpu.memory_space<hbm>>
      %dma_start3A_2310 = arith.constant 51 : i32
      %dma_start3A_2311 = arith.constant 0 : i32
      %dma_start3A_2312 = tpu.memref_slice %arg15[%dma_start3A_2310, %dma_start3A_2311] : memref<64x32xf32, #tpu.memory_space<vmem>> -> memref<1x32xf32, #tpu.memory_space<vmem>>
      %dma_start3A_2313 = arith.constant 0 : i32
      %dma_start3A_2314 = tpu.memref_slice %arg5[%squeeze3A_2294, %dma_start3A_2313] : memref<1000000x32xf32, #tpu.memory_space<hbm>> -> memref<1x32xf32, #tpu.memory_space<hbm>>
      tpu.enqueue_dma source(%dma_start3A_2314 : memref<1x32xf32, #tpu.memory_space<hbm>>) target(%dma_start3A_2312 : memref<1x32xf32, #tpu.memory_space<vmem>>) target_semaphore(%arg18 : memref<!tpu.dma_semaphore, #tpu.memory_space<semaphore_mem>>)
      %dma_start3A_2315 = arith.constant 51 : i32
      %dma_start3A_2316 = arith.constant 0 : i32
      %dma_start3A_2317 = tpu.memref_slice %arg16[%dma_start3A_2315, %dma_start3A_2316] : memref<64x32xf32, #tpu.memory_space<vmem>> -> memref<1x32xf32, #tpu.memory_space<vmem>>
      %dma_start3A_2318 = arith.constant 0 : i32
      %dma_start3A_2319 = tpu.memref_slice %arg6[%squeeze3A_2292, %dma_start3A_2318] : memref<1000000x32xf32, #tpu.memory_space<hbm>> -> memref<1x32xf32, #tpu.memory_space<hbm>>
      %dma_start3A_2320 = arith.constant 51 : i32
      %dma_start3A_2321 = arith.constant 0 : i32
      %dma_start3A_2322 = tpu.memref_slice %arg16[%dma_start3A_2320, %dma_start3A_2321] : memref<64x32xf32, #tpu.memory_space<vmem>> -> memref<1x32xf32, #tpu.memory_space<vmem>>
      %dma_start3A_2323 = arith.constant 0 : i32
      %dma_start3A_2324 = tpu.memref_slice %arg6[%squeeze3A_2292, %dma_start3A_2323] : memref<1000000x32xf32, #tpu.memory_space<hbm>> -> memref<1x32xf32, #tpu.memory_space<hbm>>
      tpu.enqueue_dma source(%dma_start3A_2324 : memref<1x32xf32, #tpu.memory_space<hbm>>) target(%dma_start3A_2322 : memref<1x32xf32, #tpu.memory_space<vmem>>) target_semaphore(%arg18 : memref<!tpu.dma_semaphore, #tpu.memory_space<semaphore_mem>>)
      %dma_start3A_2325 = arith.constant 51 : i32
      %dma_start3A_2326 = arith.constant 0 : i32
      %dma_start3A_2327 = tpu.memref_slice %arg17[%dma_start3A_2325, %dma_start3A_2326] : memref<64x32xf32, #tpu.memory_space<vmem>> -> memref<1x32xf32, #tpu.memory_space<vmem>>
      %dma_start3A_2328 = arith.constant 0 : i32
      %dma_start3A_2329 = tpu.memref_slice %arg7[%squeeze3A_2294, %dma_start3A_2328] : memref<1000000x32xf32, #tpu.memory_space<hbm>> -> memref<1x32xf32, #tpu.memory_space<hbm>>
      %dma_start3A_2330 = arith.constant 51 : i32
      %dma_start3A_2331 = arith.constant 0 : i32
      %dma_start3A_2332 = tpu.memref_slice %arg17[%dma_start3A_2330, %dma_start3A_2331] : memref<64x32xf32, #tpu.memory_space<vmem>> -> memref<1x32xf32, #tpu.memory_space<vmem>>
      %dma_start3A_2333 = arith.constant 0 : i32
      %dma_start3A_2334 = tpu.memref_slice %arg7[%squeeze3A_2294, %dma_start3A_2333] : memref<1000000x32xf32, #tpu.memory_space<hbm>> -> memref<1x32xf32, #tpu.memory_space<hbm>>
      tpu.enqueue_dma source(%dma_start3A_2334 : memref<1x32xf32, #tpu.memory_space<hbm>>) target(%dma_start3A_2332 : memref<1x32xf32, #tpu.memory_space<vmem>>) target_semaphore(%arg18 : memref<!tpu.dma_semaphore, #tpu.memory_space<semaphore_mem>>)
      %slice3A_2335 = vector.extract_strided_slice %get3A_2153 {offsets = [4], sizes = [1], strides = [1]} : vector<16xi32> to vector<1xi32>
      %squeeze3A_2336 = vector.extract %slice3A_2335[0] : i32 from vector<1xi32>
      %slice3A_2337 = vector.extract_strided_slice %get3A_2158 {offsets = [4], sizes = [1], strides = [1]} : vector<16xi32> to vector<1xi32>
      %squeeze3A_2338 = vector.extract %slice3A_2337[0] : i32 from vector<1xi32>
      %dma_start3A_2339 = arith.constant 52 : i32
      %dma_start3A_2340 = arith.constant 0 : i32
      %dma_start3A_2341 = tpu.memref_slice %arg14[%dma_start3A_2339, %dma_start3A_2340] : memref<64x32xf32, #tpu.memory_space<vmem>> -> memref<1x32xf32, #tpu.memory_space<vmem>>
      %dma_start3A_2342 = arith.constant 0 : i32
      %dma_start3A_2343 = tpu.memref_slice %arg4[%squeeze3A_2336, %dma_start3A_2342] : memref<1000000x32xf32, #tpu.memory_space<hbm>> -> memref<1x32xf32, #tpu.memory_space<hbm>>
      %dma_start3A_2344 = arith.constant 52 : i32
      %dma_start3A_2345 = arith.constant 0 : i32
      %dma_start3A_2346 = tpu.memref_slice %arg14[%dma_start3A_2344, %dma_start3A_2345] : memref<64x32xf32, #tpu.memory_space<vmem>> -> memref<1x32xf32, #tpu.memory_space<vmem>>
      %dma_start3A_2347 = arith.constant 0 : i32
      %dma_start3A_2348 = tpu.memref_slice %arg4[%squeeze3A_2336, %dma_start3A_2347] : memref<1000000x32xf32, #tpu.memory_space<hbm>> -> memref<1x32xf32, #tpu.memory_space<hbm>>
      tpu.enqueue_dma source(%dma_start3A_2348 : memref<1x32xf32, #tpu.memory_space<hbm>>) target(%dma_start3A_2346 : memref<1x32xf32, #tpu.memory_space<vmem>>) target_semaphore(%arg18 : memref<!tpu.dma_semaphore, #tpu.memory_space<semaphore_mem>>)
      %dma_start3A_2349 = arith.constant 52 : i32
      %dma_start3A_2350 = arith.constant 0 : i32
      %dma_start3A_2351 = tpu.memref_slice %arg15[%dma_start3A_2349, %dma_start3A_2350] : memref<64x32xf32, #tpu.memory_space<vmem>> -> memref<1x32xf32, #tpu.memory_space<vmem>>
      %dma_start3A_2352 = arith.constant 0 : i32
      %dma_start3A_2353 = tpu.memref_slice %arg5[%squeeze3A_2338, %dma_start3A_2352] : memref<1000000x32xf32, #tpu.memory_space<hbm>> -> memref<1x32xf32, #tpu.memory_space<hbm>>
      %dma_start3A_2354 = arith.constant 52 : i32
      %dma_start3A_2355 = arith.constant 0 : i32
      %dma_start3A_2356 = tpu.memref_slice %arg15[%dma_start3A_2354, %dma_start3A_2355] : memref<64x32xf32, #tpu.memory_space<vmem>> -> memref<1x32xf32, #tpu.memory_space<vmem>>
      %dma_start3A_2357 = arith.constant 0 : i32
      %dma_start3A_2358 = tpu.memref_slice %arg5[%squeeze3A_2338, %dma_start3A_2357] : memref<1000000x32xf32, #tpu.memory_space<hbm>> -> memref<1x32xf32, #tpu.memory_space<hbm>>
      tpu.enqueue_dma source(%dma_start3A_2358 : memref<1x32xf32, #tpu.memory_space<hbm>>) target(%dma_start3A_2356 : memref<1x32xf32, #tpu.memory_space<vmem>>) target_semaphore(%arg18 : memref<!tpu.dma_semaphore, #tpu.memory_space<semaphore_mem>>)
      %dma_start3A_2359 = arith.constant 52 : i32
      %dma_start3A_2360 = arith.constant 0 : i32
      %dma_start3A_2361 = tpu.memref_slice %arg16[%dma_start3A_2359, %dma_start3A_2360] : memref<64x32xf32, #tpu.memory_space<vmem>> -> memref<1x32xf32, #tpu.memory_space<vmem>>
      %dma_start3A_2362 = arith.constant 0 : i32
      %dma_start3A_2363 = tpu.memref_slice %arg6[%squeeze3A_2336, %dma_start3A_2362] : memref<1000000x32xf32, #tpu.memory_space<hbm>> -> memref<1x32xf32, #tpu.memory_space<hbm>>
      %dma_start3A_2364 = arith.constant 52 : i32
      %dma_start3A_2365 = arith.constant 0 : i32
      %dma_start3A_2366 = tpu.memref_slice %arg16[%dma_start3A_2364, %dma_start3A_2365] : memref<64x32xf32, #tpu.memory_space<vmem>> -> memref<1x32xf32, #tpu.memory_space<vmem>>
      %dma_start3A_2367 = arith.constant 0 : i32
      %dma_start3A_2368 = tpu.memref_slice %arg6[%squeeze3A_2336, %dma_start3A_2367] : memref<1000000x32xf32, #tpu.memory_space<hbm>> -> memref<1x32xf32, #tpu.memory_space<hbm>>
      tpu.enqueue_dma source(%dma_start3A_2368 : memref<1x32xf32, #tpu.memory_space<hbm>>) target(%dma_start3A_2366 : memref<1x32xf32, #tpu.memory_space<vmem>>) target_semaphore(%arg18 : memref<!tpu.dma_semaphore, #tpu.memory_space<semaphore_mem>>)
      %dma_start3A_2369 = arith.constant 52 : i32
      %dma_start3A_2370 = arith.constant 0 : i32
      %dma_start3A_2371 = tpu.memref_slice %arg17[%dma_start3A_2369, %dma_start3A_2370] : memref<64x32xf32, #tpu.memory_space<vmem>> -> memref<1x32xf32, #tpu.memory_space<vmem>>
      %dma_start3A_2372 = arith.constant 0 : i32
      %dma_start3A_2373 = tpu.memref_slice %arg7[%squeeze3A_2338, %dma_start3A_2372] : memref<1000000x32xf32, #tpu.memory_space<hbm>> -> memref<1x32xf32, #tpu.memory_space<hbm>>
      %dma_start3A_2374 = arith.constant 52 : i32
      %dma_start3A_2375 = arith.constant 0 : i32
      %dma_start3A_2376 = tpu.memref_slice %arg17[%dma_start3A_2374, %dma_start3A_2375] : memref<64x32xf32, #tpu.memory_space<vmem>> -> memref<1x32xf32, #tpu.memory_space<vmem>>
      %dma_start3A_2377 = arith.constant 0 : i32
      %dma_start3A_2378 = tpu.memref_slice %arg7[%squeeze3A_2338, %dma_start3A_2377] : memref<1000000x32xf32, #tpu.memory_space<hbm>> -> memref<1x32xf32, #tpu.memory_space<hbm>>
      tpu.enqueue_dma source(%dma_start3A_2378 : memref<1x32xf32, #tpu.memory_space<hbm>>) target(%dma_start3A_2376 : memref<1x32xf32, #tpu.memory_space<vmem>>) target_semaphore(%arg18 : memref<!tpu.dma_semaphore, #tpu.memory_space<semaphore_mem>>)
      %slice3A_2379 = vector.extract_strided_slice %get3A_2153 {offsets = [5], sizes = [1], strides = [1]} : vector<16xi32> to vector<1xi32>
      %squeeze3A_2380 = vector.extract %slice3A_2379[0] : i32 from vector<1xi32>
      %slice3A_2381 = vector.extract_strided_slice %get3A_2158 {offsets = [5], sizes = [1], strides = [1]} : vector<16xi32> to vector<1xi32>
      %squeeze3A_2382 = vector.extract %slice3A_2381[0] : i32 from vector<1xi32>
      %dma_start3A_2383 = arith.constant 53 : i32
      %dma_start3A_2384 = arith.constant 0 : i32
      %dma_start3A_2385 = tpu.memref_slice %arg14[%dma_start3A_2383, %dma_start3A_2384] : memref<64x32xf32, #tpu.memory_space<vmem>> -> memref<1x32xf32, #tpu.memory_space<vmem>>
      %dma_start3A_2386 = arith.constant 0 : i32
      %dma_start3A_2387 = tpu.memref_slice %arg4[%squeeze3A_2380, %dma_start3A_2386] : memref<1000000x32xf32, #tpu.memory_space<hbm>> -> memref<1x32xf32, #tpu.memory_space<hbm>>
      %dma_start3A_2388 = arith.constant 53 : i32
      %dma_start3A_2389 = arith.constant 0 : i32
      %dma_start3A_2390 = tpu.memref_slice %arg14[%dma_start3A_2388, %dma_start3A_2389] : memref<64x32xf32, #tpu.memory_space<vmem>> -> memref<1x32xf32, #tpu.memory_space<vmem>>
      %dma_start3A_2391 = arith.constant 0 : i32
      %dma_start3A_2392 = tpu.memref_slice %arg4[%squeeze3A_2380, %dma_start3A_2391] : memref<1000000x32xf32, #tpu.memory_space<hbm>> -> memref<1x32xf32, #tpu.memory_space<hbm>>
      tpu.enqueue_dma source(%dma_start3A_2392 : memref<1x32xf32, #tpu.memory_space<hbm>>) target(%dma_start3A_2390 : memref<1x32xf32, #tpu.memory_space<vmem>>) target_semaphore(%arg18 : memref<!tpu.dma_semaphore, #tpu.memory_space<semaphore_mem>>)
      %dma_start3A_2393 = arith.constant 53 : i32
      %dma_start3A_2394 = arith.constant 0 : i32
      %dma_start3A_2395 = tpu.memref_slice %arg15[%dma_start3A_2393, %dma_start3A_2394] : memref<64x32xf32, #tpu.memory_space<vmem>> -> memref<1x32xf32, #tpu.memory_space<vmem>>
      %dma_start3A_2396 = arith.constant 0 : i32
      %dma_start3A_2397 = tpu.memref_slice %arg5[%squeeze3A_2382, %dma_start3A_2396] : memref<1000000x32xf32, #tpu.memory_space<hbm>> -> memref<1x32xf32, #tpu.memory_space<hbm>>
      %dma_start3A_2398 = arith.constant 53 : i32
      %dma_start3A_2399 = arith.constant 0 : i32
      %dma_start3A_2400 = tpu.memref_slice %arg15[%dma_start3A_2398, %dma_start3A_2399] : memref<64x32xf32, #tpu.memory_space<vmem>> -> memref<1x32xf32, #tpu.memory_space<vmem>>
      %dma_start3A_2401 = arith.constant 0 : i32
      %dma_start3A_2402 = tpu.memref_slice %arg5[%squeeze3A_2382, %dma_start3A_2401] : memref<1000000x32xf32, #tpu.memory_space<hbm>> -> memref<1x32xf32, #tpu.memory_space<hbm>>
      tpu.enqueue_dma source(%dma_start3A_2402 : memref<1x32xf32, #tpu.memory_space<hbm>>) target(%dma_start3A_2400 : memref<1x32xf32, #tpu.memory_space<vmem>>) target_semaphore(%arg18 : memref<!tpu.dma_semaphore, #tpu.memory_space<semaphore_mem>>)
      %dma_start3A_2403 = arith.constant 53 : i32
      %dma_start3A_2404 = arith.constant 0 : i32
      %dma_start3A_2405 = tpu.memref_slice %arg16[%dma_start3A_2403, %dma_start3A_2404] : memref<64x32xf32, #tpu.memory_space<vmem>> -> memref<1x32xf32, #tpu.memory_space<vmem>>
      %dma_start3A_2406 = arith.constant 0 : i32
      %dma_start3A_2407 = tpu.memref_slice %arg6[%squeeze3A_2380, %dma_start3A_2406] : memref<1000000x32xf32, #tpu.memory_space<hbm>> -> memref<1x32xf32, #tpu.memory_space<hbm>>
      %dma_start3A_2408 = arith.constant 53 : i32
      %dma_start3A_2409 = arith.constant 0 : i32
      %dma_start3A_2410 = tpu.memref_slice %arg16[%dma_start3A_2408, %dma_start3A_2409] : memref<64x32xf32, #tpu.memory_space<vmem>> -> memref<1x32xf32, #tpu.memory_space<vmem>>
      %dma_start3A_2411 = arith.constant 0 : i32
      %dma_start3A_2412 = tpu.memref_slice %arg6[%squeeze3A_2380, %dma_start3A_2411] : memref<1000000x32xf32, #tpu.memory_space<hbm>> -> memref<1x32xf32, #tpu.memory_space<hbm>>
      tpu.enqueue_dma source(%dma_start3A_2412 : memref<1x32xf32, #tpu.memory_space<hbm>>) target(%dma_start3A_2410 : memref<1x32xf32, #tpu.memory_space<vmem>>) target_semaphore(%arg18 : memref<!tpu.dma_semaphore, #tpu.memory_space<semaphore_mem>>)
      %dma_start3A_2413 = arith.constant 53 : i32
      %dma_start3A_2414 = arith.constant 0 : i32
      %dma_start3A_2415 = tpu.memref_slice %arg17[%dma_start3A_2413, %dma_start3A_2414] : memref<64x32xf32, #tpu.memory_space<vmem>> -> memref<1x32xf32, #tpu.memory_space<vmem>>
      %dma_start3A_2416 = arith.constant 0 : i32
      %dma_start3A_2417 = tpu.memref_slice %arg7[%squeeze3A_2382, %dma_start3A_2416] : memref<1000000x32xf32, #tpu.memory_space<hbm>> -> memref<1x32xf32, #tpu.memory_space<hbm>>
      %dma_start3A_2418 = arith.constant 53 : i32
      %dma_start3A_2419 = arith.constant 0 : i32
      %dma_start3A_2420 = tpu.memref_slice %arg17[%dma_start3A_2418, %dma_start3A_2419] : memref<64x32xf32, #tpu.memory_space<vmem>> -> memref<1x32xf32, #tpu.memory_space<vmem>>
      %dma_start3A_2421 = arith.constant 0 : i32
      %dma_start3A_2422 = tpu.memref_slice %arg7[%squeeze3A_2382, %dma_start3A_2421] : memref<1000000x32xf32, #tpu.memory_space<hbm>> -> memref<1x32xf32, #tpu.memory_space<hbm>>
      tpu.enqueue_dma source(%dma_start3A_2422 : memref<1x32xf32, #tpu.memory_space<hbm>>) target(%dma_start3A_2420 : memref<1x32xf32, #tpu.memory_space<vmem>>) target_semaphore(%arg18 : memref<!tpu.dma_semaphore, #tpu.memory_space<semaphore_mem>>)
      %slice3A_2423 = vector.extract_strided_slice %get3A_2153 {offsets = [6], sizes = [1], strides = [1]} : vector<16xi32> to vector<1xi32>
      %squeeze3A_2424 = vector.extract %slice3A_2423[0] : i32 from vector<1xi32>
      %slice3A_2425 = vector.extract_strided_slice %get3A_2158 {offsets = [6], sizes = [1], strides = [1]} : vector<16xi32> to vector<1xi32>
      %squeeze3A_2426 = vector.extract %slice3A_2425[0] : i32 from vector<1xi32>
      %dma_start3A_2427 = arith.constant 54 : i32
      %dma_start3A_2428 = arith.constant 0 : i32
      %dma_start3A_2429 = tpu.memref_slice %arg14[%dma_start3A_2427, %dma_start3A_2428] : memref<64x32xf32, #tpu.memory_space<vmem>> -> memref<1x32xf32, #tpu.memory_space<vmem>>
      %dma_start3A_2430 = arith.constant 0 : i32
      %dma_start3A_2431 = tpu.memref_slice %arg4[%squeeze3A_2424, %dma_start3A_2430] : memref<1000000x32xf32, #tpu.memory_space<hbm>> -> memref<1x32xf32, #tpu.memory_space<hbm>>
      %dma_start3A_2432 = arith.constant 54 : i32
      %dma_start3A_2433 = arith.constant 0 : i32
      %dma_start3A_2434 = tpu.memref_slice %arg14[%dma_start3A_2432, %dma_start3A_2433] : memref<64x32xf32, #tpu.memory_space<vmem>> -> memref<1x32xf32, #tpu.memory_space<vmem>>
      %dma_start3A_2435 = arith.constant 0 : i32
      %dma_start3A_2436 = tpu.memref_slice %arg4[%squeeze3A_2424, %dma_start3A_2435] : memref<1000000x32xf32, #tpu.memory_space<hbm>> -> memref<1x32xf32, #tpu.memory_space<hbm>>
      tpu.enqueue_dma source(%dma_start3A_2436 : memref<1x32xf32, #tpu.memory_space<hbm>>) target(%dma_start3A_2434 : memref<1x32xf32, #tpu.memory_space<vmem>>) target_semaphore(%arg18 : memref<!tpu.dma_semaphore, #tpu.memory_space<semaphore_mem>>)
      %dma_start3A_2437 = arith.constant 54 : i32
      %dma_start3A_2438 = arith.constant 0 : i32
      %dma_start3A_2439 = tpu.memref_slice %arg15[%dma_start3A_2437, %dma_start3A_2438] : memref<64x32xf32, #tpu.memory_space<vmem>> -> memref<1x32xf32, #tpu.memory_space<vmem>>
      %dma_start3A_2440 = arith.constant 0 : i32
      %dma_start3A_2441 = tpu.memref_slice %arg5[%squeeze3A_2426, %dma_start3A_2440] : memref<1000000x32xf32, #tpu.memory_space<hbm>> -> memref<1x32xf32, #tpu.memory_space<hbm>>
      %dma_start3A_2442 = arith.constant 54 : i32
      %dma_start3A_2443 = arith.constant 0 : i32
      %dma_start3A_2444 = tpu.memref_slice %arg15[%dma_start3A_2442, %dma_start3A_2443] : memref<64x32xf32, #tpu.memory_space<vmem>> -> memref<1x32xf32, #tpu.memory_space<vmem>>
      %dma_start3A_2445 = arith.constant 0 : i32
      %dma_start3A_2446 = tpu.memref_slice %arg5[%squeeze3A_2426, %dma_start3A_2445] : memref<1000000x32xf32, #tpu.memory_space<hbm>> -> memref<1x32xf32, #tpu.memory_space<hbm>>
      tpu.enqueue_dma source(%dma_start3A_2446 : memref<1x32xf32, #tpu.memory_space<hbm>>) target(%dma_start3A_2444 : memref<1x32xf32, #tpu.memory_space<vmem>>) target_semaphore(%arg18 : memref<!tpu.dma_semaphore, #tpu.memory_space<semaphore_mem>>)
      %dma_start3A_2447 = arith.constant 54 : i32
      %dma_start3A_2448 = arith.constant 0 : i32
      %dma_start3A_2449 = tpu.memref_slice %arg16[%dma_start3A_2447, %dma_start3A_2448] : memref<64x32xf32, #tpu.memory_space<vmem>> -> memref<1x32xf32, #tpu.memory_space<vmem>>
      %dma_start3A_2450 = arith.constant 0 : i32
      %dma_start3A_2451 = tpu.memref_slice %arg6[%squeeze3A_2424, %dma_start3A_2450] : memref<1000000x32xf32, #tpu.memory_space<hbm>> -> memref<1x32xf32, #tpu.memory_space<hbm>>
      %dma_start3A_2452 = arith.constant 54 : i32
      %dma_start3A_2453 = arith.constant 0 : i32
      %dma_start3A_2454 = tpu.memref_slice %arg16[%dma_start3A_2452, %dma_start3A_2453] : memref<64x32xf32, #tpu.memory_space<vmem>> -> memref<1x32xf32, #tpu.memory_space<vmem>>
      %dma_start3A_2455 = arith.constant 0 : i32
      %dma_start3A_2456 = tpu.memref_slice %arg6[%squeeze3A_2424, %dma_start3A_2455] : memref<1000000x32xf32, #tpu.memory_space<hbm>> -> memref<1x32xf32, #tpu.memory_space<hbm>>
      tpu.enqueue_dma source(%dma_start3A_2456 : memref<1x32xf32, #tpu.memory_space<hbm>>) target(%dma_start3A_2454 : memref<1x32xf32, #tpu.memory_space<vmem>>) target_semaphore(%arg18 : memref<!tpu.dma_semaphore, #tpu.memory_space<semaphore_mem>>)
      %dma_start3A_2457 = arith.constant 54 : i32
      %dma_start3A_2458 = arith.constant 0 : i32
      %dma_start3A_2459 = tpu.memref_slice %arg17[%dma_start3A_2457, %dma_start3A_2458] : memref<64x32xf32, #tpu.memory_space<vmem>> -> memref<1x32xf32, #tpu.memory_space<vmem>>
      %dma_start3A_2460 = arith.constant 0 : i32
      %dma_start3A_2461 = tpu.memref_slice %arg7[%squeeze3A_2426, %dma_start3A_2460] : memref<1000000x32xf32, #tpu.memory_space<hbm>> -> memref<1x32xf32, #tpu.memory_space<hbm>>
      %dma_start3A_2462 = arith.constant 54 : i32
      %dma_start3A_2463 = arith.constant 0 : i32
      %dma_start3A_2464 = tpu.memref_slice %arg17[%dma_start3A_2462, %dma_start3A_2463] : memref<64x32xf32, #tpu.memory_space<vmem>> -> memref<1x32xf32, #tpu.memory_space<vmem>>
      %dma_start3A_2465 = arith.constant 0 : i32
      %dma_start3A_2466 = tpu.memref_slice %arg7[%squeeze3A_2426, %dma_start3A_2465] : memref<1000000x32xf32, #tpu.memory_space<hbm>> -> memref<1x32xf32, #tpu.memory_space<hbm>>
      tpu.enqueue_dma source(%dma_start3A_2466 : memref<1x32xf32, #tpu.memory_space<hbm>>) target(%dma_start3A_2464 : memref<1x32xf32, #tpu.memory_space<vmem>>) target_semaphore(%arg18 : memref<!tpu.dma_semaphore, #tpu.memory_space<semaphore_mem>>)
      %slice3A_2467 = vector.extract_strided_slice %get3A_2153 {offsets = [7], sizes = [1], strides = [1]} : vector<16xi32> to vector<1xi32>
      %squeeze3A_2468 = vector.extract %slice3A_2467[0] : i32 from vector<1xi32>
      %slice3A_2469 = vector.extract_strided_slice %get3A_2158 {offsets = [7], sizes = [1], strides = [1]} : vector<16xi32> to vector<1xi32>
      %squeeze3A_2470 = vector.extract %slice3A_2469[0] : i32 from vector<1xi32>
      %dma_start3A_2471 = arith.constant 55 : i32
      %dma_start3A_2472 = arith.constant 0 : i32
      %dma_start3A_2473 = tpu.memref_slice %arg14[%dma_start3A_2471, %dma_start3A_2472] : memref<64x32xf32, #tpu.memory_space<vmem>> -> memref<1x32xf32, #tpu.memory_space<vmem>>
      %dma_start3A_2474 = arith.constant 0 : i32
      %dma_start3A_2475 = tpu.memref_slice %arg4[%squeeze3A_2468, %dma_start3A_2474] : memref<1000000x32xf32, #tpu.memory_space<hbm>> -> memref<1x32xf32, #tpu.memory_space<hbm>>
      %dma_start3A_2476 = arith.constant 55 : i32
      %dma_start3A_2477 = arith.constant 0 : i32
      %dma_start3A_2478 = tpu.memref_slice %arg14[%dma_start3A_2476, %dma_start3A_2477] : memref<64x32xf32, #tpu.memory_space<vmem>> -> memref<1x32xf32, #tpu.memory_space<vmem>>
      %dma_start3A_2479 = arith.constant 0 : i32
      %dma_start3A_2480 = tpu.memref_slice %arg4[%squeeze3A_2468, %dma_start3A_2479] : memref<1000000x32xf32, #tpu.memory_space<hbm>> -> memref<1x32xf32, #tpu.memory_space<hbm>>
      tpu.enqueue_dma source(%dma_start3A_2480 : memref<1x32xf32, #tpu.memory_space<hbm>>) target(%dma_start3A_2478 : memref<1x32xf32, #tpu.memory_space<vmem>>) target_semaphore(%arg18 : memref<!tpu.dma_semaphore, #tpu.memory_space<semaphore_mem>>)
      %dma_start3A_2481 = arith.constant 55 : i32
      %dma_start3A_2482 = arith.constant 0 : i32
      %dma_start3A_2483 = tpu.memref_slice %arg15[%dma_start3A_2481, %dma_start3A_2482] : memref<64x32xf32, #tpu.memory_space<vmem>> -> memref<1x32xf32, #tpu.memory_space<vmem>>
      %dma_start3A_2484 = arith.constant 0 : i32
      %dma_start3A_2485 = tpu.memref_slice %arg5[%squeeze3A_2470, %dma_start3A_2484] : memref<1000000x32xf32, #tpu.memory_space<hbm>> -> memref<1x32xf32, #tpu.memory_space<hbm>>
      %dma_start3A_2486 = arith.constant 55 : i32
      %dma_start3A_2487 = arith.constant 0 : i32
      %dma_start3A_2488 = tpu.memref_slice %arg15[%dma_start3A_2486, %dma_start3A_2487] : memref<64x32xf32, #tpu.memory_space<vmem>> -> memref<1x32xf32, #tpu.memory_space<vmem>>
      %dma_start3A_2489 = arith.constant 0 : i32
      %dma_start3A_2490 = tpu.memref_slice %arg5[%squeeze3A_2470, %dma_start3A_2489] : memref<1000000x32xf32, #tpu.memory_space<hbm>> -> memref<1x32xf32, #tpu.memory_space<hbm>>
      tpu.enqueue_dma source(%dma_start3A_2490 : memref<1x32xf32, #tpu.memory_space<hbm>>) target(%dma_start3A_2488 : memref<1x32xf32, #tpu.memory_space<vmem>>) target_semaphore(%arg18 : memref<!tpu.dma_semaphore, #tpu.memory_space<semaphore_mem>>)
      %dma_start3A_2491 = arith.constant 55 : i32
      %dma_start3A_2492 = arith.constant 0 : i32
      %dma_start3A_2493 = tpu.memref_slice %arg16[%dma_start3A_2491, %dma_start3A_2492] : memref<64x32xf32, #tpu.memory_space<vmem>> -> memref<1x32xf32, #tpu.memory_space<vmem>>
      %dma_start3A_2494 = arith.constant 0 : i32
      %dma_start3A_2495 = tpu.memref_slice %arg6[%squeeze3A_2468, %dma_start3A_2494] : memref<1000000x32xf32, #tpu.memory_space<hbm>> -> memref<1x32xf32, #tpu.memory_space<hbm>>
      %dma_start3A_2496 = arith.constant 55 : i32
      %dma_start3A_2497 = arith.constant 0 : i32
      %dma_start3A_2498 = tpu.memref_slice %arg16[%dma_start3A_2496, %dma_start3A_2497] : memref<64x32xf32, #tpu.memory_space<vmem>> -> memref<1x32xf32, #tpu.memory_space<vmem>>
      %dma_start3A_2499 = arith.constant 0 : i32
      %dma_start3A_2500 = tpu.memref_slice %arg6[%squeeze3A_2468, %dma_start3A_2499] : memref<1000000x32xf32, #tpu.memory_space<hbm>> -> memref<1x32xf32, #tpu.memory_space<hbm>>
      tpu.enqueue_dma source(%dma_start3A_2500 : memref<1x32xf32, #tpu.memory_space<hbm>>) target(%dma_start3A_2498 : memref<1x32xf32, #tpu.memory_space<vmem>>) target_semaphore(%arg18 : memref<!tpu.dma_semaphore, #tpu.memory_space<semaphore_mem>>)
      %dma_start3A_2501 = arith.constant 55 : i32
      %dma_start3A_2502 = arith.constant 0 : i32
      %dma_start3A_2503 = tpu.memref_slice %arg17[%dma_start3A_2501, %dma_start3A_2502] : memref<64x32xf32, #tpu.memory_space<vmem>> -> memref<1x32xf32, #tpu.memory_space<vmem>>
      %dma_start3A_2504 = arith.constant 0 : i32
      %dma_start3A_2505 = tpu.memref_slice %arg7[%squeeze3A_2470, %dma_start3A_2504] : memref<1000000x32xf32, #tpu.memory_space<hbm>> -> memref<1x32xf32, #tpu.memory_space<hbm>>
      %dma_start3A_2506 = arith.constant 55 : i32
      %dma_start3A_2507 = arith.constant 0 : i32
      %dma_start3A_2508 = tpu.memref_slice %arg17[%dma_start3A_2506, %dma_start3A_2507] : memref<64x32xf32, #tpu.memory_space<vmem>> -> memref<1x32xf32, #tpu.memory_space<vmem>>
      %dma_start3A_2509 = arith.constant 0 : i32
      %dma_start3A_2510 = tpu.memref_slice %arg7[%squeeze3A_2470, %dma_start3A_2509] : memref<1000000x32xf32, #tpu.memory_space<hbm>> -> memref<1x32xf32, #tpu.memory_space<hbm>>
      tpu.enqueue_dma source(%dma_start3A_2510 : memref<1x32xf32, #tpu.memory_space<hbm>>) target(%dma_start3A_2508 : memref<1x32xf32, #tpu.memory_space<vmem>>) target_semaphore(%arg18 : memref<!tpu.dma_semaphore, #tpu.memory_space<semaphore_mem>>)
      %slice3A_2511 = vector.extract_strided_slice %get3A_2153 {offsets = [8], sizes = [1], strides = [1]} : vector<16xi32> to vector<1xi32>
      %squeeze3A_2512 = vector.extract %slice3A_2511[0] : i32 from vector<1xi32>
      %slice3A_2513 = vector.extract_strided_slice %get3A_2158 {offsets = [8], sizes = [1], strides = [1]} : vector<16xi32> to vector<1xi32>
      %squeeze3A_2514 = vector.extract %slice3A_2513[0] : i32 from vector<1xi32>
      %dma_start3A_2515 = arith.constant 56 : i32
      %dma_start3A_2516 = arith.constant 0 : i32
      %dma_start3A_2517 = tpu.memref_slice %arg14[%dma_start3A_2515, %dma_start3A_2516] : memref<64x32xf32, #tpu.memory_space<vmem>> -> memref<1x32xf32, #tpu.memory_space<vmem>>
      %dma_start3A_2518 = arith.constant 0 : i32
      %dma_start3A_2519 = tpu.memref_slice %arg4[%squeeze3A_2512, %dma_start3A_2518] : memref<1000000x32xf32, #tpu.memory_space<hbm>> -> memref<1x32xf32, #tpu.memory_space<hbm>>
      %dma_start3A_2520 = arith.constant 56 : i32
      %dma_start3A_2521 = arith.constant 0 : i32
      %dma_start3A_2522 = tpu.memref_slice %arg14[%dma_start3A_2520, %dma_start3A_2521] : memref<64x32xf32, #tpu.memory_space<vmem>> -> memref<1x32xf32, #tpu.memory_space<vmem>>
      %dma_start3A_2523 = arith.constant 0 : i32
      %dma_start3A_2524 = tpu.memref_slice %arg4[%squeeze3A_2512, %dma_start3A_2523] : memref<1000000x32xf32, #tpu.memory_space<hbm>> -> memref<1x32xf32, #tpu.memory_space<hbm>>
      tpu.enqueue_dma source(%dma_start3A_2524 : memref<1x32xf32, #tpu.memory_space<hbm>>) target(%dma_start3A_2522 : memref<1x32xf32, #tpu.memory_space<vmem>>) target_semaphore(%arg18 : memref<!tpu.dma_semaphore, #tpu.memory_space<semaphore_mem>>)
      %dma_start3A_2525 = arith.constant 56 : i32
      %dma_start3A_2526 = arith.constant 0 : i32
      %dma_start3A_2527 = tpu.memref_slice %arg15[%dma_start3A_2525, %dma_start3A_2526] : memref<64x32xf32, #tpu.memory_space<vmem>> -> memref<1x32xf32, #tpu.memory_space<vmem>>
      %dma_start3A_2528 = arith.constant 0 : i32
      %dma_start3A_2529 = tpu.memref_slice %arg5[%squeeze3A_2514, %dma_start3A_2528] : memref<1000000x32xf32, #tpu.memory_space<hbm>> -> memref<1x32xf32, #tpu.memory_space<hbm>>
      %dma_start3A_2530 = arith.constant 56 : i32
      %dma_start3A_2531 = arith.constant 0 : i32
      %dma_start3A_2532 = tpu.memref_slice %arg15[%dma_start3A_2530, %dma_start3A_2531] : memref<64x32xf32, #tpu.memory_space<vmem>> -> memref<1x32xf32, #tpu.memory_space<vmem>>
      %dma_start3A_2533 = arith.constant 0 : i32
      %dma_start3A_2534 = tpu.memref_slice %arg5[%squeeze3A_2514, %dma_start3A_2533] : memref<1000000x32xf32, #tpu.memory_space<hbm>> -> memref<1x32xf32, #tpu.memory_space<hbm>>
      tpu.enqueue_dma source(%dma_start3A_2534 : memref<1x32xf32, #tpu.memory_space<hbm>>) target(%dma_start3A_2532 : memref<1x32xf32, #tpu.memory_space<vmem>>) target_semaphore(%arg18 : memref<!tpu.dma_semaphore, #tpu.memory_space<semaphore_mem>>)
      %dma_start3A_2535 = arith.constant 56 : i32
      %dma_start3A_2536 = arith.constant 0 : i32
      %dma_start3A_2537 = tpu.memref_slice %arg16[%dma_start3A_2535, %dma_start3A_2536] : memref<64x32xf32, #tpu.memory_space<vmem>> -> memref<1x32xf32, #tpu.memory_space<vmem>>
      %dma_start3A_2538 = arith.constant 0 : i32
      %dma_start3A_2539 = tpu.memref_slice %arg6[%squeeze3A_2512, %dma_start3A_2538] : memref<1000000x32xf32, #tpu.memory_space<hbm>> -> memref<1x32xf32, #tpu.memory_space<hbm>>
      %dma_start3A_2540 = arith.constant 56 : i32
      %dma_start3A_2541 = arith.constant 0 : i32
      %dma_start3A_2542 = tpu.memref_slice %arg16[%dma_start3A_2540, %dma_start3A_2541] : memref<64x32xf32, #tpu.memory_space<vmem>> -> memref<1x32xf32, #tpu.memory_space<vmem>>
      %dma_start3A_2543 = arith.constant 0 : i32
      %dma_start3A_2544 = tpu.memref_slice %arg6[%squeeze3A_2512, %dma_start3A_2543] : memref<1000000x32xf32, #tpu.memory_space<hbm>> -> memref<1x32xf32, #tpu.memory_space<hbm>>
      tpu.enqueue_dma source(%dma_start3A_2544 : memref<1x32xf32, #tpu.memory_space<hbm>>) target(%dma_start3A_2542 : memref<1x32xf32, #tpu.memory_space<vmem>>) target_semaphore(%arg18 : memref<!tpu.dma_semaphore, #tpu.memory_space<semaphore_mem>>)
      %dma_start3A_2545 = arith.constant 56 : i32
      %dma_start3A_2546 = arith.constant 0 : i32
      %dma_start3A_2547 = tpu.memref_slice %arg17[%dma_start3A_2545, %dma_start3A_2546] : memref<64x32xf32, #tpu.memory_space<vmem>> -> memref<1x32xf32, #tpu.memory_space<vmem>>
      %dma_start3A_2548 = arith.constant 0 : i32
      %dma_start3A_2549 = tpu.memref_slice %arg7[%squeeze3A_2514, %dma_start3A_2548] : memref<1000000x32xf32, #tpu.memory_space<hbm>> -> memref<1x32xf32, #tpu.memory_space<hbm>>
      %dma_start3A_2550 = arith.constant 56 : i32
      %dma_start3A_2551 = arith.constant 0 : i32
      %dma_start3A_2552 = tpu.memref_slice %arg17[%dma_start3A_2550, %dma_start3A_2551] : memref<64x32xf32, #tpu.memory_space<vmem>> -> memref<1x32xf32, #tpu.memory_space<vmem>>
      %dma_start3A_2553 = arith.constant 0 : i32
      %dma_start3A_2554 = tpu.memref_slice %arg7[%squeeze3A_2514, %dma_start3A_2553] : memref<1000000x32xf32, #tpu.memory_space<hbm>> -> memref<1x32xf32, #tpu.memory_space<hbm>>
      tpu.enqueue_dma source(%dma_start3A_2554 : memref<1x32xf32, #tpu.memory_space<hbm>>) target(%dma_start3A_2552 : memref<1x32xf32, #tpu.memory_space<vmem>>) target_semaphore(%arg18 : memref<!tpu.dma_semaphore, #tpu.memory_space<semaphore_mem>>)
      %slice3A_2555 = vector.extract_strided_slice %get3A_2153 {offsets = [9], sizes = [1], strides = [1]} : vector<16xi32> to vector<1xi32>
      %squeeze3A_2556 = vector.extract %slice3A_2555[0] : i32 from vector<1xi32>
      %slice3A_2557 = vector.extract_strided_slice %get3A_2158 {offsets = [9], sizes = [1], strides = [1]} : vector<16xi32> to vector<1xi32>
      %squeeze3A_2558 = vector.extract %slice3A_2557[0] : i32 from vector<1xi32>
      %dma_start3A_2559 = arith.constant 57 : i32
      %dma_start3A_2560 = arith.constant 0 : i32
      %dma_start3A_2561 = tpu.memref_slice %arg14[%dma_start3A_2559, %dma_start3A_2560] : memref<64x32xf32, #tpu.memory_space<vmem>> -> memref<1x32xf32, #tpu.memory_space<vmem>>
      %dma_start3A_2562 = arith.constant 0 : i32
      %dma_start3A_2563 = tpu.memref_slice %arg4[%squeeze3A_2556, %dma_start3A_2562] : memref<1000000x32xf32, #tpu.memory_space<hbm>> -> memref<1x32xf32, #tpu.memory_space<hbm>>
      %dma_start3A_2564 = arith.constant 57 : i32
      %dma_start3A_2565 = arith.constant 0 : i32
      %dma_start3A_2566 = tpu.memref_slice %arg14[%dma_start3A_2564, %dma_start3A_2565] : memref<64x32xf32, #tpu.memory_space<vmem>> -> memref<1x32xf32, #tpu.memory_space<vmem>>
      %dma_start3A_2567 = arith.constant 0 : i32
      %dma_start3A_2568 = tpu.memref_slice %arg4[%squeeze3A_2556, %dma_start3A_2567] : memref<1000000x32xf32, #tpu.memory_space<hbm>> -> memref<1x32xf32, #tpu.memory_space<hbm>>
      tpu.enqueue_dma source(%dma_start3A_2568 : memref<1x32xf32, #tpu.memory_space<hbm>>) target(%dma_start3A_2566 : memref<1x32xf32, #tpu.memory_space<vmem>>) target_semaphore(%arg18 : memref<!tpu.dma_semaphore, #tpu.memory_space<semaphore_mem>>)
      %dma_start3A_2569 = arith.constant 57 : i32
      %dma_start3A_2570 = arith.constant 0 : i32
      %dma_start3A_2571 = tpu.memref_slice %arg15[%dma_start3A_2569, %dma_start3A_2570] : memref<64x32xf32, #tpu.memory_space<vmem>> -> memref<1x32xf32, #tpu.memory_space<vmem>>
      %dma_start3A_2572 = arith.constant 0 : i32
      %dma_start3A_2573 = tpu.memref_slice %arg5[%squeeze3A_2558, %dma_start3A_2572] : memref<1000000x32xf32, #tpu.memory_space<hbm>> -> memref<1x32xf32, #tpu.memory_space<hbm>>
      %dma_start3A_2574 = arith.constant 57 : i32
      %dma_start3A_2575 = arith.constant 0 : i32
      %dma_start3A_2576 = tpu.memref_slice %arg15[%dma_start3A_2574, %dma_start3A_2575] : memref<64x32xf32, #tpu.memory_space<vmem>> -> memref<1x32xf32, #tpu.memory_space<vmem>>
      %dma_start3A_2577 = arith.constant 0 : i32
      %dma_start3A_2578 = tpu.memref_slice %arg5[%squeeze3A_2558, %dma_start3A_2577] : memref<1000000x32xf32, #tpu.memory_space<hbm>> -> memref<1x32xf32, #tpu.memory_space<hbm>>
      tpu.enqueue_dma source(%dma_start3A_2578 : memref<1x32xf32, #tpu.memory_space<hbm>>) target(%dma_start3A_2576 : memref<1x32xf32, #tpu.memory_space<vmem>>) target_semaphore(%arg18 : memref<!tpu.dma_semaphore, #tpu.memory_space<semaphore_mem>>)
      %dma_start3A_2579 = arith.constant 57 : i32
      %dma_start3A_2580 = arith.constant 0 : i32
      %dma_start3A_2581 = tpu.memref_slice %arg16[%dma_start3A_2579, %dma_start3A_2580] : memref<64x32xf32, #tpu.memory_space<vmem>> -> memref<1x32xf32, #tpu.memory_space<vmem>>
      %dma_start3A_2582 = arith.constant 0 : i32
      %dma_start3A_2583 = tpu.memref_slice %arg6[%squeeze3A_2556, %dma_start3A_2582] : memref<1000000x32xf32, #tpu.memory_space<hbm>> -> memref<1x32xf32, #tpu.memory_space<hbm>>
      %dma_start3A_2584 = arith.constant 57 : i32
      %dma_start3A_2585 = arith.constant 0 : i32
      %dma_start3A_2586 = tpu.memref_slice %arg16[%dma_start3A_2584, %dma_start3A_2585] : memref<64x32xf32, #tpu.memory_space<vmem>> -> memref<1x32xf32, #tpu.memory_space<vmem>>
      %dma_start3A_2587 = arith.constant 0 : i32
      %dma_start3A_2588 = tpu.memref_slice %arg6[%squeeze3A_2556, %dma_start3A_2587] : memref<1000000x32xf32, #tpu.memory_space<hbm>> -> memref<1x32xf32, #tpu.memory_space<hbm>>
      tpu.enqueue_dma source(%dma_start3A_2588 : memref<1x32xf32, #tpu.memory_space<hbm>>) target(%dma_start3A_2586 : memref<1x32xf32, #tpu.memory_space<vmem>>) target_semaphore(%arg18 : memref<!tpu.dma_semaphore, #tpu.memory_space<semaphore_mem>>)
      %dma_start3A_2589 = arith.constant 57 : i32
      %dma_start3A_2590 = arith.constant 0 : i32
      %dma_start3A_2591 = tpu.memref_slice %arg17[%dma_start3A_2589, %dma_start3A_2590] : memref<64x32xf32, #tpu.memory_space<vmem>> -> memref<1x32xf32, #tpu.memory_space<vmem>>
      %dma_start3A_2592 = arith.constant 0 : i32
      %dma_start3A_2593 = tpu.memref_slice %arg7[%squeeze3A_2558, %dma_start3A_2592] : memref<1000000x32xf32, #tpu.memory_space<hbm>> -> memref<1x32xf32, #tpu.memory_space<hbm>>
      %dma_start3A_2594 = arith.constant 57 : i32
      %dma_start3A_2595 = arith.constant 0 : i32
      %dma_start3A_2596 = tpu.memref_slice %arg17[%dma_start3A_2594, %dma_start3A_2595] : memref<64x32xf32, #tpu.memory_space<vmem>> -> memref<1x32xf32, #tpu.memory_space<vmem>>
      %dma_start3A_2597 = arith.constant 0 : i32
      %dma_start3A_2598 = tpu.memref_slice %arg7[%squeeze3A_2558, %dma_start3A_2597] : memref<1000000x32xf32, #tpu.memory_space<hbm>> -> memref<1x32xf32, #tpu.memory_space<hbm>>
      tpu.enqueue_dma source(%dma_start3A_2598 : memref<1x32xf32, #tpu.memory_space<hbm>>) target(%dma_start3A_2596 : memref<1x32xf32, #tpu.memory_space<vmem>>) target_semaphore(%arg18 : memref<!tpu.dma_semaphore, #tpu.memory_space<semaphore_mem>>)
      %slice3A_2599 = vector.extract_strided_slice %get3A_2153 {offsets = [10], sizes = [1], strides = [1]} : vector<16xi32> to vector<1xi32>
      %squeeze3A_2600 = vector.extract %slice3A_2599[0] : i32 from vector<1xi32>
      %slice3A_2601 = vector.extract_strided_slice %get3A_2158 {offsets = [10], sizes = [1], strides = [1]} : vector<16xi32> to vector<1xi32>
      %squeeze3A_2602 = vector.extract %slice3A_2601[0] : i32 from vector<1xi32>
      %dma_start3A_2603 = arith.constant 58 : i32
      %dma_start3A_2604 = arith.constant 0 : i32
      %dma_start3A_2605 = tpu.memref_slice %arg14[%dma_start3A_2603, %dma_start3A_2604] : memref<64x32xf32, #tpu.memory_space<vmem>> -> memref<1x32xf32, #tpu.memory_space<vmem>>
      %dma_start3A_2606 = arith.constant 0 : i32
      %dma_start3A_2607 = tpu.memref_slice %arg4[%squeeze3A_2600, %dma_start3A_2606] : memref<1000000x32xf32, #tpu.memory_space<hbm>> -> memref<1x32xf32, #tpu.memory_space<hbm>>
      %dma_start3A_2608 = arith.constant 58 : i32
      %dma_start3A_2609 = arith.constant 0 : i32
      %dma_start3A_2610 = tpu.memref_slice %arg14[%dma_start3A_2608, %dma_start3A_2609] : memref<64x32xf32, #tpu.memory_space<vmem>> -> memref<1x32xf32, #tpu.memory_space<vmem>>
      %dma_start3A_2611 = arith.constant 0 : i32
      %dma_start3A_2612 = tpu.memref_slice %arg4[%squeeze3A_2600, %dma_start3A_2611] : memref<1000000x32xf32, #tpu.memory_space<hbm>> -> memref<1x32xf32, #tpu.memory_space<hbm>>
      tpu.enqueue_dma source(%dma_start3A_2612 : memref<1x32xf32, #tpu.memory_space<hbm>>) target(%dma_start3A_2610 : memref<1x32xf32, #tpu.memory_space<vmem>>) target_semaphore(%arg18 : memref<!tpu.dma_semaphore, #tpu.memory_space<semaphore_mem>>)
      %dma_start3A_2613 = arith.constant 58 : i32
      %dma_start3A_2614 = arith.constant 0 : i32
      %dma_start3A_2615 = tpu.memref_slice %arg15[%dma_start3A_2613, %dma_start3A_2614] : memref<64x32xf32, #tpu.memory_space<vmem>> -> memref<1x32xf32, #tpu.memory_space<vmem>>
      %dma_start3A_2616 = arith.constant 0 : i32
      %dma_start3A_2617 = tpu.memref_slice %arg5[%squeeze3A_2602, %dma_start3A_2616] : memref<1000000x32xf32, #tpu.memory_space<hbm>> -> memref<1x32xf32, #tpu.memory_space<hbm>>
      %dma_start3A_2618 = arith.constant 58 : i32
      %dma_start3A_2619 = arith.constant 0 : i32
      %dma_start3A_2620 = tpu.memref_slice %arg15[%dma_start3A_2618, %dma_start3A_2619] : memref<64x32xf32, #tpu.memory_space<vmem>> -> memref<1x32xf32, #tpu.memory_space<vmem>>
      %dma_start3A_2621 = arith.constant 0 : i32
      %dma_start3A_2622 = tpu.memref_slice %arg5[%squeeze3A_2602, %dma_start3A_2621] : memref<1000000x32xf32, #tpu.memory_space<hbm>> -> memref<1x32xf32, #tpu.memory_space<hbm>>
      tpu.enqueue_dma source(%dma_start3A_2622 : memref<1x32xf32, #tpu.memory_space<hbm>>) target(%dma_start3A_2620 : memref<1x32xf32, #tpu.memory_space<vmem>>) target_semaphore(%arg18 : memref<!tpu.dma_semaphore, #tpu.memory_space<semaphore_mem>>)
      %dma_start3A_2623 = arith.constant 58 : i32
      %dma_start3A_2624 = arith.constant 0 : i32
      %dma_start3A_2625 = tpu.memref_slice %arg16[%dma_start3A_2623, %dma_start3A_2624] : memref<64x32xf32, #tpu.memory_space<vmem>> -> memref<1x32xf32, #tpu.memory_space<vmem>>
      %dma_start3A_2626 = arith.constant 0 : i32
      %dma_start3A_2627 = tpu.memref_slice %arg6[%squeeze3A_2600, %dma_start3A_2626] : memref<1000000x32xf32, #tpu.memory_space<hbm>> -> memref<1x32xf32, #tpu.memory_space<hbm>>
      %dma_start3A_2628 = arith.constant 58 : i32
      %dma_start3A_2629 = arith.constant 0 : i32
      %dma_start3A_2630 = tpu.memref_slice %arg16[%dma_start3A_2628, %dma_start3A_2629] : memref<64x32xf32, #tpu.memory_space<vmem>> -> memref<1x32xf32, #tpu.memory_space<vmem>>
      %dma_start3A_2631 = arith.constant 0 : i32
      %dma_start3A_2632 = tpu.memref_slice %arg6[%squeeze3A_2600, %dma_start3A_2631] : memref<1000000x32xf32, #tpu.memory_space<hbm>> -> memref<1x32xf32, #tpu.memory_space<hbm>>
      tpu.enqueue_dma source(%dma_start3A_2632 : memref<1x32xf32, #tpu.memory_space<hbm>>) target(%dma_start3A_2630 : memref<1x32xf32, #tpu.memory_space<vmem>>) target_semaphore(%arg18 : memref<!tpu.dma_semaphore, #tpu.memory_space<semaphore_mem>>)
      %dma_start3A_2633 = arith.constant 58 : i32
      %dma_start3A_2634 = arith.constant 0 : i32
      %dma_start3A_2635 = tpu.memref_slice %arg17[%dma_start3A_2633, %dma_start3A_2634] : memref<64x32xf32, #tpu.memory_space<vmem>> -> memref<1x32xf32, #tpu.memory_space<vmem>>
      %dma_start3A_2636 = arith.constant 0 : i32
      %dma_start3A_2637 = tpu.memref_slice %arg7[%squeeze3A_2602, %dma_start3A_2636] : memref<1000000x32xf32, #tpu.memory_space<hbm>> -> memref<1x32xf32, #tpu.memory_space<hbm>>
      %dma_start3A_2638 = arith.constant 58 : i32
      %dma_start3A_2639 = arith.constant 0 : i32
      %dma_start3A_2640 = tpu.memref_slice %arg17[%dma_start3A_2638, %dma_start3A_2639] : memref<64x32xf32, #tpu.memory_space<vmem>> -> memref<1x32xf32, #tpu.memory_space<vmem>>
      %dma_start3A_2641 = arith.constant 0 : i32
      %dma_start3A_2642 = tpu.memref_slice %arg7[%squeeze3A_2602, %dma_start3A_2641] : memref<1000000x32xf32, #tpu.memory_space<hbm>> -> memref<1x32xf32, #tpu.memory_space<hbm>>
      tpu.enqueue_dma source(%dma_start3A_2642 : memref<1x32xf32, #tpu.memory_space<hbm>>) target(%dma_start3A_2640 : memref<1x32xf32, #tpu.memory_space<vmem>>) target_semaphore(%arg18 : memref<!tpu.dma_semaphore, #tpu.memory_space<semaphore_mem>>)
      %slice3A_2643 = vector.extract_strided_slice %get3A_2153 {offsets = [11], sizes = [1], strides = [1]} : vector<16xi32> to vector<1xi32>
      %squeeze3A_2644 = vector.extract %slice3A_2643[0] : i32 from vector<1xi32>
      %slice3A_2645 = vector.extract_strided_slice %get3A_2158 {offsets = [11], sizes = [1], strides = [1]} : vector<16xi32> to vector<1xi32>
      %squeeze3A_2646 = vector.extract %slice3A_2645[0] : i32 from vector<1xi32>
      %dma_start3A_2647 = arith.constant 59 : i32
      %dma_start3A_2648 = arith.constant 0 : i32
      %dma_start3A_2649 = tpu.memref_slice %arg14[%dma_start3A_2647, %dma_start3A_2648] : memref<64x32xf32, #tpu.memory_space<vmem>> -> memref<1x32xf32, #tpu.memory_space<vmem>>
      %dma_start3A_2650 = arith.constant 0 : i32
      %dma_start3A_2651 = tpu.memref_slice %arg4[%squeeze3A_2644, %dma_start3A_2650] : memref<1000000x32xf32, #tpu.memory_space<hbm>> -> memref<1x32xf32, #tpu.memory_space<hbm>>
      %dma_start3A_2652 = arith.constant 59 : i32
      %dma_start3A_2653 = arith.constant 0 : i32
      %dma_start3A_2654 = tpu.memref_slice %arg14[%dma_start3A_2652, %dma_start3A_2653] : memref<64x32xf32, #tpu.memory_space<vmem>> -> memref<1x32xf32, #tpu.memory_space<vmem>>
      %dma_start3A_2655 = arith.constant 0 : i32
      %dma_start3A_2656 = tpu.memref_slice %arg4[%squeeze3A_2644, %dma_start3A_2655] : memref<1000000x32xf32, #tpu.memory_space<hbm>> -> memref<1x32xf32, #tpu.memory_space<hbm>>
      tpu.enqueue_dma source(%dma_start3A_2656 : memref<1x32xf32, #tpu.memory_space<hbm>>) target(%dma_start3A_2654 : memref<1x32xf32, #tpu.memory_space<vmem>>) target_semaphore(%arg18 : memref<!tpu.dma_semaphore, #tpu.memory_space<semaphore_mem>>)
      %dma_start3A_2657 = arith.constant 59 : i32
      %dma_start3A_2658 = arith.constant 0 : i32
      %dma_start3A_2659 = tpu.memref_slice %arg15[%dma_start3A_2657, %dma_start3A_2658] : memref<64x32xf32, #tpu.memory_space<vmem>> -> memref<1x32xf32, #tpu.memory_space<vmem>>
      %dma_start3A_2660 = arith.constant 0 : i32
      %dma_start3A_2661 = tpu.memref_slice %arg5[%squeeze3A_2646, %dma_start3A_2660] : memref<1000000x32xf32, #tpu.memory_space<hbm>> -> memref<1x32xf32, #tpu.memory_space<hbm>>
      %dma_start3A_2662 = arith.constant 59 : i32
      %dma_start3A_2663 = arith.constant 0 : i32
      %dma_start3A_2664 = tpu.memref_slice %arg15[%dma_start3A_2662, %dma_start3A_2663] : memref<64x32xf32, #tpu.memory_space<vmem>> -> memref<1x32xf32, #tpu.memory_space<vmem>>
      %dma_start3A_2665 = arith.constant 0 : i32
      %dma_start3A_2666 = tpu.memref_slice %arg5[%squeeze3A_2646, %dma_start3A_2665] : memref<1000000x32xf32, #tpu.memory_space<hbm>> -> memref<1x32xf32, #tpu.memory_space<hbm>>
      tpu.enqueue_dma source(%dma_start3A_2666 : memref<1x32xf32, #tpu.memory_space<hbm>>) target(%dma_start3A_2664 : memref<1x32xf32, #tpu.memory_space<vmem>>) target_semaphore(%arg18 : memref<!tpu.dma_semaphore, #tpu.memory_space<semaphore_mem>>)
      %dma_start3A_2667 = arith.constant 59 : i32
      %dma_start3A_2668 = arith.constant 0 : i32
      %dma_start3A_2669 = tpu.memref_slice %arg16[%dma_start3A_2667, %dma_start3A_2668] : memref<64x32xf32, #tpu.memory_space<vmem>> -> memref<1x32xf32, #tpu.memory_space<vmem>>
      %dma_start3A_2670 = arith.constant 0 : i32
      %dma_start3A_2671 = tpu.memref_slice %arg6[%squeeze3A_2644, %dma_start3A_2670] : memref<1000000x32xf32, #tpu.memory_space<hbm>> -> memref<1x32xf32, #tpu.memory_space<hbm>>
      %dma_start3A_2672 = arith.constant 59 : i32
      %dma_start3A_2673 = arith.constant 0 : i32
      %dma_start3A_2674 = tpu.memref_slice %arg16[%dma_start3A_2672, %dma_start3A_2673] : memref<64x32xf32, #tpu.memory_space<vmem>> -> memref<1x32xf32, #tpu.memory_space<vmem>>
      %dma_start3A_2675 = arith.constant 0 : i32
      %dma_start3A_2676 = tpu.memref_slice %arg6[%squeeze3A_2644, %dma_start3A_2675] : memref<1000000x32xf32, #tpu.memory_space<hbm>> -> memref<1x32xf32, #tpu.memory_space<hbm>>
      tpu.enqueue_dma source(%dma_start3A_2676 : memref<1x32xf32, #tpu.memory_space<hbm>>) target(%dma_start3A_2674 : memref<1x32xf32, #tpu.memory_space<vmem>>) target_semaphore(%arg18 : memref<!tpu.dma_semaphore, #tpu.memory_space<semaphore_mem>>)
      %dma_start3A_2677 = arith.constant 59 : i32
      %dma_start3A_2678 = arith.constant 0 : i32
      %dma_start3A_2679 = tpu.memref_slice %arg17[%dma_start3A_2677, %dma_start3A_2678] : memref<64x32xf32, #tpu.memory_space<vmem>> -> memref<1x32xf32, #tpu.memory_space<vmem>>
      %dma_start3A_2680 = arith.constant 0 : i32
      %dma_start3A_2681 = tpu.memref_slice %arg7[%squeeze3A_2646, %dma_start3A_2680] : memref<1000000x32xf32, #tpu.memory_space<hbm>> -> memref<1x32xf32, #tpu.memory_space<hbm>>
      %dma_start3A_2682 = arith.constant 59 : i32
      %dma_start3A_2683 = arith.constant 0 : i32
      %dma_start3A_2684 = tpu.memref_slice %arg17[%dma_start3A_2682, %dma_start3A_2683] : memref<64x32xf32, #tpu.memory_space<vmem>> -> memref<1x32xf32, #tpu.memory_space<vmem>>
      %dma_start3A_2685 = arith.constant 0 : i32
      %dma_start3A_2686 = tpu.memref_slice %arg7[%squeeze3A_2646, %dma_start3A_2685] : memref<1000000x32xf32, #tpu.memory_space<hbm>> -> memref<1x32xf32, #tpu.memory_space<hbm>>
      tpu.enqueue_dma source(%dma_start3A_2686 : memref<1x32xf32, #tpu.memory_space<hbm>>) target(%dma_start3A_2684 : memref<1x32xf32, #tpu.memory_space<vmem>>) target_semaphore(%arg18 : memref<!tpu.dma_semaphore, #tpu.memory_space<semaphore_mem>>)
      %slice3A_2687 = vector.extract_strided_slice %get3A_2153 {offsets = [12], sizes = [1], strides = [1]} : vector<16xi32> to vector<1xi32>
      %squeeze3A_2688 = vector.extract %slice3A_2687[0] : i32 from vector<1xi32>
      %slice3A_2689 = vector.extract_strided_slice %get3A_2158 {offsets = [12], sizes = [1], strides = [1]} : vector<16xi32> to vector<1xi32>
      %squeeze3A_2690 = vector.extract %slice3A_2689[0] : i32 from vector<1xi32>
      %dma_start3A_2691 = arith.constant 60 : i32
      %dma_start3A_2692 = arith.constant 0 : i32
      %dma_start3A_2693 = tpu.memref_slice %arg14[%dma_start3A_2691, %dma_start3A_2692] : memref<64x32xf32, #tpu.memory_space<vmem>> -> memref<1x32xf32, #tpu.memory_space<vmem>>
      %dma_start3A_2694 = arith.constant 0 : i32
      %dma_start3A_2695 = tpu.memref_slice %arg4[%squeeze3A_2688, %dma_start3A_2694] : memref<1000000x32xf32, #tpu.memory_space<hbm>> -> memref<1x32xf32, #tpu.memory_space<hbm>>
      %dma_start3A_2696 = arith.constant 60 : i32
      %dma_start3A_2697 = arith.constant 0 : i32
      %dma_start3A_2698 = tpu.memref_slice %arg14[%dma_start3A_2696, %dma_start3A_2697] : memref<64x32xf32, #tpu.memory_space<vmem>> -> memref<1x32xf32, #tpu.memory_space<vmem>>
      %dma_start3A_2699 = arith.constant 0 : i32
      %dma_start3A_2700 = tpu.memref_slice %arg4[%squeeze3A_2688, %dma_start3A_2699] : memref<1000000x32xf32, #tpu.memory_space<hbm>> -> memref<1x32xf32, #tpu.memory_space<hbm>>
      tpu.enqueue_dma source(%dma_start3A_2700 : memref<1x32xf32, #tpu.memory_space<hbm>>) target(%dma_start3A_2698 : memref<1x32xf32, #tpu.memory_space<vmem>>) target_semaphore(%arg18 : memref<!tpu.dma_semaphore, #tpu.memory_space<semaphore_mem>>)
      %dma_start3A_2701 = arith.constant 60 : i32
      %dma_start3A_2702 = arith.constant 0 : i32
      %dma_start3A_2703 = tpu.memref_slice %arg15[%dma_start3A_2701, %dma_start3A_2702] : memref<64x32xf32, #tpu.memory_space<vmem>> -> memref<1x32xf32, #tpu.memory_space<vmem>>
      %dma_start3A_2704 = arith.constant 0 : i32
      %dma_start3A_2705 = tpu.memref_slice %arg5[%squeeze3A_2690, %dma_start3A_2704] : memref<1000000x32xf32, #tpu.memory_space<hbm>> -> memref<1x32xf32, #tpu.memory_space<hbm>>
      %dma_start3A_2706 = arith.constant 60 : i32
      %dma_start3A_2707 = arith.constant 0 : i32
      %dma_start3A_2708 = tpu.memref_slice %arg15[%dma_start3A_2706, %dma_start3A_2707] : memref<64x32xf32, #tpu.memory_space<vmem>> -> memref<1x32xf32, #tpu.memory_space<vmem>>
      %dma_start3A_2709 = arith.constant 0 : i32
      %dma_start3A_2710 = tpu.memref_slice %arg5[%squeeze3A_2690, %dma_start3A_2709] : memref<1000000x32xf32, #tpu.memory_space<hbm>> -> memref<1x32xf32, #tpu.memory_space<hbm>>
      tpu.enqueue_dma source(%dma_start3A_2710 : memref<1x32xf32, #tpu.memory_space<hbm>>) target(%dma_start3A_2708 : memref<1x32xf32, #tpu.memory_space<vmem>>) target_semaphore(%arg18 : memref<!tpu.dma_semaphore, #tpu.memory_space<semaphore_mem>>)
      %dma_start3A_2711 = arith.constant 60 : i32
      %dma_start3A_2712 = arith.constant 0 : i32
      %dma_start3A_2713 = tpu.memref_slice %arg16[%dma_start3A_2711, %dma_start3A_2712] : memref<64x32xf32, #tpu.memory_space<vmem>> -> memref<1x32xf32, #tpu.memory_space<vmem>>
      %dma_start3A_2714 = arith.constant 0 : i32
      %dma_start3A_2715 = tpu.memref_slice %arg6[%squeeze3A_2688, %dma_start3A_2714] : memref<1000000x32xf32, #tpu.memory_space<hbm>> -> memref<1x32xf32, #tpu.memory_space<hbm>>
      %dma_start3A_2716 = arith.constant 60 : i32
      %dma_start3A_2717 = arith.constant 0 : i32
      %dma_start3A_2718 = tpu.memref_slice %arg16[%dma_start3A_2716, %dma_start3A_2717] : memref<64x32xf32, #tpu.memory_space<vmem>> -> memref<1x32xf32, #tpu.memory_space<vmem>>
      %dma_start3A_2719 = arith.constant 0 : i32
      %dma_start3A_2720 = tpu.memref_slice %arg6[%squeeze3A_2688, %dma_start3A_2719] : memref<1000000x32xf32, #tpu.memory_space<hbm>> -> memref<1x32xf32, #tpu.memory_space<hbm>>
      tpu.enqueue_dma source(%dma_start3A_2720 : memref<1x32xf32, #tpu.memory_space<hbm>>) target(%dma_start3A_2718 : memref<1x32xf32, #tpu.memory_space<vmem>>) target_semaphore(%arg18 : memref<!tpu.dma_semaphore, #tpu.memory_space<semaphore_mem>>)
      %dma_start3A_2721 = arith.constant 60 : i32
      %dma_start3A_2722 = arith.constant 0 : i32
      %dma_start3A_2723 = tpu.memref_slice %arg17[%dma_start3A_2721, %dma_start3A_2722] : memref<64x32xf32, #tpu.memory_space<vmem>> -> memref<1x32xf32, #tpu.memory_space<vmem>>
      %dma_start3A_2724 = arith.constant 0 : i32
      %dma_start3A_2725 = tpu.memref_slice %arg7[%squeeze3A_2690, %dma_start3A_2724] : memref<1000000x32xf32, #tpu.memory_space<hbm>> -> memref<1x32xf32, #tpu.memory_space<hbm>>
      %dma_start3A_2726 = arith.constant 60 : i32
      %dma_start3A_2727 = arith.constant 0 : i32
      %dma_start3A_2728 = tpu.memref_slice %arg17[%dma_start3A_2726, %dma_start3A_2727] : memref<64x32xf32, #tpu.memory_space<vmem>> -> memref<1x32xf32, #tpu.memory_space<vmem>>
      %dma_start3A_2729 = arith.constant 0 : i32
      %dma_start3A_2730 = tpu.memref_slice %arg7[%squeeze3A_2690, %dma_start3A_2729] : memref<1000000x32xf32, #tpu.memory_space<hbm>> -> memref<1x32xf32, #tpu.memory_space<hbm>>
      tpu.enqueue_dma source(%dma_start3A_2730 : memref<1x32xf32, #tpu.memory_space<hbm>>) target(%dma_start3A_2728 : memref<1x32xf32, #tpu.memory_space<vmem>>) target_semaphore(%arg18 : memref<!tpu.dma_semaphore, #tpu.memory_space<semaphore_mem>>)
      %slice3A_2731 = vector.extract_strided_slice %get3A_2153 {offsets = [13], sizes = [1], strides = [1]} : vector<16xi32> to vector<1xi32>
      %squeeze3A_2732 = vector.extract %slice3A_2731[0] : i32 from vector<1xi32>
      %slice3A_2733 = vector.extract_strided_slice %get3A_2158 {offsets = [13], sizes = [1], strides = [1]} : vector<16xi32> to vector<1xi32>
      %squeeze3A_2734 = vector.extract %slice3A_2733[0] : i32 from vector<1xi32>
      %dma_start3A_2735 = arith.constant 61 : i32
      %dma_start3A_2736 = arith.constant 0 : i32
      %dma_start3A_2737 = tpu.memref_slice %arg14[%dma_start3A_2735, %dma_start3A_2736] : memref<64x32xf32, #tpu.memory_space<vmem>> -> memref<1x32xf32, #tpu.memory_space<vmem>>
      %dma_start3A_2738 = arith.constant 0 : i32
      %dma_start3A_2739 = tpu.memref_slice %arg4[%squeeze3A_2732, %dma_start3A_2738] : memref<1000000x32xf32, #tpu.memory_space<hbm>> -> memref<1x32xf32, #tpu.memory_space<hbm>>
      %dma_start3A_2740 = arith.constant 61 : i32
      %dma_start3A_2741 = arith.constant 0 : i32
      %dma_start3A_2742 = tpu.memref_slice %arg14[%dma_start3A_2740, %dma_start3A_2741] : memref<64x32xf32, #tpu.memory_space<vmem>> -> memref<1x32xf32, #tpu.memory_space<vmem>>
      %dma_start3A_2743 = arith.constant 0 : i32
      %dma_start3A_2744 = tpu.memref_slice %arg4[%squeeze3A_2732, %dma_start3A_2743] : memref<1000000x32xf32, #tpu.memory_space<hbm>> -> memref<1x32xf32, #tpu.memory_space<hbm>>
      tpu.enqueue_dma source(%dma_start3A_2744 : memref<1x32xf32, #tpu.memory_space<hbm>>) target(%dma_start3A_2742 : memref<1x32xf32, #tpu.memory_space<vmem>>) target_semaphore(%arg18 : memref<!tpu.dma_semaphore, #tpu.memory_space<semaphore_mem>>)
      %dma_start3A_2745 = arith.constant 61 : i32
      %dma_start3A_2746 = arith.constant 0 : i32
      %dma_start3A_2747 = tpu.memref_slice %arg15[%dma_start3A_2745, %dma_start3A_2746] : memref<64x32xf32, #tpu.memory_space<vmem>> -> memref<1x32xf32, #tpu.memory_space<vmem>>
      %dma_start3A_2748 = arith.constant 0 : i32
      %dma_start3A_2749 = tpu.memref_slice %arg5[%squeeze3A_2734, %dma_start3A_2748] : memref<1000000x32xf32, #tpu.memory_space<hbm>> -> memref<1x32xf32, #tpu.memory_space<hbm>>
      %dma_start3A_2750 = arith.constant 61 : i32
      %dma_start3A_2751 = arith.constant 0 : i32
      %dma_start3A_2752 = tpu.memref_slice %arg15[%dma_start3A_2750, %dma_start3A_2751] : memref<64x32xf32, #tpu.memory_space<vmem>> -> memref<1x32xf32, #tpu.memory_space<vmem>>
      %dma_start3A_2753 = arith.constant 0 : i32
      %dma_start3A_2754 = tpu.memref_slice %arg5[%squeeze3A_2734, %dma_start3A_2753] : memref<1000000x32xf32, #tpu.memory_space<hbm>> -> memref<1x32xf32, #tpu.memory_space<hbm>>
      tpu.enqueue_dma source(%dma_start3A_2754 : memref<1x32xf32, #tpu.memory_space<hbm>>) target(%dma_start3A_2752 : memref<1x32xf32, #tpu.memory_space<vmem>>) target_semaphore(%arg18 : memref<!tpu.dma_semaphore, #tpu.memory_space<semaphore_mem>>)
      %dma_start3A_2755 = arith.constant 61 : i32
      %dma_start3A_2756 = arith.constant 0 : i32
      %dma_start3A_2757 = tpu.memref_slice %arg16[%dma_start3A_2755, %dma_start3A_2756] : memref<64x32xf32, #tpu.memory_space<vmem>> -> memref<1x32xf32, #tpu.memory_space<vmem>>
      %dma_start3A_2758 = arith.constant 0 : i32
      %dma_start3A_2759 = tpu.memref_slice %arg6[%squeeze3A_2732, %dma_start3A_2758] : memref<1000000x32xf32, #tpu.memory_space<hbm>> -> memref<1x32xf32, #tpu.memory_space<hbm>>
      %dma_start3A_2760 = arith.constant 61 : i32
      %dma_start3A_2761 = arith.constant 0 : i32
      %dma_start3A_2762 = tpu.memref_slice %arg16[%dma_start3A_2760, %dma_start3A_2761] : memref<64x32xf32, #tpu.memory_space<vmem>> -> memref<1x32xf32, #tpu.memory_space<vmem>>
      %dma_start3A_2763 = arith.constant 0 : i32
      %dma_start3A_2764 = tpu.memref_slice %arg6[%squeeze3A_2732, %dma_start3A_2763] : memref<1000000x32xf32, #tpu.memory_space<hbm>> -> memref<1x32xf32, #tpu.memory_space<hbm>>
      tpu.enqueue_dma source(%dma_start3A_2764 : memref<1x32xf32, #tpu.memory_space<hbm>>) target(%dma_start3A_2762 : memref<1x32xf32, #tpu.memory_space<vmem>>) target_semaphore(%arg18 : memref<!tpu.dma_semaphore, #tpu.memory_space<semaphore_mem>>)
      %dma_start3A_2765 = arith.constant 61 : i32
      %dma_start3A_2766 = arith.constant 0 : i32
      %dma_start3A_2767 = tpu.memref_slice %arg17[%dma_start3A_2765, %dma_start3A_2766] : memref<64x32xf32, #tpu.memory_space<vmem>> -> memref<1x32xf32, #tpu.memory_space<vmem>>
      %dma_start3A_2768 = arith.constant 0 : i32
      %dma_start3A_2769 = tpu.memref_slice %arg7[%squeeze3A_2734, %dma_start3A_2768] : memref<1000000x32xf32, #tpu.memory_space<hbm>> -> memref<1x32xf32, #tpu.memory_space<hbm>>
      %dma_start3A_2770 = arith.constant 61 : i32
      %dma_start3A_2771 = arith.constant 0 : i32
      %dma_start3A_2772 = tpu.memref_slice %arg17[%dma_start3A_2770, %dma_start3A_2771] : memref<64x32xf32, #tpu.memory_space<vmem>> -> memref<1x32xf32, #tpu.memory_space<vmem>>
      %dma_start3A_2773 = arith.constant 0 : i32
      %dma_start3A_2774 = tpu.memref_slice %arg7[%squeeze3A_2734, %dma_start3A_2773] : memref<1000000x32xf32, #tpu.memory_space<hbm>> -> memref<1x32xf32, #tpu.memory_space<hbm>>
      tpu.enqueue_dma source(%dma_start3A_2774 : memref<1x32xf32, #tpu.memory_space<hbm>>) target(%dma_start3A_2772 : memref<1x32xf32, #tpu.memory_space<vmem>>) target_semaphore(%arg18 : memref<!tpu.dma_semaphore, #tpu.memory_space<semaphore_mem>>)
      %slice3A_2775 = vector.extract_strided_slice %get3A_2153 {offsets = [14], sizes = [1], strides = [1]} : vector<16xi32> to vector<1xi32>
      %squeeze3A_2776 = vector.extract %slice3A_2775[0] : i32 from vector<1xi32>
      %slice3A_2777 = vector.extract_strided_slice %get3A_2158 {offsets = [14], sizes = [1], strides = [1]} : vector<16xi32> to vector<1xi32>
      %squeeze3A_2778 = vector.extract %slice3A_2777[0] : i32 from vector<1xi32>
      %dma_start3A_2779 = arith.constant 62 : i32
      %dma_start3A_2780 = arith.constant 0 : i32
      %dma_start3A_2781 = tpu.memref_slice %arg14[%dma_start3A_2779, %dma_start3A_2780] : memref<64x32xf32, #tpu.memory_space<vmem>> -> memref<1x32xf32, #tpu.memory_space<vmem>>
      %dma_start3A_2782 = arith.constant 0 : i32
      %dma_start3A_2783 = tpu.memref_slice %arg4[%squeeze3A_2776, %dma_start3A_2782] : memref<1000000x32xf32, #tpu.memory_space<hbm>> -> memref<1x32xf32, #tpu.memory_space<hbm>>
      %dma_start3A_2784 = arith.constant 62 : i32
      %dma_start3A_2785 = arith.constant 0 : i32
      %dma_start3A_2786 = tpu.memref_slice %arg14[%dma_start3A_2784, %dma_start3A_2785] : memref<64x32xf32, #tpu.memory_space<vmem>> -> memref<1x32xf32, #tpu.memory_space<vmem>>
      %dma_start3A_2787 = arith.constant 0 : i32
      %dma_start3A_2788 = tpu.memref_slice %arg4[%squeeze3A_2776, %dma_start3A_2787] : memref<1000000x32xf32, #tpu.memory_space<hbm>> -> memref<1x32xf32, #tpu.memory_space<hbm>>
      tpu.enqueue_dma source(%dma_start3A_2788 : memref<1x32xf32, #tpu.memory_space<hbm>>) target(%dma_start3A_2786 : memref<1x32xf32, #tpu.memory_space<vmem>>) target_semaphore(%arg18 : memref<!tpu.dma_semaphore, #tpu.memory_space<semaphore_mem>>)
      %dma_start3A_2789 = arith.constant 62 : i32
      %dma_start3A_2790 = arith.constant 0 : i32
      %dma_start3A_2791 = tpu.memref_slice %arg15[%dma_start3A_2789, %dma_start3A_2790] : memref<64x32xf32, #tpu.memory_space<vmem>> -> memref<1x32xf32, #tpu.memory_space<vmem>>
      %dma_start3A_2792 = arith.constant 0 : i32
      %dma_start3A_2793 = tpu.memref_slice %arg5[%squeeze3A_2778, %dma_start3A_2792] : memref<1000000x32xf32, #tpu.memory_space<hbm>> -> memref<1x32xf32, #tpu.memory_space<hbm>>
      %dma_start3A_2794 = arith.constant 62 : i32
      %dma_start3A_2795 = arith.constant 0 : i32
      %dma_start3A_2796 = tpu.memref_slice %arg15[%dma_start3A_2794, %dma_start3A_2795] : memref<64x32xf32, #tpu.memory_space<vmem>> -> memref<1x32xf32, #tpu.memory_space<vmem>>
      %dma_start3A_2797 = arith.constant 0 : i32
      %dma_start3A_2798 = tpu.memref_slice %arg5[%squeeze3A_2778, %dma_start3A_2797] : memref<1000000x32xf32, #tpu.memory_space<hbm>> -> memref<1x32xf32, #tpu.memory_space<hbm>>
      tpu.enqueue_dma source(%dma_start3A_2798 : memref<1x32xf32, #tpu.memory_space<hbm>>) target(%dma_start3A_2796 : memref<1x32xf32, #tpu.memory_space<vmem>>) target_semaphore(%arg18 : memref<!tpu.dma_semaphore, #tpu.memory_space<semaphore_mem>>)
      %dma_start3A_2799 = arith.constant 62 : i32
      %dma_start3A_2800 = arith.constant 0 : i32
      %dma_start3A_2801 = tpu.memref_slice %arg16[%dma_start3A_2799, %dma_start3A_2800] : memref<64x32xf32, #tpu.memory_space<vmem>> -> memref<1x32xf32, #tpu.memory_space<vmem>>
      %dma_start3A_2802 = arith.constant 0 : i32
      %dma_start3A_2803 = tpu.memref_slice %arg6[%squeeze3A_2776, %dma_start3A_2802] : memref<1000000x32xf32, #tpu.memory_space<hbm>> -> memref<1x32xf32, #tpu.memory_space<hbm>>
      %dma_start3A_2804 = arith.constant 62 : i32
      %dma_start3A_2805 = arith.constant 0 : i32
      %dma_start3A_2806 = tpu.memref_slice %arg16[%dma_start3A_2804, %dma_start3A_2805] : memref<64x32xf32, #tpu.memory_space<vmem>> -> memref<1x32xf32, #tpu.memory_space<vmem>>
      %dma_start3A_2807 = arith.constant 0 : i32
      %dma_start3A_2808 = tpu.memref_slice %arg6[%squeeze3A_2776, %dma_start3A_2807] : memref<1000000x32xf32, #tpu.memory_space<hbm>> -> memref<1x32xf32, #tpu.memory_space<hbm>>
      tpu.enqueue_dma source(%dma_start3A_2808 : memref<1x32xf32, #tpu.memory_space<hbm>>) target(%dma_start3A_2806 : memref<1x32xf32, #tpu.memory_space<vmem>>) target_semaphore(%arg18 : memref<!tpu.dma_semaphore, #tpu.memory_space<semaphore_mem>>)
      %dma_start3A_2809 = arith.constant 62 : i32
      %dma_start3A_2810 = arith.constant 0 : i32
      %dma_start3A_2811 = tpu.memref_slice %arg17[%dma_start3A_2809, %dma_start3A_2810] : memref<64x32xf32, #tpu.memory_space<vmem>> -> memref<1x32xf32, #tpu.memory_space<vmem>>
      %dma_start3A_2812 = arith.constant 0 : i32
      %dma_start3A_2813 = tpu.memref_slice %arg7[%squeeze3A_2778, %dma_start3A_2812] : memref<1000000x32xf32, #tpu.memory_space<hbm>> -> memref<1x32xf32, #tpu.memory_space<hbm>>
      %dma_start3A_2814 = arith.constant 62 : i32
      %dma_start3A_2815 = arith.constant 0 : i32
      %dma_start3A_2816 = tpu.memref_slice %arg17[%dma_start3A_2814, %dma_start3A_2815] : memref<64x32xf32, #tpu.memory_space<vmem>> -> memref<1x32xf32, #tpu.memory_space<vmem>>
      %dma_start3A_2817 = arith.constant 0 : i32
      %dma_start3A_2818 = tpu.memref_slice %arg7[%squeeze3A_2778, %dma_start3A_2817] : memref<1000000x32xf32, #tpu.memory_space<hbm>> -> memref<1x32xf32, #tpu.memory_space<hbm>>
      tpu.enqueue_dma source(%dma_start3A_2818 : memref<1x32xf32, #tpu.memory_space<hbm>>) target(%dma_start3A_2816 : memref<1x32xf32, #tpu.memory_space<vmem>>) target_semaphore(%arg18 : memref<!tpu.dma_semaphore, #tpu.memory_space<semaphore_mem>>)
      %slice3A_2819 = vector.extract_strided_slice %get3A_2153 {offsets = [15], sizes = [1], strides = [1]} : vector<16xi32> to vector<1xi32>
      %squeeze3A_2820 = vector.extract %slice3A_2819[0] : i32 from vector<1xi32>
      %slice3A_2821 = vector.extract_strided_slice %get3A_2158 {offsets = [15], sizes = [1], strides = [1]} : vector<16xi32> to vector<1xi32>
      %squeeze3A_2822 = vector.extract %slice3A_2821[0] : i32 from vector<1xi32>
      %dma_start3A_2823 = arith.constant 63 : i32
      %dma_start3A_2824 = arith.constant 0 : i32
      %dma_start3A_2825 = tpu.memref_slice %arg14[%dma_start3A_2823, %dma_start3A_2824] : memref<64x32xf32, #tpu.memory_space<vmem>> -> memref<1x32xf32, #tpu.memory_space<vmem>>
      %dma_start3A_2826 = arith.constant 0 : i32
      %dma_start3A_2827 = tpu.memref_slice %arg4[%squeeze3A_2820, %dma_start3A_2826] : memref<1000000x32xf32, #tpu.memory_space<hbm>> -> memref<1x32xf32, #tpu.memory_space<hbm>>
      %dma_start3A_2828 = arith.constant 63 : i32
      %dma_start3A_2829 = arith.constant 0 : i32
      %dma_start3A_2830 = tpu.memref_slice %arg14[%dma_start3A_2828, %dma_start3A_2829] : memref<64x32xf32, #tpu.memory_space<vmem>> -> memref<1x32xf32, #tpu.memory_space<vmem>>
      %dma_start3A_2831 = arith.constant 0 : i32
      %dma_start3A_2832 = tpu.memref_slice %arg4[%squeeze3A_2820, %dma_start3A_2831] : memref<1000000x32xf32, #tpu.memory_space<hbm>> -> memref<1x32xf32, #tpu.memory_space<hbm>>
      tpu.enqueue_dma source(%dma_start3A_2832 : memref<1x32xf32, #tpu.memory_space<hbm>>) target(%dma_start3A_2830 : memref<1x32xf32, #tpu.memory_space<vmem>>) target_semaphore(%arg18 : memref<!tpu.dma_semaphore, #tpu.memory_space<semaphore_mem>>)
      %dma_start3A_2833 = arith.constant 63 : i32
      %dma_start3A_2834 = arith.constant 0 : i32
      %dma_start3A_2835 = tpu.memref_slice %arg15[%dma_start3A_2833, %dma_start3A_2834] : memref<64x32xf32, #tpu.memory_space<vmem>> -> memref<1x32xf32, #tpu.memory_space<vmem>>
      %dma_start3A_2836 = arith.constant 0 : i32
      %dma_start3A_2837 = tpu.memref_slice %arg5[%squeeze3A_2822, %dma_start3A_2836] : memref<1000000x32xf32, #tpu.memory_space<hbm>> -> memref<1x32xf32, #tpu.memory_space<hbm>>
      %dma_start3A_2838 = arith.constant 63 : i32
      %dma_start3A_2839 = arith.constant 0 : i32
      %dma_start3A_2840 = tpu.memref_slice %arg15[%dma_start3A_2838, %dma_start3A_2839] : memref<64x32xf32, #tpu.memory_space<vmem>> -> memref<1x32xf32, #tpu.memory_space<vmem>>
      %dma_start3A_2841 = arith.constant 0 : i32
      %dma_start3A_2842 = tpu.memref_slice %arg5[%squeeze3A_2822, %dma_start3A_2841] : memref<1000000x32xf32, #tpu.memory_space<hbm>> -> memref<1x32xf32, #tpu.memory_space<hbm>>
      tpu.enqueue_dma source(%dma_start3A_2842 : memref<1x32xf32, #tpu.memory_space<hbm>>) target(%dma_start3A_2840 : memref<1x32xf32, #tpu.memory_space<vmem>>) target_semaphore(%arg18 : memref<!tpu.dma_semaphore, #tpu.memory_space<semaphore_mem>>)
      %dma_start3A_2843 = arith.constant 63 : i32
      %dma_start3A_2844 = arith.constant 0 : i32
      %dma_start3A_2845 = tpu.memref_slice %arg16[%dma_start3A_2843, %dma_start3A_2844] : memref<64x32xf32, #tpu.memory_space<vmem>> -> memref<1x32xf32, #tpu.memory_space<vmem>>
      %dma_start3A_2846 = arith.constant 0 : i32
      %dma_start3A_2847 = tpu.memref_slice %arg6[%squeeze3A_2820, %dma_start3A_2846] : memref<1000000x32xf32, #tpu.memory_space<hbm>> -> memref<1x32xf32, #tpu.memory_space<hbm>>
      %dma_start3A_2848 = arith.constant 63 : i32
      %dma_start3A_2849 = arith.constant 0 : i32
      %dma_start3A_2850 = tpu.memref_slice %arg16[%dma_start3A_2848, %dma_start3A_2849] : memref<64x32xf32, #tpu.memory_space<vmem>> -> memref<1x32xf32, #tpu.memory_space<vmem>>
      %dma_start3A_2851 = arith.constant 0 : i32
      %dma_start3A_2852 = tpu.memref_slice %arg6[%squeeze3A_2820, %dma_start3A_2851] : memref<1000000x32xf32, #tpu.memory_space<hbm>> -> memref<1x32xf32, #tpu.memory_space<hbm>>
      tpu.enqueue_dma source(%dma_start3A_2852 : memref<1x32xf32, #tpu.memory_space<hbm>>) target(%dma_start3A_2850 : memref<1x32xf32, #tpu.memory_space<vmem>>) target_semaphore(%arg18 : memref<!tpu.dma_semaphore, #tpu.memory_space<semaphore_mem>>)
      %dma_start3A_2853 = arith.constant 63 : i32
      %dma_start3A_2854 = arith.constant 0 : i32
      %dma_start3A_2855 = tpu.memref_slice %arg17[%dma_start3A_2853, %dma_start3A_2854] : memref<64x32xf32, #tpu.memory_space<vmem>> -> memref<1x32xf32, #tpu.memory_space<vmem>>
      %dma_start3A_2856 = arith.constant 0 : i32
      %dma_start3A_2857 = tpu.memref_slice %arg7[%squeeze3A_2822, %dma_start3A_2856] : memref<1000000x32xf32, #tpu.memory_space<hbm>> -> memref<1x32xf32, #tpu.memory_space<hbm>>
      %dma_start3A_2858 = arith.constant 63 : i32
      %dma_start3A_2859 = arith.constant 0 : i32
      %dma_start3A_2860 = tpu.memref_slice %arg17[%dma_start3A_2858, %dma_start3A_2859] : memref<64x32xf32, #tpu.memory_space<vmem>> -> memref<1x32xf32, #tpu.memory_space<vmem>>
      %dma_start3A_2861 = arith.constant 0 : i32
      %dma_start3A_2862 = tpu.memref_slice %arg7[%squeeze3A_2822, %dma_start3A_2861] : memref<1000000x32xf32, #tpu.memory_space<hbm>> -> memref<1x32xf32, #tpu.memory_space<hbm>>
      tpu.enqueue_dma source(%dma_start3A_2862 : memref<1x32xf32, #tpu.memory_space<hbm>>) target(%dma_start3A_2860 : memref<1x32xf32, #tpu.memory_space<vmem>>) target_semaphore(%arg18 : memref<!tpu.dma_semaphore, #tpu.memory_space<semaphore_mem>>)
      %dma_wait3A = arith.constant 0 : i32
      %dma_wait3A_2863 = arith.constant 0 : i32
      %dma_wait3A_2864 = tpu.memref_slice %arg4[%dma_wait3A, %dma_wait3A_2863] : memref<1000000x32xf32, #tpu.memory_space<hbm>> -> memref<64x32xf32, #tpu.memory_space<hbm>>
      %dma_wait3A_2865 = arith.constant 0 : i32
      %dma_wait3A_2866 = arith.constant 0 : i32
      %dma_wait3A_2867 = tpu.memref_slice %arg4[%dma_wait3A_2865, %dma_wait3A_2866] : memref<1000000x32xf32, #tpu.memory_space<hbm>> -> memref<64x32xf32, #tpu.memory_space<hbm>>
      tpu.wait_dma2 semaphore(%arg18 : memref<!tpu.dma_semaphore, #tpu.memory_space<semaphore_mem>>) src(%dma_wait3A_2867 : memref<64x32xf32, #tpu.memory_space<hbm>>) dst(%arg14 : memref<64x32xf32, #tpu.memory_space<vmem>>)
      %dma_wait3A_2868 = arith.constant 0 : i32
      %dma_wait3A_2869 = arith.constant 0 : i32
      %dma_wait3A_2870 = tpu.memref_slice %arg4[%dma_wait3A_2868, %dma_wait3A_2869] : memref<1000000x32xf32, #tpu.memory_space<hbm>> -> memref<64x32xf32, #tpu.memory_space<hbm>>
      %dma_wait3A_2871 = arith.constant 0 : i32
      %dma_wait3A_2872 = arith.constant 0 : i32
      %dma_wait3A_2873 = tpu.memref_slice %arg4[%dma_wait3A_2871, %dma_wait3A_2872] : memref<1000000x32xf32, #tpu.memory_space<hbm>> -> memref<64x32xf32, #tpu.memory_space<hbm>>
      tpu.wait_dma2 semaphore(%arg18 : memref<!tpu.dma_semaphore, #tpu.memory_space<semaphore_mem>>) src(%dma_wait3A_2873 : memref<64x32xf32, #tpu.memory_space<hbm>>) dst(%arg15 : memref<64x32xf32, #tpu.memory_space<vmem>>)
      %dma_wait3A_2874 = arith.constant 0 : i32
      %dma_wait3A_2875 = arith.constant 0 : i32
      %dma_wait3A_2876 = tpu.memref_slice %arg4[%dma_wait3A_2874, %dma_wait3A_2875] : memref<1000000x32xf32, #tpu.memory_space<hbm>> -> memref<64x32xf32, #tpu.memory_space<hbm>>
      %dma_wait3A_2877 = arith.constant 0 : i32
      %dma_wait3A_2878 = arith.constant 0 : i32
      %dma_wait3A_2879 = tpu.memref_slice %arg4[%dma_wait3A_2877, %dma_wait3A_2878] : memref<1000000x32xf32, #tpu.memory_space<hbm>> -> memref<64x32xf32, #tpu.memory_space<hbm>>
      tpu.wait_dma2 semaphore(%arg18 : memref<!tpu.dma_semaphore, #tpu.memory_space<semaphore_mem>>) src(%dma_wait3A_2879 : memref<64x32xf32, #tpu.memory_space<hbm>>) dst(%arg16 : memref<64x32xf32, #tpu.memory_space<vmem>>)
      %dma_wait3A_2880 = arith.constant 0 : i32
      %dma_wait3A_2881 = arith.constant 0 : i32
      %dma_wait3A_2882 = tpu.memref_slice %arg4[%dma_wait3A_2880, %dma_wait3A_2881] : memref<1000000x32xf32, #tpu.memory_space<hbm>> -> memref<64x32xf32, #tpu.memory_space<hbm>>
      %dma_wait3A_2883 = arith.constant 0 : i32
      %dma_wait3A_2884 = arith.constant 0 : i32
      %dma_wait3A_2885 = tpu.memref_slice %arg4[%dma_wait3A_2883, %dma_wait3A_2884] : memref<1000000x32xf32, #tpu.memory_space<hbm>> -> memref<64x32xf32, #tpu.memory_space<hbm>>
      tpu.wait_dma2 semaphore(%arg18 : memref<!tpu.dma_semaphore, #tpu.memory_space<semaphore_mem>>) src(%dma_wait3A_2885 : memref<64x32xf32, #tpu.memory_space<hbm>>) dst(%arg17 : memref<64x32xf32, #tpu.memory_space<vmem>>)
      %add3A_2886 = arith.addi %mul3A_2, %mul3A_10 : i32
      "tpu.region"() ({
        %run_scoped3A = tpu.sem_alloc : memref<!tpu.dma_semaphore, #tpu.memory_space<semaphore_mem>>
        %dma_start3A_2887 = arith.constant 0 : i32
        %dma_start3A_2888 = tpu.memref_slice %arg8[%add3A_2886, %dma_start3A_2887] : memref<16384x32xf32, #tpu.memory_space<hbm>> -> memref<64x32xf32, #tpu.memory_space<hbm>>
        %dma_start3A_2889 = arith.constant 0 : i32
        %dma_start3A_2890 = tpu.memref_slice %arg8[%add3A_2886, %dma_start3A_2889] : memref<16384x32xf32, #tpu.memory_space<hbm>> -> memref<64x32xf32, #tpu.memory_space<hbm>>
        tpu.enqueue_dma source(%arg14 : memref<64x32xf32, #tpu.memory_space<vmem>>) target(%dma_start3A_2890 : memref<64x32xf32, #tpu.memory_space<hbm>>) target_semaphore(%run_scoped3A : memref<!tpu.dma_semaphore, #tpu.memory_space<semaphore_mem>>)
        %dma_wait3A_2891 = arith.constant 0 : i32
        %dma_wait3A_2892 = tpu.memref_slice %arg8[%add3A_2886, %dma_wait3A_2891] : memref<16384x32xf32, #tpu.memory_space<hbm>> -> memref<64x32xf32, #tpu.memory_space<hbm>>
        %dma_wait3A_2893 = arith.constant 0 : i32
        %dma_wait3A_2894 = tpu.memref_slice %arg8[%add3A_2886, %dma_wait3A_2893] : memref<16384x32xf32, #tpu.memory_space<hbm>> -> memref<64x32xf32, #tpu.memory_space<hbm>>
        tpu.wait_dma2 semaphore(%run_scoped3A : memref<!tpu.dma_semaphore, #tpu.memory_space<semaphore_mem>>) src(%arg14 : memref<64x32xf32, #tpu.memory_space<vmem>>) dst(%dma_wait3A_2894 : memref<64x32xf32, #tpu.memory_space<hbm>>)
        tpu.yield
      }) : () -> ()
      "tpu.region"() ({
        %run_scoped3A = tpu.sem_alloc : memref<!tpu.dma_semaphore, #tpu.memory_space<semaphore_mem>>
        %dma_start3A_2887 = arith.constant 0 : i32
        %dma_start3A_2888 = tpu.memref_slice %arg9[%add3A_2886, %dma_start3A_2887] : memref<16384x32xf32, #tpu.memory_space<hbm>> -> memref<64x32xf32, #tpu.memory_space<hbm>>
        %dma_start3A_2889 = arith.constant 0 : i32
        %dma_start3A_2890 = tpu.memref_slice %arg9[%add3A_2886, %dma_start3A_2889] : memref<16384x32xf32, #tpu.memory_space<hbm>> -> memref<64x32xf32, #tpu.memory_space<hbm>>
        tpu.enqueue_dma source(%arg15 : memref<64x32xf32, #tpu.memory_space<vmem>>) target(%dma_start3A_2890 : memref<64x32xf32, #tpu.memory_space<hbm>>) target_semaphore(%run_scoped3A : memref<!tpu.dma_semaphore, #tpu.memory_space<semaphore_mem>>)
        %dma_wait3A_2891 = arith.constant 0 : i32
        %dma_wait3A_2892 = tpu.memref_slice %arg9[%add3A_2886, %dma_wait3A_2891] : memref<16384x32xf32, #tpu.memory_space<hbm>> -> memref<64x32xf32, #tpu.memory_space<hbm>>
        %dma_wait3A_2893 = arith.constant 0 : i32
        %dma_wait3A_2894 = tpu.memref_slice %arg9[%add3A_2886, %dma_wait3A_2893] : memref<16384x32xf32, #tpu.memory_space<hbm>> -> memref<64x32xf32, #tpu.memory_space<hbm>>
        tpu.wait_dma2 semaphore(%run_scoped3A : memref<!tpu.dma_semaphore, #tpu.memory_space<semaphore_mem>>) src(%arg15 : memref<64x32xf32, #tpu.memory_space<vmem>>) dst(%dma_wait3A_2894 : memref<64x32xf32, #tpu.memory_space<hbm>>)
        tpu.yield
      }) : () -> ()
      "tpu.region"() ({
        %run_scoped3A = tpu.sem_alloc : memref<!tpu.dma_semaphore, #tpu.memory_space<semaphore_mem>>
        %dma_start3A_2887 = arith.constant 0 : i32
        %dma_start3A_2888 = tpu.memref_slice %arg10[%add3A_2886, %dma_start3A_2887] : memref<16384x32xf32, #tpu.memory_space<hbm>> -> memref<64x32xf32, #tpu.memory_space<hbm>>
        %dma_start3A_2889 = arith.constant 0 : i32
        %dma_start3A_2890 = tpu.memref_slice %arg10[%add3A_2886, %dma_start3A_2889] : memref<16384x32xf32, #tpu.memory_space<hbm>> -> memref<64x32xf32, #tpu.memory_space<hbm>>
        tpu.enqueue_dma source(%arg16 : memref<64x32xf32, #tpu.memory_space<vmem>>) target(%dma_start3A_2890 : memref<64x32xf32, #tpu.memory_space<hbm>>) target_semaphore(%run_scoped3A : memref<!tpu.dma_semaphore, #tpu.memory_space<semaphore_mem>>)
        %dma_wait3A_2891 = arith.constant 0 : i32
        %dma_wait3A_2892 = tpu.memref_slice %arg10[%add3A_2886, %dma_wait3A_2891] : memref<16384x32xf32, #tpu.memory_space<hbm>> -> memref<64x32xf32, #tpu.memory_space<hbm>>
        %dma_wait3A_2893 = arith.constant 0 : i32
        %dma_wait3A_2894 = tpu.memref_slice %arg10[%add3A_2886, %dma_wait3A_2893] : memref<16384x32xf32, #tpu.memory_space<hbm>> -> memref<64x32xf32, #tpu.memory_space<hbm>>
        tpu.wait_dma2 semaphore(%run_scoped3A : memref<!tpu.dma_semaphore, #tpu.memory_space<semaphore_mem>>) src(%arg16 : memref<64x32xf32, #tpu.memory_space<vmem>>) dst(%dma_wait3A_2894 : memref<64x32xf32, #tpu.memory_space<hbm>>)
        tpu.yield
      }) : () -> ()
      "tpu.region"() ({
        %run_scoped3A = tpu.sem_alloc : memref<!tpu.dma_semaphore, #tpu.memory_space<semaphore_mem>>
        %dma_start3A_2887 = arith.constant 0 : i32
        %dma_start3A_2888 = tpu.memref_slice %arg11[%add3A_2886, %dma_start3A_2887] : memref<16384x32xf32, #tpu.memory_space<hbm>> -> memref<64x32xf32, #tpu.memory_space<hbm>>
        %dma_start3A_2889 = arith.constant 0 : i32
        %dma_start3A_2890 = tpu.memref_slice %arg11[%add3A_2886, %dma_start3A_2889] : memref<16384x32xf32, #tpu.memory_space<hbm>> -> memref<64x32xf32, #tpu.memory_space<hbm>>
        tpu.enqueue_dma source(%arg17 : memref<64x32xf32, #tpu.memory_space<vmem>>) target(%dma_start3A_2890 : memref<64x32xf32, #tpu.memory_space<hbm>>) target_semaphore(%run_scoped3A : memref<!tpu.dma_semaphore, #tpu.memory_space<semaphore_mem>>)
        %dma_wait3A_2891 = arith.constant 0 : i32
        %dma_wait3A_2892 = tpu.memref_slice %arg11[%add3A_2886, %dma_wait3A_2891] : memref<16384x32xf32, #tpu.memory_space<hbm>> -> memref<64x32xf32, #tpu.memory_space<hbm>>
        %dma_wait3A_2893 = arith.constant 0 : i32
        %dma_wait3A_2894 = tpu.memref_slice %arg11[%add3A_2886, %dma_wait3A_2893] : memref<16384x32xf32, #tpu.memory_space<hbm>> -> memref<64x32xf32, #tpu.memory_space<hbm>>
        tpu.wait_dma2 semaphore(%run_scoped3A : memref<!tpu.dma_semaphore, #tpu.memory_space<semaphore_mem>>) src(%arg17 : memref<64x32xf32, #tpu.memory_space<vmem>>) dst(%dma_wait3A_2894 : memref<64x32xf32, #tpu.memory_space<hbm>>)
        tpu.yield
      }) : () -> ()
    }
    %scan3A_7 = arith.constant 8 : i32
    return
  }
}

module attributes {stable_mosaic.version = 14 : i64} {
  func.func @body(%arg0: i32, %arg1: memref<2048x32xf32, #tpu.memory_space<vmem>>, %arg2: memref<2048x32xf32, #tpu.memory_space<vmem>>, %arg3: memref<2048x32xf32, #tpu.memory_space<vmem>>, %arg4: memref<2048x32xf32, #tpu.memory_space<vmem>>, %arg5: memref<32x64xf32, #tpu.memory_space<vmem>>, %arg6: memref<32x64xf32, #tpu.memory_space<vmem>>, %arg7: memref<1x64xf32, #tpu.memory_space<vmem>>, %arg8: memref<64x32xf32, #tpu.memory_space<vmem>>, %arg9: memref<1x32xf32, #tpu.memory_space<vmem>>, %arg10: memref<32x16xf32, #tpu.memory_space<vmem>>, %arg11: memref<1x16xf32, #tpu.memory_space<vmem>>, %arg12: memref<1x32xf32, #tpu.memory_space<vmem>>, %arg13: memref<1x16xf32, #tpu.memory_space<vmem>>, %arg14: memref<1x1xf32, #tpu.memory_space<vmem>>, %arg15: memref<2048xf32, #tpu.memory_space<vmem>>) attributes {dimension_semantics = [#tpu.dimension_semantics<arbitrary>], iteration_bounds = array<i64: 8>, scalar_prefetch = 0 : i64, scratch_operands = 0 : i64, tpu.core_type = #tpu.core_type<tc>, window_params = [{transform_indices = @transform_0, window_bounds = array<i64: 2048, 32>}, {transform_indices = @transform_1, window_bounds = array<i64: 2048, 32>}, {transform_indices = @transform_2, window_bounds = array<i64: 2048, 32>}, {transform_indices = @transform_3, window_bounds = array<i64: 2048, 32>}, {pipeline_mode = #tpu.pipeline_mode<synchronous>, transform_indices = @transform_4, window_bounds = array<i64: 32, 64>}, {pipeline_mode = #tpu.pipeline_mode<synchronous>, transform_indices = @transform_5, window_bounds = array<i64: 32, 64>}, {pipeline_mode = #tpu.pipeline_mode<synchronous>, transform_indices = @transform_6, window_bounds = array<i64: 1, 64>}, {pipeline_mode = #tpu.pipeline_mode<synchronous>, transform_indices = @transform_7, window_bounds = array<i64: 64, 32>}, {pipeline_mode = #tpu.pipeline_mode<synchronous>, transform_indices = @transform_8, window_bounds = array<i64: 1, 32>}, {pipeline_mode = #tpu.pipeline_mode<synchronous>, transform_indices = @transform_9, window_bounds = array<i64: 32, 16>}, {pipeline_mode = #tpu.pipeline_mode<synchronous>, transform_indices = @transform_10, window_bounds = array<i64: 1, 16>}, {pipeline_mode = #tpu.pipeline_mode<synchronous>, transform_indices = @transform_11, window_bounds = array<i64: 1, 32>}, {pipeline_mode = #tpu.pipeline_mode<synchronous>, transform_indices = @transform_12, window_bounds = array<i64: 1, 16>}, {pipeline_mode = #tpu.pipeline_mode<synchronous>, transform_indices = @transform_13, window_bounds = array<i64: 1, 1>}, {transform_indices = @transform_14, window_bounds = array<i64: 2048>}]} {
    %get3A = arith.constant 0 : index
    %get3A_0 = arith.constant 0 : index
    %get3A_1 = vector.load %arg3[%get3A, %get3A_0] : memref<2048x32xf32, #tpu.memory_space<vmem>>, vector<2048x32xf32>
    %get3A_2 = arith.constant 0 : index
    %get3A_3 = arith.constant 0 : index
    %get3A_4 = vector.load %arg5[%get3A_2, %get3A_3] : memref<32x64xf32, #tpu.memory_space<vmem>>, vector<32x64xf32>
    %dot_general3A = arith.constant dense<0.000000e+00> : vector<2048x64xf32>
    %dot_general3A_5 = tpu.matmul %get3A_1, %get3A_4, %dot_general3A {dimension_numbers = #tpu.dot_dimension_numbers<[1], [0], [0], [1], [0, 0, 1, 1], [], []>, transpose_lhs_hint = false} : vector<2048x32xf32>, vector<32x64xf32>, vector<2048x64xf32> -> vector<2048x64xf32>
    %get3A_6 = arith.constant 0 : index
    %get3A_7 = arith.constant 0 : index
    %get3A_8 = vector.load %arg4[%get3A_6, %get3A_7] : memref<2048x32xf32, #tpu.memory_space<vmem>>, vector<2048x32xf32>
    %get3A_9 = arith.constant 0 : index
    %get3A_10 = arith.constant 0 : index
    %get3A_11 = vector.load %arg6[%get3A_9, %get3A_10] : memref<32x64xf32, #tpu.memory_space<vmem>>, vector<32x64xf32>
    %dot_general3A_12 = arith.constant dense<0.000000e+00> : vector<2048x64xf32>
    %dot_general3A_13 = tpu.matmul %get3A_8, %get3A_11, %dot_general3A_12 {dimension_numbers = #tpu.dot_dimension_numbers<[1], [0], [0], [1], [0, 0, 1, 1], [], []>, transpose_lhs_hint = false} : vector<2048x32xf32>, vector<32x64xf32>, vector<2048x64xf32> -> vector<2048x64xf32>
    %add3A = arith.addf %dot_general3A_5, %dot_general3A_13 : vector<2048x64xf32>
    %get3A_14 = arith.constant 0 : index
    %get3A_15 = arith.constant 0 : index
    %get3A_16 = vector.load %arg7[%get3A_14, %get3A_15] : memref<1x64xf32, #tpu.memory_space<vmem>>, vector<1x64xf32>
    %add3A_17 = vector.broadcast %get3A_16 : vector<1x64xf32> to vector<2048x64xf32>
    %add3A_18 = arith.addf %add3A, %add3A_17 : vector<2048x64xf32>
    %max3A = arith.constant 0.000000e+00 : f32
    %max3A_19 = vector.broadcast %max3A : f32 to vector<2048x64xf32>
    %max3A_20 = arith.maximumf %add3A_18, %max3A_19 : vector<2048x64xf32>
    %get3A_21 = arith.constant 0 : index
    %get3A_22 = arith.constant 0 : index
    %get3A_23 = vector.load %arg8[%get3A_21, %get3A_22] : memref<64x32xf32, #tpu.memory_space<vmem>>, vector<64x32xf32>
    %dot_general3A_24 = arith.constant dense<0.000000e+00> : vector<2048x32xf32>
    %dot_general3A_25 = tpu.matmul %max3A_20, %get3A_23, %dot_general3A_24 {dimension_numbers = #tpu.dot_dimension_numbers<[1], [0], [0], [1], [0, 0, 1, 1], [], []>, transpose_lhs_hint = false} : vector<2048x64xf32>, vector<64x32xf32>, vector<2048x32xf32> -> vector<2048x32xf32>
    %get3A_26 = arith.constant 0 : index
    %get3A_27 = arith.constant 0 : index
    %get3A_28 = vector.load %arg9[%get3A_26, %get3A_27] : memref<1x32xf32, #tpu.memory_space<vmem>>, vector<1x32xf32>
    %add3A_29 = vector.broadcast %get3A_28 : vector<1x32xf32> to vector<2048x32xf32>
    %add3A_30 = arith.addf %dot_general3A_25, %add3A_29 : vector<2048x32xf32>
    %max3A_31 = arith.constant 0.000000e+00 : f32
    %max3A_32 = vector.broadcast %max3A_31 : f32 to vector<2048x32xf32>
    %max3A_33 = arith.maximumf %add3A_30, %max3A_32 : vector<2048x32xf32>
    %get3A_34 = arith.constant 0 : index
    %get3A_35 = arith.constant 0 : index
    %get3A_36 = vector.load %arg10[%get3A_34, %get3A_35] : memref<32x16xf32, #tpu.memory_space<vmem>>, vector<32x16xf32>
    %dot_general3A_37 = arith.constant dense<0.000000e+00> : vector<2048x16xf32>
    %dot_general3A_38 = tpu.matmul %max3A_33, %get3A_36, %dot_general3A_37 {dimension_numbers = #tpu.dot_dimension_numbers<[1], [0], [0], [1], [0, 0, 1, 1], [], []>, transpose_lhs_hint = false} : vector<2048x32xf32>, vector<32x16xf32>, vector<2048x16xf32> -> vector<2048x16xf32>
    %get3A_39 = arith.constant 0 : index
    %get3A_40 = arith.constant 0 : index
    %get3A_41 = vector.load %arg11[%get3A_39, %get3A_40] : memref<1x16xf32, #tpu.memory_space<vmem>>, vector<1x16xf32>
    %add3A_42 = vector.broadcast %get3A_41 : vector<1x16xf32> to vector<2048x16xf32>
    %add3A_43 = arith.addf %dot_general3A_38, %add3A_42 : vector<2048x16xf32>
    %max3A_44 = arith.constant 0.000000e+00 : f32
    %max3A_45 = vector.broadcast %max3A_44 : f32 to vector<2048x16xf32>
    %max3A_46 = arith.maximumf %add3A_43, %max3A_45 : vector<2048x16xf32>
    %get3A_47 = arith.constant 0 : index
    %get3A_48 = arith.constant 0 : index
    %get3A_49 = vector.load %arg1[%get3A_47, %get3A_48] : memref<2048x32xf32, #tpu.memory_space<vmem>>, vector<2048x32xf32>
    %get3A_50 = arith.constant 0 : index
    %get3A_51 = arith.constant 0 : index
    %get3A_52 = vector.load %arg2[%get3A_50, %get3A_51] : memref<2048x32xf32, #tpu.memory_space<vmem>>, vector<2048x32xf32>
    %mul3A = arith.mulf %get3A_49, %get3A_52 : vector<2048x32xf32>
    %get3A_53 = arith.constant 0 : index
    %get3A_54 = arith.constant 0 : index
    %get3A_55 = vector.load %arg12[%get3A_53, %get3A_54] : memref<1x32xf32, #tpu.memory_space<vmem>>, vector<1x32xf32>
    %mul3A_56 = vector.broadcast %get3A_55 : vector<1x32xf32> to vector<2048x32xf32>
    %mul3A_57 = arith.mulf %mul3A, %mul3A_56 : vector<2048x32xf32>
    %reduce_sum3A = arith.constant dense<0.000000e+00> : vector<2048xf32>
    %reduce_sum3A_58 = vector.multi_reduction <add>, %mul3A_57, %reduce_sum3A [1] : vector<2048x32xf32> to vector<2048xf32>
    %get3A_59 = arith.constant 0 : index
    %get3A_60 = arith.constant 0 : index
    %get3A_61 = vector.load %arg13[%get3A_59, %get3A_60] : memref<1x16xf32, #tpu.memory_space<vmem>>, vector<1x16xf32>
    %mul3A_62 = vector.broadcast %get3A_61 : vector<1x16xf32> to vector<2048x16xf32>
    %mul3A_63 = arith.mulf %max3A_46, %mul3A_62 : vector<2048x16xf32>
    %reduce_sum3A_64 = arith.constant dense<0.000000e+00> : vector<2048xf32>
    %reduce_sum3A_65 = vector.multi_reduction <add>, %mul3A_63, %reduce_sum3A_64 [1] : vector<2048x16xf32> to vector<2048xf32>
    %add3A_66 = arith.addf %reduce_sum3A_58, %reduce_sum3A_65 : vector<2048xf32>
    %get3A_67 = arith.constant 0 : index
    %get3A_68 = arith.constant 0 : index
    %get3A_69 = vector.load %arg14[%get3A_67, %get3A_68] : memref<1x1xf32, #tpu.memory_space<vmem>>, vector<1x1xf32>
    %get3A_70 = vector.extract %get3A_69[0, 0] : f32 from vector<1x1xf32>
    %add3A_71 = vector.broadcast %get3A_70 : f32 to vector<2048xf32>
    %add3A_72 = arith.addf %add3A_66, %add3A_71 : vector<2048xf32>
    %logistic3A = arith.negf %add3A_72 : vector<2048xf32>
    %logistic3A_73 = math.exp %logistic3A : vector<2048xf32>
    %logistic3A_74 = arith.constant 1.000000e+00 : f32
    %logistic3A_75 = vector.broadcast %logistic3A_74 : f32 to vector<2048xf32>
    %logistic3A_76 = arith.addf %logistic3A_75, %logistic3A_73 : vector<2048xf32>
    %logistic3A_77 = arith.divf %logistic3A_75, %logistic3A_76 : vector<2048xf32>
    %swap3A = arith.constant 0 : index
    %swap3A_78 = vector.load %arg15[%swap3A] : memref<2048xf32, #tpu.memory_space<vmem>>, vector<2048xf32>
    tpu.vector_store %arg15[%swap3A], %logistic3A_77 {strides = array<i32>} : memref<2048xf32, #tpu.memory_space<vmem>>, vector<2048xf32>,
    return
  }
  func.func @transform_0(%arg0: i32) -> (i32, i32) {
    %c0_i32 = arith.constant 0 : i32
    %c0_i32_0 = arith.constant 0 : i32
    return %arg0, %c0_i32 : i32, i32
  }
  func.func @transform_1(%arg0: i32) -> (i32, i32) {
    %c0_i32 = arith.constant 0 : i32
    %c0_i32_0 = arith.constant 0 : i32
    return %arg0, %c0_i32 : i32, i32
  }
  func.func @transform_2(%arg0: i32) -> (i32, i32) {
    %c0_i32 = arith.constant 0 : i32
    %c0_i32_0 = arith.constant 0 : i32
    return %arg0, %c0_i32 : i32, i32
  }
  func.func @transform_3(%arg0: i32) -> (i32, i32) {
    %c0_i32 = arith.constant 0 : i32
    %c0_i32_0 = arith.constant 0 : i32
    return %arg0, %c0_i32 : i32, i32
  }
  func.func @transform_4(%arg0: i32) -> (i32, i32) {
    %c0_i32 = arith.constant 0 : i32
    %c0_i32_0 = arith.constant 0 : i32
    %c0_i32_1 = arith.constant 0 : i32
    return %c0_i32, %c0_i32_0 : i32, i32
  }
  func.func @transform_5(%arg0: i32) -> (i32, i32) {
    %c0_i32 = arith.constant 0 : i32
    %c0_i32_0 = arith.constant 0 : i32
    %c0_i32_1 = arith.constant 0 : i32
    return %c0_i32, %c0_i32_0 : i32, i32
  }
  func.func @transform_6(%arg0: i32) -> (i32, i32) {
    %c0_i32 = arith.constant 0 : i32
    %c0_i32_0 = arith.constant 0 : i32
    %c0_i32_1 = arith.constant 0 : i32
    return %c0_i32, %c0_i32_0 : i32, i32
  }
  func.func @transform_7(%arg0: i32) -> (i32, i32) {
    %c0_i32 = arith.constant 0 : i32
    %c0_i32_0 = arith.constant 0 : i32
    %c0_i32_1 = arith.constant 0 : i32
    return %c0_i32, %c0_i32_0 : i32, i32
  }
  func.func @transform_8(%arg0: i32) -> (i32, i32) {
    %c0_i32 = arith.constant 0 : i32
    %c0_i32_0 = arith.constant 0 : i32
    %c0_i32_1 = arith.constant 0 : i32
    return %c0_i32, %c0_i32_0 : i32, i32
  }
  func.func @transform_9(%arg0: i32) -> (i32, i32) {
    %c0_i32 = arith.constant 0 : i32
    %c0_i32_0 = arith.constant 0 : i32
    %c0_i32_1 = arith.constant 0 : i32
    return %c0_i32, %c0_i32_0 : i32, i32
  }
  func.func @transform_10(%arg0: i32) -> (i32, i32) {
    %c0_i32 = arith.constant 0 : i32
    %c0_i32_0 = arith.constant 0 : i32
    %c0_i32_1 = arith.constant 0 : i32
    return %c0_i32, %c0_i32_0 : i32, i32
  }
  func.func @transform_11(%arg0: i32) -> (i32, i32) {
    %c0_i32 = arith.constant 0 : i32
    %c0_i32_0 = arith.constant 0 : i32
    %c0_i32_1 = arith.constant 0 : i32
    return %c0_i32, %c0_i32_0 : i32, i32
  }
  func.func @transform_12(%arg0: i32) -> (i32, i32) {
    %c0_i32 = arith.constant 0 : i32
    %c0_i32_0 = arith.constant 0 : i32
    %c0_i32_1 = arith.constant 0 : i32
    return %c0_i32, %c0_i32_0 : i32, i32
  }
  func.func @transform_13(%arg0: i32) -> (i32, i32) {
    %c0_i32 = arith.constant 0 : i32
    %c0_i32_0 = arith.constant 0 : i32
    %c0_i32_1 = arith.constant 0 : i32
    return %c0_i32, %c0_i32_0 : i32, i32
  }
  func.func @transform_14(%arg0: i32) -> i32 {
    %c0_i32 = arith.constant 0 : i32
    return %arg0 : i32
  }
}

</mosaic_0001>

<sc_bundles>
// kernel: kernel.4.cloned.1.call-start
scs
__scs_entry_jumppad:
0x0: {  	(pc) =	sbr.rel $0x88, $3  }
0x1: {  	(tag) =	ssettag $0x0;
	lr =	simm.s32 $0x1  }
0x2: {  	[smem:$0x3F93] =	sst lr;
	_ =	strace $0xD0000000  }
0x3: {  	_ = 	snop  }
0x4: {  	_ = 	snop  }
0x5: {  	_ = 	snop  }
0x6: {  	_ = 	snop  }
0x7: {  	_ = 	snop  }
__scs_overlays_trampoline_lowered:
0x8: {  	[smem:$0x3FA2] =	sst s0  }
0x9: {  	[smem:$0x3FA3] =	sst s1  }
0xa: {  	[smem:$0x3FA4] =	sst s2  }
0xb: {  	[smem:$0x3FA5] =	sst s3  }
0xc: {  	[smem:$0x3FA6] =	sst s4  }
0xd: {  	[smem:$0x3FA7] =	sst s5  }
0xe: {  	[smem:$0x3FA8] =	sst s6  }
0xf: {  	[smem:$0x3FA9] =	sst s7  }
0x10: {  	[smem:$0x3FAA] =	sst s8  }
0x11: {  	[smem:$0x3FAB] =	sst s9;
	s0 =	simm.s32 @!p0 $0x0  }
0x12: {  	s1 =	sld [smem:$0x3F91];
	s0 =	simm.s32 @p0 $0x1  }
0x13: {  	[smem:$0x3FAC] =	sst s0;
	s0 =	simm.s32 @!p1 $0x0  }
0x14: {  	s2 =	sld [smem:$0x3F90];
	s0 =	simm.s32 @p1 $0x1  }
0x15: {  	[smem:$0x3FAD] =	sst s0;
	s0 =	simm.s32 @!p2 $0x0  }
0x16: {  	s3 =	sld [smem:$0x3FDB];
	s0 =	simm.s32 @p2 $0x1  }
0x17: {  	s4 =	simm.s32 $0x1BF5;
	[smem:$0x3FAF] =	sst s0  }
0x18: {  	s0 =	sld [smem:$0x3F92];
	_ =	swait.ge [sflag:s4], $0x0  }
0x19: {  	s7 =	sld [smem:$0x3F93]  }
0x1a: {  	s8 =	sadd.s32 $0xFFFFE003, lr  }
0x1b: {  	s9 =	sadd.s32 $0xFFFFFEF7, lr;
	s5 =	simm.s32 $0xFFFFFFFF;
	p2 =	slt.u32 s8, $0xFFFFF086  }
0x1c: {  	p1 =	slt.u32 s9, $0xF7A;
	s5 =	simm.s32 @!p2 $0x0  }
0x1d: {  	s5 =	simm.s32 @p1 $0x1;
	p0 =	seq.s32 s7, s2  }
0x1e: {  	s7 =	smul.u32 @!p0 $0xF7A, s2;
	p2 =	seq.s32 @!p0 s5, $0x0  }
0x1f: {  	s9 =	smul.u32 $0xF7A, s1;
	s8 =	simm.s32 @!p0 $0x1BF5;
	p2 =	por !p2, p0  }
0x20: {  	[sflag:s8] =	ssyncset.s32 @!p0 $0xFFFFF086;
	s6 =	sadd.s32 @!p0 s3, s7;
	s7 =	simm.s32 @!p0 $0x108  }
0x21: {  	s3 =	sadd.s32 s3, s9;
	s6 =	sadd.s32 @!p0 $0x88, s6;
	s7 =	simm.s32 @p2 $0x1082  }
0x22: {  	[simem:s7], [sflag:s8] =	dma.local @!p0 [hbm:s6], $0xF7A  }
0x23: {  	s9 =	sor.u32 $0xD0000000, s2;
	s6 =	simm.s32 $0x108;
	_ =	swait.ge @!p0 [sflag:s8], $0x0  }
0x24: {  	s3 =	sadd.s32 $0x88, s3;
	s6 =	simm.s32 @!p1 $0x1082;
	[sflag:s4] =	ssyncset.s32 $0xFFFFF086  }
0x25: {  	[simem:s6], [sflag:s4] =	dma.local [hbm:s3], $0xF7A  }
0x26: {  	[smem:$0x3F93] =	sst s1;
	(tag) =	ssettag s2;
	_ =	strace s9  }
0x27: {  	s1 =	sld [smem:$0x3FA3]  }
0x28: {  	s2 =	sld [smem:$0x3FA4]  }
0x29: {  	s4 =	sld [smem:$0x3FA6]  }
0x2a: {  	p0 =	seq.s32 s5, $0x0;
	s5 =	sld [smem:$0x3FA7]  }
0x2b: {  	s6 =	sld [smem:$0x3FA8]  }
0x2c: {  	s7 =	sld [smem:$0x3FA9]  }
0x2d: {  	s3 =	simm.s32 $0x108;
	s8 =	sld [smem:$0x3FAA]  }
0x2e: {  	s3 =	simm.s32 @!p0 $0x1082;
	s9 =	sld [smem:$0x3FAB]  }
0x2f: {  	lr =	sadd.s32 s0, s3;
	s0 =	sld [smem:$0x3FA2]  }
0x30: {  	s3 =	sld [smem:$0x3FA5]  }
0x31: {  	[smem:$0x3FAE] =	sst s10  }
0x32: {  	s10 =	sld [smem:$0x3FAC];
	_ =	sdelay $0x3  }
0x33: {  	p0 =	seq.s32 s10, $0x1;
	s10 =	sld [smem:$0x3FAE];
	_ =	sdelay $0x3  }
0x34: {  	[smem:$0x3FAE] =	sst s10  }
0x35: {  	s10 =	sld [smem:$0x3FAD];
	_ =	sdelay $0x3  }
0x36: {  	p1 =	seq.s32 s10, $0x1;
	s10 =	sld [smem:$0x3FAE];
	_ =	sdelay $0x3  }
0x37: {  	[smem:$0x3FAE] =	sst s10  }
0x38: {  	s10 =	sld [smem:$0x3FAF]  }
0x39: {  	_ = 	snop;
	(pc) =	sbr.ind lr, $3  }
0x3a: {  	_ = 	snop  }
0x3b: {  	_ = 	snop  }
0x3c: {  	p2 =	seq.s32 s10, $0x1;
	s10 =	sld [smem:$0x3FAE]  }
0x3d: {  	_ =	shalt  }
0x3e: {  	_ =	shalt  }
0x3f: {  	_ =	shalt  }
0x40: {  	_ =	shalt  }
0x41: {  	_ =	shalt  }
0x42: {  	_ =	shalt  }
0x43: {  	_ =	shalt  }
0x44: {  	_ =	shalt  }
0x45: {  	_ =	shalt  }
0x46: {  	_ =	shalt  }
0x47: {  	_ =	shalt  }
0x48: {  	_ =	shalt  }
0x49: {  	_ =	shalt  }
0x4a: {  	_ =	shalt  }
0x4b: {  	_ =	shalt  }
0x4c: {  	_ =	shalt  }
0x4d: {  	_ =	shalt  }
0x4e: {  	_ =	shalt  }
0x4f: {  	_ =	shalt  }
0x50: {  	_ =	shalt  }
0x51: {  	_ =	shalt  }
0x52: {  	_ =	shalt  }
0x53: {  	_ =	shalt  }
0x54: {  	_ =	shalt  }
0x55: {  	_ =	shalt  }
0x56: {  	_ =	shalt  }
0x57: {  	_ =	shalt  }
0x58: {  	_ =	shalt  }
0x59: {  	_ =	shalt  }
0x5a: {  	_ =	shalt  }
0x5b: {  	_ =	shalt  }
0x5c: {  	_ =	shalt  }
0x5d: {  	_ =	shalt  }
0x5e: {  	_ =	shalt  }
0x5f: {  	_ =	shalt  }
0x60: {  	_ =	shalt  }
0x61: {  	_ =	shalt  }
0x62: {  	_ =	shalt  }
0x63: {  	_ =	shalt  }
0x64: {  	_ =	shalt  }
0x65: {  	_ =	shalt  }
0x66: {  	_ =	shalt  }
0x67: {  	_ =	shalt  }
0x68: {  	_ =	shalt  }
0x69: {  	_ =	shalt  }
0x6a: {  	_ =	shalt  }
0x6b: {  	_ =	shalt  }
0x6c: {  	_ =	shalt  }
0x6d: {  	_ =	shalt  }
0x6e: {  	_ =	shalt  }
0x6f: {  	_ =	shalt  }
0x70: {  	_ =	shalt  }
0x71: {  	_ =	shalt  }
0x72: {  	_ =	shalt  }
0x73: {  	_ =	shalt  }
0x74: {  	_ =	shalt  }
0x75: {  	_ =	shalt  }
0x76: {  	_ =	shalt  }
0x77: {  	_ =	shalt  }
0x78: {  	_ =	shalt  }
0x79: {  	_ =	shalt  }
0x7a: {  	_ =	shalt  }
0x7b: {  	_ =	shalt  }
0x7c: {  	_ =	shalt  }
0x7d: {  	_ =	shalt  }
0x7e: {  	_ =	shalt  }
0x7f: {  	_ =	shalt  }
0x80: {  	_ =	shalt  }
0x81: {  	_ =	shalt  }
0x82: {  	_ =	shalt  }
0x83: {  	_ =	shalt  }
0x84: {  	_ =	shalt  }
0x85: {  	_ =	shalt  }
0x86: {  	_ =	shalt  }
0x87: {  	_ =	shalt  }
.Lfunc_end0:
.L_simem_size_0:
called_computation_lowered:
.L_overlay_start_0:
0x88: {  	s2 =	sld [smem:$0x3FD9]  }
0x89: {  	s3 =	sld [smem:$0x3FFE];
	_ =	sdelay $0x1  }
0x8a: {  	s1 =	srdreg.scid  }
0x8b: {  	s0 =	sand.u32 $0x1, s1  }
0x8c: {  	s17 =	sshll.u32 s0, $0xA;
	s2 =	sadd.s32 s3, s2  }
0x8d: {  	s2 =	sadd.s32 s2, s17  }
0x8e: {  	[smem:$0x3FBA] =	sst s2  }
0x8f: {  	_ = 	snop  }
0x90: {  	s2 =	sld [smem:$0x3FC9]  }
0x91: {  	s18 =	sld [smem:$0x3FC8];
	(tm) =	ssettm $0x1  }
0x92: {  	s4 =	sld [smem:$0x3FFB];
	_ =	sdelay $0x3  }
0x93: {  	_ =	strace s4  }
0x94: {  	s4 =	sld [smem:$0x3FFC];
	_ =	sdelay $0x3  }
0x95: {  	_ =	strace s4  }
0x96: {  	s4 =	sld [smem:$0x3FFD];
	_ =	sdelay $0x3  }
0x97: {  	_ =	strace s4  }
0x98: {  	_ =	strace $0x8FFFFFFF  }
0x99: {  	s19 =	sld [smem:$0x3FDB];
	_ =	sdelay $0x1  }
0x9a: {  	s5 =	simm.s32 $_scs_section_size  }
0x9b: {  	s6 =	simm.s32 $_size__tile_overlayer_lowered;
	s7 =	simm.s32 $_tile_overlayer_lowered  }
0x9c: {  	s22 =	simm.s32 $0x1BFF;
	s21 =	sshll.u32 s7, $0x1;
	s4 =	sadd.s32 s5, s19  }
0x9d: {  	s8 =	simm.s32 $0x0;
	s20 =	sshll.u32 s6, $0x1;
	s6 =	sadd.s32 s21, s4  }
0x9e: {  	[timem:s8], [sflag:s22] =	dma.local [hbm:s6], s20  }
0x9f: {  	_ =	swait.ge [sflag:s22], s20  }
0xa0: {  	s5 =	ssub.s32 $0x0, s20;
	[sflag:s22] =	ssyncset.done $0x0  }
0xa1: {  	[sflag:s22] =	ssyncadd.s32 s5;
	_ =	sdelay $0x1  }
0xa2: {  	s23 =	simm.s32 $0x1B8B  }
0xa3: {  	_ =	swait.ge [sflag:s23], $0x1  }
0xa4: {  	[sflag:s23] =	ssyncset.done $0x0  }
0xa5: {  	s25 =	simm.s32 $0x1B8E;
	s24 =	sld [smem:$0x3FFE];
	[sflag:s23] =	ssyncadd.s32 $0xFFFFFFFF  }
0xa6: {  	s26 =	simm.s32 $execute0_lowered;
	[smem:$0x3FD2] =	sst s25  }
0xa7: {  	s6 =	sshll.u32 s26, $0x1;
	_ =	strace $0x80000046;
	[dreg:$0x1] =	wrdreg $0xFFFFFFFF  }
0xa8: {  	s28 =	simm.s32 $_size_execute0_lowered;
	s4 =	sadd.s32 s4, s6;
	[dreg:$0x0] =	wrdreg $0x0  }
0xa9: {  	s6 =	sshll.u32 s28, $0x1;
	[dreg:$0x2] =	wrdreg s4  }
0xaa: {  	[dreg:$0x3] =	wrdreg s6  }
0xab: {  	[dreg:$0x4] =	wrdreg $0xC0  }
0xac: {  	_ =	task [dreg:s8], $0x5FFFF  }
0xad: {  	[dreg:$0x1] =	wrdreg $0xFFFFFFFF  }
0xae: {  	[dreg:$0x0] =	wrdreg $0x60  }
0xaf: {  	[dreg:$0x2] =	wrdreg s2  }
0xb0: {  	[dreg:$0x3] =	wrdreg s18  }
0xb1: {  	[dreg:$0x4] =	wrdreg s24  }
0xb2: {  	[dreg:$0x5] =	wrdreg $0x9  }
0xb3: {  	_ =	task.clear_ibuf [dreg:s8], $0x6FFFF;
	_ =	strace $0x90000046  }
0xb4: {  	s29 =	simm.s32 $0x9;
	_ =	strace $0x80000048  }
0xb5: {  	_ =	swait.ge [sflag:s29], $0x1  }
0xb6: {  	[sflag:s29] =	ssyncadd.s32 $0xFFFFFFFF  }
0xb7: {  	_ =	strace $0x90000048  }
0xb8: {  	_ =	sfence  }
0xb9: {  	s30 =	sld [smem:$0x0];
	_ =	sdelay $0x2  }
0xba: {  	s31 =	sshll.u32 s1, $0xD;
	s1 =	sshrl.u32 s1, $0x2  }
0xbb: {  	s3 =	sand.u32 $0x4000, s31;
	s1 =	sadd.s32 s1, s30  }
0xbc: {  	s0 =	sor.u32 s3, s0;
	s1 =	sshll.u32 s1, $0x11  }
0xbd: {  	s0 =	sor.u32 s1, s0  }
0xbe: {  	s0 =	sadd.s32 $0x8F2B, s0  }
0xbf: {  	[sflag:s0] =	ssyncadd.remote.s32 $0x1  }
0xc0: {  	_ =	sfence.sel $0xFFFF  }
0xc1: {  	[dreg:$0x0] =	wrdreg $0xFFFFFFFF;
	(pc) =	sbr.abs _section_cstart, $3  }
0xc2: {  	[dreg:$0x1] =	wrdreg $0xFFFFFFFF  }
0xc3: {  	_ =	task.clear_ibuf [dreg:s8], $0x2FFFF;
	_ =	strace $0x9FFFFFFF  }
0xc4: {  	(tm) =	ssettm $0x7FFFFFFF  }
0xc5: {  	_ =	shalt  }
tec
execute0_lowered:
.L_overlay_start_1:
0x0: {  	(tag) =	ssettag $0x1  }
0x1: {  	s7 =	rddreg [dreg:$0x0]  }
0x2: {  	s8 =	rddreg [dreg:$0x1]  }
0x3: {  	s6 =	rddreg [dreg:$0x2];
	s2 =	srdreg.scid  }
0x4: {  	s0 =	rddreg [dreg:$0x3];
	s9 =	sand.u32 $0x1, s2;
	s2 =	simm.s32 $0x0  }
0x5: {  	s15 =	simm.s32 $0x480;
	[smem:$0x7FF] =	sst s2  }
0x6: {  	s16 =	simm.s32 $0x2480;
	_ =	strace $0x80000047;
	[dreg:$0x8] =	wrdreg s15  }
0x7: {  	s17 =	simm.s32 $0x4480;
	[dreg:$0x9] =	wrdreg s16  }
0x8: {  	s18 =	simm.s32 $0x6480;
	[dreg:$0xa] =	wrdreg s17  }
0x9: {  	s19 =	simm.s32 $0x500;
	[dreg:$0xb] =	wrdreg s18  }
0xa: {  	s20 =	simm.s32 $0x2500;
	[dreg:$0xc] =	wrdreg s19  }
0xb: {  	s21 =	simm.s32 $0x4500;
	[dreg:$0xd] =	wrdreg s20  }
0xc: {  	s22 =	simm.s32 $0x6500;
	[dreg:$0xe] =	wrdreg s21  }
0xd: {  	s23 =	simm.s32 $0x580;
	[dreg:$0xf] =	wrdreg s22  }
0xe: {  	s24 =	simm.s32 $0x2580;
	[dreg:$0x10] =	wrdreg s23  }
0xf: {  	s25 =	simm.s32 $0x4580;
	[dreg:$0x11] =	wrdreg s24  }
0x10: {  	s26 =	simm.s32 $0x6580;
	[dreg:$0x12] =	wrdreg s25  }
0x11: {  	s28 =	simm.s32 $0x600;
	[dreg:$0x13] =	wrdreg s26  }
0x12: {  	s29 =	simm.s32 $0x2600;
	[dreg:$0x14] =	wrdreg s28  }
0x13: {  	s30 =	simm.s32 $0x4600;
	[dreg:$0x15] =	wrdreg s29  }
0x14: {  	s31 =	simm.s32 $0x6600;
	[dreg:$0x16] =	wrdreg s30  }
0x15: {  	s5 =	simm.s32 $0x2680;
	[dreg:$0x17] =	wrdreg s31  }
0x16: {  	s10 =	simm.s32 $0x4680;
	[dreg:$0x19] =	wrdreg s5  }
0x17: {  	s11 =	simm.s32 $0x6680;
	[dreg:$0x1a] =	wrdreg s10  }
0x18: {  	s12 =	simm.s32 $0x700;
	[dreg:$0x1b] =	wrdreg s11  }
0x19: {  	[dreg:$0x1c] =	wrdreg s12;
	s15 =	simm.s32 $0x6700  }
0x1a: {  	s16 =	simm.s32 $0x780;
	[dreg:$0x1f] =	wrdreg s15  }
0x1b: {  	s17 =	simm.s32 $0x2780;
	[smem:$0x71A] =	sst s16  }
0x1c: {  	s18 =	simm.s32 $0x4780;
	[smem:$0x71B] =	sst s17  }
0x1d: {  	s19 =	simm.s32 $0x6780;
	[smem:$0x71C] =	sst s18  }
0x1e: {  	s20 =	simm.s32 $0x800;
	[smem:$0x71D] =	sst s19  }
0x1f: {  	s21 =	simm.s32 $0x2800;
	[smem:$0x71E] =	sst s20  }
0x20: {  	s22 =	simm.s32 $0x4800;
	[smem:$0x71F] =	sst s21  }
0x21: {  	s23 =	simm.s32 $0x6800;
	[smem:$0x720] =	sst s22  }
0x22: {  	s24 =	simm.s32 $0x880;
	[smem:$0x721] =	sst s23  }
0x23: {  	s25 =	simm.s32 $0x2880;
	[smem:$0x722] =	sst s24  }
0x24: {  	s26 =	simm.s32 $0x4880;
	[smem:$0x723] =	sst s25  }
0x25: {  	s28 =	simm.s32 $0x6880;
	[smem:$0x724] =	sst s26  }
0x26: {  	s29 =	simm.s32 $0x900;
	[smem:$0x725] =	sst s28  }
0x27: {  	s30 =	simm.s32 $0x2900;
	[smem:$0x726] =	sst s29  }
0x28: {  	s1 =	stileid.u32;
	s31 =	simm.s32 $0x4900;
	[smem:$0x727] =	sst s30  }
0x29: {  	s3 =	sshll.u32 s1, $0xE;
	s5 =	simm.s32 $0x980;
	[smem:$0x728] =	sst s31  }
0x2a: {  	s3 =	sadd.s32 s3, s6;
	s10 =	simm.s32 $0x2980;
	[smem:$0x72A] =	sst s5  }
0x2b: {  	s4 =	sshll.u32 s9, $0xD;
	s11 =	simm.s32 $0x4980;
	[smem:$0x72B] =	sst s10  }
0x2c: {  	s3 =	sadd.s32 s4, s3;
	s12 =	simm.s32 $0x6980;
	[smem:$0x72C] =	sst s11  }
0x2d: {  	s4 =	sadd.s32 $0x3D0AC00, s3;
	[smem:$0x72D] =	sst s12  }
0x2e: {  	s13 =	sadd.s32 $0x3D4AC00, s3;
	[dreg:$0x4] =	wrdreg s4  }
0x2f: {  	s14 =	sadd.s32 $0x3D8AC00, s3;
	[dreg:$0x5] =	wrdreg s13  }
0x30: {  	s3 =	sadd.s32 $0x3DCAC00, s3;
	[dreg:$0x6] =	wrdreg s14  }
0x31: {  	s15 =	simm.s32 $0x4A00;
	[dreg:$0x7] =	wrdreg s3  }
0x32: {  	s16 =	simm.s32 $0x6A00;
	[smem:$0x730] =	sst s15  }
0x33: {  	s17 =	simm.s32 $0xA80;
	[smem:$0x731] =	sst s16  }
0x34: {  	s18 =	simm.s32 $0x2A80;
	[smem:$0x732] =	sst s17  }
0x35: {  	s19 =	simm.s32 $0x4A80;
	[smem:$0x733] =	sst s18  }
0x36: {  	s20 =	simm.s32 $0x6A80;
	[smem:$0x734] =	sst s19  }
0x37: {  	s21 =	simm.s32 $0xB00;
	[smem:$0x735] =	sst s20  }
0x38: {  	s22 =	simm.s32 $0x2B00;
	[smem:$0x736] =	sst s21  }
0x39: {  	s23 =	simm.s32 $0x4B00;
	[smem:$0x737] =	sst s22  }
0x3a: {  	s24 =	simm.s32 $0x6B00;
	[smem:$0x738] =	sst s23  }
0x3b: {  	s25 =	simm.s32 $0xB80;
	[smem:$0x739] =	sst s24  }
0x3c: {  	s26 =	simm.s32 $0x2B80;
	[smem:$0x73A] =	sst s25  }
0x3d: {  	s28 =	simm.s32 $0x4B80;
	[smem:$0x73B] =	sst s26  }
0x3e: {  	s29 =	simm.s32 $0x6B80;
	[smem:$0x73C] =	sst s28  }
0x3f: {  	s30 =	simm.s32 $0xC00;
	[smem:$0x73D] =	sst s29  }
0x40: {  	s31 =	simm.s32 $0x2C00;
	[smem:$0x73E] =	sst s30  }
0x41: {  	s5 =	simm.s32 $0x6C00;
	[smem:$0x73F] =	sst s31  }
0x42: {  	s10 =	simm.s32 $0xC80;
	[smem:$0x741] =	sst s5  }
0x43: {  	s11 =	simm.s32 $0x2C80;
	[smem:$0x742] =	sst s10  }
0x44: {  	s12 =	simm.s32 $0x4C80;
	[smem:$0x743] =	sst s11  }
0x45: {  	s4 =	simm.s32 $0x680;
	[smem:$0x744] =	sst s12  }
0x46: {  	s13 =	simm.s32 $0x2700;
	[dreg:$0x18] =	wrdreg s4  }
0x47: {  	s14 =	simm.s32 $0x4700;
	[dreg:$0x1d] =	wrdreg s13  }
0x48: {  	s15 =	simm.s32 $0x2D00;
	[dreg:$0x1e] =	wrdreg s14  }
0x49: {  	s16 =	simm.s32 $0x4D00;
	[smem:$0x747] =	sst s15  }
0x4a: {  	s17 =	simm.s32 $0x6D00;
	[smem:$0x748] =	sst s16  }
0x4b: {  	s18 =	simm.s32 $0xD80;
	[smem:$0x749] =	sst s17  }
0x4c: {  	s19 =	simm.s32 $0x2D80;
	[smem:$0x74A] =	sst s18  }
0x4d: {  	s20 =	simm.s32 $0x4D80;
	[smem:$0x74B] =	sst s19  }
0x4e: {  	s21 =	simm.s32 $0x6D80;
	[smem:$0x74C] =	sst s20  }
0x4f: {  	s22 =	simm.s32 $0xE00;
	[smem:$0x74D] =	sst s21  }
0x50: {  	s23 =	simm.s32 $0x2E00;
	[smem:$0x74E] =	sst s22  }
0x51: {  	s24 =	simm.s32 $0x4E00;
	[smem:$0x74F] =	sst s23  }
0x52: {  	s25 =	simm.s32 $0x6E00;
	[smem:$0x750] =	sst s24  }
0x53: {  	s26 =	simm.s32 $0xE80;
	[smem:$0x751] =	sst s25  }
0x54: {  	s28 =	simm.s32 $0x2E80;
	[smem:$0x752] =	sst s26  }
0x55: {  	s29 =	simm.s32 $0x4E80;
	[smem:$0x753] =	sst s28  }
0x56: {  	s30 =	simm.s32 $0x6E80;
	[smem:$0x754] =	sst s29  }
0x57: {  	s31 =	simm.s32 $0xF00;
	[smem:$0x755] =	sst s30  }
0x58: {  	s5 =	simm.s32 $0x4F00;
	[smem:$0x756] =	sst s31  }
0x59: {  	s10 =	simm.s32 $0x6F00;
	[smem:$0x758] =	sst s5  }
0x5a: {  	s11 =	simm.s32 $0xF80;
	[smem:$0x759] =	sst s10  }
0x5b: {  	s12 =	simm.s32 $0x2F80;
	[smem:$0x75A] =	sst s11  }
0x5c: {  	s4 =	simm.s32 $0x6900;
	[smem:$0x75B] =	sst s12  }
0x5d: {  	s13 =	simm.s32 $0xA00;
	[smem:$0x729] =	sst s4  }
0x5e: {  	s14 =	simm.s32 $0x2A00;
	[smem:$0x72E] =	sst s13  }
0x5f: {  	s15 =	simm.s32 $0x1000;
	[smem:$0x72F] =	sst s14  }
0x60: {  	s16 =	simm.s32 $0x3000;
	[smem:$0x75E] =	sst s15  }
0x61: {  	s17 =	simm.s32 $0x5000;
	[smem:$0x75F] =	sst s16  }
0x62: {  	s18 =	simm.s32 $0x7000;
	[smem:$0x760] =	sst s17  }
0x63: {  	s19 =	simm.s32 $0x1080;
	[smem:$0x761] =	sst s18  }
0x64: {  	s20 =	simm.s32 $0x3080;
	[smem:$0x762] =	sst s19  }
0x65: {  	s21 =	simm.s32 $0x5080;
	[smem:$0x763] =	sst s20  }
0x66: {  	s22 =	simm.s32 $0x7080;
	[smem:$0x764] =	sst s21  }
0x67: {  	s23 =	simm.s32 $0x1100;
	[smem:$0x765] =	sst s22  }
0x68: {  	s24 =	simm.s32 $0x3100;
	[smem:$0x766] =	sst s23  }
0x69: {  	s25 =	simm.s32 $0x5100;
	[smem:$0x767] =	sst s24  }
0x6a: {  	s26 =	simm.s32 $0x7100;
	[smem:$0x768] =	sst s25  }
0x6b: {  	s28 =	simm.s32 $0x1180;
	[smem:$0x769] =	sst s26  }
0x6c: {  	s29 =	simm.s32 $0x3180;
	[smem:$0x76A] =	sst s28  }
0x6d: {  	s30 =	simm.s32 $0x5180;
	[smem:$0x76B] =	sst s29  }
0x6e: {  	s31 =	simm.s32 $0x7180;
	[smem:$0x76C] =	sst s30  }
0x6f: {  	s5 =	simm.s32 $0x3200;
	[smem:$0x76D] =	sst s31  }
0x70: {  	s10 =	simm.s32 $0x5200;
	[smem:$0x76F] =	sst s5  }
0x71: {  	s11 =	simm.s32 $0x7200;
	[smem:$0x770] =	sst s10  }
0x72: {  	s12 =	simm.s32 $0x1280;
	[smem:$0x771] =	sst s11  }
0x73: {  	s4 =	simm.s32 $0x4C00;
	[smem:$0x772] =	sst s12  }
0x74: {  	s13 =	simm.s32 $0x6C80;
	[smem:$0x740] =	sst s4  }
0x75: {  	s14 =	simm.s32 $0xD00;
	[smem:$0x745] =	sst s13  }
0x76: {  	s15 =	simm.s32 $0x7280;
	[smem:$0x746] =	sst s14  }
0x77: {  	s16 =	simm.s32 $0x1300;
	[smem:$0x775] =	sst s15  }
0x78: {  	s17 =	simm.s32 $0x3300;
	[smem:$0x776] =	sst s16  }
0x79: {  	s18 =	simm.s32 $0x5300;
	[smem:$0x777] =	sst s17  }
0x7a: {  	s19 =	simm.s32 $0x7300;
	[smem:$0x778] =	sst s18  }
0x7b: {  	s20 =	simm.s32 $0x1380;
	[smem:$0x779] =	sst s19  }
0x7c: {  	s21 =	simm.s32 $0x3380;
	[smem:$0x77A] =	sst s20  }
0x7d: {  	s22 =	simm.s32 $0x5380;
	[smem:$0x77B] =	sst s21  }
0x7e: {  	s23 =	simm.s32 $0x7380;
	[smem:$0x77C] =	sst s22  }
0x7f: {  	s24 =	simm.s32 $0x1400;
	[smem:$0x77D] =	sst s23  }
0x80: {  	s25 =	simm.s32 $0x3400;
	[smem:$0x77E] =	sst s24  }
0x81: {  	s26 =	simm.s32 $0x5400;
	[smem:$0x77F] =	sst s25  }
0x82: {  	s28 =	simm.s32 $0x7400;
	[smem:$0x780] =	sst s26  }
0x83: {  	s29 =	simm.s32 $0x1480;
	[smem:$0x781] =	sst s28  }
0x84: {  	s30 =	simm.s32 $0x3480;
	[smem:$0x782] =	sst s29  }
0x85: {  	s31 =	simm.s32 $0x5480;
	[smem:$0x783] =	sst s30  }
0x86: {  	s5 =	simm.s32 $0x1500;
	[smem:$0x784] =	sst s31  }
0x87: {  	s10 =	simm.s32 $0x3500;
	[smem:$0x786] =	sst s5  }
0x88: {  	s11 =	simm.s32 $0x5500;
	[smem:$0x787] =	sst s10  }
0x89: {  	s12 =	simm.s32 $0x7500;
	[smem:$0x788] =	sst s11  }
0x8a: {  	s4 =	simm.s32 $0x2F00;
	[smem:$0x789] =	sst s12  }
0x8b: {  	s13 =	simm.s32 $0x4F80;
	[smem:$0x757] =	sst s4  }
0x8c: {  	s14 =	simm.s32 $0x6F80;
	[smem:$0x75C] =	sst s13  }
0x8d: {  	s15 =	simm.s32 $0x5580;
	[smem:$0x75D] =	sst s14  }
0x8e: {  	s16 =	simm.s32 $0x7580;
	[smem:$0x78C] =	sst s15  }
0x8f: {  	s17 =	simm.s32 $0x1600;
	[smem:$0x78D] =	sst s16  }
0x90: {  	s18 =	simm.s32 $0x3600;
	[smem:$0x78E] =	sst s17  }
0x91: {  	s19 =	simm.s32 $0x5600;
	[smem:$0x78F] =	sst s18  }
0x92: {  	s20 =	simm.s32 $0x7600;
	[smem:$0x790] =	sst s19  }
0x93: {  	s21 =	simm.s32 $0x1680;
	[smem:$0x791] =	sst s20  }
0x94: {  	s22 =	simm.s32 $0x3680;
	[smem:$0x792] =	sst s21  }
0x95: {  	s23 =	simm.s32 $0x5680;
	[smem:$0x793] =	sst s22  }
0x96: {  	s24 =	simm.s32 $0x7680;
	[smem:$0x794] =	sst s23  }
0x97: {  	s25 =	simm.s32 $0x1700;
	[smem:$0x795] =	sst s24  }
0x98: {  	s26 =	simm.s32 $0x3700;
	[smem:$0x796] =	sst s25  }
0x99: {  	s28 =	simm.s32 $0x5700;
	[smem:$0x797] =	sst s26  }
0x9a: {  	s29 =	simm.s32 $0x7700;
	[smem:$0x798] =	sst s28  }
0x9b: {  	s30 =	simm.s32 $0x1780;
	[smem:$0x799] =	sst s29  }
0x9c: {  	s31 =	simm.s32 $0x3780;
	[smem:$0x79A] =	sst s30  }
0x9d: {  	s5 =	simm.s32 $0x7780;
	[smem:$0x79B] =	sst s31  }
0x9e: {  	s10 =	simm.s32 $0x1800;
	[smem:$0x79D] =	sst s5  }
0x9f: {  	s11 =	simm.s32 $0x3800;
	[smem:$0x79E] =	sst s10  }
0xa0: {  	s12 =	simm.s32 $0x5800;
	[smem:$0x79F] =	sst s11  }
0xa1: {  	s4 =	simm.s32 $0x1200;
	[smem:$0x7A0] =	sst s12  }
0xa2: {  	s13 =	simm.s32 $0x3280;
	[smem:$0x76E] =	sst s4  }
0xa3: {  	s14 =	simm.s32 $0x5280;
	[smem:$0x773] =	sst s13  }
0xa4: {  	s15 =	simm.s32 $0x3880;
	[smem:$0x774] =	sst s14  }
0xa5: {  	s16 =	simm.s32 $0x5880;
	[smem:$0x7A3] =	sst s15  }
0xa6: {  	s17 =	simm.s32 $0x7880;
	[smem:$0x7A4] =	sst s16  }
0xa7: {  	s18 =	simm.s32 $0x1900;
	[smem:$0x7A5] =	sst s17  }
0xa8: {  	s19 =	simm.s32 $0x3900;
	[smem:$0x7A6] =	sst s18  }
0xa9: {  	s20 =	simm.s32 $0x5900;
	[smem:$0x7A7] =	sst s19  }
0xaa: {  	s21 =	simm.s32 $0x7900;
	[smem:$0x7A8] =	sst s20  }
0xab: {  	s22 =	simm.s32 $0x1980;
	[smem:$0x7A9] =	sst s21  }
0xac: {  	s23 =	simm.s32 $0x3980;
	[smem:$0x7AA] =	sst s22  }
0xad: {  	s24 =	simm.s32 $0x5980;
	[smem:$0x7AB] =	sst s23  }
0xae: {  	s25 =	simm.s32 $0x7980;
	[smem:$0x7AC] =	sst s24  }
0xaf: {  	s26 =	simm.s32 $0x1A00;
	[smem:$0x7AD] =	sst s25  }
0xb0: {  	s28 =	simm.s32 $0x3A00;
	[smem:$0x7AE] =	sst s26  }
0xb1: {  	s29 =	simm.s32 $0x5A00;
	[smem:$0x7AF] =	sst s28  }
0xb2: {  	s30 =	simm.s32 $0x7A00;
	[smem:$0x7B0] =	sst s29  }
0xb3: {  	s31 =	simm.s32 $0x1A80;
	[smem:$0x7B1] =	sst s30  }
0xb4: {  	s5 =	simm.s32 $0x5A80;
	[smem:$0x7B2] =	sst s31  }
0xb5: {  	s10 =	simm.s32 $0x7A80;
	[smem:$0x7B4] =	sst s5  }
0xb6: {  	s11 =	simm.s32 $0x1B00;
	[smem:$0x7B5] =	sst s10  }
0xb7: {  	s12 =	simm.s32 $0x3B00;
	[smem:$0x7B6] =	sst s11  }
0xb8: {  	s4 =	simm.s32 $0x7480;
	[smem:$0x7B7] =	sst s12  }
0xb9: {  	s13 =	simm.s32 $0x1580;
	[smem:$0x785] =	sst s4  }
0xba: {  	s14 =	simm.s32 $0x3580;
	[smem:$0x78A] =	sst s13  }
0xbb: {  	s15 =	simm.s32 $0x1B80;
	[smem:$0x78B] =	sst s14  }
0xbc: {  	s16 =	simm.s32 $0x3B80;
	[smem:$0x7BA] =	sst s15  }
0xbd: {  	s17 =	simm.s32 $0x5B80;
	[smem:$0x7BB] =	sst s16  }
0xbe: {  	s18 =	simm.s32 $0x7B80;
	[smem:$0x7BC] =	sst s17  }
0xbf: {  	s19 =	simm.s32 $0x1C00;
	[smem:$0x7BD] =	sst s18  }
0xc0: {  	s20 =	simm.s32 $0x3C00;
	[smem:$0x7BE] =	sst s19  }
0xc1: {  	s21 =	simm.s32 $0x5C00;
	[smem:$0x7BF] =	sst s20  }
0xc2: {  	s22 =	simm.s32 $0x7C00;
	[smem:$0x7C0] =	sst s21  }
0xc3: {  	s23 =	simm.s32 $0x1C80;
	[smem:$0x7C1] =	sst s22  }
0xc4: {  	s24 =	simm.s32 $0x3C80;
	[smem:$0x7C2] =	sst s23  }
0xc5: {  	s25 =	simm.s32 $0x5C80;
	[smem:$0x7C3] =	sst s24  }
0xc6: {  	s26 =	simm.s32 $0x7C80;
	[smem:$0x7C4] =	sst s25  }
0xc7: {  	s28 =	simm.s32 $0x1D00;
	[smem:$0x7C5] =	sst s26  }
0xc8: {  	s29 =	simm.s32 $0x3D00;
	[smem:$0x7C6] =	sst s28  }
0xc9: {  	s30 =	simm.s32 $0x5D00;
	[smem:$0x7C7] =	sst s29  }
0xca: {  	s31 =	simm.s32 $0x7D00;
	[smem:$0x7C8] =	sst s30  }
0xcb: {  	s5 =	simm.s32 $0x3D80;
	[smem:$0x7C9] =	sst s31  }
0xcc: {  	s10 =	simm.s32 $0x5D80;
	[smem:$0x7CB] =	sst s5  }
0xcd: {  	s11 =	simm.s32 $0x7D80;
	[smem:$0x7CC] =	sst s10  }
0xce: {  	s12 =	simm.s32 $0x1E00;
	[smem:$0x7CD] =	sst s11  }
0xcf: {  	s4 =	simm.s32 $0x5780;
	[smem:$0x7CE] =	sst s12  }
0xd0: {  	s13 =	simm.s32 $0x7800;
	[smem:$0x79C] =	sst s4  }
0xd1: {  	s14 =	simm.s32 $0x1880;
	[smem:$0x7A1] =	sst s13  }
0xd2: {  	s15 =	simm.s32 $0x7E00;
	[smem:$0x7A2] =	sst s14  }
0xd3: {  	s16 =	simm.s32 $0x1E80;
	[smem:$0x7D1] =	sst s15  }
0xd4: {  	s17 =	simm.s32 $0x3E80;
	[smem:$0x7D2] =	sst s16  }
0xd5: {  	s18 =	simm.s32 $0x5E80;
	[smem:$0x7D3] =	sst s17  }
0xd6: {  	s19 =	simm.s32 $0x7E80;
	[smem:$0x7D4] =	sst s18  }
0xd7: {  	s20 =	simm.s32 $0x1F00;
	[smem:$0x7D5] =	sst s19  }
0xd8: {  	s21 =	simm.s32 $0x3F00;
	[smem:$0x7D6] =	sst s20  }
0xd9: {  	s22 =	simm.s32 $0x5F00;
	[smem:$0x7D7] =	sst s21  }
0xda: {  	s23 =	simm.s32 $0x7F00;
	[smem:$0x7D8] =	sst s22  }
0xdb: {  	s24 =	simm.s32 $0x1F80;
	[smem:$0x7D9] =	sst s23  }
0xdc: {  	s25 =	simm.s32 $0x3F80;
	[smem:$0x7DA] =	sst s24  }
0xdd: {  	s26 =	simm.s32 $0x5F80;
	[smem:$0x7DB] =	sst s25  }
0xde: {  	s28 =	simm.s32 $0x7F80;
	[smem:$0x7DC] =	sst s26  }
0xdf: {  	s29 =	simm.s32 $0x2000;
	[smem:$0x7DD] =	sst s28  }
0xe0: {  	s30 =	simm.s32 $0x4000;
	[smem:$0x7DE] =	sst s29  }
0xe1: {  	s31 =	simm.s32 $0x6000;
	[smem:$0x7DF] =	sst s30  }
0xe2: {  	s5 =	simm.s32 $0x2080;
	[smem:$0x7E0] =	sst s31  }
0xe3: {  	s10 =	simm.s32 $0x4080;
	[smem:$0x7E2] =	sst s5  }
0xe4: {  	s11 =	simm.s32 $0x6080;
	[smem:$0x7E3] =	sst s10  }
0xe5: {  	s12 =	simm.s32 $0x8080;
	[smem:$0x7E4] =	sst s11  }
0xe6: {  	s4 =	simm.s32 $0x3A80;
	[smem:$0x7E5] =	sst s12  }
0xe7: {  	s13 =	simm.s32 $0x5B00;
	[smem:$0x7B3] =	sst s4  }
0xe8: {  	s14 =	simm.s32 $0x7B00;
	[smem:$0x7B8] =	sst s13  }
0xe9: {  	s15 =	simm.s32 $0x6100;
	[smem:$0x7B9] =	sst s14  }
0xea: {  	s16 =	simm.s32 $0x8100;
	[smem:$0x7E8] =	sst s15  }
0xeb: {  	s5 =	simm.s32 $0x2180;
	[smem:$0x7E9] =	sst s16  }
0xec: {  	s10 =	simm.s32 $0x4180;
	[smem:$0x7EA] =	sst s5  }
0xed: {  	s17 =	simm.s32 $0x6180;
	[smem:$0x7EB] =	sst s10  }
0xee: {  	s18 =	simm.s32 $0x8180;
	[smem:$0x7EC] =	sst s17  }
0xef: {  	s19 =	simm.s32 $0x2200;
	[smem:$0x7ED] =	sst s18  }
0xf0: {  	s20 =	simm.s32 $0x4200;
	[smem:$0x7EE] =	sst s19  }
0xf1: {  	s21 =	simm.s32 $0x6200;
	[smem:$0x7EF] =	sst s20  }
0xf2: {  	s23 =	simm.s32 $0x8200;
	[smem:$0x7F0] =	sst s21  }
0xf3: {  	s24 =	simm.s32 $0x2280;
	[smem:$0x7F1] =	sst s23  }
0xf4: {  	s25 =	simm.s32 $0x4280;
	[smem:$0x7F2] =	sst s24  }
0xf5: {  	s26 =	simm.s32 $0x6280;
	[smem:$0x7F3] =	sst s25  }
0xf6: {  	s28 =	simm.s32 $0x6300;
	[smem:$0x7F4] =	sst s26  }
0xf7: {  	s3 =	sadd.s32 $0x1C00, s6;
	s29 =	simm.s32 $0x4300;
	[smem:$0x7F5] =	sst s28  }
0xf8: {  	s11 =	ssub.s32 $0x2, s9;
	s30 =	simm.s32 $0x2300;
	[smem:$0x7F6] =	sst s29  }
0xf9: {  	s22 =	sshll.u32 s1, $0xA;
	s31 =	simm.s32 $0x8280;
	[smem:$0x7F7] =	sst s30  }
0xfa: {  	s9 =	sshll.u32 s9, $0x9;
	s4 =	simm.s32 $0x1D80;
	[smem:$0x7F8] =	sst s31  }
0xfb: {  	s13 =	simm.s32 $0x3E00;
	s14 =	simm.s32 $0x5E00;
	[smem:$0x7CA] =	sst s4  }
0xfc: {  	s5 =	sadd.s32 $0x1E86400, s6;
	s12 =	sshrl.u32 s11, $0x1;
	[smem:$0x7CF] =	sst s13  }
0xfd: {  	s9 =	sor.u32 s9, s22;
	s15 =	simm.s32 $0x4380;
	[smem:$0x7D0] =	sst s14  }
0xfe: {  	s10 =	simm.s32 $0x2;
	s16 =	simm.s32 $0x6380;
	[smem:$0x7FB] =	sst s15  }
0xff: {  	s17 =	simm.s32 $0x8380;
	s4 =	simm.s32 $0x8000;
	[smem:$0x7FC] =	sst s16  }
0x100: {  	s13 =	simm.s32 $0x2100;
	s14 =	simm.s32 $0x4100;
	[smem:$0x7FD] =	sst s17  }
0x101: {  	s11 =	ssub.s32 s11, s12;
	s9 =	sshrl.u32 s9, $0x3;
	[smem:$0x7E1] =	sst s4  }
0x102: {  	s12 =	simm.s32 $0x400;
	s15 =	simm.s32 $0x6400;
	[smem:$0x7E6] =	sst s13  }
0x103: {  	s16 =	simm.s32 $0x1;
	s17 =	simm.s32 $0x0;
	[smem:$0x7E7] =	sst s14  }
0x104: {  	s4 =	sadd.s32 $0xF44000, s6;
	s6 =	sadd.s32 $0x2DC8800, s6;
	s7 =	sadd.s32 s7, s9  }
0x105: {  	s8 =	sadd.s32 s8, s9;
	s9 =	smax.u32 s11, $0x1;
	s13 =	simm.s32 $0x8300  }
0x106: {  	s11 =	simm.s32 $0x200;
	s14 =	simm.s32 $0x2380;
	[smem:$0x7F9] =	sst s13  }
0x107: {  	s13 =	simm.s32 $0x2400;
	[smem:$0x7FA] =	sst s14;
	s14 =	simm.s32 $0x4400  }
.LBB2_1:
0x108: {  	[tilespmem:s2], [sflag:$0x2] =	stream.linear.gather [hbm4b:s7+s2], $0x200, $0x38;
	[tilespmem:$0x8400] =	vst v63  }
0x109: {  	_ =	swait.ge [sflag:s10], $0x200  }
0x10a: {  	[sflag:s10] =	ssyncset.done $0x0  }
0x10b: {  	[sflag:s10] =	ssyncadd.s32 $0xFFFFFE00  }
0x10c: {  	[tilespmem:s11], [sflag:$0x2] =	stream.linear.gather [hbm4b:s8+s2], $0x200, $0x38;
	[tilespmem:$0x8400] =	vst v63  }
0x10d: {  	_ =	swait.ge [sflag:s10], $0x200  }
0x10e: {  	s18 =	simm.s32 $0x220;
	[sflag:s10] =	ssyncset.done $0x0  }
0x10f: {  	s19 =	simm.s32 $0x20;
	s20 =	simm.s32 $0x0;
	[sflag:s10] =	ssyncadd.s32 $0xFFFFFE00  }
.LBB2_2:
0x110: {  	v0 =	vld [tilespmem:s19+$0xFFFFFFE0];
	_ =	sdelay $0x1  }
0x111: {  	v2 =	vld [tilespmem:s18+$0xFFFFFFE0];
	_ =	sdelay $0x2  }
0x112: {  	v1 =	vshll.u32 v0, $0x4  }
0x113: {  	(v2sf) =	vpush v1, $0x0  }
0x114: {  	v51 =	vshll.u32 v2, $0x4  }
0x115: {  	(v2sf) =	vpush v51, $0x0;
	_ =	sdelay $0x2  }
0x116: {  	(v2sf) =	vpush v1, $0x1;
	_ =	sdelay $0x9  }
0x117: {  	s21 =	spop (v2sf);
	(v2sf) =	vpush v51, $0x1;
	_ =	sdelay $0x1  }
0x118: {  	s23 =	spop (v2sf);
	(v2sf) =	vpush v1, $0x2;
	_ =	sdelay $0x2  }
0x119: {  	s25 =	spop (v2sf);
	(v2sf) =	vpush v51, $0x2;
	_ =	sdelay $0x1  }
0x11a: {  	s21 =	sand.u32 $0x1FFFFFF0, s21  }
0x11b: {  	s22 =	sadd.s32 s3, s21  }
0x11c: {  	[tilespmem:s12], [sflag:$0x1] =	stream.linear.gather [hbm4b:s22+s2], $0x80, $0x38;
	[tilespmem:$0x8400] =	vst v63  }
0x11d: {  	s22 =	sand.u32 $0x1FFFFFF0, s23  }
0x11e: {  	s23 =	sadd.s32 s4, s22  }
0x11f: {  	[tilespmem:s13], [sflag:$0x1] =	stream.linear.gather [hbm4b:s23+s2], $0x80, $0x38;
	[tilespmem:$0x8400] =	vst v63  }
0x120: {  	s21 =	sadd.s32 s5, s21  }
0x121: {  	[tilespmem:s14], [sflag:$0x1] =	stream.linear.gather [hbm4b:s21+s2], $0x80, $0x38;
	[tilespmem:$0x8400] =	vst v63  }
0x122: {  	s24 =	sadd.s32 s6, s22;
	s29 =	spop (v2sf);
	(v2sf) =	vpush v1, $0x3  }
0x123: {  	[tilespmem:s15], [sflag:$0x1] =	stream.linear.gather [hbm4b:s24+s2], $0x80, $0x38;
	[tilespmem:$0x8400] =	vst v63  }
0x124: {  	s21 =	sand.u32 $0x1FFFFFF0, s25;
	s23 =	spop (v2sf);
	(v2sf) =	vpush v51, $0x3  }
0x125: {  	s26 =	rddreg [dreg:$0x8];
	s28 =	sadd.s32 s3, s21  }
0x126: {  	[tilespmem:s26], [sflag:$0x1] =	stream.linear.gather [hbm4b:s28+s2], $0x80, $0x38;
	[tilespmem:$0x8400] =	vst v63  }
0x127: {  	s26 =	spop (v2sf);
	(v2sf) =	vpush v1, $0x4  }
0x128: {  	s22 =	sand.u32 $0x1FFFFFF0, s29  }
0x129: {  	s30 =	rddreg [dreg:$0x9];
	s24 =	sadd.s32 s4, s22  }
0x12a: {  	[tilespmem:s30], [sflag:$0x1] =	stream.linear.gather [hbm4b:s24+s2], $0x80, $0x38;
	[tilespmem:$0x8400] =	vst v63  }
0x12b: {  	s25 =	rddreg [dreg:$0xa];
	s21 =	sadd.s32 s5, s21  }
0x12c: {  	[tilespmem:s25], [sflag:$0x1] =	stream.linear.gather [hbm4b:s21+s2], $0x80, $0x38;
	[tilespmem:$0x8400] =	vst v63  }
0x12d: {  	s31 =	rddreg [dreg:$0xb];
	s22 =	sadd.s32 s6, s22;
	s21 =	sand.u32 $0x1FFFFFF0, s23  }
0x12e: {  	[tilespmem:s31], [sflag:$0x1] =	stream.linear.gather [hbm4b:s22+s2], $0x80, $0x38;
	[tilespmem:$0x8400] =	vst v63  }
0x12f: {  	s24 =	rddreg [dreg:$0xc];
	s25 =	sadd.s32 s3, s21;
	s22 =	sand.u32 $0x1FFFFFF0, s26  }
0x130: {  	[tilespmem:s24], [sflag:$0x1] =	stream.linear.gather [hbm4b:s25+s2], $0x80, $0x38;
	[tilespmem:$0x8400] =	vst v63  }
0x131: {  	s28 =	rddreg [dreg:$0xd];
	s29 =	sadd.s32 s4, s22;
	s23 =	spop (v2sf);
	(v2sf) =	vpush v51, $0x4  }
0x132: {  	[tilespmem:s28], [sflag:$0x1] =	stream.linear.gather [hbm4b:s29+s2], $0x80, $0x38;
	[tilespmem:$0x8400] =	vst v63  }
0x133: {  	s26 =	spop (v2sf);
	(v2sf) =	vpush v1, $0x5  }
0x134: {  	s30 =	rddreg [dreg:$0xe];
	s21 =	sadd.s32 s5, s21  }
0x135: {  	[tilespmem:s30], [sflag:$0x1] =	stream.linear.gather [hbm4b:s21+s2], $0x80, $0x38;
	[tilespmem:$0x8400] =	vst v63  }
0x136: {  	s21 =	sand.u32 $0x1FFFFFF0, s23;
	s23 =	spop (v2sf);
	(v2sf) =	vpush v51, $0x5;
	_ =	sdelay $0x3  }
0x137: {  	s31 =	rddreg [dreg:$0xf];
	s22 =	sadd.s32 s6, s22  }
0x138: {  	[tilespmem:s31], [sflag:$0x1] =	stream.linear.gather [hbm4b:s22+s2], $0x80, $0x38;
	[tilespmem:$0x8400] =	vst v63  }
0x139: {  	s24 =	rddreg [dreg:$0x10];
	s25 =	sadd.s32 s3, s21;
	s22 =	sand.u32 $0x1FFFFFF0, s26  }
0x13a: {  	[tilespmem:s24], [sflag:$0x1] =	stream.linear.gather [hbm4b:s25+s2], $0x80, $0x38;
	[tilespmem:$0x8400] =	vst v63  }
0x13b: {  	s28 =	rddreg [dreg:$0x11];
	s29 =	sadd.s32 s4, s22  }
0x13c: {  	[tilespmem:s28], [sflag:$0x1] =	stream.linear.gather [hbm4b:s29+s2], $0x80, $0x38;
	[tilespmem:$0x8400] =	vst v63  }
0x13d: {  	s30 =	rddreg [dreg:$0x12];
	s21 =	sadd.s32 s5, s21;
	s26 =	spop (v2sf);
	(v2sf) =	vpush v1, $0x6  }
0x13e: {  	[tilespmem:s30], [sflag:$0x1] =	stream.linear.gather [hbm4b:s21+s2], $0x80, $0x38;
	[tilespmem:$0x8400] =	vst v63  }
0x13f: {  	s31 =	rddreg [dreg:$0x13];
	s21 =	sand.u32 $0x1FFFFFF0, s23;
	s23 =	spop (v2sf);
	(v2sf) =	vpush v51, $0x6  }
0x140: {  	s22 =	sadd.s32 s6, s22;
	s24 =	rddreg [dreg:$0x14]  }
0x141: {  	[tilespmem:s31], [sflag:$0x1] =	stream.linear.gather [hbm4b:s22+s2], $0x80, $0x38;
	[tilespmem:$0x8400] =	vst v63  }
0x142: {  	s25 =	sadd.s32 s3, s21;
	s22 =	sand.u32 $0x1FFFFFF0, s26;
	s26 =	spop (v2sf);
	(v2sf) =	vpush v1, $0x7  }
0x143: {  	[tilespmem:s24], [sflag:$0x1] =	stream.linear.gather [hbm4b:s25+s2], $0x80, $0x38;
	[tilespmem:$0x8400] =	vst v63  }
0x144: {  	s28 =	rddreg [dreg:$0x15];
	s29 =	sadd.s32 s4, s22  }
0x145: {  	[tilespmem:s28], [sflag:$0x1] =	stream.linear.gather [hbm4b:s29+s2], $0x80, $0x38;
	[tilespmem:$0x8400] =	vst v63  }
0x146: {  	s30 =	rddreg [dreg:$0x16];
	s21 =	sadd.s32 s5, s21  }
0x147: {  	[tilespmem:s30], [sflag:$0x1] =	stream.linear.gather [hbm4b:s21+s2], $0x80, $0x38;
	[tilespmem:$0x8400] =	vst v63  }
0x148: {  	s31 =	rddreg [dreg:$0x17];
	s22 =	sadd.s32 s6, s22;
	s21 =	sand.u32 $0x1FFFFFF0, s23  }
0x149: {  	[tilespmem:s31], [sflag:$0x1] =	stream.linear.gather [hbm4b:s22+s2], $0x80, $0x38;
	[tilespmem:$0x8400] =	vst v63  }
0x14a: {  	s24 =	rddreg [dreg:$0x18];
	s25 =	sadd.s32 s3, s21;
	s22 =	sand.u32 $0x1FFFFFF0, s26  }
0x14b: {  	[tilespmem:s24], [sflag:$0x1] =	stream.linear.gather [hbm4b:s25+s2], $0x80, $0x38;
	[tilespmem:$0x8400] =	vst v63  }
0x14c: {  	s28 =	rddreg [dreg:$0x19];
	s29 =	sadd.s32 s4, s22;
	s23 =	spop (v2sf);
	(v2sf) =	vpush v51, $0x7  }
0x14d: {  	[tilespmem:s28], [sflag:$0x1] =	stream.linear.gather [hbm4b:s29+s2], $0x80, $0x38;
	[tilespmem:$0x8400] =	vst v63  }
0x14e: {  	s26 =	spop (v2sf);
	(v2sf) =	vpush v1, $0x8  }
0x14f: {  	s30 =	rddreg [dreg:$0x1a];
	s21 =	sadd.s32 s5, s21  }
0x150: {  	[tilespmem:s30], [sflag:$0x1] =	stream.linear.gather [hbm4b:s21+s2], $0x80, $0x38;
	[tilespmem:$0x8400] =	vst v63  }
0x151: {  	s21 =	sand.u32 $0x1FFFFFF0, s23;
	s23 =	spop (v2sf);
	(v2sf) =	vpush v51, $0x8;
	_ =	sdelay $0x2  }
0x152: {  	s31 =	rddreg [dreg:$0x1b]  }
0x153: {  	s22 =	sadd.s32 s6, s22;
	s24 =	rddreg [dreg:$0x1c]  }
0x154: {  	[tilespmem:s31], [sflag:$0x1] =	stream.linear.gather [hbm4b:s22+s2], $0x80, $0x38;
	[tilespmem:$0x8400] =	vst v63  }
0x155: {  	s28 =	rddreg [dreg:$0x1d];
	s25 =	sadd.s32 s3, s21;
	s22 =	sand.u32 $0x1FFFFFF0, s26  }
0x156: {  	[tilespmem:s24], [sflag:$0x1] =	stream.linear.gather [hbm4b:s25+s2], $0x80, $0x38;
	[tilespmem:$0x8400] =	vst v63  }
0x157: {  	s30 =	rddreg [dreg:$0x1e];
	s29 =	sadd.s32 s4, s22  }
0x158: {  	[tilespmem:s28], [sflag:$0x1] =	stream.linear.gather [hbm4b:s29+s2], $0x80, $0x38;
	[tilespmem:$0x8400] =	vst v63  }
0x159: {  	s31 =	rddreg [dreg:$0x1f];
	s21 =	sadd.s32 s5, s21;
	s26 =	spop (v2sf);
	(v2sf) =	vpush v1, $0x9  }
0x15a: {  	[tilespmem:s30], [sflag:$0x1] =	stream.linear.gather [hbm4b:s21+s2], $0x80, $0x38;
	[tilespmem:$0x8400] =	vst v63  }
0x15b: {  	s24 =	sld [smem:$0x71A];
	s21 =	sand.u32 $0x1FFFFFF0, s23;
	s23 =	spop (v2sf);
	(v2sf) =	vpush v51, $0x9  }
0x15c: {  	s22 =	sadd.s32 s6, s22;
	s28 =	sld [smem:$0x71B]  }
0x15d: {  	[tilespmem:s31], [sflag:$0x1] =	stream.linear.gather [hbm4b:s22+s2], $0x80, $0x38;
	[tilespmem:$0x8400] =	vst v63  }
0x15e: {  	s25 =	sadd.s32 s3, s21;
	s22 =	sand.u32 $0x1FFFFFF0, s26;
	s26 =	spop (v2sf);
	(v2sf) =	vpush v1, $0xA  }
0x15f: {  	[tilespmem:s24], [sflag:$0x1] =	stream.linear.gather [hbm4b:s25+s2], $0x80, $0x38;
	[tilespmem:$0x8400] =	vst v63  }
0x160: {  	s30 =	sld [smem:$0x71C];
	s29 =	sadd.s32 s4, s22  }
0x161: {  	[tilespmem:s28], [sflag:$0x1] =	stream.linear.gather [hbm4b:s29+s2], $0x80, $0x38;
	[tilespmem:$0x8400] =	vst v63  }
0x162: {  	s21 =	sadd.s32 s5, s21;
	s31 =	sld [smem:$0x71D]  }
0x163: {  	[tilespmem:s30], [sflag:$0x1] =	stream.linear.gather [hbm4b:s21+s2], $0x80, $0x38;
	[tilespmem:$0x8400] =	vst v63  }
0x164: {  	s24 =	sld [smem:$0x71E];
	s22 =	sadd.s32 s6, s22;
	s21 =	sand.u32 $0x1FFFFFF0, s23  }
0x165: {  	[tilespmem:s31], [sflag:$0x1] =	stream.linear.gather [hbm4b:s22+s2], $0x80, $0x38;
	[tilespmem:$0x8400] =	vst v63  }
0x166: {  	s28 =	sld [smem:$0x71F];
	s25 =	sadd.s32 s3, s21;
	s22 =	sand.u32 $0x1FFFFFF0, s26  }
0x167: {  	[tilespmem:s24], [sflag:$0x1] =	stream.linear.gather [hbm4b:s25+s2], $0x80, $0x38;
	[tilespmem:$0x8400] =	vst v63  }
0x168: {  	s30 =	sld [smem:$0x720];
	s29 =	sadd.s32 s4, s22;
	s23 =	spop (v2sf);
	(v2sf) =	vpush v51, $0xA  }
0x169: {  	[tilespmem:s28], [sflag:$0x1] =	stream.linear.gather [hbm4b:s29+s2], $0x80, $0x38;
	[tilespmem:$0x8400] =	vst v63  }
0x16a: {  	s26 =	spop (v2sf);
	(v2sf) =	vpush v1, $0xB  }
0x16b: {  	s21 =	sadd.s32 s5, s21  }
0x16c: {  	[tilespmem:s30], [sflag:$0x1] =	stream.linear.gather [hbm4b:s21+s2], $0x80, $0x38;
	[tilespmem:$0x8400] =	vst v63  }
0x16d: {  	s31 =	sld [smem:$0x721];
	s21 =	sand.u32 $0x1FFFFFF0, s23;
	s23 =	spop (v2sf);
	(v2sf) =	vpush v51, $0xB  }
0x16e: {  	_ = 	snop  }
0x16f: {  	s22 =	sadd.s32 s6, s22;
	s24 =	sld [smem:$0x722]  }
0x170: {  	[tilespmem:s31], [sflag:$0x1] =	stream.linear.gather [hbm4b:s22+s2], $0x80, $0x38;
	[tilespmem:$0x8400] =	vst v63  }
0x171: {  	s28 =	sld [smem:$0x723];
	s25 =	sadd.s32 s3, s21;
	s22 =	sand.u32 $0x1FFFFFF0, s26  }
0x172: {  	[tilespmem:s24], [sflag:$0x1] =	stream.linear.gather [hbm4b:s25+s2], $0x80, $0x38;
	[tilespmem:$0x8400] =	vst v63  }
0x173: {  	s30 =	sld [smem:$0x724];
	s29 =	sadd.s32 s4, s22  }
0x174: {  	[tilespmem:s28], [sflag:$0x1] =	stream.linear.gather [hbm4b:s29+s2], $0x80, $0x38;
	[tilespmem:$0x8400] =	vst v63  }
0x175: {  	s31 =	sld [smem:$0x725];
	s21 =	sadd.s32 s5, s21;
	s22 =	sadd.s32 s6, s22  }
0x176: {  	[tilespmem:s30], [sflag:$0x1] =	stream.linear.gather [hbm4b:s21+s2], $0x80, $0x38;
	[tilespmem:$0x8400] =	vst v63  }
0x177: {  	s24 =	sld [smem:$0x726];
	s21 =	sand.u32 $0x1FFFFFF0, s23;
	s26 =	spop (v2sf);
	(v2sf) =	vpush v1, $0xC  }
0x178: {  	[tilespmem:s31], [sflag:$0x1] =	stream.linear.gather [hbm4b:s22+s2], $0x80, $0x38;
	[tilespmem:$0x8400] =	vst v63  }
0x179: {  	s28 =	sld [smem:$0x727];
	s25 =	sadd.s32 s3, s21;
	s23 =	spop (v2sf);
	(v2sf) =	vpush v51, $0xC  }
0x17a: {  	[tilespmem:s24], [sflag:$0x1] =	stream.linear.gather [hbm4b:s25+s2], $0x80, $0x38;
	[tilespmem:$0x8400] =	vst v63  }
0x17b: {  	s22 =	sand.u32 $0x1FFFFFF0, s26  }
0x17c: {  	s30 =	sld [smem:$0x728];
	s29 =	sadd.s32 s4, s22;
	s26 =	spop (v2sf);
	(v2sf) =	vpush v1, $0xD  }
0x17d: {  	[tilespmem:s28], [sflag:$0x1] =	stream.linear.gather [hbm4b:s29+s2], $0x80, $0x38;
	[tilespmem:$0x8400] =	vst v63  }
0x17e: {  	s21 =	sadd.s32 s5, s21;
	s31 =	sld [smem:$0x729]  }
0x17f: {  	[tilespmem:s30], [sflag:$0x1] =	stream.linear.gather [hbm4b:s21+s2], $0x80, $0x38;
	[tilespmem:$0x8400] =	vst v63  }
0x180: {  	s24 =	sld [smem:$0x72A];
	s22 =	sadd.s32 s6, s22;
	s21 =	sand.u32 $0x1FFFFFF0, s23  }
0x181: {  	[tilespmem:s31], [sflag:$0x1] =	stream.linear.gather [hbm4b:s22+s2], $0x80, $0x38;
	[tilespmem:$0x8400] =	vst v63  }
0x182: {  	s28 =	sld [smem:$0x72B];
	s25 =	sadd.s32 s3, s21;
	s22 =	sand.u32 $0x1FFFFFF0, s26  }
0x183: {  	[tilespmem:s24], [sflag:$0x1] =	stream.linear.gather [hbm4b:s25+s2], $0x80, $0x38;
	[tilespmem:$0x8400] =	vst v63  }
0x184: {  	s30 =	sld [smem:$0x72C];
	s29 =	sadd.s32 s4, s22  }
0x185: {  	[tilespmem:s28], [sflag:$0x1] =	stream.linear.gather [hbm4b:s29+s2], $0x80, $0x38;
	[tilespmem:$0x8400] =	vst v63  }
0x186: {  	s21 =	sadd.s32 s5, s21;
	s31 =	sld [smem:$0x72D];
	s23 =	spop (v2sf);
	(v2sf) =	vpush v51, $0xD  }
0x187: {  	[tilespmem:s30], [sflag:$0x1] =	stream.linear.gather [hbm4b:s21+s2], $0x80, $0x38;
	[tilespmem:$0x8400] =	vst v63  }
0x188: {  	s22 =	sadd.s32 s6, s22;
	s24 =	sld [smem:$0x72E];
	s26 =	spop (v2sf);
	(v2sf) =	vpush v1, $0xE  }
0x189: {  	[tilespmem:s31], [sflag:$0x1] =	stream.linear.gather [hbm4b:s22+s2], $0x80, $0x38;
	[tilespmem:$0x8400] =	vst v63  }
0x18a: {  	s28 =	sld [smem:$0x72F];
	s21 =	sand.u32 $0x1FFFFFF0, s23  }
0x18b: {  	s25 =	sadd.s32 s3, s21;
	s22 =	sand.u32 $0x1FFFFFF0, s26;
	s23 =	spop (v2sf)  }
0x18c: {  	(v2sf) =	vpush v51, $0xE;
	[tilespmem:s24], [sflag:$0x1] =	stream.linear.gather [hbm4b:s25+s2], $0x80, $0x38;
	[tilespmem:$0x8400] =	vst v63  }
0x18d: {  	s30 =	sld [smem:$0x730];
	s29 =	sadd.s32 s4, s22  }
0x18e: {  	[tilespmem:s28], [sflag:$0x1] =	stream.linear.gather [hbm4b:s29+s2], $0x80, $0x38;
	[tilespmem:$0x8400] =	vst v63  }
0x18f: {  	s31 =	sld [smem:$0x731];
	s21 =	sadd.s32 s5, s21  }
0x190: {  	[tilespmem:s30], [sflag:$0x1] =	stream.linear.gather [hbm4b:s21+s2], $0x80, $0x38;
	[tilespmem:$0x8400] =	vst v63  }
0x191: {  	s22 =	sadd.s32 s6, s22;
	s24 =	sld [smem:$0x732];
	s21 =	sand.u32 $0x1FFFFFF0, s23  }
0x192: {  	[tilespmem:s31], [sflag:$0x1] =	stream.linear.gather [hbm4b:s22+s2], $0x80, $0x38;
	[tilespmem:$0x8400] =	vst v63  }
0x193: {  	s25 =	sadd.s32 s3, s21  }
0x194: {  	[tilespmem:s24], [sflag:$0x1] =	stream.linear.gather [hbm4b:s25+s2], $0x80, $0x38;
	[tilespmem:$0x8400] =	vst v63  }
0x195: {  	s28 =	sld [smem:$0x733];
	s26 =	spop (v2sf)  }
0x196: {  	s30 =	sld [smem:$0x734];
	(v2sf) =	vpush v1, $0xF;
	s22 =	sand.u32 $0x1FFFFFF0, s26  }
0x197: {  	s31 =	sld [smem:$0x735];
	s23 =	spop (v2sf);
	(v2sf) =	vpush v51, $0xF;
	s29 =	sadd.s32 s4, s22  }
0x198: {  	[tilespmem:s28], [sflag:$0x1] =	stream.linear.gather [hbm4b:s29+s2], $0x80, $0x38;
	[tilespmem:$0x8400] =	vst v63  }
0x199: {  	s21 =	sadd.s32 s5, s21;
	s24 =	sld [smem:$0x736]  }
0x19a: {  	[tilespmem:s30], [sflag:$0x1] =	stream.linear.gather [hbm4b:s21+s2], $0x80, $0x38;
	[tilespmem:$0x8400] =	vst v63  }
0x19b: {  	s22 =	sadd.s32 s6, s22;
	s26 =	spop (v2sf);
	s21 =	sand.u32 $0x1FFFFFF0, s23  }
0x19c: {  	[tilespmem:s31], [sflag:$0x1] =	stream.linear.gather [hbm4b:s22+s2], $0x80, $0x38;
	[tilespmem:$0x8400] =	vst v63  }
0x19d: {  	s28 =	sld [smem:$0x737];
	s25 =	sadd.s32 s3, s21;
	s22 =	sand.u32 $0x1FFFFFF0, s26  }
0x19e: {  	[tilespmem:s24], [sflag:$0x1] =	stream.linear.gather [hbm4b:s25+s2], $0x80, $0x38;
	[tilespmem:$0x8400] =	vst v63  }
0x19f: {  	s30 =	sld [smem:$0x738];
	s29 =	sadd.s32 s4, s22  }
0x1a0: {  	[tilespmem:s28], [sflag:$0x1] =	stream.linear.gather [hbm4b:s29+s2], $0x80, $0x38;
	[tilespmem:$0x8400] =	vst v63  }
0x1a1: {  	s21 =	sadd.s32 s5, s21;
	s31 =	sld [smem:$0x739]  }
0x1a2: {  	[tilespmem:s30], [sflag:$0x1] =	stream.linear.gather [hbm4b:s21+s2], $0x80, $0x38;
	[tilespmem:$0x8400] =	vst v63  }
0x1a3: {  	s22 =	sadd.s32 s6, s22  }
0x1a4: {  	[tilespmem:s31], [sflag:$0x1] =	stream.linear.gather [hbm4b:s22+s2], $0x80, $0x38;
	[tilespmem:$0x8400] =	vst v63  }
0x1a5: {  	s24 =	sld [smem:$0x73A];
	s23 =	spop (v2sf)  }
0x1a6: {  	s21 =	sand.u32 $0x1FFFFFF0, s23;
	s26 =	spop (v2sf)  }
0x1a7: {  	s28 =	sld [smem:$0x73B];
	s25 =	sadd.s32 s3, s21;
	s22 =	sand.u32 $0x1FFFFFF0, s26  }
0x1a8: {  	[tilespmem:s24], [sflag:$0x1] =	stream.linear.gather [hbm4b:s25+s2], $0x80, $0x38;
	[tilespmem:$0x8400] =	vst v63  }
0x1a9: {  	s30 =	sld [smem:$0x73C];
	s29 =	sadd.s32 s4, s22  }
0x1aa: {  	[tilespmem:s28], [sflag:$0x1] =	stream.linear.gather [hbm4b:s29+s2], $0x80, $0x38;
	[tilespmem:$0x8400] =	vst v63  }
0x1ab: {  	s31 =	sld [smem:$0x73D];
	s21 =	sadd.s32 s5, s21  }
0x1ac: {  	[tilespmem:s30], [sflag:$0x1] =	stream.linear.gather [hbm4b:s21+s2], $0x80, $0x38;
	[tilespmem:$0x8400] =	vst v63  }
0x1ad: {  	s22 =	sadd.s32 s6, s22  }
0x1ae: {  	[tilespmem:s31], [sflag:$0x1] =	stream.linear.gather [hbm4b:s22+s2], $0x80, $0x38;
	[tilespmem:$0x8400] =	vst v63  }
0x1af: {  	v52 =	vld [tilespmem:s19+$0xFFFFFFF0];
	_ =	sdelay $0x3  }
0x1b0: {  	v53 =	vld [tilespmem:s18+$0xFFFFFFF0]  }
0x1b1: {  	v54 =	vshll.u32 v52, $0x4  }
0x1b2: {  	(v2sf) =	vpush v54, $0x0;
	_ =	sdelay $0x2  }
0x1b3: {  	v55 =	vshll.u32 v53, $0x4  }
0x1b4: {  	(v2sf) =	vpush v55, $0x0  }
0x1b5: {  	(v2sf) =	vpush v54, $0x1;
	_ =	sdelay $0x9  }
0x1b6: {  	s23 =	spop (v2sf);
	(v2sf) =	vpush v55, $0x1;
	_ =	sdelay $0x3  }
0x1b7: {  	s26 =	spop (v2sf);
	(v2sf) =	vpush v54, $0x2  }
0x1b8: {  	s21 =	sand.u32 $0x1FFFFFF0, s23;
	s23 =	spop (v2sf);
	(v2sf) =	vpush v55, $0x2;
	_ =	sdelay $0x3  }
0x1b9: {  	s24 =	sld [smem:$0x73E];
	_ =	sdelay $0x1  }
0x1ba: {  	s28 =	sld [smem:$0x73F];
	s25 =	sadd.s32 s3, s21;
	s22 =	sand.u32 $0x1FFFFFF0, s26  }
0x1bb: {  	[tilespmem:s24], [sflag:$0x1] =	stream.linear.gather [hbm4b:s25+s2], $0x80, $0x38;
	[tilespmem:$0x8400] =	vst v63  }
0x1bc: {  	s30 =	sld [smem:$0x740];
	s29 =	sadd.s32 s4, s22  }
0x1bd: {  	[tilespmem:s28], [sflag:$0x1] =	stream.linear.gather [hbm4b:s29+s2], $0x80, $0x38;
	[tilespmem:$0x8400] =	vst v63  }
0x1be: {  	s31 =	sld [smem:$0x741];
	s21 =	sadd.s32 s5, s21;
	s26 =	spop (v2sf);
	(v2sf) =	vpush v54, $0x3  }
0x1bf: {  	[tilespmem:s30], [sflag:$0x1] =	stream.linear.gather [hbm4b:s21+s2], $0x80, $0x38;
	[tilespmem:$0x8400] =	vst v63  }
0x1c0: {  	s22 =	sadd.s32 s6, s22;
	s24 =	sld [smem:$0x742]  }
0x1c1: {  	[tilespmem:s31], [sflag:$0x1] =	stream.linear.gather [hbm4b:s22+s2], $0x80, $0x38;
	[tilespmem:$0x8400] =	vst v63  }
0x1c2: {  	s28 =	sld [smem:$0x743];
	s21 =	sand.u32 $0x1FFFFFF0, s23;
	s23 =	spop (v2sf);
	(v2sf) =	vpush v55, $0x3  }
0x1c3: {  	s25 =	sadd.s32 s3, s21;
	s22 =	sand.u32 $0x1FFFFFF0, s26;
	s26 =	spop (v2sf);
	(v2sf) =	vpush v54, $0x4  }
0x1c4: {  	[tilespmem:s24], [sflag:$0x1] =	stream.linear.gather [hbm4b:s25+s2], $0x80, $0x38;
	[tilespmem:$0x8400] =	vst v63  }
0x1c5: {  	s30 =	sld [smem:$0x744];
	s29 =	sadd.s32 s4, s22  }
0x1c6: {  	[tilespmem:s28], [sflag:$0x1] =	stream.linear.gather [hbm4b:s29+s2], $0x80, $0x38;
	[tilespmem:$0x8400] =	vst v63  }
0x1c7: {  	s21 =	sadd.s32 s5, s21;
	s31 =	sld [smem:$0x745]  }
0x1c8: {  	[tilespmem:s30], [sflag:$0x1] =	stream.linear.gather [hbm4b:s21+s2], $0x80, $0x38;
	[tilespmem:$0x8400] =	vst v63  }
0x1c9: {  	s24 =	sld [smem:$0x746];
	s22 =	sadd.s32 s6, s22;
	s21 =	sand.u32 $0x1FFFFFF0, s23  }
0x1ca: {  	[tilespmem:s31], [sflag:$0x1] =	stream.linear.gather [hbm4b:s22+s2], $0x80, $0x38;
	[tilespmem:$0x8400] =	vst v63  }
0x1cb: {  	s28 =	sld [smem:$0x747];
	s25 =	sadd.s32 s3, s21;
	s22 =	sand.u32 $0x1FFFFFF0, s26  }
0x1cc: {  	[tilespmem:s24], [sflag:$0x1] =	stream.linear.gather [hbm4b:s25+s2], $0x80, $0x38;
	[tilespmem:$0x8400] =	vst v63  }
0x1cd: {  	s30 =	sld [smem:$0x748];
	s29 =	sadd.s32 s4, s22;
	s23 =	spop (v2sf);
	(v2sf) =	vpush v55, $0x4  }
0x1ce: {  	[tilespmem:s28], [sflag:$0x1] =	stream.linear.gather [hbm4b:s29+s2], $0x80, $0x38;
	[tilespmem:$0x8400] =	vst v63  }
0x1cf: {  	s21 =	sadd.s32 s5, s21  }
0x1d0: {  	[tilespmem:s30], [sflag:$0x1] =	stream.linear.gather [hbm4b:s21+s2], $0x80, $0x38;
	[tilespmem:$0x8400] =	vst v63  }
0x1d1: {  	s26 =	spop (v2sf);
	(v2sf) =	vpush v54, $0x5  }
0x1d2: {  	s31 =	sld [smem:$0x749];
	s21 =	sand.u32 $0x1FFFFFF0, s23;
	s23 =	spop (v2sf);
	(v2sf) =	vpush v55, $0x5  }
0x1d3: {  	_ = 	snop  }
0x1d4: {  	s22 =	sadd.s32 s6, s22;
	s24 =	sld [smem:$0x74A]  }
0x1d5: {  	[tilespmem:s31], [sflag:$0x1] =	stream.linear.gather [hbm4b:s22+s2], $0x80, $0x38;
	[tilespmem:$0x8400] =	vst v63  }
0x1d6: {  	s28 =	sld [smem:$0x74B];
	s25 =	sadd.s32 s3, s21;
	s22 =	sand.u32 $0x1FFFFFF0, s26  }
0x1d7: {  	[tilespmem:s24], [sflag:$0x1] =	stream.linear.gather [hbm4b:s25+s2], $0x80, $0x38;
	[tilespmem:$0x8400] =	vst v63  }
0x1d8: {  	s30 =	sld [smem:$0x74C];
	s29 =	sadd.s32 s4, s22  }
0x1d9: {  	[tilespmem:s28], [sflag:$0x1] =	stream.linear.gather [hbm4b:s29+s2], $0x80, $0x38;
	[tilespmem:$0x8400] =	vst v63  }
0x1da: {  	s31 =	sld [smem:$0x74D];
	s21 =	sadd.s32 s5, s21;
	s22 =	sadd.s32 s6, s22  }
0x1db: {  	[tilespmem:s30], [sflag:$0x1] =	stream.linear.gather [hbm4b:s21+s2], $0x80, $0x38;
	[tilespmem:$0x8400] =	vst v63  }
0x1dc: {  	s24 =	sld [smem:$0x74E];
	s21 =	sand.u32 $0x1FFFFFF0, s23;
	s26 =	spop (v2sf);
	(v2sf) =	vpush v54, $0x6  }
0x1dd: {  	[tilespmem:s31], [sflag:$0x1] =	stream.linear.gather [hbm4b:s22+s2], $0x80, $0x38;
	[tilespmem:$0x8400] =	vst v63  }
0x1de: {  	s28 =	sld [smem:$0x74F];
	s25 =	sadd.s32 s3, s21  }
0x1df: {  	[tilespmem:s24], [sflag:$0x1] =	stream.linear.gather [hbm4b:s25+s2], $0x80, $0x38;
	[tilespmem:$0x8400] =	vst v63  }
0x1e0: {  	s22 =	sand.u32 $0x1FFFFFF0, s26;
	s23 =	spop (v2sf);
	(v2sf) =	vpush v55, $0x6  }
0x1e1: {  	s30 =	sld [smem:$0x750];
	s29 =	sadd.s32 s4, s22;
	s26 =	spop (v2sf);
	(v2sf) =	vpush v54, $0x7  }
0x1e2: {  	[tilespmem:s28], [sflag:$0x1] =	stream.linear.gather [hbm4b:s29+s2], $0x80, $0x38;
	[tilespmem:$0x8400] =	vst v63  }
0x1e3: {  	s21 =	sadd.s32 s5, s21;
	s31 =	sld [smem:$0x751]  }
0x1e4: {  	[tilespmem:s30], [sflag:$0x1] =	stream.linear.gather [hbm4b:s21+s2], $0x80, $0x38;
	[tilespmem:$0x8400] =	vst v63  }
0x1e5: {  	s24 =	sld [smem:$0x752];
	s22 =	sadd.s32 s6, s22;
	s21 =	sand.u32 $0x1FFFFFF0, s23  }
0x1e6: {  	[tilespmem:s31], [sflag:$0x1] =	stream.linear.gather [hbm4b:s22+s2], $0x80, $0x38;
	[tilespmem:$0x8400] =	vst v63  }
0x1e7: {  	s28 =	sld [smem:$0x753];
	s25 =	sadd.s32 s3, s21;
	s22 =	sand.u32 $0x1FFFFFF0, s26  }
0x1e8: {  	[tilespmem:s24], [sflag:$0x1] =	stream.linear.gather [hbm4b:s25+s2], $0x80, $0x38;
	[tilespmem:$0x8400] =	vst v63  }
0x1e9: {  	s30 =	sld [smem:$0x754];
	s29 =	sadd.s32 s4, s22  }
0x1ea: {  	[tilespmem:s28], [sflag:$0x1] =	stream.linear.gather [hbm4b:s29+s2], $0x80, $0x38;
	[tilespmem:$0x8400] =	vst v63  }
0x1eb: {  	s21 =	sadd.s32 s5, s21;
	s31 =	sld [smem:$0x755];
	s23 =	spop (v2sf);
	(v2sf) =	vpush v55, $0x7  }
0x1ec: {  	[tilespmem:s30], [sflag:$0x1] =	stream.linear.gather [hbm4b:s21+s2], $0x80, $0x38;
	[tilespmem:$0x8400] =	vst v63  }
0x1ed: {  	s22 =	sadd.s32 s6, s22;
	s24 =	sld [smem:$0x756]  }
0x1ee: {  	[tilespmem:s31], [sflag:$0x1] =	stream.linear.gather [hbm4b:s22+s2], $0x80, $0x38;
	[tilespmem:$0x8400] =	vst v63  }
0x1ef: {  	s28 =	sld [smem:$0x757];
	s21 =	sand.u32 $0x1FFFFFF0, s23;
	s26 =	spop (v2sf);
	(v2sf) =	vpush v54, $0x8  }
0x1f0: {  	s25 =	sadd.s32 s3, s21;
	s22 =	sand.u32 $0x1FFFFFF0, s26;
	s23 =	spop (v2sf)  }
0x1f1: {  	(v2sf) =	vpush v55, $0x8;
	[tilespmem:s24], [sflag:$0x1] =	stream.linear.gather [hbm4b:s25+s2], $0x80, $0x38;
	[tilespmem:$0x8400] =	vst v63  }
0x1f2: {  	s30 =	sld [smem:$0x758];
	s29 =	sadd.s32 s4, s22  }
0x1f3: {  	[tilespmem:s28], [sflag:$0x1] =	stream.linear.gather [hbm4b:s29+s2], $0x80, $0x38;
	[tilespmem:$0x8400] =	vst v63  }
0x1f4: {  	s31 =	sld [smem:$0x759];
	s21 =	sadd.s32 s5, s21  }
0x1f5: {  	[tilespmem:s30], [sflag:$0x1] =	stream.linear.gather [hbm4b:s21+s2], $0x80, $0x38;
	[tilespmem:$0x8400] =	vst v63  }
0x1f6: {  	s22 =	sadd.s32 s6, s22;
	s24 =	sld [smem:$0x75A];
	s21 =	sand.u32 $0x1FFFFFF0, s23  }
0x1f7: {  	[tilespmem:s31], [sflag:$0x1] =	stream.linear.gather [hbm4b:s22+s2], $0x80, $0x38;
	[tilespmem:$0x8400] =	vst v63  }
0x1f8: {  	s25 =	sadd.s32 s3, s21  }
0x1f9: {  	[tilespmem:s24], [sflag:$0x1] =	stream.linear.gather [hbm4b:s25+s2], $0x80, $0x38;
	[tilespmem:$0x8400] =	vst v63  }
0x1fa: {  	s28 =	sld [smem:$0x75B];
	s26 =	spop (v2sf)  }
0x1fb: {  	s30 =	sld [smem:$0x75C];
	s22 =	sand.u32 $0x1FFFFFF0, s26  }
0x1fc: {  	s31 =	sld [smem:$0x75D];
	s29 =	sadd.s32 s4, s22  }
0x1fd: {  	[tilespmem:s28], [sflag:$0x1] =	stream.linear.gather [hbm4b:s29+s2], $0x80, $0x38;
	[tilespmem:$0x8400] =	vst v63  }
0x1fe: {  	s21 =	sadd.s32 s5, s21;
	s25 =	sld [smem:$0x75E];
	s24 =	spop (v2sf)  }
0x1ff: {  	[tilespmem:s30], [sflag:$0x1] =	stream.linear.gather [hbm4b:s21+s2], $0x80, $0x38;
	[tilespmem:$0x8400] =	vst v63  }
0x200: {  	s22 =	sadd.s32 s6, s22;
	s28 =	spop (v2sf);
	s21 =	sand.u32 $0x1FFFFFF0, s24  }
0x201: {  	[tilespmem:s31], [sflag:$0x1] =	stream.linear.gather [hbm4b:s22+s2], $0x80, $0x38;
	[tilespmem:$0x8400] =	vst v63  }
0x202: {  	s29 =	sld [smem:$0x75F];
	s26 =	sadd.s32 s3, s21;
	s22 =	sand.u32 $0x1FFFFFF0, s28  }
0x203: {  	[tilespmem:s25], [sflag:$0x1] =	stream.linear.gather [hbm4b:s26+s2], $0x80, $0x38;
	[tilespmem:$0x8400] =	vst v63  }
0x204: {  	s30 =	sadd.s32 s4, s22  }
0x205: {  	[tilespmem:s29], [sflag:$0x1] =	stream.linear.gather [hbm4b:s30+s2], $0x80, $0x38;
	[tilespmem:$0x8400] =	vst v63  }
0x206: {  	s23 =	sld [smem:$0x760];
	(v2sf) =	vpush v54, $0x9;
	_ =	sdelay $0x1  }
0x207: {  	(v2sf) =	vpush v55, $0x9;
	_ =	sdelay $0x2  }
0x208: {  	(v2sf) =	vpush v54, $0xA;
	_ =	sdelay $0x7  }
0x209: {  	s21 =	sadd.s32 s5, s21  }
0x20a: {  	[tilespmem:s23], [sflag:$0x1] =	stream.linear.gather [hbm4b:s21+s2], $0x80, $0x38;
	[tilespmem:$0x8400] =	vst v63  }
0x20b: {  	s23 =	spop (v2sf);
	(v2sf) =	vpush v55, $0xA;
	_ =	sdelay $0x1  }
0x20c: {  	s26 =	spop (v2sf);
	(v2sf) =	vpush v54, $0xB;
	_ =	sdelay $0x2  }
0x20d: {  	s31 =	sld [smem:$0x761];
	s21 =	sand.u32 $0x1FFFFFF0, s23;
	s23 =	spop (v2sf);
	(v2sf) =	vpush v55, $0xB  }
0x20e: {  	_ = 	snop  }
0x20f: {  	s22 =	sadd.s32 s6, s22;
	s24 =	sld [smem:$0x762]  }
0x210: {  	[tilespmem:s31], [sflag:$0x1] =	stream.linear.gather [hbm4b:s22+s2], $0x80, $0x38;
	[tilespmem:$0x8400] =	vst v63  }
0x211: {  	s28 =	sld [smem:$0x763];
	s25 =	sadd.s32 s3, s21;
	s22 =	sand.u32 $0x1FFFFFF0, s26  }
0x212: {  	[tilespmem:s24], [sflag:$0x1] =	stream.linear.gather [hbm4b:s25+s2], $0x80, $0x38;
	[tilespmem:$0x8400] =	vst v63  }
0x213: {  	s30 =	sld [smem:$0x764];
	s29 =	sadd.s32 s4, s22  }
0x214: {  	[tilespmem:s28], [sflag:$0x1] =	stream.linear.gather [hbm4b:s29+s2], $0x80, $0x38;
	[tilespmem:$0x8400] =	vst v63  }
0x215: {  	s31 =	sld [smem:$0x765];
	s21 =	sadd.s32 s5, s21;
	s22 =	sadd.s32 s6, s22  }
0x216: {  	[tilespmem:s30], [sflag:$0x1] =	stream.linear.gather [hbm4b:s21+s2], $0x80, $0x38;
	[tilespmem:$0x8400] =	vst v63  }
0x217: {  	s24 =	sld [smem:$0x766];
	s21 =	sand.u32 $0x1FFFFFF0, s23;
	s26 =	spop (v2sf);
	(v2sf) =	vpush v54, $0xC  }
0x218: {  	[tilespmem:s31], [sflag:$0x1] =	stream.linear.gather [hbm4b:s22+s2], $0x80, $0x38;
	[tilespmem:$0x8400] =	vst v63  }
0x219: {  	s28 =	sld [smem:$0x767];
	s25 =	sadd.s32 s3, s21;
	s23 =	spop (v2sf);
	(v2sf) =	vpush v55, $0xC  }
0x21a: {  	[tilespmem:s24], [sflag:$0x1] =	stream.linear.gather [hbm4b:s25+s2], $0x80, $0x38;
	[tilespmem:$0x8400] =	vst v63  }
0x21b: {  	s22 =	sand.u32 $0x1FFFFFF0, s26  }
0x21c: {  	s30 =	sld [smem:$0x768];
	s29 =	sadd.s32 s4, s22;
	s26 =	spop (v2sf);
	(v2sf) =	vpush v54, $0xD  }
0x21d: {  	[tilespmem:s28], [sflag:$0x1] =	stream.linear.gather [hbm4b:s29+s2], $0x80, $0x38;
	[tilespmem:$0x8400] =	vst v63  }
0x21e: {  	s21 =	sadd.s32 s5, s21;
	s31 =	sld [smem:$0x769]  }
0x21f: {  	[tilespmem:s30], [sflag:$0x1] =	stream.linear.gather [hbm4b:s21+s2], $0x80, $0x38;
	[tilespmem:$0x8400] =	vst v63  }
0x220: {  	s24 =	sld [smem:$0x76A];
	s22 =	sadd.s32 s6, s22;
	s21 =	sand.u32 $0x1FFFFFF0, s23  }
0x221: {  	[tilespmem:s31], [sflag:$0x1] =	stream.linear.gather [hbm4b:s22+s2], $0x80, $0x38;
	[tilespmem:$0x8400] =	vst v63  }
0x222: {  	s28 =	sld [smem:$0x76B];
	s25 =	sadd.s32 s3, s21;
	s22 =	sand.u32 $0x1FFFFFF0, s26  }
0x223: {  	[tilespmem:s24], [sflag:$0x1] =	stream.linear.gather [hbm4b:s25+s2], $0x80, $0x38;
	[tilespmem:$0x8400] =	vst v63  }
0x224: {  	s30 =	sld [smem:$0x76C];
	s29 =	sadd.s32 s4, s22  }
0x225: {  	[tilespmem:s28], [sflag:$0x1] =	stream.linear.gather [hbm4b:s29+s2], $0x80, $0x38;
	[tilespmem:$0x8400] =	vst v63  }
0x226: {  	s21 =	sadd.s32 s5, s21;
	s31 =	sld [smem:$0x76D];
	s23 =	spop (v2sf);
	(v2sf) =	vpush v55, $0xD  }
0x227: {  	[tilespmem:s30], [sflag:$0x1] =	stream.linear.gather [hbm4b:s21+s2], $0x80, $0x38;
	[tilespmem:$0x8400] =	vst v63  }
0x228: {  	s22 =	sadd.s32 s6, s22;
	s24 =	sld [smem:$0x76E];
	s26 =	spop (v2sf);
	(v2sf) =	vpush v54, $0xE  }
0x229: {  	[tilespmem:s31], [sflag:$0x1] =	stream.linear.gather [hbm4b:s22+s2], $0x80, $0x38;
	[tilespmem:$0x8400] =	vst v63  }
0x22a: {  	s28 =	sld [smem:$0x76F];
	s21 =	sand.u32 $0x1FFFFFF0, s23  }
0x22b: {  	s25 =	sadd.s32 s3, s21;
	s22 =	sand.u32 $0x1FFFFFF0, s26;
	s23 =	spop (v2sf)  }
0x22c: {  	(v2sf) =	vpush v55, $0xE;
	[tilespmem:s24], [sflag:$0x1] =	stream.linear.gather [hbm4b:s25+s2], $0x80, $0x38;
	[tilespmem:$0x8400] =	vst v63  }
0x22d: {  	s30 =	sld [smem:$0x770];
	s29 =	sadd.s32 s4, s22  }
0x22e: {  	[tilespmem:s28], [sflag:$0x1] =	stream.linear.gather [hbm4b:s29+s2], $0x80, $0x38;
	[tilespmem:$0x8400] =	vst v63  }
0x22f: {  	s31 =	sld [smem:$0x771];
	s21 =	sadd.s32 s5, s21  }
0x230: {  	[tilespmem:s30], [sflag:$0x1] =	stream.linear.gather [hbm4b:s21+s2], $0x80, $0x38;
	[tilespmem:$0x8400] =	vst v63  }
0x231: {  	s22 =	sadd.s32 s6, s22;
	s24 =	sld [smem:$0x772];
	s21 =	sand.u32 $0x1FFFFFF0, s23  }
0x232: {  	[tilespmem:s31], [sflag:$0x1] =	stream.linear.gather [hbm4b:s22+s2], $0x80, $0x38;
	[tilespmem:$0x8400] =	vst v63  }
0x233: {  	s25 =	sadd.s32 s3, s21  }
0x234: {  	[tilespmem:s24], [sflag:$0x1] =	stream.linear.gather [hbm4b:s25+s2], $0x80, $0x38;
	[tilespmem:$0x8400] =	vst v63  }
0x235: {  	s28 =	sld [smem:$0x773];
	s26 =	spop (v2sf)  }
0x236: {  	s30 =	sld [smem:$0x774];
	(v2sf) =	vpush v54, $0xF;
	s22 =	sand.u32 $0x1FFFFFF0, s26  }
0x237: {  	s31 =	sld [smem:$0x775];
	s23 =	spop (v2sf);
	(v2sf) =	vpush v55, $0xF;
	s29 =	sadd.s32 s4, s22  }
0x238: {  	[tilespmem:s28], [sflag:$0x1] =	stream.linear.gather [hbm4b:s29+s2], $0x80, $0x38;
	[tilespmem:$0x8400] =	vst v63  }
0x239: {  	s21 =	sadd.s32 s5, s21;
	s24 =	sld [smem:$0x776]  }
0x23a: {  	[tilespmem:s30], [sflag:$0x1] =	stream.linear.gather [hbm4b:s21+s2], $0x80, $0x38;
	[tilespmem:$0x8400] =	vst v63  }
0x23b: {  	s22 =	sadd.s32 s6, s22;
	s26 =	spop (v2sf);
	s21 =	sand.u32 $0x1FFFFFF0, s23  }
0x23c: {  	[tilespmem:s31], [sflag:$0x1] =	stream.linear.gather [hbm4b:s22+s2], $0x80, $0x38;
	[tilespmem:$0x8400] =	vst v63  }
0x23d: {  	s28 =	sld [smem:$0x777];
	s25 =	sadd.s32 s3, s21;
	s22 =	sand.u32 $0x1FFFFFF0, s26  }
0x23e: {  	[tilespmem:s24], [sflag:$0x1] =	stream.linear.gather [hbm4b:s25+s2], $0x80, $0x38;
	[tilespmem:$0x8400] =	vst v63  }
0x23f: {  	s30 =	sld [smem:$0x778];
	s29 =	sadd.s32 s4, s22  }
0x240: {  	[tilespmem:s28], [sflag:$0x1] =	stream.linear.gather [hbm4b:s29+s2], $0x80, $0x38;
	[tilespmem:$0x8400] =	vst v63  }
0x241: {  	s21 =	sadd.s32 s5, s21;
	s31 =	sld [smem:$0x779]  }
0x242: {  	[tilespmem:s30], [sflag:$0x1] =	stream.linear.gather [hbm4b:s21+s2], $0x80, $0x38;
	[tilespmem:$0x8400] =	vst v63  }
0x243: {  	s22 =	sadd.s32 s6, s22  }
0x244: {  	[tilespmem:s31], [sflag:$0x1] =	stream.linear.gather [hbm4b:s22+s2], $0x80, $0x38;
	[tilespmem:$0x8400] =	vst v63  }
0x245: {  	s24 =	sld [smem:$0x77A];
	s23 =	spop (v2sf)  }
0x246: {  	s21 =	sand.u32 $0x1FFFFFF0, s23;
	s26 =	spop (v2sf)  }
0x247: {  	s28 =	sld [smem:$0x77B];
	s25 =	sadd.s32 s3, s21;
	s22 =	sand.u32 $0x1FFFFFF0, s26  }
0x248: {  	[tilespmem:s24], [sflag:$0x1] =	stream.linear.gather [hbm4b:s25+s2], $0x80, $0x38;
	[tilespmem:$0x8400] =	vst v63  }
0x249: {  	s30 =	sld [smem:$0x77C];
	s29 =	sadd.s32 s4, s22  }
0x24a: {  	[tilespmem:s28], [sflag:$0x1] =	stream.linear.gather [hbm4b:s29+s2], $0x80, $0x38;
	[tilespmem:$0x8400] =	vst v63  }
0x24b: {  	s31 =	sld [smem:$0x77D];
	s21 =	sadd.s32 s5, s21  }
0x24c: {  	[tilespmem:s30], [sflag:$0x1] =	stream.linear.gather [hbm4b:s21+s2], $0x80, $0x38;
	[tilespmem:$0x8400] =	vst v63  }
0x24d: {  	s22 =	sadd.s32 s6, s22  }
0x24e: {  	[tilespmem:s31], [sflag:$0x1] =	stream.linear.gather [hbm4b:s22+s2], $0x80, $0x38;
	[tilespmem:$0x8400] =	vst v63  }
0x24f: {  	v56 =	vld [tilespmem:s19+$0x0];
	_ =	sdelay $0x1  }
0x250: {  	v57 =	vld [tilespmem:s18+$0x0];
	_ =	sdelay $0x2  }
0x251: {  	v58 =	vshll.u32 v56, $0x4  }
0x252: {  	(v2sf) =	vpush v58, $0x0  }
0x253: {  	v59 =	vshll.u32 v57, $0x4  }
0x254: {  	(v2sf) =	vpush v59, $0x0;
	_ =	sdelay $0x2  }
0x255: {  	(v2sf) =	vpush v58, $0x1;
	_ =	sdelay $0x9  }
0x256: {  	s23 =	spop (v2sf);
	(v2sf) =	vpush v59, $0x1;
	_ =	sdelay $0x1  }
0x257: {  	s26 =	spop (v2sf);
	(v2sf) =	vpush v58, $0x2;
	_ =	sdelay $0x2  }
0x258: {  	s21 =	sand.u32 $0x1FFFFFF0, s23;
	s23 =	spop (v2sf);
	(v2sf) =	vpush v59, $0x2;
	_ =	sdelay $0x3  }
0x259: {  	s24 =	sld [smem:$0x77E];
	_ =	sdelay $0x1  }
0x25a: {  	s28 =	sld [smem:$0x77F];
	s25 =	sadd.s32 s3, s21;
	s22 =	sand.u32 $0x1FFFFFF0, s26  }
0x25b: {  	[tilespmem:s24], [sflag:$0x1] =	stream.linear.gather [hbm4b:s25+s2], $0x80, $0x38;
	[tilespmem:$0x8400] =	vst v63  }
0x25c: {  	s30 =	sld [smem:$0x780];
	s29 =	sadd.s32 s4, s22  }
0x25d: {  	[tilespmem:s28], [sflag:$0x1] =	stream.linear.gather [hbm4b:s29+s2], $0x80, $0x38;
	[tilespmem:$0x8400] =	vst v63  }
0x25e: {  	s31 =	sld [smem:$0x781];
	s21 =	sadd.s32 s5, s21;
	s26 =	spop (v2sf);
	(v2sf) =	vpush v58, $0x3  }
0x25f: {  	[tilespmem:s30], [sflag:$0x1] =	stream.linear.gather [hbm4b:s21+s2], $0x80, $0x38;
	[tilespmem:$0x8400] =	vst v63  }
0x260: {  	s24 =	sld [smem:$0x782];
	s21 =	sand.u32 $0x1FFFFFF0, s23;
	s23 =	spop (v2sf);
	(v2sf) =	vpush v59, $0x3  }
0x261: {  	s22 =	sadd.s32 s6, s22;
	s28 =	sld [smem:$0x783]  }
0x262: {  	[tilespmem:s31], [sflag:$0x1] =	stream.linear.gather [hbm4b:s22+s2], $0x80, $0x38;
	[tilespmem:$0x8400] =	vst v63  }
0x263: {  	s25 =	sadd.s32 s3, s21;
	s22 =	sand.u32 $0x1FFFFFF0, s26;
	s26 =	spop (v2sf);
	(v2sf) =	vpush v58, $0x4  }
0x264: {  	[tilespmem:s24], [sflag:$0x1] =	stream.linear.gather [hbm4b:s25+s2], $0x80, $0x38;
	[tilespmem:$0x8400] =	vst v63  }
0x265: {  	s30 =	sld [smem:$0x784];
	s29 =	sadd.s32 s4, s22  }
0x266: {  	[tilespmem:s28], [sflag:$0x1] =	stream.linear.gather [hbm4b:s29+s2], $0x80, $0x38;
	[tilespmem:$0x8400] =	vst v63  }
0x267: {  	s21 =	sadd.s32 s5, s21;
	s31 =	sld [smem:$0x785]  }
0x268: {  	[tilespmem:s30], [sflag:$0x1] =	stream.linear.gather [hbm4b:s21+s2], $0x80, $0x38;
	[tilespmem:$0x8400] =	vst v63  }
0x269: {  	s24 =	sld [smem:$0x786];
	s22 =	sadd.s32 s6, s22;
	s21 =	sand.u32 $0x1FFFFFF0, s23  }
0x26a: {  	[tilespmem:s31], [sflag:$0x1] =	stream.linear.gather [hbm4b:s22+s2], $0x80, $0x38;
	[tilespmem:$0x8400] =	vst v63  }
0x26b: {  	s28 =	sld [smem:$0x787];
	s25 =	sadd.s32 s3, s21;
	s22 =	sand.u32 $0x1FFFFFF0, s26  }
0x26c: {  	[tilespmem:s24], [sflag:$0x1] =	stream.linear.gather [hbm4b:s25+s2], $0x80, $0x38;
	[tilespmem:$0x8400] =	vst v63  }
0x26d: {  	s30 =	sld [smem:$0x788];
	s29 =	sadd.s32 s4, s22;
	s23 =	spop (v2sf);
	(v2sf) =	vpush v59, $0x4  }
0x26e: {  	[tilespmem:s28], [sflag:$0x1] =	stream.linear.gather [hbm4b:s29+s2], $0x80, $0x38;
	[tilespmem:$0x8400] =	vst v63  }
0x26f: {  	s26 =	spop (v2sf);
	(v2sf) =	vpush v58, $0x5  }
0x270: {  	s21 =	sadd.s32 s5, s21  }
0x271: {  	[tilespmem:s30], [sflag:$0x1] =	stream.linear.gather [hbm4b:s21+s2], $0x80, $0x38;
	[tilespmem:$0x8400] =	vst v63  }
0x272: {  	s21 =	sand.u32 $0x1FFFFFF0, s23;
	s23 =	spop (v2sf);
	(v2sf) =	vpush v59, $0x5;
	_ =	sdelay $0x1  }
0x273: {  	s31 =	sld [smem:$0x789];
	_ =	sdelay $0x1  }
0x274: {  	s22 =	sadd.s32 s6, s22;
	s24 =	sld [smem:$0x78A]  }
0x275: {  	[tilespmem:s31], [sflag:$0x1] =	stream.linear.gather [hbm4b:s22+s2], $0x80, $0x38;
	[tilespmem:$0x8400] =	vst v63  }
0x276: {  	s28 =	sld [smem:$0x78B];
	s25 =	sadd.s32 s3, s21;
	s22 =	sand.u32 $0x1FFFFFF0, s26  }
0x277: {  	[tilespmem:s24], [sflag:$0x1] =	stream.linear.gather [hbm4b:s25+s2], $0x80, $0x38;
	[tilespmem:$0x8400] =	vst v63  }
0x278: {  	s30 =	sld [smem:$0x78C];
	s29 =	sadd.s32 s4, s22  }
0x279: {  	[tilespmem:s28], [sflag:$0x1] =	stream.linear.gather [hbm4b:s29+s2], $0x80, $0x38;
	[tilespmem:$0x8400] =	vst v63  }
0x27a: {  	s31 =	sld [smem:$0x78D];
	s21 =	sadd.s32 s5, s21;
	s26 =	spop (v2sf);
	(v2sf) =	vpush v58, $0x6  }
0x27b: {  	[tilespmem:s30], [sflag:$0x1] =	stream.linear.gather [hbm4b:s21+s2], $0x80, $0x38;
	[tilespmem:$0x8400] =	vst v63  }
0x27c: {  	s24 =	sld [smem:$0x78E];
	s21 =	sand.u32 $0x1FFFFFF0, s23;
	s23 =	spop (v2sf);
	(v2sf) =	vpush v59, $0x6  }
0x27d: {  	s22 =	sadd.s32 s6, s22;
	s28 =	sld [smem:$0x78F]  }
0x27e: {  	[tilespmem:s31], [sflag:$0x1] =	stream.linear.gather [hbm4b:s22+s2], $0x80, $0x38;
	[tilespmem:$0x8400] =	vst v63  }
0x27f: {  	s25 =	sadd.s32 s3, s21;
	s22 =	sand.u32 $0x1FFFFFF0, s26;
	s26 =	spop (v2sf);
	(v2sf) =	vpush v58, $0x7  }
0x280: {  	[tilespmem:s24], [sflag:$0x1] =	stream.linear.gather [hbm4b:s25+s2], $0x80, $0x38;
	[tilespmem:$0x8400] =	vst v63  }
0x281: {  	s30 =	sld [smem:$0x790];
	s29 =	sadd.s32 s4, s22  }
0x282: {  	[tilespmem:s28], [sflag:$0x1] =	stream.linear.gather [hbm4b:s29+s2], $0x80, $0x38;
	[tilespmem:$0x8400] =	vst v63  }
0x283: {  	s21 =	sadd.s32 s5, s21;
	s31 =	sld [smem:$0x791]  }
0x284: {  	[tilespmem:s30], [sflag:$0x1] =	stream.linear.gather [hbm4b:s21+s2], $0x80, $0x38;
	[tilespmem:$0x8400] =	vst v63  }
0x285: {  	s24 =	sld [smem:$0x792];
	s22 =	sadd.s32 s6, s22;
	s21 =	sand.u32 $0x1FFFFFF0, s23  }
0x286: {  	[tilespmem:s31], [sflag:$0x1] =	stream.linear.gather [hbm4b:s22+s2], $0x80, $0x38;
	[tilespmem:$0x8400] =	vst v63  }
0x287: {  	s28 =	sld [smem:$0x793];
	s25 =	sadd.s32 s3, s21;
	s22 =	sand.u32 $0x1FFFFFF0, s26  }
0x288: {  	[tilespmem:s24], [sflag:$0x1] =	stream.linear.gather [hbm4b:s25+s2], $0x80, $0x38;
	[tilespmem:$0x8400] =	vst v63  }
0x289: {  	s30 =	sld [smem:$0x794];
	s29 =	sadd.s32 s4, s22;
	s23 =	spop (v2sf);
	(v2sf) =	vpush v59, $0x7  }
0x28a: {  	[tilespmem:s28], [sflag:$0x1] =	stream.linear.gather [hbm4b:s29+s2], $0x80, $0x38;
	[tilespmem:$0x8400] =	vst v63  }
0x28b: {  	s26 =	spop (v2sf);
	(v2sf) =	vpush v58, $0x8  }
0x28c: {  	s21 =	sadd.s32 s5, s21  }
0x28d: {  	[tilespmem:s30], [sflag:$0x1] =	stream.linear.gather [hbm4b:s21+s2], $0x80, $0x38;
	[tilespmem:$0x8400] =	vst v63  }
0x28e: {  	s21 =	sand.u32 $0x1FFFFFF0, s23;
	s23 =	spop (v2sf);
	(v2sf) =	vpush v59, $0x8;
	_ =	sdelay $0x1  }
0x28f: {  	s31 =	sld [smem:$0x795];
	_ =	sdelay $0x1  }
0x290: {  	s22 =	sadd.s32 s6, s22;
	s24 =	sld [smem:$0x796]  }
0x291: {  	[tilespmem:s31], [sflag:$0x1] =	stream.linear.gather [hbm4b:s22+s2], $0x80, $0x38;
	[tilespmem:$0x8400] =	vst v63  }
0x292: {  	s28 =	sld [smem:$0x797];
	s25 =	sadd.s32 s3, s21;
	s22 =	sand.u32 $0x1FFFFFF0, s26  }
0x293: {  	[tilespmem:s24], [sflag:$0x1] =	stream.linear.gather [hbm4b:s25+s2], $0x80, $0x38;
	[tilespmem:$0x8400] =	vst v63  }
0x294: {  	s30 =	sld [smem:$0x798];
	s29 =	sadd.s32 s4, s22  }
0x295: {  	[tilespmem:s28], [sflag:$0x1] =	stream.linear.gather [hbm4b:s29+s2], $0x80, $0x38;
	[tilespmem:$0x8400] =	vst v63  }
0x296: {  	s31 =	sld [smem:$0x799];
	s21 =	sadd.s32 s5, s21;
	s26 =	spop (v2sf);
	(v2sf) =	vpush v58, $0x9  }
0x297: {  	[tilespmem:s30], [sflag:$0x1] =	stream.linear.gather [hbm4b:s21+s2], $0x80, $0x38;
	[tilespmem:$0x8400] =	vst v63  }
0x298: {  	s24 =	sld [smem:$0x79A];
	s21 =	sand.u32 $0x1FFFFFF0, s23;
	s23 =	spop (v2sf);
	(v2sf) =	vpush v59, $0x9  }
0x299: {  	s22 =	sadd.s32 s6, s22;
	s28 =	sld [smem:$0x79B]  }
0x29a: {  	[tilespmem:s31], [sflag:$0x1] =	stream.linear.gather [hbm4b:s22+s2], $0x80, $0x38;
	[tilespmem:$0x8400] =	vst v63  }
0x29b: {  	s25 =	sadd.s32 s3, s21;
	s22 =	sand.u32 $0x1FFFFFF0, s26;
	s26 =	spop (v2sf);
	(v2sf) =	vpush v58, $0xA  }
0x29c: {  	[tilespmem:s24], [sflag:$0x1] =	stream.linear.gather [hbm4b:s25+s2], $0x80, $0x38;
	[tilespmem:$0x8400] =	vst v63  }
0x29d: {  	s30 =	sld [smem:$0x79C];
	s29 =	sadd.s32 s4, s22  }
0x29e: {  	[tilespmem:s28], [sflag:$0x1] =	stream.linear.gather [hbm4b:s29+s2], $0x80, $0x38;
	[tilespmem:$0x8400] =	vst v63  }
0x29f: {  	s21 =	sadd.s32 s5, s21;
	s31 =	sld [smem:$0x79D]  }
0x2a0: {  	[tilespmem:s30], [sflag:$0x1] =	stream.linear.gather [hbm4b:s21+s2], $0x80, $0x38;
	[tilespmem:$0x8400] =	vst v63  }
0x2a1: {  	s24 =	sld [smem:$0x79E];
	s22 =	sadd.s32 s6, s22;
	s21 =	sand.u32 $0x1FFFFFF0, s23  }
0x2a2: {  	[tilespmem:s31], [sflag:$0x1] =	stream.linear.gather [hbm4b:s22+s2], $0x80, $0x38;
	[tilespmem:$0x8400] =	vst v63  }
0x2a3: {  	s28 =	sld [smem:$0x79F];
	s25 =	sadd.s32 s3, s21;
	s22 =	sand.u32 $0x1FFFFFF0, s26  }
0x2a4: {  	[tilespmem:s24], [sflag:$0x1] =	stream.linear.gather [hbm4b:s25+s2], $0x80, $0x38;
	[tilespmem:$0x8400] =	vst v63  }
0x2a5: {  	s30 =	sld [smem:$0x7A0];
	s29 =	sadd.s32 s4, s22;
	s23 =	spop (v2sf);
	(v2sf) =	vpush v59, $0xA  }
0x2a6: {  	[tilespmem:s28], [sflag:$0x1] =	stream.linear.gather [hbm4b:s29+s2], $0x80, $0x38;
	[tilespmem:$0x8400] =	vst v63  }
0x2a7: {  	s26 =	spop (v2sf);
	(v2sf) =	vpush v58, $0xB  }
0x2a8: {  	s21 =	sadd.s32 s5, s21  }
0x2a9: {  	[tilespmem:s30], [sflag:$0x1] =	stream.linear.gather [hbm4b:s21+s2], $0x80, $0x38;
	[tilespmem:$0x8400] =	vst v63  }
0x2aa: {  	s31 =	sld [smem:$0x7A1];
	s21 =	sand.u32 $0x1FFFFFF0, s23;
	s23 =	spop (v2sf);
	(v2sf) =	vpush v59, $0xB  }
0x2ab: {  	_ = 	snop  }
0x2ac: {  	s22 =	sadd.s32 s6, s22;
	s24 =	sld [smem:$0x7A2]  }
0x2ad: {  	[tilespmem:s31], [sflag:$0x1] =	stream.linear.gather [hbm4b:s22+s2], $0x80, $0x38;
	[tilespmem:$0x8400] =	vst v63  }
0x2ae: {  	s28 =	sld [smem:$0x7A3];
	s25 =	sadd.s32 s3, s21;
	s22 =	sand.u32 $0x1FFFFFF0, s26  }
0x2af: {  	[tilespmem:s24], [sflag:$0x1] =	stream.linear.gather [hbm4b:s25+s2], $0x80, $0x38;
	[tilespmem:$0x8400] =	vst v63  }
0x2b0: {  	s30 =	sld [smem:$0x7A4];
	s29 =	sadd.s32 s4, s22  }
0x2b1: {  	[tilespmem:s28], [sflag:$0x1] =	stream.linear.gather [hbm4b:s29+s2], $0x80, $0x38;
	[tilespmem:$0x8400] =	vst v63  }
0x2b2: {  	s31 =	sld [smem:$0x7A5];
	s21 =	sadd.s32 s5, s21;
	s22 =	sadd.s32 s6, s22  }
0x2b3: {  	[tilespmem:s30], [sflag:$0x1] =	stream.linear.gather [hbm4b:s21+s2], $0x80, $0x38;
	[tilespmem:$0x8400] =	vst v63  }
0x2b4: {  	s24 =	sld [smem:$0x7A6];
	s21 =	sand.u32 $0x1FFFFFF0, s23;
	s26 =	spop (v2sf);
	(v2sf) =	vpush v58, $0xC  }
0x2b5: {  	[tilespmem:s31], [sflag:$0x1] =	stream.linear.gather [hbm4b:s22+s2], $0x80, $0x38;
	[tilespmem:$0x8400] =	vst v63  }
0x2b6: {  	s28 =	sld [smem:$0x7A7];
	s25 =	sadd.s32 s3, s21;
	s23 =	spop (v2sf);
	(v2sf) =	vpush v59, $0xC  }
0x2b7: {  	[tilespmem:s24], [sflag:$0x1] =	stream.linear.gather [hbm4b:s25+s2], $0x80, $0x38;
	[tilespmem:$0x8400] =	vst v63  }
0x2b8: {  	s22 =	sand.u32 $0x1FFFFFF0, s26  }
0x2b9: {  	s30 =	sld [smem:$0x7A8];
	s29 =	sadd.s32 s4, s22;
	s26 =	spop (v2sf);
	(v2sf) =	vpush v58, $0xD  }
0x2ba: {  	[tilespmem:s28], [sflag:$0x1] =	stream.linear.gather [hbm4b:s29+s2], $0x80, $0x38;
	[tilespmem:$0x8400] =	vst v63  }
0x2bb: {  	s21 =	sadd.s32 s5, s21;
	s31 =	sld [smem:$0x7A9]  }
0x2bc: {  	[tilespmem:s30], [sflag:$0x1] =	stream.linear.gather [hbm4b:s21+s2], $0x80, $0x38;
	[tilespmem:$0x8400] =	vst v63  }
0x2bd: {  	s24 =	sld [smem:$0x7AA];
	s22 =	sadd.s32 s6, s22;
	s21 =	sand.u32 $0x1FFFFFF0, s23  }
0x2be: {  	[tilespmem:s31], [sflag:$0x1] =	stream.linear.gather [hbm4b:s22+s2], $0x80, $0x38;
	[tilespmem:$0x8400] =	vst v63  }
0x2bf: {  	s28 =	sld [smem:$0x7AB];
	s25 =	sadd.s32 s3, s21;
	s22 =	sand.u32 $0x1FFFFFF0, s26  }
0x2c0: {  	[tilespmem:s24], [sflag:$0x1] =	stream.linear.gather [hbm4b:s25+s2], $0x80, $0x38;
	[tilespmem:$0x8400] =	vst v63  }
0x2c1: {  	s30 =	sld [smem:$0x7AC];
	s29 =	sadd.s32 s4, s22  }
0x2c2: {  	[tilespmem:s28], [sflag:$0x1] =	stream.linear.gather [hbm4b:s29+s2], $0x80, $0x38;
	[tilespmem:$0x8400] =	vst v63  }
0x2c3: {  	s21 =	sadd.s32 s5, s21;
	s31 =	sld [smem:$0x7AD];
	s23 =	spop (v2sf);
	(v2sf) =	vpush v59, $0xD  }
0x2c4: {  	[tilespmem:s30], [sflag:$0x1] =	stream.linear.gather [hbm4b:s21+s2], $0x80, $0x38;
	[tilespmem:$0x8400] =	vst v63  }
0x2c5: {  	s22 =	sadd.s32 s6, s22;
	s24 =	sld [smem:$0x7AE];
	s26 =	spop (v2sf);
	(v2sf) =	vpush v58, $0xE  }
0x2c6: {  	[tilespmem:s31], [sflag:$0x1] =	stream.linear.gather [hbm4b:s22+s2], $0x80, $0x38;
	[tilespmem:$0x8400] =	vst v63  }
0x2c7: {  	s28 =	sld [smem:$0x7AF];
	s21 =	sand.u32 $0x1FFFFFF0, s23  }
0x2c8: {  	s25 =	sadd.s32 s3, s21;
	s22 =	sand.u32 $0x1FFFFFF0, s26;
	s23 =	spop (v2sf)  }
0x2c9: {  	(v2sf) =	vpush v59, $0xE;
	[tilespmem:s24], [sflag:$0x1] =	stream.linear.gather [hbm4b:s25+s2], $0x80, $0x38;
	[tilespmem:$0x8400] =	vst v63  }
0x2ca: {  	s30 =	sld [smem:$0x7B0];
	s29 =	sadd.s32 s4, s22  }
0x2cb: {  	[tilespmem:s28], [sflag:$0x1] =	stream.linear.gather [hbm4b:s29+s2], $0x80, $0x38;
	[tilespmem:$0x8400] =	vst v63  }
0x2cc: {  	s31 =	sld [smem:$0x7B1];
	s21 =	sadd.s32 s5, s21  }
0x2cd: {  	[tilespmem:s30], [sflag:$0x1] =	stream.linear.gather [hbm4b:s21+s2], $0x80, $0x38;
	[tilespmem:$0x8400] =	vst v63  }
0x2ce: {  	s22 =	sadd.s32 s6, s22;
	s24 =	sld [smem:$0x7B2];
	s21 =	sand.u32 $0x1FFFFFF0, s23  }
0x2cf: {  	[tilespmem:s31], [sflag:$0x1] =	stream.linear.gather [hbm4b:s22+s2], $0x80, $0x38;
	[tilespmem:$0x8400] =	vst v63  }
0x2d0: {  	s25 =	sadd.s32 s3, s21  }
0x2d1: {  	[tilespmem:s24], [sflag:$0x1] =	stream.linear.gather [hbm4b:s25+s2], $0x80, $0x38;
	[tilespmem:$0x8400] =	vst v63  }
0x2d2: {  	s28 =	sld [smem:$0x7B3];
	s26 =	spop (v2sf)  }
0x2d3: {  	s30 =	sld [smem:$0x7B4];
	(v2sf) =	vpush v58, $0xF;
	s22 =	sand.u32 $0x1FFFFFF0, s26  }
0x2d4: {  	s31 =	sld [smem:$0x7B5];
	s23 =	spop (v2sf);
	(v2sf) =	vpush v59, $0xF;
	s29 =	sadd.s32 s4, s22  }
0x2d5: {  	[tilespmem:s28], [sflag:$0x1] =	stream.linear.gather [hbm4b:s29+s2], $0x80, $0x38;
	[tilespmem:$0x8400] =	vst v63  }
0x2d6: {  	s21 =	sadd.s32 s5, s21;
	s24 =	sld [smem:$0x7B6]  }
0x2d7: {  	[tilespmem:s30], [sflag:$0x1] =	stream.linear.gather [hbm4b:s21+s2], $0x80, $0x38;
	[tilespmem:$0x8400] =	vst v63  }
0x2d8: {  	s22 =	sadd.s32 s6, s22;
	s26 =	spop (v2sf);
	s21 =	sand.u32 $0x1FFFFFF0, s23  }
0x2d9: {  	[tilespmem:s31], [sflag:$0x1] =	stream.linear.gather [hbm4b:s22+s2], $0x80, $0x38;
	[tilespmem:$0x8400] =	vst v63  }
0x2da: {  	s28 =	sld [smem:$0x7B7];
	s25 =	sadd.s32 s3, s21;
	s22 =	sand.u32 $0x1FFFFFF0, s26  }
0x2db: {  	[tilespmem:s24], [sflag:$0x1] =	stream.linear.gather [hbm4b:s25+s2], $0x80, $0x38;
	[tilespmem:$0x8400] =	vst v63  }
0x2dc: {  	s30 =	sld [smem:$0x7B8];
	s29 =	sadd.s32 s4, s22  }
0x2dd: {  	[tilespmem:s28], [sflag:$0x1] =	stream.linear.gather [hbm4b:s29+s2], $0x80, $0x38;
	[tilespmem:$0x8400] =	vst v63  }
0x2de: {  	s21 =	sadd.s32 s5, s21;
	s31 =	sld [smem:$0x7B9]  }
0x2df: {  	[tilespmem:s30], [sflag:$0x1] =	stream.linear.gather [hbm4b:s21+s2], $0x80, $0x38;
	[tilespmem:$0x8400] =	vst v63  }
0x2e0: {  	s22 =	sadd.s32 s6, s22  }
0x2e1: {  	[tilespmem:s31], [sflag:$0x1] =	stream.linear.gather [hbm4b:s22+s2], $0x80, $0x38;
	[tilespmem:$0x8400] =	vst v63  }
0x2e2: {  	s24 =	sld [smem:$0x7BA];
	s23 =	spop (v2sf)  }
0x2e3: {  	s21 =	sand.u32 $0x1FFFFFF0, s23;
	s26 =	spop (v2sf)  }
0x2e4: {  	s28 =	sld [smem:$0x7BB];
	s25 =	sadd.s32 s3, s21;
	s22 =	sand.u32 $0x1FFFFFF0, s26  }
0x2e5: {  	[tilespmem:s24], [sflag:$0x1] =	stream.linear.gather [hbm4b:s25+s2], $0x80, $0x38;
	[tilespmem:$0x8400] =	vst v63  }
0x2e6: {  	s30 =	sld [smem:$0x7BC];
	s29 =	sadd.s32 s4, s22  }
0x2e7: {  	[tilespmem:s28], [sflag:$0x1] =	stream.linear.gather [hbm4b:s29+s2], $0x80, $0x38;
	[tilespmem:$0x8400] =	vst v63  }
0x2e8: {  	s31 =	sld [smem:$0x7BD];
	s21 =	sadd.s32 s5, s21  }
0x2e9: {  	[tilespmem:s30], [sflag:$0x1] =	stream.linear.gather [hbm4b:s21+s2], $0x80, $0x38;
	[tilespmem:$0x8400] =	vst v63  }
0x2ea: {  	s22 =	sadd.s32 s6, s22  }
0x2eb: {  	[tilespmem:s31], [sflag:$0x1] =	stream.linear.gather [hbm4b:s22+s2], $0x80, $0x38;
	[tilespmem:$0x8400] =	vst v63  }
0x2ec: {  	v60 =	vld [tilespmem:s19+$0x10];
	_ =	sdelay $0x1  }
0x2ed: {  	v61 =	vld [tilespmem:s18+$0x10];
	_ =	sdelay $0x2  }
0x2ee: {  	v62 =	vshll.u32 v60, $0x4  }
0x2ef: {  	(v2sf) =	vpush v62, $0x0  }
0x2f0: {  	v63 =	vshll.u32 v61, $0x4  }
0x2f1: {  	(v2sf) =	vpush v63, $0x0;
	_ =	sdelay $0x2  }
0x2f2: {  	(v2sf) =	vpush v62, $0x1;
	_ =	sdelay $0x9  }
0x2f3: {  	s23 =	spop (v2sf);
	(v2sf) =	vpush v63, $0x1;
	_ =	sdelay $0x1  }
0x2f4: {  	s26 =	spop (v2sf);
	(v2sf) =	vpush v62, $0x2;
	_ =	sdelay $0x2  }
0x2f5: {  	s21 =	sand.u32 $0x1FFFFFF0, s23;
	s23 =	spop (v2sf);
	(v2sf) =	vpush v63, $0x2;
	_ =	sdelay $0x3  }
0x2f6: {  	s24 =	sld [smem:$0x7BE];
	_ =	sdelay $0x1  }
0x2f7: {  	s28 =	sld [smem:$0x7BF];
	s25 =	sadd.s32 s3, s21;
	s22 =	sand.u32 $0x1FFFFFF0, s26  }
0x2f8: {  	[tilespmem:s24], [sflag:$0x1] =	stream.linear.gather [hbm4b:s25+s2], $0x80, $0x38;
	[tilespmem:$0x8400] =	vst v63  }
0x2f9: {  	s30 =	sld [smem:$0x7C0];
	s29 =	sadd.s32 s4, s22  }
0x2fa: {  	[tilespmem:s28], [sflag:$0x1] =	stream.linear.gather [hbm4b:s29+s2], $0x80, $0x38;
	[tilespmem:$0x8400] =	vst v63  }
0x2fb: {  	s31 =	sld [smem:$0x7C1];
	s21 =	sadd.s32 s5, s21;
	s26 =	spop (v2sf);
	(v2sf) =	vpush v62, $0x3  }
0x2fc: {  	[tilespmem:s30], [sflag:$0x1] =	stream.linear.gather [hbm4b:s21+s2], $0x80, $0x38;
	[tilespmem:$0x8400] =	vst v63  }
0x2fd: {  	s24 =	sld [smem:$0x7C2];
	s21 =	sand.u32 $0x1FFFFFF0, s23;
	s23 =	spop (v2sf);
	(v2sf) =	vpush v63, $0x3  }
0x2fe: {  	s22 =	sadd.s32 s6, s22;
	s28 =	sld [smem:$0x7C3]  }
0x2ff: {  	[tilespmem:s31], [sflag:$0x1] =	stream.linear.gather [hbm4b:s22+s2], $0x80, $0x38;
	[tilespmem:$0x8400] =	vst v63  }
0x300: {  	s25 =	sadd.s32 s3, s21;
	s22 =	sand.u32 $0x1FFFFFF0, s26;
	s26 =	spop (v2sf);
	(v2sf) =	vpush v62, $0x4  }
0x301: {  	[tilespmem:s24], [sflag:$0x1] =	stream.linear.gather [hbm4b:s25+s2], $0x80, $0x38;
	[tilespmem:$0x8400] =	vst v63  }
0x302: {  	s30 =	sld [smem:$0x7C4];
	s29 =	sadd.s32 s4, s22  }
0x303: {  	[tilespmem:s28], [sflag:$0x1] =	stream.linear.gather [hbm4b:s29+s2], $0x80, $0x38;
	[tilespmem:$0x8400] =	vst v63  }
0x304: {  	s21 =	sadd.s32 s5, s21;
	s31 =	sld [smem:$0x7C5]  }
0x305: {  	[tilespmem:s30], [sflag:$0x1] =	stream.linear.gather [hbm4b:s21+s2], $0x80, $0x38;
	[tilespmem:$0x8400] =	vst v63  }
0x306: {  	s24 =	sld [smem:$0x7C6];
	s22 =	sadd.s32 s6, s22;
	s21 =	sand.u32 $0x1FFFFFF0, s23  }
0x307: {  	[tilespmem:s31], [sflag:$0x1] =	stream.linear.gather [hbm4b:s22+s2], $0x80, $0x38;
	[tilespmem:$0x8400] =	vst v63  }
0x308: {  	s28 =	sld [smem:$0x7C7];
	s25 =	sadd.s32 s3, s21;
	s22 =	sand.u32 $0x1FFFFFF0, s26  }
0x309: {  	[tilespmem:s24], [sflag:$0x1] =	stream.linear.gather [hbm4b:s25+s2], $0x80, $0x38;
	[tilespmem:$0x8400] =	vst v63  }
0x30a: {  	s30 =	sld [smem:$0x7C8];
	s29 =	sadd.s32 s4, s22;
	s23 =	spop (v2sf);
	(v2sf) =	vpush v63, $0x4  }
0x30b: {  	[tilespmem:s28], [sflag:$0x1] =	stream.linear.gather [hbm4b:s29+s2], $0x80, $0x38;
	[tilespmem:$0x8400] =	vst v63  }
0x30c: {  	s26 =	spop (v2sf);
	(v2sf) =	vpush v62, $0x5  }
0x30d: {  	s21 =	sadd.s32 s5, s21  }
0x30e: {  	[tilespmem:s30], [sflag:$0x1] =	stream.linear.gather [hbm4b:s21+s2], $0x80, $0x38;
	[tilespmem:$0x8400] =	vst v63  }
0x30f: {  	s21 =	sand.u32 $0x1FFFFFF0, s23;
	s23 =	spop (v2sf);
	(v2sf) =	vpush v63, $0x5;
	_ =	sdelay $0x1  }
0x310: {  	s31 =	sld [smem:$0x7C9];
	_ =	sdelay $0x1  }
0x311: {  	s22 =	sadd.s32 s6, s22;
	s24 =	sld [smem:$0x7CA]  }
0x312: {  	[tilespmem:s31], [sflag:$0x1] =	stream.linear.gather [hbm4b:s22+s2], $0x80, $0x38;
	[tilespmem:$0x8400] =	vst v63  }
0x313: {  	s28 =	sld [smem:$0x7CB];
	s25 =	sadd.s32 s3, s21;
	s22 =	sand.u32 $0x1FFFFFF0, s26  }
0x314: {  	[tilespmem:s24], [sflag:$0x1] =	stream.linear.gather [hbm4b:s25+s2], $0x80, $0x38;
	[tilespmem:$0x8400] =	vst v63  }
0x315: {  	s30 =	sld [smem:$0x7CC];
	s29 =	sadd.s32 s4, s22  }
0x316: {  	[tilespmem:s28], [sflag:$0x1] =	stream.linear.gather [hbm4b:s29+s2], $0x80, $0x38;
	[tilespmem:$0x8400] =	vst v63  }
0x317: {  	s31 =	sld [smem:$0x7CD];
	s21 =	sadd.s32 s5, s21;
	s26 =	spop (v2sf);
	(v2sf) =	vpush v62, $0x6  }
0x318: {  	[tilespmem:s30], [sflag:$0x1] =	stream.linear.gather [hbm4b:s21+s2], $0x80, $0x38;
	[tilespmem:$0x8400] =	vst v63  }
0x319: {  	s24 =	sld [smem:$0x7CE];
	s21 =	sand.u32 $0x1FFFFFF0, s23;
	s23 =	spop (v2sf);
	(v2sf) =	vpush v63, $0x6  }
0x31a: {  	s22 =	sadd.s32 s6, s22;
	s28 =	sld [smem:$0x7CF]  }
0x31b: {  	[tilespmem:s31], [sflag:$0x1] =	stream.linear.gather [hbm4b:s22+s2], $0x80, $0x38;
	[tilespmem:$0x8400] =	vst v63  }
0x31c: {  	s25 =	sadd.s32 s3, s21;
	s22 =	sand.u32 $0x1FFFFFF0, s26;
	s26 =	spop (v2sf);
	(v2sf) =	vpush v62, $0x7  }
0x31d: {  	[tilespmem:s24], [sflag:$0x1] =	stream.linear.gather [hbm4b:s25+s2], $0x80, $0x38;
	[tilespmem:$0x8400] =	vst v63  }
0x31e: {  	s30 =	sld [smem:$0x7D0];
	s29 =	sadd.s32 s4, s22  }
0x31f: {  	[tilespmem:s28], [sflag:$0x1] =	stream.linear.gather [hbm4b:s29+s2], $0x80, $0x38;
	[tilespmem:$0x8400] =	vst v63  }
0x320: {  	s21 =	sadd.s32 s5, s21;
	s31 =	sld [smem:$0x7D1]  }
0x321: {  	[tilespmem:s30], [sflag:$0x1] =	stream.linear.gather [hbm4b:s21+s2], $0x80, $0x38;
	[tilespmem:$0x8400] =	vst v63  }
0x322: {  	s24 =	sld [smem:$0x7D2];
	s22 =	sadd.s32 s6, s22;
	s21 =	sand.u32 $0x1FFFFFF0, s23  }
0x323: {  	[tilespmem:s31], [sflag:$0x1] =	stream.linear.gather [hbm4b:s22+s2], $0x80, $0x38;
	[tilespmem:$0x8400] =	vst v63  }
0x324: {  	s28 =	sld [smem:$0x7D3];
	s25 =	sadd.s32 s3, s21;
	s22 =	sand.u32 $0x1FFFFFF0, s26  }
0x325: {  	[tilespmem:s24], [sflag:$0x1] =	stream.linear.gather [hbm4b:s25+s2], $0x80, $0x38;
	[tilespmem:$0x8400] =	vst v63  }
0x326: {  	s30 =	sld [smem:$0x7D4];
	s29 =	sadd.s32 s4, s22;
	s23 =	spop (v2sf);
	(v2sf) =	vpush v63, $0x7  }
0x327: {  	[tilespmem:s28], [sflag:$0x1] =	stream.linear.gather [hbm4b:s29+s2], $0x80, $0x38;
	[tilespmem:$0x8400] =	vst v63  }
0x328: {  	s26 =	spop (v2sf);
	(v2sf) =	vpush v62, $0x8  }
0x329: {  	s21 =	sadd.s32 s5, s21  }
0x32a: {  	[tilespmem:s30], [sflag:$0x1] =	stream.linear.gather [hbm4b:s21+s2], $0x80, $0x38;
	[tilespmem:$0x8400] =	vst v63  }
0x32b: {  	s21 =	sand.u32 $0x1FFFFFF0, s23;
	s23 =	spop (v2sf);
	(v2sf) =	vpush v63, $0x8;
	_ =	sdelay $0x1  }
0x32c: {  	s31 =	sld [smem:$0x7D5];
	_ =	sdelay $0x1  }
0x32d: {  	s22 =	sadd.s32 s6, s22;
	s24 =	sld [smem:$0x7D6]  }
0x32e: {  	[tilespmem:s31], [sflag:$0x1] =	stream.linear.gather [hbm4b:s22+s2], $0x80, $0x38;
	[tilespmem:$0x8400] =	vst v63  }
0x32f: {  	s28 =	sld [smem:$0x7D7];
	s25 =	sadd.s32 s3, s21;
	s22 =	sand.u32 $0x1FFFFFF0, s26  }
0x330: {  	[tilespmem:s24], [sflag:$0x1] =	stream.linear.gather [hbm4b:s25+s2], $0x80, $0x38;
	[tilespmem:$0x8400] =	vst v63  }
0x331: {  	s30 =	sld [smem:$0x7D8];
	s29 =	sadd.s32 s4, s22  }
0x332: {  	[tilespmem:s28], [sflag:$0x1] =	stream.linear.gather [hbm4b:s29+s2], $0x80, $0x38;
	[tilespmem:$0x8400] =	vst v63  }
0x333: {  	s31 =	sld [smem:$0x7D9];
	s21 =	sadd.s32 s5, s21;
	s26 =	spop (v2sf);
	(v2sf) =	vpush v62, $0x9  }
0x334: {  	[tilespmem:s30], [sflag:$0x1] =	stream.linear.gather [hbm4b:s21+s2], $0x80, $0x38;
	[tilespmem:$0x8400] =	vst v63  }
0x335: {  	s24 =	sld [smem:$0x7DA];
	s21 =	sand.u32 $0x1FFFFFF0, s23;
	s23 =	spop (v2sf);
	(v2sf) =	vpush v63, $0x9  }
0x336: {  	s22 =	sadd.s32 s6, s22;
	s28 =	sld [smem:$0x7DB]  }
0x337: {  	[tilespmem:s31], [sflag:$0x1] =	stream.linear.gather [hbm4b:s22+s2], $0x80, $0x38;
	[tilespmem:$0x8400] =	vst v63  }
0x338: {  	s25 =	sadd.s32 s3, s21;
	s22 =	sand.u32 $0x1FFFFFF0, s26;
	s26 =	spop (v2sf);
	(v2sf) =	vpush v62, $0xA  }
0x339: {  	[tilespmem:s24], [sflag:$0x1] =	stream.linear.gather [hbm4b:s25+s2], $0x80, $0x38;
	[tilespmem:$0x8400] =	vst v63  }
0x33a: {  	s30 =	sld [smem:$0x7DC];
	s29 =	sadd.s32 s4, s22  }
0x33b: {  	[tilespmem:s28], [sflag:$0x1] =	stream.linear.gather [hbm4b:s29+s2], $0x80, $0x38;
	[tilespmem:$0x8400] =	vst v63  }
0x33c: {  	s21 =	sadd.s32 s5, s21;
	s31 =	sld [smem:$0x7DD]  }
0x33d: {  	[tilespmem:s30], [sflag:$0x1] =	stream.linear.gather [hbm4b:s21+s2], $0x80, $0x38;
	[tilespmem:$0x8400] =	vst v63  }
0x33e: {  	s24 =	sld [smem:$0x7DE];
	s22 =	sadd.s32 s6, s22;
	s21 =	sand.u32 $0x1FFFFFF0, s23  }
0x33f: {  	[tilespmem:s31], [sflag:$0x1] =	stream.linear.gather [hbm4b:s22+s2], $0x80, $0x38;
	[tilespmem:$0x8400] =	vst v63  }
0x340: {  	s28 =	sld [smem:$0x7DF];
	s25 =	sadd.s32 s3, s21;
	s22 =	sand.u32 $0x1FFFFFF0, s26  }
0x341: {  	[tilespmem:s24], [sflag:$0x1] =	stream.linear.gather [hbm4b:s25+s2], $0x80, $0x38;
	[tilespmem:$0x8400] =	vst v63  }
0x342: {  	s30 =	sld [smem:$0x7E0];
	s29 =	sadd.s32 s4, s22;
	s23 =	spop (v2sf);
	(v2sf) =	vpush v63, $0xA  }
0x343: {  	[tilespmem:s28], [sflag:$0x1] =	stream.linear.gather [hbm4b:s29+s2], $0x80, $0x38;
	[tilespmem:$0x8400] =	vst v63  }
0x344: {  	s26 =	spop (v2sf);
	(v2sf) =	vpush v62, $0xB  }
0x345: {  	s21 =	sadd.s32 s5, s21  }
0x346: {  	[tilespmem:s30], [sflag:$0x1] =	stream.linear.gather [hbm4b:s21+s2], $0x80, $0x38;
	[tilespmem:$0x8400] =	vst v63  }
0x347: {  	s31 =	sld [smem:$0x7E1];
	s21 =	sand.u32 $0x1FFFFFF0, s23;
	s23 =	spop (v2sf);
	(v2sf) =	vpush v63, $0xB  }
0x348: {  	_ = 	snop  }
0x349: {  	s22 =	sadd.s32 s6, s22;
	s24 =	sld [smem:$0x7E2]  }
0x34a: {  	[tilespmem:s31], [sflag:$0x1] =	stream.linear.gather [hbm4b:s22+s2], $0x80, $0x38;
	[tilespmem:$0x8400] =	vst v63  }
0x34b: {  	s28 =	sld [smem:$0x7E3];
	s25 =	sadd.s32 s3, s21;
	s22 =	sand.u32 $0x1FFFFFF0, s26  }
0x34c: {  	[tilespmem:s24], [sflag:$0x1] =	stream.linear.gather [hbm4b:s25+s2], $0x80, $0x38;
	[tilespmem:$0x8400] =	vst v63  }
0x34d: {  	s30 =	sld [smem:$0x7E4];
	s29 =	sadd.s32 s4, s22  }
0x34e: {  	[tilespmem:s28], [sflag:$0x1] =	stream.linear.gather [hbm4b:s29+s2], $0x80, $0x38;
	[tilespmem:$0x8400] =	vst v63  }
0x34f: {  	s31 =	sld [smem:$0x7E5];
	s21 =	sadd.s32 s5, s21;
	s22 =	sadd.s32 s6, s22  }
0x350: {  	[tilespmem:s30], [sflag:$0x1] =	stream.linear.gather [hbm4b:s21+s2], $0x80, $0x38;
	[tilespmem:$0x8400] =	vst v63  }
0x351: {  	s24 =	sld [smem:$0x7E6];
	s21 =	sand.u32 $0x1FFFFFF0, s23;
	s26 =	spop (v2sf);
	(v2sf) =	vpush v62, $0xC  }
0x352: {  	[tilespmem:s31], [sflag:$0x1] =	stream.linear.gather [hbm4b:s22+s2], $0x80, $0x38;
	[tilespmem:$0x8400] =	vst v63  }
0x353: {  	s28 =	sld [smem:$0x7E7];
	s25 =	sadd.s32 s3, s21;
	s23 =	spop (v2sf);
	(v2sf) =	vpush v63, $0xC  }
0x354: {  	[tilespmem:s24], [sflag:$0x1] =	stream.linear.gather [hbm4b:s25+s2], $0x80, $0x38;
	[tilespmem:$0x8400] =	vst v63  }
0x355: {  	s22 =	sand.u32 $0x1FFFFFF0, s26  }
0x356: {  	s30 =	sld [smem:$0x7E8];
	s29 =	sadd.s32 s4, s22;
	s26 =	spop (v2sf);
	(v2sf) =	vpush v62, $0xD  }
0x357: {  	[tilespmem:s28], [sflag:$0x1] =	stream.linear.gather [hbm4b:s29+s2], $0x80, $0x38;
	[tilespmem:$0x8400] =	vst v63  }
0x358: {  	s21 =	sadd.s32 s5, s21;
	s31 =	sld [smem:$0x7E9]  }
0x359: {  	[tilespmem:s30], [sflag:$0x1] =	stream.linear.gather [hbm4b:s21+s2], $0x80, $0x38;
	[tilespmem:$0x8400] =	vst v63  }
0x35a: {  	s24 =	sld [smem:$0x7EA];
	s22 =	sadd.s32 s6, s22;
	s21 =	sand.u32 $0x1FFFFFF0, s23  }
0x35b: {  	[tilespmem:s31], [sflag:$0x1] =	stream.linear.gather [hbm4b:s22+s2], $0x80, $0x38;
	[tilespmem:$0x8400] =	vst v63  }
0x35c: {  	s28 =	sld [smem:$0x7EB];
	s25 =	sadd.s32 s3, s21;
	s22 =	sand.u32 $0x1FFFFFF0, s26  }
0x35d: {  	[tilespmem:s24], [sflag:$0x1] =	stream.linear.gather [hbm4b:s25+s2], $0x80, $0x38;
	[tilespmem:$0x8400] =	vst v63  }
0x35e: {  	s30 =	sld [smem:$0x7EC];
	s29 =	sadd.s32 s4, s22  }
0x35f: {  	[tilespmem:s28], [sflag:$0x1] =	stream.linear.gather [hbm4b:s29+s2], $0x80, $0x38;
	[tilespmem:$0x8400] =	vst v63  }
0x360: {  	s21 =	sadd.s32 s5, s21;
	s31 =	sld [smem:$0x7ED];
	s23 =	spop (v2sf);
	(v2sf) =	vpush v63, $0xD  }
0x361: {  	[tilespmem:s30], [sflag:$0x1] =	stream.linear.gather [hbm4b:s21+s2], $0x80, $0x38;
	[tilespmem:$0x8400] =	vst v63  }
0x362: {  	s22 =	sadd.s32 s6, s22;
	s24 =	sld [smem:$0x7EE];
	s26 =	spop (v2sf);
	(v2sf) =	vpush v62, $0xE  }
0x363: {  	[tilespmem:s31], [sflag:$0x1] =	stream.linear.gather [hbm4b:s22+s2], $0x80, $0x38;
	[tilespmem:$0x8400] =	vst v63  }
0x364: {  	s28 =	sld [smem:$0x7EF];
	s21 =	sand.u32 $0x1FFFFFF0, s23  }
0x365: {  	s25 =	sadd.s32 s3, s21;
	s22 =	sand.u32 $0x1FFFFFF0, s26;
	s23 =	spop (v2sf)  }
0x366: {  	(v2sf) =	vpush v63, $0xE;
	[tilespmem:s24], [sflag:$0x1] =	stream.linear.gather [hbm4b:s25+s2], $0x80, $0x38;
	[tilespmem:$0x8400] =	vst v63  }
0x367: {  	s30 =	sld [smem:$0x7F0];
	s29 =	sadd.s32 s4, s22  }
0x368: {  	[tilespmem:s28], [sflag:$0x1] =	stream.linear.gather [hbm4b:s29+s2], $0x80, $0x38;
	[tilespmem:$0x8400] =	vst v63  }
0x369: {  	s31 =	sld [smem:$0x7F1];
	s21 =	sadd.s32 s5, s21  }
0x36a: {  	[tilespmem:s30], [sflag:$0x1] =	stream.linear.gather [hbm4b:s21+s2], $0x80, $0x38;
	[tilespmem:$0x8400] =	vst v63  }
0x36b: {  	s22 =	sadd.s32 s6, s22;
	s24 =	sld [smem:$0x7F2];
	s21 =	sand.u32 $0x1FFFFFF0, s23  }
0x36c: {  	[tilespmem:s31], [sflag:$0x1] =	stream.linear.gather [hbm4b:s22+s2], $0x80, $0x38;
	[tilespmem:$0x8400] =	vst v63  }
0x36d: {  	s25 =	sadd.s32 s3, s21  }
0x36e: {  	[tilespmem:s24], [sflag:$0x1] =	stream.linear.gather [hbm4b:s25+s2], $0x80, $0x38;
	[tilespmem:$0x8400] =	vst v63  }
0x36f: {  	s28 =	sld [smem:$0x7F3];
	s26 =	spop (v2sf)  }
0x370: {  	s30 =	sld [smem:$0x7F4];
	(v2sf) =	vpush v62, $0xF;
	s22 =	sand.u32 $0x1FFFFFF0, s26  }
0x371: {  	s31 =	sld [smem:$0x7F8];
	s23 =	spop (v2sf);
	(v2sf) =	vpush v63, $0xF;
	s29 =	sadd.s32 s4, s22  }
0x372: {  	[tilespmem:s28], [sflag:$0x1] =	stream.linear.gather [hbm4b:s29+s2], $0x80, $0x38;
	[tilespmem:$0x8400] =	vst v63  }
0x373: {  	s21 =	sadd.s32 s5, s21;
	s24 =	sld [smem:$0x7F7]  }
0x374: {  	[tilespmem:s30], [sflag:$0x1] =	stream.linear.gather [hbm4b:s21+s2], $0x80, $0x38;
	[tilespmem:$0x8400] =	vst v63  }
0x375: {  	s22 =	sadd.s32 s6, s22;
	s26 =	spop (v2sf);
	s21 =	sand.u32 $0x1FFFFFF0, s23  }
0x376: {  	[tilespmem:s31], [sflag:$0x1] =	stream.linear.gather [hbm4b:s22+s2], $0x80, $0x38;
	[tilespmem:$0x8400] =	vst v63  }
0x377: {  	s28 =	sld [smem:$0x7F6];
	s25 =	sadd.s32 s3, s21;
	s22 =	sand.u32 $0x1FFFFFF0, s26  }
0x378: {  	[tilespmem:s24], [sflag:$0x1] =	stream.linear.gather [hbm4b:s25+s2], $0x80, $0x38;
	[tilespmem:$0x8400] =	vst v63  }
0x379: {  	s30 =	sld [smem:$0x7F5];
	s29 =	sadd.s32 s4, s22  }
0x37a: {  	[tilespmem:s28], [sflag:$0x1] =	stream.linear.gather [hbm4b:s29+s2], $0x80, $0x38;
	[tilespmem:$0x8400] =	vst v63  }
0x37b: {  	s21 =	sadd.s32 s5, s21;
	s31 =	sld [smem:$0x7F9]  }
0x37c: {  	[tilespmem:s30], [sflag:$0x1] =	stream.linear.gather [hbm4b:s21+s2], $0x80, $0x38;
	[tilespmem:$0x8400] =	vst v63  }
0x37d: {  	s22 =	sadd.s32 s6, s22  }
0x37e: {  	[tilespmem:s31], [sflag:$0x1] =	stream.linear.gather [hbm4b:s22+s2], $0x80, $0x38;
	[tilespmem:$0x8400] =	vst v63  }
0x37f: {  	s25 =	sld [smem:$0x7FA];
	s24 =	spop (v2sf)  }
0x380: {  	s21 =	sand.u32 $0x1FFFFFF0, s24;
	s28 =	spop (v2sf)  }
0x381: {  	s29 =	sld [smem:$0x7FB];
	s26 =	sadd.s32 s3, s21;
	s22 =	sand.u32 $0x1FFFFFF0, s28  }
0x382: {  	[tilespmem:s25], [sflag:$0x1] =	stream.linear.gather [hbm4b:s26+s2], $0x80, $0x38;
	[tilespmem:$0x8400] =	vst v63  }
0x383: {  	s31 =	sld [smem:$0x7FC];
	s30 =	sadd.s32 s4, s22  }
0x384: {  	[tilespmem:s29], [sflag:$0x1] =	stream.linear.gather [hbm4b:s30+s2], $0x80, $0x38;
	[tilespmem:$0x8400] =	vst v63  }
0x385: {  	s24 =	sld [smem:$0x7FD];
	s21 =	sadd.s32 s5, s21  }
0x386: {  	[tilespmem:s31], [sflag:$0x1] =	stream.linear.gather [hbm4b:s21+s2], $0x80, $0x38;
	[tilespmem:$0x8400] =	vst v63  }
0x387: {  	s26 =	sadd.s32 s6, s22  }
0x388: {  	[tilespmem:s24], [sflag:$0x1] =	stream.linear.gather [hbm4b:s26+s2], $0x80, $0x38;
	[tilespmem:$0x8400] =	vst v63  }
0x389: {  	_ =	swait.ge [sflag:s16], $0x2000  }
0x38a: {  	[sflag:s16] =	ssyncset.done $0x0  }
0x38b: {  	[sflag:s16] =	ssyncadd.s32 $0xFFFFE000  }
0x38c: {  	_ =	swait.ge [sflag:s16], $0x2000  }
0x38d: {  	[sflag:s16] =	ssyncset.done $0x0  }
0x38e: {  	[sflag:s16] =	ssyncadd.s32 $0xFFFFE000  }
0x38f: {  	_ =	swait.ge [sflag:s16], $0x2000  }
0x390: {  	[sflag:s16] =	ssyncset.done $0x0  }
0x391: {  	[sflag:s16] =	ssyncadd.s32 $0xFFFFE000  }
0x392: {  	_ =	swait.ge [sflag:s16], $0x2000  }
0x393: {  	s28 =	rddreg [dreg:$0x4];
	[sflag:s16] =	ssyncset.done $0x0  }
0x394: {  	[sflag:s16] =	ssyncadd.s32 $0xFFFFE000;
	s21 =	sadd.s32 s20, s28  }
0x395: {  	[hbm4b:s21+s2] =	stream.linear.scatter [tilespmem:s12], [sflag:$0x2], $0x2000, $0x38;
	[tilespmem:$0x8400] =	vst v63  }
0x396: {  	_ =	swait.ge [sflag:s10], $0x2000  }
0x397: {  	s29 =	rddreg [dreg:$0x5];
	[sflag:s10] =	ssyncset.done $0x0  }
0x398: {  	[sflag:s10] =	ssyncadd.s32 $0xFFFFE000;
	s21 =	sadd.s32 s20, s29  }
0x399: {  	[hbm4b:s21+s2] =	stream.linear.scatter [tilespmem:s13], [sflag:$0x2], $0x2000, $0x38;
	[tilespmem:$0x8400] =	vst v63  }
0x39a: {  	_ =	swait.ge [sflag:s10], $0x2000  }
0x39b: {  	s30 =	rddreg [dreg:$0x6];
	[sflag:s10] =	ssyncset.done $0x0  }
0x39c: {  	[sflag:s10] =	ssyncadd.s32 $0xFFFFE000;
	s21 =	sadd.s32 s20, s30  }
0x39d: {  	[hbm4b:s21+s2] =	stream.linear.scatter [tilespmem:s14], [sflag:$0x2], $0x2000, $0x38;
	[tilespmem:$0x8400] =	vst v63  }
0x39e: {  	_ =	swait.ge [sflag:s10], $0x2000  }
0x39f: {  	p0 =	sne.s32 s20, $0x1C00;
	s31 =	rddreg [dreg:$0x7];
	[sflag:s10] =	ssyncset.done $0x0  }
.Ltmp0:
0x3a0: {  	[sflag:s10] =	ssyncadd.s32 $0xFFFFE000;
	s21 =	sadd.s32 s20, s31;
	(pc) =	sbr.rel @p0 .LBB2_2-.Ltmp0, $4  }
0x3a1: {  	[hbm4b:s21+s2] =	stream.linear.scatter [tilespmem:s15], [sflag:$0x2], $0x2000, $0x38;
	[tilespmem:$0x8400] =	vst v63  }
0x3a2: {  	_ =	swait.ge [sflag:s10], $0x2000  }
0x3a3: {  	s18 =	sadd.s32 $0x40, s18;
	[sflag:s10] =	ssyncset.done $0x0  }
0x3a4: {  	s19 =	sadd.s32 $0x40, s19;
	s20 =	sadd.s32 $0x400, s20;
	[sflag:s10] =	ssyncadd.s32 $0xFFFFE000  }
0x3a5: {  	s17 =	sadd.s32 $0x1, s17  }
0x3a6: {  	p0 =	sne.s32 s17, s9  }
.Ltmp1:
0x3a7: {  	_ = 	snop;
	(pc) =	sbr.rel @p0 .LBB2_1-.Ltmp1, $1  }
0x3a8: {  	_ =	sdelay $0x3  }
0x3a9: {  	_ =	sfence.sel $0x180000  }
0x3aa: {  	[bflag:$0x0] =	sbarrier.arrive $0xFFFF  }
0x3ab: {  	p0 =	sne.s32 s1, $0x0;
	_ =	strace $0x90000047  }
0x3ac: {  	s0 =	sadd.s32 @!p0 $0x100000, s0;
	[bflag:$0x2] =	sbarrier.arrive $0xFFFF  }
0x3ad: {  	[sflag:s0] =	ssyncadd.tile.s32 @!p0 $0x1;
	_ =	shalt  }
.Lfunc_end2:
_tile_overlayer_lowered:
.L_overlay_start_2:
0x3ae: {  	(tag) =	ssettag $0x2  }
0x3af: {  	s0 =	rddreg [dreg:$0x0];
	s2 =	stileid.u32  }
0x3b0: {  	s1 =	rddreg [dreg:$0x1];
	p0 =	sne.s32 s2, $0x0  }
0x3b1: {  	s3 =	rddreg [dreg:$0x2];
	[bflag:$0x3] =	sbarrier.arrive $0xFFFF;
	s2 =	simm.s32 @!p0 $0x1C02  }
0x3b2: {  	[timem:s3], [sflag:s2] =	dma.local @!p0 [hbm:s0], s1  }
0x3b3: {  	s0 =	simm.s32 @!p0 $0x2  }
0x3b4: {  	_ =	swait.ge @!p0 [sflag:s0], s1  }
0x3b5: {  	s1 =	ssub.s32 @!p0 $0x0, s1;
	[sflag:s0] =	ssyncset.done @!p0 $0x0  }
0x3b6: {  	[sflag:s0] =	ssyncadd.s32 @!p0 s1  }
0x3b7: {  	[bflag:$0x3] =	sbarrier.arrive $0xFFFF  }
0x3b8: {  	_ =	shalt  }

</sc_bundles>
